<compile_context>
chip_gen: v7x
topology: tpu7x:2x2x1
jax: 0.10.2.dev20260603
libtpu: 0.0.44.dev20260713+nightly
codegen_flags: <defaults>
</compile_context>

<pallas_src>
import dataclasses

import jax
import jax.numpy as jnp
from jax import lax
from jax.experimental import pallas as pl
from jax.experimental.pallas import tpu as pltpu
from jax.experimental.pallas import tpu_sc as plsc

N_TOKENS = 2048
D_MODEL = 768
D_FF = 1536
N_EXPERTS = 64
BLK = 64
NBLK = N_TOKENS // BLK + N_EXPERTS
PAD_ROWS = NBLK * BLK
BT_LEN = 112

NCORES = 2
NSUB = 16
CHUNK = N_TOKENS // NSUB
HALF = CHUNK // NCORES
LANES = 16
NVREG = CHUNK // LANES

_vec_mesh = plsc.VectorSubcoreMesh(core_axis_name="c", subcore_axis_name="s")

_sc_params = pltpu.CompilerParams()
if "needs_layout_passes" in pltpu.CompilerParams.__dataclass_fields__:
    _sc_params = dataclasses.replace(_sc_params, needs_layout_passes=False)


def _route_body(idx_hbm, x_hbm, pos_hbm, bt_hbm, xs_hbm,
                idx_v, rank_v, run_v, comb_v, cum_v, bt_v, pos_v, xblk_v,
                sem):
    c = lax.axis_index("c")
    s = lax.axis_index("s")
    w = s * NCORES + c
    rb = w * HALF

    pltpu.sync_copy(idx_hbm, idx_v)

    for j in range(N_EXPERTS // LANES):
        run_v[pl.ds(j * LANES, LANES)] = jnp.zeros((LANES,), jnp.int32)

    probe = plsc.scan_count(jnp.zeros((LANES,), jnp.int32))[0][0]

    @pl.loop(0, N_TOKENS // LANES)
    def _(k):
        v = idx_v[pl.ds(k * LANES, LANES)]
        dup, last = plsc.scan_count(v)
        dup = dup - probe
        pre = plsc.load_gather(run_v, [v])
        kk = k - w * (HALF // LANES)

        @pl.when(jnp.logical_and(kk >= 0, kk < HALF // LANES))
        def _():
            rank_v[pl.ds(kk * LANES, LANES)] = pre + dup

        plsc.addupdate_scatter(run_v, [v], dup + 1, mask=last)

    carry = jnp.int32(0)
    for j in range(N_EXPERTS // LANES):
        sl = pl.ds(j * LANES, LANES)
        tj = run_v[sl]
        nb = (tj + (BLK - 1)) // BLK
        inc = plsc.cumsum(nb)
        comb_v[sl] = (inc - nb + carry) * BLK
        cum_v[sl] = inc + carry
        carry = carry + inc[LANES - 1]

    for k in range(HALF // LANES):
        v = idx_v[pl.ds(rb + k * LANES, LANES)]
        pv = plsc.load_gather(comb_v, [v]) + rank_v[pl.ds(k * LANES, LANES)]
        pos_v[pl.ds(k * LANES, LANES)] = pv

    pltpu.sync_copy(pos_v, pos_hbm.at[pl.ds(rb, HALF)])

    @pl.when(w == 0)
    def _():
        nb_tot = cum_v[pl.ds(N_EXPERTS - LANES, LANES)][LANES - 1]
        for jg in range(BT_LEN // LANES):
            gv = jnp.arange(LANES, dtype=jnp.int32) + jg * LANES
            lo = jnp.zeros((LANES,), jnp.int32)
            hi = jnp.full((LANES,), N_EXPERTS, jnp.int32)
            for _ in range(7):
                mid = jnp.minimum((lo + hi) // 2, N_EXPERTS - 1)
                val = plsc.load_gather(cum_v, [mid])
                go_right = val <= gv
                lo = jnp.where(go_right, mid + 1, lo)
                hi = jnp.where(go_right, hi, mid)
            ent = jnp.minimum(lo, N_EXPERTS - 1)
            ent = jnp.where(gv == NBLK, nb_tot, ent)
            bt_v[pl.ds(jg * LANES, LANES)] = ent
        pltpu.sync_copy(bt_v, bt_hbm)

    pltpu.sync_copy(x_hbm.at[pl.ds(rb, HALF)], xblk_v)
    pltpu.async_copy(xblk_v, xs_hbm.at[pos_v], sem).wait()


def _route_scatter(idx, x):
    f = pl.kernel(
        _route_body,
        out_type=(
            jax.ShapeDtypeStruct((N_TOKENS,), jnp.int32),
            jax.ShapeDtypeStruct((BT_LEN,), jnp.int32),
            jax.ShapeDtypeStruct((PAD_ROWS, D_MODEL), jnp.float32),
        ),
        mesh=_vec_mesh,
        scratch_types=[
            pltpu.VMEM((N_TOKENS,), jnp.int32),
            pltpu.VMEM((HALF,), jnp.int32),
            pltpu.VMEM((N_EXPERTS,), jnp.int32),
            pltpu.VMEM((N_EXPERTS,), jnp.int32),
            pltpu.VMEM((N_EXPERTS,), jnp.int32),
            pltpu.VMEM((BT_LEN,), jnp.int32),
            pltpu.VMEM((HALF,), jnp.int32),
            pltpu.VMEM((HALF, D_MODEL), jnp.float32),
            pltpu.SemaphoreType.DMA,
        ],
        compiler_params=_sc_params,
        name="moe_route_scatter",
    )
    return f(idx, x)


def _ffn_body(bt_ref, x_ref, w1_ref, w2_ref, w3_ref, y_ref):
    g = pl.program_id(0)
    nb_tot = bt_ref[NBLK]

    @pl.when(g < nb_tot)
    def _():
        xb = x_ref[...].astype(jnp.bfloat16)
        gate = jnp.dot(xb, w1_ref[0].astype(jnp.bfloat16),
                       preferred_element_type=jnp.float32)
        value = jnp.dot(xb, w2_ref[0].astype(jnp.bfloat16),
                        preferred_element_type=jnp.float32)
        hidden = (gate * jax.nn.sigmoid(gate) * value).astype(jnp.bfloat16)
        y_ref[...] = jnp.dot(hidden, w3_ref[0].astype(jnp.bfloat16),
                             preferred_element_type=jnp.float32)


def _grouped_ffn(bt, xs, w1, w2, w3):
    def _row_idx(g, bt):
        return (jnp.minimum(g, bt[NBLK] - 1), 0)

    grid_spec = pltpu.PrefetchScalarGridSpec(
        num_scalar_prefetch=1,
        grid=(NBLK,),
        in_specs=[
            pl.BlockSpec((BLK, D_MODEL), _row_idx),
            pl.BlockSpec((1, D_MODEL, D_FF), lambda g, bt: (bt[g], 0, 0)),
            pl.BlockSpec((1, D_MODEL, D_FF), lambda g, bt: (bt[g], 0, 0)),
            pl.BlockSpec((1, D_FF, D_MODEL), lambda g, bt: (bt[g], 0, 0)),
        ],
        out_specs=pl.BlockSpec((BLK, D_MODEL), _row_idx),
    )
    return pl.pallas_call(
        _ffn_body,
        grid_spec=grid_spec,
        out_shape=jax.ShapeDtypeStruct((PAD_ROWS, D_MODEL), jnp.float32),
    )(bt, xs, w1, w2, w3)


def _unperm_body(pos_hbm, ys_hbm, wts_hbm, out_hbm,
                 pos_v, rows_v, wts_v, sem):
    c = lax.axis_index("c")
    s = lax.axis_index("s")
    rb = (s * NCORES + c) * HALF

    pltpu.sync_copy(pos_hbm.at[pl.ds(rb, HALF)], pos_v)
    pltpu.async_copy(ys_hbm.at[pos_v], rows_v, sem).wait()
    pltpu.sync_copy(wts_hbm.at[pl.ds(rb, HALF)], wts_v.at[pl.ds(0, HALF)])

    @pl.loop(0, HALF)
    def _(i):
        wv = wts_v[pl.ds(i, LANES)][0]
        for j in range(D_MODEL // LANES):
            sl = pl.ds(j * LANES, LANES)
            rows_v[i, sl] = rows_v[i, sl] * wv

    pltpu.sync_copy(rows_v, out_hbm.at[pl.ds(rb, HALF)])


def _unpermute_scale(pos, ys, wts):
    f = pl.kernel(
        _unperm_body,
        out_type=jax.ShapeDtypeStruct((N_TOKENS, D_MODEL), jnp.float32),
        mesh=_vec_mesh,
        scratch_types=[
            pltpu.VMEM((HALF,), jnp.int32),
            pltpu.VMEM((HALF, D_MODEL), jnp.float32),
            pltpu.VMEM((HALF + LANES,), jnp.float32),
            pltpu.SemaphoreType.DMA,
        ],
        name="moe_unpermute_scale",
    )
    return f(pos, ys, wts)


def kernel(x, expert_indices, expert_weights, w1, w2, w3):
    idx = expert_indices[:, 0].astype(jnp.int32)
    wts = expert_weights[:, 0].astype(jnp.float32)
    pos, bt, xs = _route_scatter(idx, x.astype(jnp.float32))
    ys = _grouped_ffn(bt, xs, w1, w2, w3)
    return _unpermute_scale(pos, ys, wts).astype(x.dtype)

# --- scband reference (transcript-rebuilt; emitter-appended) ---
"""Pipeline reference for scband-sparse-grouped-experts-18451179504162 (READ-ONLY COPY).

The authoritative reference and input builder live on the scoring server;
editing this copy changes nothing except your own understanding.
"""

import jax, jax.numpy as jnp
import numpy as np

N_EXPERTS = 64
D_MODEL = 768
D_FF = 1536
N_TOKENS = 2048
TOP_K = 1


def setup_inputs(seed: int = 0) -> dict:
    key = jax.random.key(seed)
    ks = jax.random.split(key, 6)
    x = jax.random.normal(ks[0], (N_TOKENS, D_MODEL), dtype=jnp.float32)
    expert_indices = jax.random.randint(ks[1], (N_TOKENS, TOP_K), 0, N_EXPERTS)
    expert_weights = jax.random.uniform(ks[2], (N_TOKENS, TOP_K), dtype=jnp.float32)
    gain = (1.0 / 3.0) ** 0.5
    std_in = gain / (D_MODEL ** 0.5)   # fan_in = d_model for w1, w2
    std_ff = gain / (D_FF ** 0.5)      # fan_in = d_ff for w3
    w1 = jax.random.truncated_normal(ks[3], -2.0, 2.0, (N_EXPERTS, D_MODEL, D_FF), dtype=jnp.float32) * std_in
    w2 = jax.random.truncated_normal(ks[4], -2.0, 2.0, (N_EXPERTS, D_MODEL, D_FF), dtype=jnp.float32) * std_in
    w3 = jax.random.truncated_normal(ks[5], -2.0, 2.0, (N_EXPERTS, D_FF, D_MODEL), dtype=jnp.float32) * std_ff
    return {"x": x, "expert_indices": expert_indices, "expert_weights": expert_weights, "w1": w1, "w2": w2, "w3": w3}


def reference(x, expert_indices, expert_weights, w1, w2, w3):
    n_tokens, d_model = x.shape
    top_k = expert_indices.shape[1]
    n_experts = w1.shape[0]
    xf = x.astype(jnp.float32)
    output = jnp.zeros((n_tokens, d_model), dtype=x.dtype)

    def body(carry, inputs):
        e, w1e, w2e, w3e = inputs
        gate = xf @ w1e
        value = xf @ w2e
        hidden = (gate * jax.nn.sigmoid(gate)) * value  # fused SwiGLU
        ye = hidden @ w3e
        contrib = jnp.zeros((n_tokens, d_model), dtype=x.dtype)
        for k in range(top_k):
            wk = jnp.where(expert_indices[:, k] == e, expert_weights[:, k], jnp.zeros_like(expert_weights[:, k]))
            contrib = contrib + ye * wk[:, None]
        return carry + contrib, None

    output, _ = jax.lax.scan(body, output, (jnp.arange(n_experts), w1, w2, w3))
    return output

if __name__ == "__main__":
    import jax
    _d = setup_inputs()
    print(jax.jit(kernel)(*tuple(_d.values())))

</pallas_src>

<mosaic_0001>
#map = affine_map<(d0, d1) -> (0)>
#map1 = affine_map<(d0, d1) -> (0, 0)>
module attributes {stable_mosaic.version = 14 : i64} {
  func.func @moe_route_scatter(%arg0: i32, %arg1: i32, %arg2: memref<2048xi32, #tpu.memory_space<hbm>>, %arg3: memref<2048x768xf32, #tpu.memory_space<hbm>>, %arg4: memref<2048xi32, #tpu.memory_space<hbm>>, %arg5: memref<112xi32, #tpu.memory_space<hbm>>, %arg6: memref<6144x768xf32, #tpu.memory_space<hbm>>, %arg7: memref<2048xi32, #tpu.memory_space<vmem>>, %arg8: memref<64xi32, #tpu.memory_space<vmem>>, %arg9: memref<64xi32, #tpu.memory_space<vmem>>, %arg10: memref<64xi32, #tpu.memory_space<vmem>>, %arg11: memref<64xi32, #tpu.memory_space<vmem>>, %arg12: memref<112xi32, #tpu.memory_space<vmem>>, %arg13: memref<64xi32, #tpu.memory_space<vmem>>, %arg14: memref<64x768xf32, #tpu.memory_space<vmem>>, %arg15: memref<!tpu.dma_semaphore, #tpu.memory_space<semaphore_mem>>) attributes {dimension_semantics = [#tpu.dimension_semantics<core_parallel>, #tpu.dimension_semantics<subcore_parallel>], iteration_bounds = array<i64: 2, 16>, scalar_prefetch = 0 : i64, scratch_operands = 9 : i64, tpu.core_type = #tpu.core_type<sc_vector_subcore>, window_params = [{transform_indices = #map}, {transform_indices = #map1}, {transform_indices = #map}, {transform_indices = #map}, {transform_indices = #map1}]} {
    %mul3A = arith.constant 2 : i32
    %mul3A_0 = arith.muli %arg1, %mul3A : i32
    %add3A = arith.addi %mul3A_0, %arg0 : i32
    %mul3A_1 = arith.constant 64 : i32
    %mul3A_2 = arith.muli %add3A, %mul3A_1 : i32
    "tpu.region"() ({
      %run_scoped3A = tpu.sem_alloc : memref<!tpu.dma_semaphore, #tpu.memory_space<semaphore_mem>>
      tpu.enqueue_dma source(%arg2 : memref<2048xi32, #tpu.memory_space<hbm>>) target(%arg7 : memref<2048xi32, #tpu.memory_space<vmem>>) target_semaphore(%run_scoped3A : memref<!tpu.dma_semaphore, #tpu.memory_space<semaphore_mem>>)
      tpu.wait_dma2 semaphore(%run_scoped3A : memref<!tpu.dma_semaphore, #tpu.memory_space<semaphore_mem>>) src(%arg2 : memref<2048xi32, #tpu.memory_space<hbm>>) dst(%arg7 : memref<2048xi32, #tpu.memory_space<vmem>>)
      tpu.yield
    }) : () -> ()
    %broadcast_in_dim3A = arith.constant 0 : i32
    %broadcast_in_dim3A_3 = vector.broadcast %broadcast_in_dim3A : i32 to vector<16xi32>
    %swap3A = arith.constant 0 : index
    %swap3A_4 = tpu.vector_load %arg9[%swap3A] {strides = array<i32>} : memref<64xi32, #tpu.memory_space<vmem>>, vector<16xi32>,
    tpu.vector_store %arg9[%swap3A], %broadcast_in_dim3A_3 {strides = array<i32>} : memref<64xi32, #tpu.memory_space<vmem>>, vector<16xi32>,
    %broadcast_in_dim3A_5 = arith.constant 0 : i32
    %broadcast_in_dim3A_6 = vector.broadcast %broadcast_in_dim3A_5 : i32 to vector<16xi32>
    %swap3A_7 = arith.constant 16 : index
    %swap3A_8 = tpu.vector_load %arg9[%swap3A_7] {strides = array<i32>} : memref<64xi32, #tpu.memory_space<vmem>>, vector<16xi32>,
    tpu.vector_store %arg9[%swap3A_7], %broadcast_in_dim3A_6 {strides = array<i32>} : memref<64xi32, #tpu.memory_space<vmem>>, vector<16xi32>,
    %broadcast_in_dim3A_9 = arith.constant 0 : i32
    %broadcast_in_dim3A_10 = vector.broadcast %broadcast_in_dim3A_9 : i32 to vector<16xi32>
    %swap3A_11 = arith.constant 32 : index
    %swap3A_12 = tpu.vector_load %arg9[%swap3A_11] {strides = array<i32>} : memref<64xi32, #tpu.memory_space<vmem>>, vector<16xi32>,
    tpu.vector_store %arg9[%swap3A_11], %broadcast_in_dim3A_10 {strides = array<i32>} : memref<64xi32, #tpu.memory_space<vmem>>, vector<16xi32>,
    %broadcast_in_dim3A_13 = arith.constant 0 : i32
    %broadcast_in_dim3A_14 = vector.broadcast %broadcast_in_dim3A_13 : i32 to vector<16xi32>
    %swap3A_15 = arith.constant 48 : index
    %swap3A_16 = tpu.vector_load %arg9[%swap3A_15] {strides = array<i32>} : memref<64xi32, #tpu.memory_space<vmem>>, vector<16xi32>,
    tpu.vector_store %arg9[%swap3A_15], %broadcast_in_dim3A_14 {strides = array<i32>} : memref<64xi32, #tpu.memory_space<vmem>>, vector<16xi32>,
    %broadcast_in_dim3A_17 = arith.constant 0 : i32
    %broadcast_in_dim3A_18 = vector.broadcast %broadcast_in_dim3A_17 : i32 to vector<16xi32>
    %broadcast_in_dim3A_19 = arith.constant true
    %broadcast_in_dim3A_20 = vector.broadcast %broadcast_in_dim3A_19 : i1 to vector<16xi1>
    %unique3A, %unique3A_21 = tpu.scan_count mask(%broadcast_in_dim3A_20 : vector<16xi1>) value(%broadcast_in_dim3A_18 : vector<16xi32>) : vector<16xi1>, vector<16xi32>
    %slice3A = vector.extract_strided_slice %unique3A_21 {offsets = [0], sizes = [1], strides = [1]} : vector<16xi32> to vector<1xi32>
    %squeeze3A = vector.extract %slice3A[0] : i32 from vector<1xi32>
    %scan3A = arith.constant 0 : i32
    %scan3A_22 = arith.constant 128 : i32
    %scan3A_23 = arith.addi %scan3A, %scan3A_22 : i32
    %scan3A_24 = arith.constant 1 : i32
    scf.for %scan3A_280 = %scan3A to %scan3A_23 step %scan3A_24  : i32 {
      %mul3A_281 = arith.constant 1 : i32
      %mul3A_282 = arith.muli %scan3A_280, %mul3A_281 : i32
      %add3A_283 = arith.constant 0 : i32
      %add3A_284 = arith.addi %add3A_283, %mul3A_282 : i32
      %mul3A_285 = arith.constant 16 : i32
      %mul3A_286 = arith.muli %add3A_284, %mul3A_285 : i32
      %get3A_287 = arith.index_cast %mul3A_286 : i32 to index
      %get3A_288 = tpu.vector_load %arg7[%get3A_287] {strides = array<i32>} : memref<2048xi32, #tpu.memory_space<vmem>>, vector<16xi32>,
      %broadcast_in_dim3A_289 = arith.constant true
      %broadcast_in_dim3A_290 = vector.broadcast %broadcast_in_dim3A_289 : i1 to vector<16xi1>
      %unique3A_291, %unique3A_292 = tpu.scan_count mask(%broadcast_in_dim3A_290 : vector<16xi1>) value(%get3A_288 : vector<16xi32>) : vector<16xi1>, vector<16xi32>
      %sub3A_293 = vector.broadcast %squeeze3A : i32 to vector<16xi32>
      %sub3A_294 = arith.subi %unique3A_292, %sub3A_293 : vector<16xi32>
      %gather3A_295 = tpu.vector_load_idx %arg9[%get3A_288] : memref<64xi32, #tpu.memory_space<vmem>>[vector<16xi32>], vector<16xi32>,
      %mul3A_296 = arith.constant 4 : i32
      %mul3A_297 = arith.muli %add3A, %mul3A_296 : i32
      %sub3A_298 = arith.subi %add3A_284, %mul3A_297 : i32
      %ge3A = arith.constant 0 : i32
      %ge3A_299 = arith.cmpi sge, %sub3A_298, %ge3A : i32
      %lt3A = arith.constant 4 : i32
      %lt3A_300 = arith.cmpi slt, %sub3A_298, %lt3A : i32
      %and3A_301 = arith.andi %ge3A_299, %lt3A_300 : i1
      %convert_element_type3A_302 = arith.extui %and3A_301 : i1 to i32
      %cond3A_303 = arith.constant 0 : i32
      %cond3A_304 = arith.cmpi ne, %convert_element_type3A_302, %cond3A_303 : i32
      scf.if %cond3A_304 {
        %add3A_308 = arith.addi %gather3A_295, %sub3A_294 : vector<16xi32>
        %mul3A_309 = arith.constant 16 : i32
        %mul3A_310 = arith.muli %sub3A_298, %mul3A_309 : i32
        %swap3A_311 = arith.index_cast %mul3A_310 : i32 to index
        %swap3A_312 = tpu.vector_load %arg8[%swap3A_311] {strides = array<i32>} : memref<64xi32, #tpu.memory_space<vmem>>, vector<16xi32>,
        tpu.vector_store %arg8[%swap3A_311], %add3A_308 {strides = array<i32>} : memref<64xi32, #tpu.memory_space<vmem>>, vector<16xi32>,
      } else {
      }
      %add3A_305 = arith.constant 1 : i32
      %add3A_306 = vector.broadcast %add3A_305 : i32 to vector<16xi32>
      %add3A_307 = arith.addi %sub3A_294, %add3A_306 : vector<16xi32>
      tpu.vector_store_idx %arg9[%get3A_288], %add3A_307 masked %unique3A_291 {add = true} : memref<64xi32, #tpu.memory_space<vmem>>[vector<16xi32>], vector<16xi32>, vector<16xi1>
    }
    %scan3A_25 = arith.constant 128 : i32
    %get3A = arith.constant 0 : index
    %get3A_26 = tpu.vector_load %arg9[%get3A] {strides = array<i32>} : memref<64xi32, #tpu.memory_space<vmem>>, vector<16xi32>,
    %add3A_27 = arith.constant 63 : i32
    %add3A_28 = vector.broadcast %add3A_27 : i32 to vector<16xi32>
    %add3A_29 = arith.addi %get3A_26, %add3A_28 : vector<16xi32>
    %jit3A = arith.constant 64 : i32
    %div3A = vector.broadcast %jit3A : i32 to vector<16xi32>
    %div3A_30 = arith.divsi %add3A_29, %div3A : vector<16xi32>
    %sign3A = arith.constant 0 : i32
    %sign3A_31 = vector.broadcast %sign3A : i32 to vector<16xi32>
    %sign3A_32 = arith.cmpi sgt, %add3A_29, %sign3A_31 : vector<16xi32>
    %sign3A_33 = arith.extui %sign3A_32 : vector<16xi1> to vector<16xi32>
    %sign3A_34 = arith.constant 0 : i32
    %sign3A_35 = vector.broadcast %sign3A_34 : i32 to vector<16xi32>
    %sign3A_36 = arith.cmpi slt, %add3A_29, %sign3A_35 : vector<16xi32>
    %sign3A_37 = arith.extui %sign3A_36 : vector<16xi1> to vector<16xi32>
    %sign3A_38 = arith.subi %sign3A_33, %sign3A_37 : vector<16xi32>
    %sign3A_39 = arith.constant 0 : i32
    %sign3A_40 = arith.cmpi sgt, %jit3A, %sign3A_39 : i32
    %sign3A_41 = arith.extui %sign3A_40 : i1 to i32
    %sign3A_42 = arith.constant 0 : i32
    %sign3A_43 = arith.cmpi slt, %jit3A, %sign3A_42 : i32
    %sign3A_44 = arith.extui %sign3A_43 : i1 to i32
    %sign3A_45 = arith.subi %sign3A_41, %sign3A_44 : i32
    %ne3A = vector.broadcast %sign3A_45 : i32 to vector<16xi32>
    %ne3A_46 = arith.cmpi ne, %sign3A_38, %ne3A : vector<16xi32>
    %rem3A = vector.broadcast %jit3A : i32 to vector<16xi32>
    %rem3A_47 = arith.remsi %add3A_29, %rem3A : vector<16xi32>
    %ne3A_48 = arith.constant 0 : i32
    %ne3A_49 = vector.broadcast %ne3A_48 : i32 to vector<16xi32>
    %ne3A_50 = arith.cmpi ne, %rem3A_47, %ne3A_49 : vector<16xi32>
    %and3A = arith.andi %ne3A_46, %ne3A_50 : vector<16xi1>
    %sub3A = arith.constant 1 : i32
    %sub3A_51 = vector.broadcast %sub3A : i32 to vector<16xi32>
    %sub3A_52 = arith.subi %div3A_30, %sub3A_51 : vector<16xi32>
    %select_n3A = arith.select %and3A, %sub3A_52, %div3A_30 : vector<16xi1>, vector<16xi32>
    %broadcast_in_dim3A_53 = arith.constant true
    %broadcast_in_dim3A_54 = vector.broadcast %broadcast_in_dim3A_53 : i1 to vector<16xi1>
    %masked_cumsum3A = tpu.scan <sum>, %select_n3A masked %broadcast_in_dim3A_54 : vector<16xi32>, vector<16xi1> -> vector<16xi32>
    %sub3A_55 = arith.subi %masked_cumsum3A, %select_n3A : vector<16xi32>
    %add3A_56 = arith.constant 0 : i32
    %add3A_57 = vector.broadcast %add3A_56 : i32 to vector<16xi32>
    %add3A_58 = arith.addi %sub3A_55, %add3A_57 : vector<16xi32>
    %mul3A_59 = arith.constant 64 : i32
    %mul3A_60 = vector.broadcast %mul3A_59 : i32 to vector<16xi32>
    %mul3A_61 = arith.muli %add3A_58, %mul3A_60 : vector<16xi32>
    %swap3A_62 = arith.constant 0 : index
    %swap3A_63 = tpu.vector_load %arg10[%swap3A_62] {strides = array<i32>} : memref<64xi32, #tpu.memory_space<vmem>>, vector<16xi32>,
    tpu.vector_store %arg10[%swap3A_62], %mul3A_61 {strides = array<i32>} : memref<64xi32, #tpu.memory_space<vmem>>, vector<16xi32>,
    %add3A_64 = arith.constant 0 : i32
    %add3A_65 = vector.broadcast %add3A_64 : i32 to vector<16xi32>
    %add3A_66 = arith.addi %masked_cumsum3A, %add3A_65 : vector<16xi32>
    %swap3A_67 = arith.constant 0 : index
    %swap3A_68 = tpu.vector_load %arg11[%swap3A_67] {strides = array<i32>} : memref<64xi32, #tpu.memory_space<vmem>>, vector<16xi32>,
    tpu.vector_store %arg11[%swap3A_67], %add3A_66 {strides = array<i32>} : memref<64xi32, #tpu.memory_space<vmem>>, vector<16xi32>,
    %slice3A_69 = vector.extract_strided_slice %masked_cumsum3A {offsets = [15], sizes = [1], strides = [1]} : vector<16xi32> to vector<1xi32>
    %squeeze3A_70 = vector.extract %slice3A_69[0] : i32 from vector<1xi32>
    %add3A_71 = arith.constant 0 : i32
    %add3A_72 = arith.addi %add3A_71, %squeeze3A_70 : i32
    %get3A_73 = arith.constant 16 : index
    %get3A_74 = tpu.vector_load %arg9[%get3A_73] {strides = array<i32>} : memref<64xi32, #tpu.memory_space<vmem>>, vector<16xi32>,
    %add3A_75 = arith.constant 63 : i32
    %add3A_76 = vector.broadcast %add3A_75 : i32 to vector<16xi32>
    %add3A_77 = arith.addi %get3A_74, %add3A_76 : vector<16xi32>
    %jit3A_78 = arith.constant 64 : i32
    %div3A_79 = vector.broadcast %jit3A_78 : i32 to vector<16xi32>
    %div3A_80 = arith.divsi %add3A_77, %div3A_79 : vector<16xi32>
    %sign3A_81 = arith.constant 0 : i32
    %sign3A_82 = vector.broadcast %sign3A_81 : i32 to vector<16xi32>
    %sign3A_83 = arith.cmpi sgt, %add3A_77, %sign3A_82 : vector<16xi32>
    %sign3A_84 = arith.extui %sign3A_83 : vector<16xi1> to vector<16xi32>
    %sign3A_85 = arith.constant 0 : i32
    %sign3A_86 = vector.broadcast %sign3A_85 : i32 to vector<16xi32>
    %sign3A_87 = arith.cmpi slt, %add3A_77, %sign3A_86 : vector<16xi32>
    %sign3A_88 = arith.extui %sign3A_87 : vector<16xi1> to vector<16xi32>
    %sign3A_89 = arith.subi %sign3A_84, %sign3A_88 : vector<16xi32>
    %sign3A_90 = arith.constant 0 : i32
    %sign3A_91 = arith.cmpi sgt, %jit3A_78, %sign3A_90 : i32
    %sign3A_92 = arith.extui %sign3A_91 : i1 to i32
    %sign3A_93 = arith.constant 0 : i32
    %sign3A_94 = arith.cmpi slt, %jit3A_78, %sign3A_93 : i32
    %sign3A_95 = arith.extui %sign3A_94 : i1 to i32
    %sign3A_96 = arith.subi %sign3A_92, %sign3A_95 : i32
    %ne3A_97 = vector.broadcast %sign3A_96 : i32 to vector<16xi32>
    %ne3A_98 = arith.cmpi ne, %sign3A_89, %ne3A_97 : vector<16xi32>
    %rem3A_99 = vector.broadcast %jit3A_78 : i32 to vector<16xi32>
    %rem3A_100 = arith.remsi %add3A_77, %rem3A_99 : vector<16xi32>
    %ne3A_101 = arith.constant 0 : i32
    %ne3A_102 = vector.broadcast %ne3A_101 : i32 to vector<16xi32>
    %ne3A_103 = arith.cmpi ne, %rem3A_100, %ne3A_102 : vector<16xi32>
    %and3A_104 = arith.andi %ne3A_98, %ne3A_103 : vector<16xi1>
    %sub3A_105 = arith.constant 1 : i32
    %sub3A_106 = vector.broadcast %sub3A_105 : i32 to vector<16xi32>
    %sub3A_107 = arith.subi %div3A_80, %sub3A_106 : vector<16xi32>
    %select_n3A_108 = arith.select %and3A_104, %sub3A_107, %div3A_80 : vector<16xi1>, vector<16xi32>
    %broadcast_in_dim3A_109 = arith.constant true
    %broadcast_in_dim3A_110 = vector.broadcast %broadcast_in_dim3A_109 : i1 to vector<16xi1>
    %masked_cumsum3A_111 = tpu.scan <sum>, %select_n3A_108 masked %broadcast_in_dim3A_110 : vector<16xi32>, vector<16xi1> -> vector<16xi32>
    %sub3A_112 = arith.subi %masked_cumsum3A_111, %select_n3A_108 : vector<16xi32>
    %add3A_113 = vector.broadcast %add3A_72 : i32 to vector<16xi32>
    %add3A_114 = arith.addi %sub3A_112, %add3A_113 : vector<16xi32>
    %mul3A_115 = arith.constant 64 : i32
    %mul3A_116 = vector.broadcast %mul3A_115 : i32 to vector<16xi32>
    %mul3A_117 = arith.muli %add3A_114, %mul3A_116 : vector<16xi32>
    %swap3A_118 = arith.constant 16 : index
    %swap3A_119 = tpu.vector_load %arg10[%swap3A_118] {strides = array<i32>} : memref<64xi32, #tpu.memory_space<vmem>>, vector<16xi32>,
    tpu.vector_store %arg10[%swap3A_118], %mul3A_117 {strides = array<i32>} : memref<64xi32, #tpu.memory_space<vmem>>, vector<16xi32>,
    %add3A_120 = vector.broadcast %add3A_72 : i32 to vector<16xi32>
    %add3A_121 = arith.addi %masked_cumsum3A_111, %add3A_120 : vector<16xi32>
    %swap3A_122 = arith.constant 16 : index
    %swap3A_123 = tpu.vector_load %arg11[%swap3A_122] {strides = array<i32>} : memref<64xi32, #tpu.memory_space<vmem>>, vector<16xi32>,
    tpu.vector_store %arg11[%swap3A_122], %add3A_121 {strides = array<i32>} : memref<64xi32, #tpu.memory_space<vmem>>, vector<16xi32>,
    %slice3A_124 = vector.extract_strided_slice %masked_cumsum3A_111 {offsets = [15], sizes = [1], strides = [1]} : vector<16xi32> to vector<1xi32>
    %squeeze3A_125 = vector.extract %slice3A_124[0] : i32 from vector<1xi32>
    %add3A_126 = arith.addi %add3A_72, %squeeze3A_125 : i32
    %get3A_127 = arith.constant 32 : index
    %get3A_128 = tpu.vector_load %arg9[%get3A_127] {strides = array<i32>} : memref<64xi32, #tpu.memory_space<vmem>>, vector<16xi32>,
    %add3A_129 = arith.constant 63 : i32
    %add3A_130 = vector.broadcast %add3A_129 : i32 to vector<16xi32>
    %add3A_131 = arith.addi %get3A_128, %add3A_130 : vector<16xi32>
    %jit3A_132 = arith.constant 64 : i32
    %div3A_133 = vector.broadcast %jit3A_132 : i32 to vector<16xi32>
    %div3A_134 = arith.divsi %add3A_131, %div3A_133 : vector<16xi32>
    %sign3A_135 = arith.constant 0 : i32
    %sign3A_136 = vector.broadcast %sign3A_135 : i32 to vector<16xi32>
    %sign3A_137 = arith.cmpi sgt, %add3A_131, %sign3A_136 : vector<16xi32>
    %sign3A_138 = arith.extui %sign3A_137 : vector<16xi1> to vector<16xi32>
    %sign3A_139 = arith.constant 0 : i32
    %sign3A_140 = vector.broadcast %sign3A_139 : i32 to vector<16xi32>
    %sign3A_141 = arith.cmpi slt, %add3A_131, %sign3A_140 : vector<16xi32>
    %sign3A_142 = arith.extui %sign3A_141 : vector<16xi1> to vector<16xi32>
    %sign3A_143 = arith.subi %sign3A_138, %sign3A_142 : vector<16xi32>
    %sign3A_144 = arith.constant 0 : i32
    %sign3A_145 = arith.cmpi sgt, %jit3A_132, %sign3A_144 : i32
    %sign3A_146 = arith.extui %sign3A_145 : i1 to i32
    %sign3A_147 = arith.constant 0 : i32
    %sign3A_148 = arith.cmpi slt, %jit3A_132, %sign3A_147 : i32
    %sign3A_149 = arith.extui %sign3A_148 : i1 to i32
    %sign3A_150 = arith.subi %sign3A_146, %sign3A_149 : i32
    %ne3A_151 = vector.broadcast %sign3A_150 : i32 to vector<16xi32>
    %ne3A_152 = arith.cmpi ne, %sign3A_143, %ne3A_151 : vector<16xi32>
    %rem3A_153 = vector.broadcast %jit3A_132 : i32 to vector<16xi32>
    %rem3A_154 = arith.remsi %add3A_131, %rem3A_153 : vector<16xi32>
    %ne3A_155 = arith.constant 0 : i32
    %ne3A_156 = vector.broadcast %ne3A_155 : i32 to vector<16xi32>
    %ne3A_157 = arith.cmpi ne, %rem3A_154, %ne3A_156 : vector<16xi32>
    %and3A_158 = arith.andi %ne3A_152, %ne3A_157 : vector<16xi1>
    %sub3A_159 = arith.constant 1 : i32
    %sub3A_160 = vector.broadcast %sub3A_159 : i32 to vector<16xi32>
    %sub3A_161 = arith.subi %div3A_134, %sub3A_160 : vector<16xi32>
    %select_n3A_162 = arith.select %and3A_158, %sub3A_161, %div3A_134 : vector<16xi1>, vector<16xi32>
    %broadcast_in_dim3A_163 = arith.constant true
    %broadcast_in_dim3A_164 = vector.broadcast %broadcast_in_dim3A_163 : i1 to vector<16xi1>
    %masked_cumsum3A_165 = tpu.scan <sum>, %select_n3A_162 masked %broadcast_in_dim3A_164 : vector<16xi32>, vector<16xi1> -> vector<16xi32>
    %sub3A_166 = arith.subi %masked_cumsum3A_165, %select_n3A_162 : vector<16xi32>
    %add3A_167 = vector.broadcast %add3A_126 : i32 to vector<16xi32>
    %add3A_168 = arith.addi %sub3A_166, %add3A_167 : vector<16xi32>
    %mul3A_169 = arith.constant 64 : i32
    %mul3A_170 = vector.broadcast %mul3A_169 : i32 to vector<16xi32>
    %mul3A_171 = arith.muli %add3A_168, %mul3A_170 : vector<16xi32>
    %swap3A_172 = arith.constant 32 : index
    %swap3A_173 = tpu.vector_load %arg10[%swap3A_172] {strides = array<i32>} : memref<64xi32, #tpu.memory_space<vmem>>, vector<16xi32>,
    tpu.vector_store %arg10[%swap3A_172], %mul3A_171 {strides = array<i32>} : memref<64xi32, #tpu.memory_space<vmem>>, vector<16xi32>,
    %add3A_174 = vector.broadcast %add3A_126 : i32 to vector<16xi32>
    %add3A_175 = arith.addi %masked_cumsum3A_165, %add3A_174 : vector<16xi32>
    %swap3A_176 = arith.constant 32 : index
    %swap3A_177 = tpu.vector_load %arg11[%swap3A_176] {strides = array<i32>} : memref<64xi32, #tpu.memory_space<vmem>>, vector<16xi32>,
    tpu.vector_store %arg11[%swap3A_176], %add3A_175 {strides = array<i32>} : memref<64xi32, #tpu.memory_space<vmem>>, vector<16xi32>,
    %slice3A_178 = vector.extract_strided_slice %masked_cumsum3A_165 {offsets = [15], sizes = [1], strides = [1]} : vector<16xi32> to vector<1xi32>
    %squeeze3A_179 = vector.extract %slice3A_178[0] : i32 from vector<1xi32>
    %add3A_180 = arith.addi %add3A_126, %squeeze3A_179 : i32
    %get3A_181 = arith.constant 48 : index
    %get3A_182 = tpu.vector_load %arg9[%get3A_181] {strides = array<i32>} : memref<64xi32, #tpu.memory_space<vmem>>, vector<16xi32>,
    %add3A_183 = arith.constant 63 : i32
    %add3A_184 = vector.broadcast %add3A_183 : i32 to vector<16xi32>
    %add3A_185 = arith.addi %get3A_182, %add3A_184 : vector<16xi32>
    %jit3A_186 = arith.constant 64 : i32
    %div3A_187 = vector.broadcast %jit3A_186 : i32 to vector<16xi32>
    %div3A_188 = arith.divsi %add3A_185, %div3A_187 : vector<16xi32>
    %sign3A_189 = arith.constant 0 : i32
    %sign3A_190 = vector.broadcast %sign3A_189 : i32 to vector<16xi32>
    %sign3A_191 = arith.cmpi sgt, %add3A_185, %sign3A_190 : vector<16xi32>
    %sign3A_192 = arith.extui %sign3A_191 : vector<16xi1> to vector<16xi32>
    %sign3A_193 = arith.constant 0 : i32
    %sign3A_194 = vector.broadcast %sign3A_193 : i32 to vector<16xi32>
    %sign3A_195 = arith.cmpi slt, %add3A_185, %sign3A_194 : vector<16xi32>
    %sign3A_196 = arith.extui %sign3A_195 : vector<16xi1> to vector<16xi32>
    %sign3A_197 = arith.subi %sign3A_192, %sign3A_196 : vector<16xi32>
    %sign3A_198 = arith.constant 0 : i32
    %sign3A_199 = arith.cmpi sgt, %jit3A_186, %sign3A_198 : i32
    %sign3A_200 = arith.extui %sign3A_199 : i1 to i32
    %sign3A_201 = arith.constant 0 : i32
    %sign3A_202 = arith.cmpi slt, %jit3A_186, %sign3A_201 : i32
    %sign3A_203 = arith.extui %sign3A_202 : i1 to i32
    %sign3A_204 = arith.subi %sign3A_200, %sign3A_203 : i32
    %ne3A_205 = vector.broadcast %sign3A_204 : i32 to vector<16xi32>
    %ne3A_206 = arith.cmpi ne, %sign3A_197, %ne3A_205 : vector<16xi32>
    %rem3A_207 = vector.broadcast %jit3A_186 : i32 to vector<16xi32>
    %rem3A_208 = arith.remsi %add3A_185, %rem3A_207 : vector<16xi32>
    %ne3A_209 = arith.constant 0 : i32
    %ne3A_210 = vector.broadcast %ne3A_209 : i32 to vector<16xi32>
    %ne3A_211 = arith.cmpi ne, %rem3A_208, %ne3A_210 : vector<16xi32>
    %and3A_212 = arith.andi %ne3A_206, %ne3A_211 : vector<16xi1>
    %sub3A_213 = arith.constant 1 : i32
    %sub3A_214 = vector.broadcast %sub3A_213 : i32 to vector<16xi32>
    %sub3A_215 = arith.subi %div3A_188, %sub3A_214 : vector<16xi32>
    %select_n3A_216 = arith.select %and3A_212, %sub3A_215, %div3A_188 : vector<16xi1>, vector<16xi32>
    %broadcast_in_dim3A_217 = arith.constant true
    %broadcast_in_dim3A_218 = vector.broadcast %broadcast_in_dim3A_217 : i1 to vector<16xi1>
    %masked_cumsum3A_219 = tpu.scan <sum>, %select_n3A_216 masked %broadcast_in_dim3A_218 : vector<16xi32>, vector<16xi1> -> vector<16xi32>
    %sub3A_220 = arith.subi %masked_cumsum3A_219, %select_n3A_216 : vector<16xi32>
    %add3A_221 = vector.broadcast %add3A_180 : i32 to vector<16xi32>
    %add3A_222 = arith.addi %sub3A_220, %add3A_221 : vector<16xi32>
    %mul3A_223 = arith.constant 64 : i32
    %mul3A_224 = vector.broadcast %mul3A_223 : i32 to vector<16xi32>
    %mul3A_225 = arith.muli %add3A_222, %mul3A_224 : vector<16xi32>
    %swap3A_226 = arith.constant 48 : index
    %swap3A_227 = tpu.vector_load %arg10[%swap3A_226] {strides = array<i32>} : memref<64xi32, #tpu.memory_space<vmem>>, vector<16xi32>,
    tpu.vector_store %arg10[%swap3A_226], %mul3A_225 {strides = array<i32>} : memref<64xi32, #tpu.memory_space<vmem>>, vector<16xi32>,
    %add3A_228 = vector.broadcast %add3A_180 : i32 to vector<16xi32>
    %add3A_229 = arith.addi %masked_cumsum3A_219, %add3A_228 : vector<16xi32>
    %swap3A_230 = arith.constant 48 : index
    %swap3A_231 = tpu.vector_load %arg11[%swap3A_230] {strides = array<i32>} : memref<64xi32, #tpu.memory_space<vmem>>, vector<16xi32>,
    tpu.vector_store %arg11[%swap3A_230], %add3A_229 {strides = array<i32>} : memref<64xi32, #tpu.memory_space<vmem>>, vector<16xi32>,
    %slice3A_232 = vector.extract_strided_slice %masked_cumsum3A_219 {offsets = [15], sizes = [1], strides = [1]} : vector<16xi32> to vector<1xi32>
    %squeeze3A_233 = vector.extract %slice3A_232[0] : i32 from vector<1xi32>
    %add3A_234 = arith.addi %add3A_180, %squeeze3A_233 : i32
    %add3A_235 = arith.constant 0 : i32
    %add3A_236 = arith.addi %mul3A_2, %add3A_235 : i32
    %get3A_237 = arith.index_cast %add3A_236 : i32 to index
    %get3A_238 = tpu.vector_load %arg7[%get3A_237] {strides = array<i32>} : memref<2048xi32, #tpu.memory_space<vmem>>, vector<16xi32>,
    %gather3A = tpu.vector_load_idx %arg10[%get3A_238] : memref<64xi32, #tpu.memory_space<vmem>>[vector<16xi32>], vector<16xi32>,
    %get3A_239 = arith.constant 0 : index
    %get3A_240 = tpu.vector_load %arg8[%get3A_239] {strides = array<i32>} : memref<64xi32, #tpu.memory_space<vmem>>, vector<16xi32>,
    %add3A_241 = arith.addi %gather3A, %get3A_240 : vector<16xi32>
    %swap3A_242 = arith.constant 0 : index
    %swap3A_243 = tpu.vector_load %arg13[%swap3A_242] {strides = array<i32>} : memref<64xi32, #tpu.memory_space<vmem>>, vector<16xi32>,
    tpu.vector_store %arg13[%swap3A_242], %add3A_241 {strides = array<i32>} : memref<64xi32, #tpu.memory_space<vmem>>, vector<16xi32>,
    %add3A_244 = arith.constant 16 : i32
    %add3A_245 = arith.addi %mul3A_2, %add3A_244 : i32
    %get3A_246 = arith.index_cast %add3A_245 : i32 to index
    %get3A_247 = tpu.vector_load %arg7[%get3A_246] {strides = array<i32>} : memref<2048xi32, #tpu.memory_space<vmem>>, vector<16xi32>,
    %gather3A_248 = tpu.vector_load_idx %arg10[%get3A_247] : memref<64xi32, #tpu.memory_space<vmem>>[vector<16xi32>], vector<16xi32>,
    %get3A_249 = arith.constant 16 : index
    %get3A_250 = tpu.vector_load %arg8[%get3A_249] {strides = array<i32>} : memref<64xi32, #tpu.memory_space<vmem>>, vector<16xi32>,
    %add3A_251 = arith.addi %gather3A_248, %get3A_250 : vector<16xi32>
    %swap3A_252 = arith.constant 16 : index
    %swap3A_253 = tpu.vector_load %arg13[%swap3A_252] {strides = array<i32>} : memref<64xi32, #tpu.memory_space<vmem>>, vector<16xi32>,
    tpu.vector_store %arg13[%swap3A_252], %add3A_251 {strides = array<i32>} : memref<64xi32, #tpu.memory_space<vmem>>, vector<16xi32>,
    %add3A_254 = arith.constant 32 : i32
    %add3A_255 = arith.addi %mul3A_2, %add3A_254 : i32
    %get3A_256 = arith.index_cast %add3A_255 : i32 to index
    %get3A_257 = tpu.vector_load %arg7[%get3A_256] {strides = array<i32>} : memref<2048xi32, #tpu.memory_space<vmem>>, vector<16xi32>,
    %gather3A_258 = tpu.vector_load_idx %arg10[%get3A_257] : memref<64xi32, #tpu.memory_space<vmem>>[vector<16xi32>], vector<16xi32>,
    %get3A_259 = arith.constant 32 : index
    %get3A_260 = tpu.vector_load %arg8[%get3A_259] {strides = array<i32>} : memref<64xi32, #tpu.memory_space<vmem>>, vector<16xi32>,
    %add3A_261 = arith.addi %gather3A_258, %get3A_260 : vector<16xi32>
    %swap3A_262 = arith.constant 32 : index
    %swap3A_263 = tpu.vector_load %arg13[%swap3A_262] {strides = array<i32>} : memref<64xi32, #tpu.memory_space<vmem>>, vector<16xi32>,
    tpu.vector_store %arg13[%swap3A_262], %add3A_261 {strides = array<i32>} : memref<64xi32, #tpu.memory_space<vmem>>, vector<16xi32>,
    %add3A_264 = arith.constant 48 : i32
    %add3A_265 = arith.addi %mul3A_2, %add3A_264 : i32
    %get3A_266 = arith.index_cast %add3A_265 : i32 to index
    %get3A_267 = tpu.vector_load %arg7[%get3A_266] {strides = array<i32>} : memref<2048xi32, #tpu.memory_space<vmem>>, vector<16xi32>,
    %gather3A_268 = tpu.vector_load_idx %arg10[%get3A_267] : memref<64xi32, #tpu.memory_space<vmem>>[vector<16xi32>], vector<16xi32>,
    %get3A_269 = arith.constant 48 : index
    %get3A_270 = tpu.vector_load %arg8[%get3A_269] {strides = array<i32>} : memref<64xi32, #tpu.memory_space<vmem>>, vector<16xi32>,
    %add3A_271 = arith.addi %gather3A_268, %get3A_270 : vector<16xi32>
    %swap3A_272 = arith.constant 48 : index
    %swap3A_273 = tpu.vector_load %arg13[%swap3A_272] {strides = array<i32>} : memref<64xi32, #tpu.memory_space<vmem>>, vector<16xi32>,
    tpu.vector_store %arg13[%swap3A_272], %add3A_271 {strides = array<i32>} : memref<64xi32, #tpu.memory_space<vmem>>, vector<16xi32>,
    "tpu.region"() ({
      %run_scoped3A = tpu.sem_alloc : memref<!tpu.dma_semaphore, #tpu.memory_space<semaphore_mem>>
      %dma_start3A_280 = tpu.memref_slice %arg4[%mul3A_2] : memref<2048xi32, #tpu.memory_space<hbm>> -> memref<64xi32, #tpu.memory_space<hbm>>
      %dma_start3A_281 = tpu.memref_slice %arg4[%mul3A_2] : memref<2048xi32, #tpu.memory_space<hbm>> -> memref<64xi32, #tpu.memory_space<hbm>>
      tpu.enqueue_dma source(%arg13 : memref<64xi32, #tpu.memory_space<vmem>>) target(%dma_start3A_281 : memref<64xi32, #tpu.memory_space<hbm>>) target_semaphore(%run_scoped3A : memref<!tpu.dma_semaphore, #tpu.memory_space<semaphore_mem>>)
      %dma_wait3A_282 = tpu.memref_slice %arg4[%mul3A_2] : memref<2048xi32, #tpu.memory_space<hbm>> -> memref<64xi32, #tpu.memory_space<hbm>>
      %dma_wait3A_283 = tpu.memref_slice %arg4[%mul3A_2] : memref<2048xi32, #tpu.memory_space<hbm>> -> memref<64xi32, #tpu.memory_space<hbm>>
      tpu.wait_dma2 semaphore(%run_scoped3A : memref<!tpu.dma_semaphore, #tpu.memory_space<semaphore_mem>>) src(%arg13 : memref<64xi32, #tpu.memory_space<vmem>>) dst(%dma_wait3A_283 : memref<64xi32, #tpu.memory_space<hbm>>)
      tpu.yield
    }) : () -> ()
    %eq3A = arith.constant 0 : i32
    %eq3A_274 = arith.cmpi eq, %add3A, %eq3A : i32
    %convert_element_type3A = arith.extui %eq3A_274 : i1 to i32
    %cond3A = arith.constant 0 : i32
    %cond3A_275 = arith.cmpi ne, %convert_element_type3A, %cond3A : i32
    scf.if %cond3A_275 {
      %get3A_280 = arith.constant 48 : index
      %get3A_281 = tpu.vector_load %arg11[%get3A_280] {strides = array<i32>} : memref<64xi32, #tpu.memory_space<vmem>>, vector<16xi32>,
      %slice3A_282 = vector.extract_strided_slice %get3A_281 {offsets = [15], sizes = [1], strides = [1]} : vector<16xi32> to vector<1xi32>
      %squeeze3A_283 = vector.extract %slice3A_282[0] : i32 from vector<1xi32>
      %iota3A = tpu.iota {dimensions = array<i32: 0>} : vector<16xi32>
      %add3A_284 = arith.constant 0 : i32
      %add3A_285 = vector.broadcast %add3A_284 : i32 to vector<16xi32>
      %add3A_286 = arith.addi %iota3A, %add3A_285 : vector<16xi32>
      %broadcast_in_dim3A_287 = arith.constant 0 : i32
      %broadcast_in_dim3A_288 = vector.broadcast %broadcast_in_dim3A_287 : i32 to vector<16xi32>
      %broadcast_in_dim3A_289 = arith.constant 64 : i32
      %broadcast_in_dim3A_290 = vector.broadcast %broadcast_in_dim3A_289 : i32 to vector<16xi32>
      %add3A_291 = arith.addi %broadcast_in_dim3A_288, %broadcast_in_dim3A_290 : vector<16xi32>
      %jit3A_292 = arith.constant 2 : i32
      %div3A_293 = vector.broadcast %jit3A_292 : i32 to vector<16xi32>
      %div3A_294 = arith.divsi %add3A_291, %div3A_293 : vector<16xi32>
      %sign3A_295 = arith.constant 0 : i32
      %sign3A_296 = vector.broadcast %sign3A_295 : i32 to vector<16xi32>
      %sign3A_297 = arith.cmpi sgt, %add3A_291, %sign3A_296 : vector<16xi32>
      %sign3A_298 = arith.extui %sign3A_297 : vector<16xi1> to vector<16xi32>
      %sign3A_299 = arith.constant 0 : i32
      %sign3A_300 = vector.broadcast %sign3A_299 : i32 to vector<16xi32>
      %sign3A_301 = arith.cmpi slt, %add3A_291, %sign3A_300 : vector<16xi32>
      %sign3A_302 = arith.extui %sign3A_301 : vector<16xi1> to vector<16xi32>
      %sign3A_303 = arith.subi %sign3A_298, %sign3A_302 : vector<16xi32>
      %sign3A_304 = arith.constant 0 : i32
      %sign3A_305 = arith.cmpi sgt, %jit3A_292, %sign3A_304 : i32
      %sign3A_306 = arith.extui %sign3A_305 : i1 to i32
      %sign3A_307 = arith.constant 0 : i32
      %sign3A_308 = arith.cmpi slt, %jit3A_292, %sign3A_307 : i32
      %sign3A_309 = arith.extui %sign3A_308 : i1 to i32
      %sign3A_310 = arith.subi %sign3A_306, %sign3A_309 : i32
      %ne3A_311 = vector.broadcast %sign3A_310 : i32 to vector<16xi32>
      %ne3A_312 = arith.cmpi ne, %sign3A_303, %ne3A_311 : vector<16xi32>
      %rem3A_313 = vector.broadcast %jit3A_292 : i32 to vector<16xi32>
      %rem3A_314 = arith.remsi %add3A_291, %rem3A_313 : vector<16xi32>
      %ne3A_315 = arith.constant 0 : i32
      %ne3A_316 = vector.broadcast %ne3A_315 : i32 to vector<16xi32>
      %ne3A_317 = arith.cmpi ne, %rem3A_314, %ne3A_316 : vector<16xi32>
      %and3A_318 = arith.andi %ne3A_312, %ne3A_317 : vector<16xi1>
      %sub3A_319 = arith.constant 1 : i32
      %sub3A_320 = vector.broadcast %sub3A_319 : i32 to vector<16xi32>
      %sub3A_321 = arith.subi %div3A_294, %sub3A_320 : vector<16xi32>
      %select_n3A_322 = arith.select %and3A_318, %sub3A_321, %div3A_294 : vector<16xi1>, vector<16xi32>
      %min3A = arith.constant 63 : i32
      %min3A_323 = vector.broadcast %min3A : i32 to vector<16xi32>
      %min3A_324 = arith.minsi %select_n3A_322, %min3A_323 : vector<16xi32>
      %gather3A_325 = tpu.vector_load_idx %arg11[%min3A_324] : memref<64xi32, #tpu.memory_space<vmem>>[vector<16xi32>], vector<16xi32>,
      %le3A = arith.cmpi sle, %gather3A_325, %add3A_286 : vector<16xi32>
      %add3A_326 = arith.constant 1 : i32
      %add3A_327 = vector.broadcast %add3A_326 : i32 to vector<16xi32>
      %add3A_328 = arith.addi %min3A_324, %add3A_327 : vector<16xi32>
      %select_n3A_329 = arith.select %le3A, %add3A_328, %broadcast_in_dim3A_288 : vector<16xi1>, vector<16xi32>
      %select_n3A_330 = arith.select %le3A, %broadcast_in_dim3A_290, %min3A_324 : vector<16xi1>, vector<16xi32>
      %add3A_331 = arith.addi %select_n3A_329, %select_n3A_330 : vector<16xi32>
      %jit3A_332 = arith.constant 2 : i32
      %div3A_333 = vector.broadcast %jit3A_332 : i32 to vector<16xi32>
      %div3A_334 = arith.divsi %add3A_331, %div3A_333 : vector<16xi32>
      %sign3A_335 = arith.constant 0 : i32
      %sign3A_336 = vector.broadcast %sign3A_335 : i32 to vector<16xi32>
      %sign3A_337 = arith.cmpi sgt, %add3A_331, %sign3A_336 : vector<16xi32>
      %sign3A_338 = arith.extui %sign3A_337 : vector<16xi1> to vector<16xi32>
      %sign3A_339 = arith.constant 0 : i32
      %sign3A_340 = vector.broadcast %sign3A_339 : i32 to vector<16xi32>
      %sign3A_341 = arith.cmpi slt, %add3A_331, %sign3A_340 : vector<16xi32>
      %sign3A_342 = arith.extui %sign3A_341 : vector<16xi1> to vector<16xi32>
      %sign3A_343 = arith.subi %sign3A_338, %sign3A_342 : vector<16xi32>
      %sign3A_344 = arith.constant 0 : i32
      %sign3A_345 = arith.cmpi sgt, %jit3A_332, %sign3A_344 : i32
      %sign3A_346 = arith.extui %sign3A_345 : i1 to i32
      %sign3A_347 = arith.constant 0 : i32
      %sign3A_348 = arith.cmpi slt, %jit3A_332, %sign3A_347 : i32
      %sign3A_349 = arith.extui %sign3A_348 : i1 to i32
      %sign3A_350 = arith.subi %sign3A_346, %sign3A_349 : i32
      %ne3A_351 = vector.broadcast %sign3A_350 : i32 to vector<16xi32>
      %ne3A_352 = arith.cmpi ne, %sign3A_343, %ne3A_351 : vector<16xi32>
      %rem3A_353 = vector.broadcast %jit3A_332 : i32 to vector<16xi32>
      %rem3A_354 = arith.remsi %add3A_331, %rem3A_353 : vector<16xi32>
      %ne3A_355 = arith.constant 0 : i32
      %ne3A_356 = vector.broadcast %ne3A_355 : i32 to vector<16xi32>
      %ne3A_357 = arith.cmpi ne, %rem3A_354, %ne3A_356 : vector<16xi32>
      %and3A_358 = arith.andi %ne3A_352, %ne3A_357 : vector<16xi1>
      %sub3A_359 = arith.constant 1 : i32
      %sub3A_360 = vector.broadcast %sub3A_359 : i32 to vector<16xi32>
      %sub3A_361 = arith.subi %div3A_334, %sub3A_360 : vector<16xi32>
      %select_n3A_362 = arith.select %and3A_358, %sub3A_361, %div3A_334 : vector<16xi1>, vector<16xi32>
      %min3A_363 = arith.constant 63 : i32
      %min3A_364 = vector.broadcast %min3A_363 : i32 to vector<16xi32>
      %min3A_365 = arith.minsi %select_n3A_362, %min3A_364 : vector<16xi32>
      %gather3A_366 = tpu.vector_load_idx %arg11[%min3A_365] : memref<64xi32, #tpu.memory_space<vmem>>[vector<16xi32>], vector<16xi32>,
      %le3A_367 = arith.cmpi sle, %gather3A_366, %add3A_286 : vector<16xi32>
      %add3A_368 = arith.constant 1 : i32
      %add3A_369 = vector.broadcast %add3A_368 : i32 to vector<16xi32>
      %add3A_370 = arith.addi %min3A_365, %add3A_369 : vector<16xi32>
      %select_n3A_371 = arith.select %le3A_367, %add3A_370, %select_n3A_329 : vector<16xi1>, vector<16xi32>
      %select_n3A_372 = arith.select %le3A_367, %select_n3A_330, %min3A_365 : vector<16xi1>, vector<16xi32>
      %add3A_373 = arith.addi %select_n3A_371, %select_n3A_372 : vector<16xi32>
      %jit3A_374 = arith.constant 2 : i32
      %div3A_375 = vector.broadcast %jit3A_374 : i32 to vector<16xi32>
      %div3A_376 = arith.divsi %add3A_373, %div3A_375 : vector<16xi32>
      %sign3A_377 = arith.constant 0 : i32
      %sign3A_378 = vector.broadcast %sign3A_377 : i32 to vector<16xi32>
      %sign3A_379 = arith.cmpi sgt, %add3A_373, %sign3A_378 : vector<16xi32>
      %sign3A_380 = arith.extui %sign3A_379 : vector<16xi1> to vector<16xi32>
      %sign3A_381 = arith.constant 0 : i32
      %sign3A_382 = vector.broadcast %sign3A_381 : i32 to vector<16xi32>
      %sign3A_383 = arith.cmpi slt, %add3A_373, %sign3A_382 : vector<16xi32>
      %sign3A_384 = arith.extui %sign3A_383 : vector<16xi1> to vector<16xi32>
      %sign3A_385 = arith.subi %sign3A_380, %sign3A_384 : vector<16xi32>
      %sign3A_386 = arith.constant 0 : i32
      %sign3A_387 = arith.cmpi sgt, %jit3A_374, %sign3A_386 : i32
      %sign3A_388 = arith.extui %sign3A_387 : i1 to i32
      %sign3A_389 = arith.constant 0 : i32
      %sign3A_390 = arith.cmpi slt, %jit3A_374, %sign3A_389 : i32
      %sign3A_391 = arith.extui %sign3A_390 : i1 to i32
      %sign3A_392 = arith.subi %sign3A_388, %sign3A_391 : i32
      %ne3A_393 = vector.broadcast %sign3A_392 : i32 to vector<16xi32>
      %ne3A_394 = arith.cmpi ne, %sign3A_385, %ne3A_393 : vector<16xi32>
      %rem3A_395 = vector.broadcast %jit3A_374 : i32 to vector<16xi32>
      %rem3A_396 = arith.remsi %add3A_373, %rem3A_395 : vector<16xi32>
      %ne3A_397 = arith.constant 0 : i32
      %ne3A_398 = vector.broadcast %ne3A_397 : i32 to vector<16xi32>
      %ne3A_399 = arith.cmpi ne, %rem3A_396, %ne3A_398 : vector<16xi32>
      %and3A_400 = arith.andi %ne3A_394, %ne3A_399 : vector<16xi1>
      %sub3A_401 = arith.constant 1 : i32
      %sub3A_402 = vector.broadcast %sub3A_401 : i32 to vector<16xi32>
      %sub3A_403 = arith.subi %div3A_376, %sub3A_402 : vector<16xi32>
      %select_n3A_404 = arith.select %and3A_400, %sub3A_403, %div3A_376 : vector<16xi1>, vector<16xi32>
      %min3A_405 = arith.constant 63 : i32
      %min3A_406 = vector.broadcast %min3A_405 : i32 to vector<16xi32>
      %min3A_407 = arith.minsi %select_n3A_404, %min3A_406 : vector<16xi32>
      %gather3A_408 = tpu.vector_load_idx %arg11[%min3A_407] : memref<64xi32, #tpu.memory_space<vmem>>[vector<16xi32>], vector<16xi32>,
      %le3A_409 = arith.cmpi sle, %gather3A_408, %add3A_286 : vector<16xi32>
      %add3A_410 = arith.constant 1 : i32
      %add3A_411 = vector.broadcast %add3A_410 : i32 to vector<16xi32>
      %add3A_412 = arith.addi %min3A_407, %add3A_411 : vector<16xi32>
      %select_n3A_413 = arith.select %le3A_409, %add3A_412, %select_n3A_371 : vector<16xi1>, vector<16xi32>
      %select_n3A_414 = arith.select %le3A_409, %select_n3A_372, %min3A_407 : vector<16xi1>, vector<16xi32>
      %add3A_415 = arith.addi %select_n3A_413, %select_n3A_414 : vector<16xi32>
      %jit3A_416 = arith.constant 2 : i32
      %div3A_417 = vector.broadcast %jit3A_416 : i32 to vector<16xi32>
      %div3A_418 = arith.divsi %add3A_415, %div3A_417 : vector<16xi32>
      %sign3A_419 = arith.constant 0 : i32
      %sign3A_420 = vector.broadcast %sign3A_419 : i32 to vector<16xi32>
      %sign3A_421 = arith.cmpi sgt, %add3A_415, %sign3A_420 : vector<16xi32>
      %sign3A_422 = arith.extui %sign3A_421 : vector<16xi1> to vector<16xi32>
      %sign3A_423 = arith.constant 0 : i32
      %sign3A_424 = vector.broadcast %sign3A_423 : i32 to vector<16xi32>
      %sign3A_425 = arith.cmpi slt, %add3A_415, %sign3A_424 : vector<16xi32>
      %sign3A_426 = arith.extui %sign3A_425 : vector<16xi1> to vector<16xi32>
      %sign3A_427 = arith.subi %sign3A_422, %sign3A_426 : vector<16xi32>
      %sign3A_428 = arith.constant 0 : i32
      %sign3A_429 = arith.cmpi sgt, %jit3A_416, %sign3A_428 : i32
      %sign3A_430 = arith.extui %sign3A_429 : i1 to i32
      %sign3A_431 = arith.constant 0 : i32
      %sign3A_432 = arith.cmpi slt, %jit3A_416, %sign3A_431 : i32
      %sign3A_433 = arith.extui %sign3A_432 : i1 to i32
      %sign3A_434 = arith.subi %sign3A_430, %sign3A_433 : i32
      %ne3A_435 = vector.broadcast %sign3A_434 : i32 to vector<16xi32>
      %ne3A_436 = arith.cmpi ne, %sign3A_427, %ne3A_435 : vector<16xi32>
      %rem3A_437 = vector.broadcast %jit3A_416 : i32 to vector<16xi32>
      %rem3A_438 = arith.remsi %add3A_415, %rem3A_437 : vector<16xi32>
      %ne3A_439 = arith.constant 0 : i32
      %ne3A_440 = vector.broadcast %ne3A_439 : i32 to vector<16xi32>
      %ne3A_441 = arith.cmpi ne, %rem3A_438, %ne3A_440 : vector<16xi32>
      %and3A_442 = arith.andi %ne3A_436, %ne3A_441 : vector<16xi1>
      %sub3A_443 = arith.constant 1 : i32
      %sub3A_444 = vector.broadcast %sub3A_443 : i32 to vector<16xi32>
      %sub3A_445 = arith.subi %div3A_418, %sub3A_444 : vector<16xi32>
      %select_n3A_446 = arith.select %and3A_442, %sub3A_445, %div3A_418 : vector<16xi1>, vector<16xi32>
      %min3A_447 = arith.constant 63 : i32
      %min3A_448 = vector.broadcast %min3A_447 : i32 to vector<16xi32>
      %min3A_449 = arith.minsi %select_n3A_446, %min3A_448 : vector<16xi32>
      %gather3A_450 = tpu.vector_load_idx %arg11[%min3A_449] : memref<64xi32, #tpu.memory_space<vmem>>[vector<16xi32>], vector<16xi32>,
      %le3A_451 = arith.cmpi sle, %gather3A_450, %add3A_286 : vector<16xi32>
      %add3A_452 = arith.constant 1 : i32
      %add3A_453 = vector.broadcast %add3A_452 : i32 to vector<16xi32>
      %add3A_454 = arith.addi %min3A_449, %add3A_453 : vector<16xi32>
      %select_n3A_455 = arith.select %le3A_451, %add3A_454, %select_n3A_413 : vector<16xi1>, vector<16xi32>
      %select_n3A_456 = arith.select %le3A_451, %select_n3A_414, %min3A_449 : vector<16xi1>, vector<16xi32>
      %add3A_457 = arith.addi %select_n3A_455, %select_n3A_456 : vector<16xi32>
      %jit3A_458 = arith.constant 2 : i32
      %div3A_459 = vector.broadcast %jit3A_458 : i32 to vector<16xi32>
      %div3A_460 = arith.divsi %add3A_457, %div3A_459 : vector<16xi32>
      %sign3A_461 = arith.constant 0 : i32
      %sign3A_462 = vector.broadcast %sign3A_461 : i32 to vector<16xi32>
      %sign3A_463 = arith.cmpi sgt, %add3A_457, %sign3A_462 : vector<16xi32>
      %sign3A_464 = arith.extui %sign3A_463 : vector<16xi1> to vector<16xi32>
      %sign3A_465 = arith.constant 0 : i32
      %sign3A_466 = vector.broadcast %sign3A_465 : i32 to vector<16xi32>
      %sign3A_467 = arith.cmpi slt, %add3A_457, %sign3A_466 : vector<16xi32>
      %sign3A_468 = arith.extui %sign3A_467 : vector<16xi1> to vector<16xi32>
      %sign3A_469 = arith.subi %sign3A_464, %sign3A_468 : vector<16xi32>
      %sign3A_470 = arith.constant 0 : i32
      %sign3A_471 = arith.cmpi sgt, %jit3A_458, %sign3A_470 : i32
      %sign3A_472 = arith.extui %sign3A_471 : i1 to i32
      %sign3A_473 = arith.constant 0 : i32
      %sign3A_474 = arith.cmpi slt, %jit3A_458, %sign3A_473 : i32
      %sign3A_475 = arith.extui %sign3A_474 : i1 to i32
      %sign3A_476 = arith.subi %sign3A_472, %sign3A_475 : i32
      %ne3A_477 = vector.broadcast %sign3A_476 : i32 to vector<16xi32>
      %ne3A_478 = arith.cmpi ne, %sign3A_469, %ne3A_477 : vector<16xi32>
      %rem3A_479 = vector.broadcast %jit3A_458 : i32 to vector<16xi32>
      %rem3A_480 = arith.remsi %add3A_457, %rem3A_479 : vector<16xi32>
      %ne3A_481 = arith.constant 0 : i32
      %ne3A_482 = vector.broadcast %ne3A_481 : i32 to vector<16xi32>
      %ne3A_483 = arith.cmpi ne, %rem3A_480, %ne3A_482 : vector<16xi32>
      %and3A_484 = arith.andi %ne3A_478, %ne3A_483 : vector<16xi1>
      %sub3A_485 = arith.constant 1 : i32
      %sub3A_486 = vector.broadcast %sub3A_485 : i32 to vector<16xi32>
      %sub3A_487 = arith.subi %div3A_460, %sub3A_486 : vector<16xi32>
      %select_n3A_488 = arith.select %and3A_484, %sub3A_487, %div3A_460 : vector<16xi1>, vector<16xi32>
      %min3A_489 = arith.constant 63 : i32
      %min3A_490 = vector.broadcast %min3A_489 : i32 to vector<16xi32>
      %min3A_491 = arith.minsi %select_n3A_488, %min3A_490 : vector<16xi32>
      %gather3A_492 = tpu.vector_load_idx %arg11[%min3A_491] : memref<64xi32, #tpu.memory_space<vmem>>[vector<16xi32>], vector<16xi32>,
      %le3A_493 = arith.cmpi sle, %gather3A_492, %add3A_286 : vector<16xi32>
      %add3A_494 = arith.constant 1 : i32
      %add3A_495 = vector.broadcast %add3A_494 : i32 to vector<16xi32>
      %add3A_496 = arith.addi %min3A_491, %add3A_495 : vector<16xi32>
      %select_n3A_497 = arith.select %le3A_493, %add3A_496, %select_n3A_455 : vector<16xi1>, vector<16xi32>
      %select_n3A_498 = arith.select %le3A_493, %select_n3A_456, %min3A_491 : vector<16xi1>, vector<16xi32>
      %add3A_499 = arith.addi %select_n3A_497, %select_n3A_498 : vector<16xi32>
      %jit3A_500 = arith.constant 2 : i32
      %div3A_501 = vector.broadcast %jit3A_500 : i32 to vector<16xi32>
      %div3A_502 = arith.divsi %add3A_499, %div3A_501 : vector<16xi32>
      %sign3A_503 = arith.constant 0 : i32
      %sign3A_504 = vector.broadcast %sign3A_503 : i32 to vector<16xi32>
      %sign3A_505 = arith.cmpi sgt, %add3A_499, %sign3A_504 : vector<16xi32>
      %sign3A_506 = arith.extui %sign3A_505 : vector<16xi1> to vector<16xi32>
      %sign3A_507 = arith.constant 0 : i32
      %sign3A_508 = vector.broadcast %sign3A_507 : i32 to vector<16xi32>
      %sign3A_509 = arith.cmpi slt, %add3A_499, %sign3A_508 : vector<16xi32>
      %sign3A_510 = arith.extui %sign3A_509 : vector<16xi1> to vector<16xi32>
      %sign3A_511 = arith.subi %sign3A_506, %sign3A_510 : vector<16xi32>
      %sign3A_512 = arith.constant 0 : i32
      %sign3A_513 = arith.cmpi sgt, %jit3A_500, %sign3A_512 : i32
      %sign3A_514 = arith.extui %sign3A_513 : i1 to i32
      %sign3A_515 = arith.constant 0 : i32
      %sign3A_516 = arith.cmpi slt, %jit3A_500, %sign3A_515 : i32
      %sign3A_517 = arith.extui %sign3A_516 : i1 to i32
      %sign3A_518 = arith.subi %sign3A_514, %sign3A_517 : i32
      %ne3A_519 = vector.broadcast %sign3A_518 : i32 to vector<16xi32>
      %ne3A_520 = arith.cmpi ne, %sign3A_511, %ne3A_519 : vector<16xi32>
      %rem3A_521 = vector.broadcast %jit3A_500 : i32 to vector<16xi32>
      %rem3A_522 = arith.remsi %add3A_499, %rem3A_521 : vector<16xi32>
      %ne3A_523 = arith.constant 0 : i32
      %ne3A_524 = vector.broadcast %ne3A_523 : i32 to vector<16xi32>
      %ne3A_525 = arith.cmpi ne, %rem3A_522, %ne3A_524 : vector<16xi32>
      %and3A_526 = arith.andi %ne3A_520, %ne3A_525 : vector<16xi1>
      %sub3A_527 = arith.constant 1 : i32
      %sub3A_528 = vector.broadcast %sub3A_527 : i32 to vector<16xi32>
      %sub3A_529 = arith.subi %div3A_502, %sub3A_528 : vector<16xi32>
      %select_n3A_530 = arith.select %and3A_526, %sub3A_529, %div3A_502 : vector<16xi1>, vector<16xi32>
      %min3A_531 = arith.constant 63 : i32
      %min3A_532 = vector.broadcast %min3A_531 : i32 to vector<16xi32>
      %min3A_533 = arith.minsi %select_n3A_530, %min3A_532 : vector<16xi32>
      %gather3A_534 = tpu.vector_load_idx %arg11[%min3A_533] : memref<64xi32, #tpu.memory_space<vmem>>[vector<16xi32>], vector<16xi32>,
      %le3A_535 = arith.cmpi sle, %gather3A_534, %add3A_286 : vector<16xi32>
      %add3A_536 = arith.constant 1 : i32
      %add3A_537 = vector.broadcast %add3A_536 : i32 to vector<16xi32>
      %add3A_538 = arith.addi %min3A_533, %add3A_537 : vector<16xi32>
      %select_n3A_539 = arith.select %le3A_535, %add3A_538, %select_n3A_497 : vector<16xi1>, vector<16xi32>
      %select_n3A_540 = arith.select %le3A_535, %select_n3A_498, %min3A_533 : vector<16xi1>, vector<16xi32>
      %add3A_541 = arith.addi %select_n3A_539, %select_n3A_540 : vector<16xi32>
      %jit3A_542 = arith.constant 2 : i32
      %div3A_543 = vector.broadcast %jit3A_542 : i32 to vector<16xi32>
      %div3A_544 = arith.divsi %add3A_541, %div3A_543 : vector<16xi32>
      %sign3A_545 = arith.constant 0 : i32
      %sign3A_546 = vector.broadcast %sign3A_545 : i32 to vector<16xi32>
      %sign3A_547 = arith.cmpi sgt, %add3A_541, %sign3A_546 : vector<16xi32>
      %sign3A_548 = arith.extui %sign3A_547 : vector<16xi1> to vector<16xi32>
      %sign3A_549 = arith.constant 0 : i32
      %sign3A_550 = vector.broadcast %sign3A_549 : i32 to vector<16xi32>
      %sign3A_551 = arith.cmpi slt, %add3A_541, %sign3A_550 : vector<16xi32>
      %sign3A_552 = arith.extui %sign3A_551 : vector<16xi1> to vector<16xi32>
      %sign3A_553 = arith.subi %sign3A_548, %sign3A_552 : vector<16xi32>
      %sign3A_554 = arith.constant 0 : i32
      %sign3A_555 = arith.cmpi sgt, %jit3A_542, %sign3A_554 : i32
      %sign3A_556 = arith.extui %sign3A_555 : i1 to i32
      %sign3A_557 = arith.constant 0 : i32
      %sign3A_558 = arith.cmpi slt, %jit3A_542, %sign3A_557 : i32
      %sign3A_559 = arith.extui %sign3A_558 : i1 to i32
      %sign3A_560 = arith.subi %sign3A_556, %sign3A_559 : i32
      %ne3A_561 = vector.broadcast %sign3A_560 : i32 to vector<16xi32>
      %ne3A_562 = arith.cmpi ne, %sign3A_553, %ne3A_561 : vector<16xi32>
      %rem3A_563 = vector.broadcast %jit3A_542 : i32 to vector<16xi32>
      %rem3A_564 = arith.remsi %add3A_541, %rem3A_563 : vector<16xi32>
      %ne3A_565 = arith.constant 0 : i32
      %ne3A_566 = vector.broadcast %ne3A_565 : i32 to vector<16xi32>
      %ne3A_567 = arith.cmpi ne, %rem3A_564, %ne3A_566 : vector<16xi32>
      %and3A_568 = arith.andi %ne3A_562, %ne3A_567 : vector<16xi1>
      %sub3A_569 = arith.constant 1 : i32
      %sub3A_570 = vector.broadcast %sub3A_569 : i32 to vector<16xi32>
      %sub3A_571 = arith.subi %div3A_544, %sub3A_570 : vector<16xi32>
      %select_n3A_572 = arith.select %and3A_568, %sub3A_571, %div3A_544 : vector<16xi1>, vector<16xi32>
      %min3A_573 = arith.constant 63 : i32
      %min3A_574 = vector.broadcast %min3A_573 : i32 to vector<16xi32>
      %min3A_575 = arith.minsi %select_n3A_572, %min3A_574 : vector<16xi32>
      %gather3A_576 = tpu.vector_load_idx %arg11[%min3A_575] : memref<64xi32, #tpu.memory_space<vmem>>[vector<16xi32>], vector<16xi32>,
      %le3A_577 = arith.cmpi sle, %gather3A_576, %add3A_286 : vector<16xi32>
      %add3A_578 = arith.constant 1 : i32
      %add3A_579 = vector.broadcast %add3A_578 : i32 to vector<16xi32>
      %add3A_580 = arith.addi %min3A_575, %add3A_579 : vector<16xi32>
      %select_n3A_581 = arith.select %le3A_577, %add3A_580, %select_n3A_539 : vector<16xi1>, vector<16xi32>
      %select_n3A_582 = arith.select %le3A_577, %select_n3A_540, %min3A_575 : vector<16xi1>, vector<16xi32>
      %min3A_583 = arith.constant 63 : i32
      %min3A_584 = vector.broadcast %min3A_583 : i32 to vector<16xi32>
      %min3A_585 = arith.minsi %select_n3A_581, %min3A_584 : vector<16xi32>
      %eq3A_586 = arith.constant 96 : i32
      %eq3A_587 = vector.broadcast %eq3A_586 : i32 to vector<16xi32>
      %eq3A_588 = arith.cmpi eq, %add3A_286, %eq3A_587 : vector<16xi32>
      %broadcast_in_dim3A_589 = vector.broadcast %squeeze3A_283 : i32 to vector<16xi32>
      %select_n3A_590 = arith.select %eq3A_588, %broadcast_in_dim3A_589, %min3A_585 : vector<16xi1>, vector<16xi32>
      %swap3A_591 = arith.constant 0 : index
      %swap3A_592 = tpu.vector_load %arg12[%swap3A_591] {strides = array<i32>} : memref<112xi32, #tpu.memory_space<vmem>>, vector<16xi32>,
      tpu.vector_store %arg12[%swap3A_591], %select_n3A_590 {strides = array<i32>} : memref<112xi32, #tpu.memory_space<vmem>>, vector<16xi32>,
      %iota3A_593 = tpu.iota {dimensions = array<i32: 0>} : vector<16xi32>
      %add3A_594 = arith.constant 16 : i32
      %add3A_595 = vector.broadcast %add3A_594 : i32 to vector<16xi32>
      %add3A_596 = arith.addi %iota3A_593, %add3A_595 : vector<16xi32>
      %broadcast_in_dim3A_597 = arith.constant 0 : i32
      %broadcast_in_dim3A_598 = vector.broadcast %broadcast_in_dim3A_597 : i32 to vector<16xi32>
      %broadcast_in_dim3A_599 = arith.constant 64 : i32
      %broadcast_in_dim3A_600 = vector.broadcast %broadcast_in_dim3A_599 : i32 to vector<16xi32>
      %add3A_601 = arith.addi %broadcast_in_dim3A_598, %broadcast_in_dim3A_600 : vector<16xi32>
      %jit3A_602 = arith.constant 2 : i32
      %div3A_603 = vector.broadcast %jit3A_602 : i32 to vector<16xi32>
      %div3A_604 = arith.divsi %add3A_601, %div3A_603 : vector<16xi32>
      %sign3A_605 = arith.constant 0 : i32
      %sign3A_606 = vector.broadcast %sign3A_605 : i32 to vector<16xi32>
      %sign3A_607 = arith.cmpi sgt, %add3A_601, %sign3A_606 : vector<16xi32>
      %sign3A_608 = arith.extui %sign3A_607 : vector<16xi1> to vector<16xi32>
      %sign3A_609 = arith.constant 0 : i32
      %sign3A_610 = vector.broadcast %sign3A_609 : i32 to vector<16xi32>
      %sign3A_611 = arith.cmpi slt, %add3A_601, %sign3A_610 : vector<16xi32>
      %sign3A_612 = arith.extui %sign3A_611 : vector<16xi1> to vector<16xi32>
      %sign3A_613 = arith.subi %sign3A_608, %sign3A_612 : vector<16xi32>
      %sign3A_614 = arith.constant 0 : i32
      %sign3A_615 = arith.cmpi sgt, %jit3A_602, %sign3A_614 : i32
      %sign3A_616 = arith.extui %sign3A_615 : i1 to i32
      %sign3A_617 = arith.constant 0 : i32
      %sign3A_618 = arith.cmpi slt, %jit3A_602, %sign3A_617 : i32
      %sign3A_619 = arith.extui %sign3A_618 : i1 to i32
      %sign3A_620 = arith.subi %sign3A_616, %sign3A_619 : i32
      %ne3A_621 = vector.broadcast %sign3A_620 : i32 to vector<16xi32>
      %ne3A_622 = arith.cmpi ne, %sign3A_613, %ne3A_621 : vector<16xi32>
      %rem3A_623 = vector.broadcast %jit3A_602 : i32 to vector<16xi32>
      %rem3A_624 = arith.remsi %add3A_601, %rem3A_623 : vector<16xi32>
      %ne3A_625 = arith.constant 0 : i32
      %ne3A_626 = vector.broadcast %ne3A_625 : i32 to vector<16xi32>
      %ne3A_627 = arith.cmpi ne, %rem3A_624, %ne3A_626 : vector<16xi32>
      %and3A_628 = arith.andi %ne3A_622, %ne3A_627 : vector<16xi1>
      %sub3A_629 = arith.constant 1 : i32
      %sub3A_630 = vector.broadcast %sub3A_629 : i32 to vector<16xi32>
      %sub3A_631 = arith.subi %div3A_604, %sub3A_630 : vector<16xi32>
      %select_n3A_632 = arith.select %and3A_628, %sub3A_631, %div3A_604 : vector<16xi1>, vector<16xi32>
      %min3A_633 = arith.constant 63 : i32
      %min3A_634 = vector.broadcast %min3A_633 : i32 to vector<16xi32>
      %min3A_635 = arith.minsi %select_n3A_632, %min3A_634 : vector<16xi32>
      %gather3A_636 = tpu.vector_load_idx %arg11[%min3A_635] : memref<64xi32, #tpu.memory_space<vmem>>[vector<16xi32>], vector<16xi32>,
      %le3A_637 = arith.cmpi sle, %gather3A_636, %add3A_596 : vector<16xi32>
      %add3A_638 = arith.constant 1 : i32
      %add3A_639 = vector.broadcast %add3A_638 : i32 to vector<16xi32>
      %add3A_640 = arith.addi %min3A_635, %add3A_639 : vector<16xi32>
      %select_n3A_641 = arith.select %le3A_637, %add3A_640, %broadcast_in_dim3A_598 : vector<16xi1>, vector<16xi32>
      %select_n3A_642 = arith.select %le3A_637, %broadcast_in_dim3A_600, %min3A_635 : vector<16xi1>, vector<16xi32>
      %add3A_643 = arith.addi %select_n3A_641, %select_n3A_642 : vector<16xi32>
      %jit3A_644 = arith.constant 2 : i32
      %div3A_645 = vector.broadcast %jit3A_644 : i32 to vector<16xi32>
      %div3A_646 = arith.divsi %add3A_643, %div3A_645 : vector<16xi32>
      %sign3A_647 = arith.constant 0 : i32
      %sign3A_648 = vector.broadcast %sign3A_647 : i32 to vector<16xi32>
      %sign3A_649 = arith.cmpi sgt, %add3A_643, %sign3A_648 : vector<16xi32>
      %sign3A_650 = arith.extui %sign3A_649 : vector<16xi1> to vector<16xi32>
      %sign3A_651 = arith.constant 0 : i32
      %sign3A_652 = vector.broadcast %sign3A_651 : i32 to vector<16xi32>
      %sign3A_653 = arith.cmpi slt, %add3A_643, %sign3A_652 : vector<16xi32>
      %sign3A_654 = arith.extui %sign3A_653 : vector<16xi1> to vector<16xi32>
      %sign3A_655 = arith.subi %sign3A_650, %sign3A_654 : vector<16xi32>
      %sign3A_656 = arith.constant 0 : i32
      %sign3A_657 = arith.cmpi sgt, %jit3A_644, %sign3A_656 : i32
      %sign3A_658 = arith.extui %sign3A_657 : i1 to i32
      %sign3A_659 = arith.constant 0 : i32
      %sign3A_660 = arith.cmpi slt, %jit3A_644, %sign3A_659 : i32
      %sign3A_661 = arith.extui %sign3A_660 : i1 to i32
      %sign3A_662 = arith.subi %sign3A_658, %sign3A_661 : i32
      %ne3A_663 = vector.broadcast %sign3A_662 : i32 to vector<16xi32>
      %ne3A_664 = arith.cmpi ne, %sign3A_655, %ne3A_663 : vector<16xi32>
      %rem3A_665 = vector.broadcast %jit3A_644 : i32 to vector<16xi32>
      %rem3A_666 = arith.remsi %add3A_643, %rem3A_665 : vector<16xi32>
      %ne3A_667 = arith.constant 0 : i32
      %ne3A_668 = vector.broadcast %ne3A_667 : i32 to vector<16xi32>
      %ne3A_669 = arith.cmpi ne, %rem3A_666, %ne3A_668 : vector<16xi32>
      %and3A_670 = arith.andi %ne3A_664, %ne3A_669 : vector<16xi1>
      %sub3A_671 = arith.constant 1 : i32
      %sub3A_672 = vector.broadcast %sub3A_671 : i32 to vector<16xi32>
      %sub3A_673 = arith.subi %div3A_646, %sub3A_672 : vector<16xi32>
      %select_n3A_674 = arith.select %and3A_670, %sub3A_673, %div3A_646 : vector<16xi1>, vector<16xi32>
      %min3A_675 = arith.constant 63 : i32
      %min3A_676 = vector.broadcast %min3A_675 : i32 to vector<16xi32>
      %min3A_677 = arith.minsi %select_n3A_674, %min3A_676 : vector<16xi32>
      %gather3A_678 = tpu.vector_load_idx %arg11[%min3A_677] : memref<64xi32, #tpu.memory_space<vmem>>[vector<16xi32>], vector<16xi32>,
      %le3A_679 = arith.cmpi sle, %gather3A_678, %add3A_596 : vector<16xi32>
      %add3A_680 = arith.constant 1 : i32
      %add3A_681 = vector.broadcast %add3A_680 : i32 to vector<16xi32>
      %add3A_682 = arith.addi %min3A_677, %add3A_681 : vector<16xi32>
      %select_n3A_683 = arith.select %le3A_679, %add3A_682, %select_n3A_641 : vector<16xi1>, vector<16xi32>
      %select_n3A_684 = arith.select %le3A_679, %select_n3A_642, %min3A_677 : vector<16xi1>, vector<16xi32>
      %add3A_685 = arith.addi %select_n3A_683, %select_n3A_684 : vector<16xi32>
      %jit3A_686 = arith.constant 2 : i32
      %div3A_687 = vector.broadcast %jit3A_686 : i32 to vector<16xi32>
      %div3A_688 = arith.divsi %add3A_685, %div3A_687 : vector<16xi32>
      %sign3A_689 = arith.constant 0 : i32
      %sign3A_690 = vector.broadcast %sign3A_689 : i32 to vector<16xi32>
      %sign3A_691 = arith.cmpi sgt, %add3A_685, %sign3A_690 : vector<16xi32>
      %sign3A_692 = arith.extui %sign3A_691 : vector<16xi1> to vector<16xi32>
      %sign3A_693 = arith.constant 0 : i32
      %sign3A_694 = vector.broadcast %sign3A_693 : i32 to vector<16xi32>
      %sign3A_695 = arith.cmpi slt, %add3A_685, %sign3A_694 : vector<16xi32>
      %sign3A_696 = arith.extui %sign3A_695 : vector<16xi1> to vector<16xi32>
      %sign3A_697 = arith.subi %sign3A_692, %sign3A_696 : vector<16xi32>
      %sign3A_698 = arith.constant 0 : i32
      %sign3A_699 = arith.cmpi sgt, %jit3A_686, %sign3A_698 : i32
      %sign3A_700 = arith.extui %sign3A_699 : i1 to i32
      %sign3A_701 = arith.constant 0 : i32
      %sign3A_702 = arith.cmpi slt, %jit3A_686, %sign3A_701 : i32
      %sign3A_703 = arith.extui %sign3A_702 : i1 to i32
      %sign3A_704 = arith.subi %sign3A_700, %sign3A_703 : i32
      %ne3A_705 = vector.broadcast %sign3A_704 : i32 to vector<16xi32>
      %ne3A_706 = arith.cmpi ne, %sign3A_697, %ne3A_705 : vector<16xi32>
      %rem3A_707 = vector.broadcast %jit3A_686 : i32 to vector<16xi32>
      %rem3A_708 = arith.remsi %add3A_685, %rem3A_707 : vector<16xi32>
      %ne3A_709 = arith.constant 0 : i32
      %ne3A_710 = vector.broadcast %ne3A_709 : i32 to vector<16xi32>
      %ne3A_711 = arith.cmpi ne, %rem3A_708, %ne3A_710 : vector<16xi32>
      %and3A_712 = arith.andi %ne3A_706, %ne3A_711 : vector<16xi1>
      %sub3A_713 = arith.constant 1 : i32
      %sub3A_714 = vector.broadcast %sub3A_713 : i32 to vector<16xi32>
      %sub3A_715 = arith.subi %div3A_688, %sub3A_714 : vector<16xi32>
      %select_n3A_716 = arith.select %and3A_712, %sub3A_715, %div3A_688 : vector<16xi1>, vector<16xi32>
      %min3A_717 = arith.constant 63 : i32
      %min3A_718 = vector.broadcast %min3A_717 : i32 to vector<16xi32>
      %min3A_719 = arith.minsi %select_n3A_716, %min3A_718 : vector<16xi32>
      %gather3A_720 = tpu.vector_load_idx %arg11[%min3A_719] : memref<64xi32, #tpu.memory_space<vmem>>[vector<16xi32>], vector<16xi32>,
      %le3A_721 = arith.cmpi sle, %gather3A_720, %add3A_596 : vector<16xi32>
      %add3A_722 = arith.constant 1 : i32
      %add3A_723 = vector.broadcast %add3A_722 : i32 to vector<16xi32>
      %add3A_724 = arith.addi %min3A_719, %add3A_723 : vector<16xi32>
      %select_n3A_725 = arith.select %le3A_721, %add3A_724, %select_n3A_683 : vector<16xi1>, vector<16xi32>
      %select_n3A_726 = arith.select %le3A_721, %select_n3A_684, %min3A_719 : vector<16xi1>, vector<16xi32>
      %add3A_727 = arith.addi %select_n3A_725, %select_n3A_726 : vector<16xi32>
      %jit3A_728 = arith.constant 2 : i32
      %div3A_729 = vector.broadcast %jit3A_728 : i32 to vector<16xi32>
      %div3A_730 = arith.divsi %add3A_727, %div3A_729 : vector<16xi32>
      %sign3A_731 = arith.constant 0 : i32
      %sign3A_732 = vector.broadcast %sign3A_731 : i32 to vector<16xi32>
      %sign3A_733 = arith.cmpi sgt, %add3A_727, %sign3A_732 : vector<16xi32>
      %sign3A_734 = arith.extui %sign3A_733 : vector<16xi1> to vector<16xi32>
      %sign3A_735 = arith.constant 0 : i32
      %sign3A_736 = vector.broadcast %sign3A_735 : i32 to vector<16xi32>
      %sign3A_737 = arith.cmpi slt, %add3A_727, %sign3A_736 : vector<16xi32>
      %sign3A_738 = arith.extui %sign3A_737 : vector<16xi1> to vector<16xi32>
      %sign3A_739 = arith.subi %sign3A_734, %sign3A_738 : vector<16xi32>
      %sign3A_740 = arith.constant 0 : i32
      %sign3A_741 = arith.cmpi sgt, %jit3A_728, %sign3A_740 : i32
      %sign3A_742 = arith.extui %sign3A_741 : i1 to i32
      %sign3A_743 = arith.constant 0 : i32
      %sign3A_744 = arith.cmpi slt, %jit3A_728, %sign3A_743 : i32
      %sign3A_745 = arith.extui %sign3A_744 : i1 to i32
      %sign3A_746 = arith.subi %sign3A_742, %sign3A_745 : i32
      %ne3A_747 = vector.broadcast %sign3A_746 : i32 to vector<16xi32>
      %ne3A_748 = arith.cmpi ne, %sign3A_739, %ne3A_747 : vector<16xi32>
      %rem3A_749 = vector.broadcast %jit3A_728 : i32 to vector<16xi32>
      %rem3A_750 = arith.remsi %add3A_727, %rem3A_749 : vector<16xi32>
      %ne3A_751 = arith.constant 0 : i32
      %ne3A_752 = vector.broadcast %ne3A_751 : i32 to vector<16xi32>
      %ne3A_753 = arith.cmpi ne, %rem3A_750, %ne3A_752 : vector<16xi32>
      %and3A_754 = arith.andi %ne3A_748, %ne3A_753 : vector<16xi1>
      %sub3A_755 = arith.constant 1 : i32
      %sub3A_756 = vector.broadcast %sub3A_755 : i32 to vector<16xi32>
      %sub3A_757 = arith.subi %div3A_730, %sub3A_756 : vector<16xi32>
      %select_n3A_758 = arith.select %and3A_754, %sub3A_757, %div3A_730 : vector<16xi1>, vector<16xi32>
      %min3A_759 = arith.constant 63 : i32
      %min3A_760 = vector.broadcast %min3A_759 : i32 to vector<16xi32>
      %min3A_761 = arith.minsi %select_n3A_758, %min3A_760 : vector<16xi32>
      %gather3A_762 = tpu.vector_load_idx %arg11[%min3A_761] : memref<64xi32, #tpu.memory_space<vmem>>[vector<16xi32>], vector<16xi32>,
      %le3A_763 = arith.cmpi sle, %gather3A_762, %add3A_596 : vector<16xi32>
      %add3A_764 = arith.constant 1 : i32
      %add3A_765 = vector.broadcast %add3A_764 : i32 to vector<16xi32>
      %add3A_766 = arith.addi %min3A_761, %add3A_765 : vector<16xi32>
      %select_n3A_767 = arith.select %le3A_763, %add3A_766, %select_n3A_725 : vector<16xi1>, vector<16xi32>
      %select_n3A_768 = arith.select %le3A_763, %select_n3A_726, %min3A_761 : vector<16xi1>, vector<16xi32>
      %add3A_769 = arith.addi %select_n3A_767, %select_n3A_768 : vector<16xi32>
      %jit3A_770 = arith.constant 2 : i32
      %div3A_771 = vector.broadcast %jit3A_770 : i32 to vector<16xi32>
      %div3A_772 = arith.divsi %add3A_769, %div3A_771 : vector<16xi32>
      %sign3A_773 = arith.constant 0 : i32
      %sign3A_774 = vector.broadcast %sign3A_773 : i32 to vector<16xi32>
      %sign3A_775 = arith.cmpi sgt, %add3A_769, %sign3A_774 : vector<16xi32>
      %sign3A_776 = arith.extui %sign3A_775 : vector<16xi1> to vector<16xi32>
      %sign3A_777 = arith.constant 0 : i32
      %sign3A_778 = vector.broadcast %sign3A_777 : i32 to vector<16xi32>
      %sign3A_779 = arith.cmpi slt, %add3A_769, %sign3A_778 : vector<16xi32>
      %sign3A_780 = arith.extui %sign3A_779 : vector<16xi1> to vector<16xi32>
      %sign3A_781 = arith.subi %sign3A_776, %sign3A_780 : vector<16xi32>
      %sign3A_782 = arith.constant 0 : i32
      %sign3A_783 = arith.cmpi sgt, %jit3A_770, %sign3A_782 : i32
      %sign3A_784 = arith.extui %sign3A_783 : i1 to i32
      %sign3A_785 = arith.constant 0 : i32
      %sign3A_786 = arith.cmpi slt, %jit3A_770, %sign3A_785 : i32
      %sign3A_787 = arith.extui %sign3A_786 : i1 to i32
      %sign3A_788 = arith.subi %sign3A_784, %sign3A_787 : i32
      %ne3A_789 = vector.broadcast %sign3A_788 : i32 to vector<16xi32>
      %ne3A_790 = arith.cmpi ne, %sign3A_781, %ne3A_789 : vector<16xi32>
      %rem3A_791 = vector.broadcast %jit3A_770 : i32 to vector<16xi32>
      %rem3A_792 = arith.remsi %add3A_769, %rem3A_791 : vector<16xi32>
      %ne3A_793 = arith.constant 0 : i32
      %ne3A_794 = vector.broadcast %ne3A_793 : i32 to vector<16xi32>
      %ne3A_795 = arith.cmpi ne, %rem3A_792, %ne3A_794 : vector<16xi32>
      %and3A_796 = arith.andi %ne3A_790, %ne3A_795 : vector<16xi1>
      %sub3A_797 = arith.constant 1 : i32
      %sub3A_798 = vector.broadcast %sub3A_797 : i32 to vector<16xi32>
      %sub3A_799 = arith.subi %div3A_772, %sub3A_798 : vector<16xi32>
      %select_n3A_800 = arith.select %and3A_796, %sub3A_799, %div3A_772 : vector<16xi1>, vector<16xi32>
      %min3A_801 = arith.constant 63 : i32
      %min3A_802 = vector.broadcast %min3A_801 : i32 to vector<16xi32>
      %min3A_803 = arith.minsi %select_n3A_800, %min3A_802 : vector<16xi32>
      %gather3A_804 = tpu.vector_load_idx %arg11[%min3A_803] : memref<64xi32, #tpu.memory_space<vmem>>[vector<16xi32>], vector<16xi32>,
      %le3A_805 = arith.cmpi sle, %gather3A_804, %add3A_596 : vector<16xi32>
      %add3A_806 = arith.constant 1 : i32
      %add3A_807 = vector.broadcast %add3A_806 : i32 to vector<16xi32>
      %add3A_808 = arith.addi %min3A_803, %add3A_807 : vector<16xi32>
      %select_n3A_809 = arith.select %le3A_805, %add3A_808, %select_n3A_767 : vector<16xi1>, vector<16xi32>
      %select_n3A_810 = arith.select %le3A_805, %select_n3A_768, %min3A_803 : vector<16xi1>, vector<16xi32>
      %add3A_811 = arith.addi %select_n3A_809, %select_n3A_810 : vector<16xi32>
      %jit3A_812 = arith.constant 2 : i32
      %div3A_813 = vector.broadcast %jit3A_812 : i32 to vector<16xi32>
      %div3A_814 = arith.divsi %add3A_811, %div3A_813 : vector<16xi32>
      %sign3A_815 = arith.constant 0 : i32
      %sign3A_816 = vector.broadcast %sign3A_815 : i32 to vector<16xi32>
      %sign3A_817 = arith.cmpi sgt, %add3A_811, %sign3A_816 : vector<16xi32>
      %sign3A_818 = arith.extui %sign3A_817 : vector<16xi1> to vector<16xi32>
      %sign3A_819 = arith.constant 0 : i32
      %sign3A_820 = vector.broadcast %sign3A_819 : i32 to vector<16xi32>
      %sign3A_821 = arith.cmpi slt, %add3A_811, %sign3A_820 : vector<16xi32>
      %sign3A_822 = arith.extui %sign3A_821 : vector<16xi1> to vector<16xi32>
      %sign3A_823 = arith.subi %sign3A_818, %sign3A_822 : vector<16xi32>
      %sign3A_824 = arith.constant 0 : i32
      %sign3A_825 = arith.cmpi sgt, %jit3A_812, %sign3A_824 : i32
      %sign3A_826 = arith.extui %sign3A_825 : i1 to i32
      %sign3A_827 = arith.constant 0 : i32
      %sign3A_828 = arith.cmpi slt, %jit3A_812, %sign3A_827 : i32
      %sign3A_829 = arith.extui %sign3A_828 : i1 to i32
      %sign3A_830 = arith.subi %sign3A_826, %sign3A_829 : i32
      %ne3A_831 = vector.broadcast %sign3A_830 : i32 to vector<16xi32>
      %ne3A_832 = arith.cmpi ne, %sign3A_823, %ne3A_831 : vector<16xi32>
      %rem3A_833 = vector.broadcast %jit3A_812 : i32 to vector<16xi32>
      %rem3A_834 = arith.remsi %add3A_811, %rem3A_833 : vector<16xi32>
      %ne3A_835 = arith.constant 0 : i32
      %ne3A_836 = vector.broadcast %ne3A_835 : i32 to vector<16xi32>
      %ne3A_837 = arith.cmpi ne, %rem3A_834, %ne3A_836 : vector<16xi32>
      %and3A_838 = arith.andi %ne3A_832, %ne3A_837 : vector<16xi1>
      %sub3A_839 = arith.constant 1 : i32
      %sub3A_840 = vector.broadcast %sub3A_839 : i32 to vector<16xi32>
      %sub3A_841 = arith.subi %div3A_814, %sub3A_840 : vector<16xi32>
      %select_n3A_842 = arith.select %and3A_838, %sub3A_841, %div3A_814 : vector<16xi1>, vector<16xi32>
      %min3A_843 = arith.constant 63 : i32
      %min3A_844 = vector.broadcast %min3A_843 : i32 to vector<16xi32>
      %min3A_845 = arith.minsi %select_n3A_842, %min3A_844 : vector<16xi32>
      %gather3A_846 = tpu.vector_load_idx %arg11[%min3A_845] : memref<64xi32, #tpu.memory_space<vmem>>[vector<16xi32>], vector<16xi32>,
      %le3A_847 = arith.cmpi sle, %gather3A_846, %add3A_596 : vector<16xi32>
      %add3A_848 = arith.constant 1 : i32
      %add3A_849 = vector.broadcast %add3A_848 : i32 to vector<16xi32>
      %add3A_850 = arith.addi %min3A_845, %add3A_849 : vector<16xi32>
      %select_n3A_851 = arith.select %le3A_847, %add3A_850, %select_n3A_809 : vector<16xi1>, vector<16xi32>
      %select_n3A_852 = arith.select %le3A_847, %select_n3A_810, %min3A_845 : vector<16xi1>, vector<16xi32>
      %add3A_853 = arith.addi %select_n3A_851, %select_n3A_852 : vector<16xi32>
      %jit3A_854 = arith.constant 2 : i32
      %div3A_855 = vector.broadcast %jit3A_854 : i32 to vector<16xi32>
      %div3A_856 = arith.divsi %add3A_853, %div3A_855 : vector<16xi32>
      %sign3A_857 = arith.constant 0 : i32
      %sign3A_858 = vector.broadcast %sign3A_857 : i32 to vector<16xi32>
      %sign3A_859 = arith.cmpi sgt, %add3A_853, %sign3A_858 : vector<16xi32>
      %sign3A_860 = arith.extui %sign3A_859 : vector<16xi1> to vector<16xi32>
      %sign3A_861 = arith.constant 0 : i32
      %sign3A_862 = vector.broadcast %sign3A_861 : i32 to vector<16xi32>
      %sign3A_863 = arith.cmpi slt, %add3A_853, %sign3A_862 : vector<16xi32>
      %sign3A_864 = arith.extui %sign3A_863 : vector<16xi1> to vector<16xi32>
      %sign3A_865 = arith.subi %sign3A_860, %sign3A_864 : vector<16xi32>
      %sign3A_866 = arith.constant 0 : i32
      %sign3A_867 = arith.cmpi sgt, %jit3A_854, %sign3A_866 : i32
      %sign3A_868 = arith.extui %sign3A_867 : i1 to i32
      %sign3A_869 = arith.constant 0 : i32
      %sign3A_870 = arith.cmpi slt, %jit3A_854, %sign3A_869 : i32
      %sign3A_871 = arith.extui %sign3A_870 : i1 to i32
      %sign3A_872 = arith.subi %sign3A_868, %sign3A_871 : i32
      %ne3A_873 = vector.broadcast %sign3A_872 : i32 to vector<16xi32>
      %ne3A_874 = arith.cmpi ne, %sign3A_865, %ne3A_873 : vector<16xi32>
      %rem3A_875 = vector.broadcast %jit3A_854 : i32 to vector<16xi32>
      %rem3A_876 = arith.remsi %add3A_853, %rem3A_875 : vector<16xi32>
      %ne3A_877 = arith.constant 0 : i32
      %ne3A_878 = vector.broadcast %ne3A_877 : i32 to vector<16xi32>
      %ne3A_879 = arith.cmpi ne, %rem3A_876, %ne3A_878 : vector<16xi32>
      %and3A_880 = arith.andi %ne3A_874, %ne3A_879 : vector<16xi1>
      %sub3A_881 = arith.constant 1 : i32
      %sub3A_882 = vector.broadcast %sub3A_881 : i32 to vector<16xi32>
      %sub3A_883 = arith.subi %div3A_856, %sub3A_882 : vector<16xi32>
      %select_n3A_884 = arith.select %and3A_880, %sub3A_883, %div3A_856 : vector<16xi1>, vector<16xi32>
      %min3A_885 = arith.constant 63 : i32
      %min3A_886 = vector.broadcast %min3A_885 : i32 to vector<16xi32>
      %min3A_887 = arith.minsi %select_n3A_884, %min3A_886 : vector<16xi32>
      %gather3A_888 = tpu.vector_load_idx %arg11[%min3A_887] : memref<64xi32, #tpu.memory_space<vmem>>[vector<16xi32>], vector<16xi32>,
      %le3A_889 = arith.cmpi sle, %gather3A_888, %add3A_596 : vector<16xi32>
      %add3A_890 = arith.constant 1 : i32
      %add3A_891 = vector.broadcast %add3A_890 : i32 to vector<16xi32>
      %add3A_892 = arith.addi %min3A_887, %add3A_891 : vector<16xi32>
      %select_n3A_893 = arith.select %le3A_889, %add3A_892, %select_n3A_851 : vector<16xi1>, vector<16xi32>
      %select_n3A_894 = arith.select %le3A_889, %select_n3A_852, %min3A_887 : vector<16xi1>, vector<16xi32>
      %min3A_895 = arith.constant 63 : i32
      %min3A_896 = vector.broadcast %min3A_895 : i32 to vector<16xi32>
      %min3A_897 = arith.minsi %select_n3A_893, %min3A_896 : vector<16xi32>
      %eq3A_898 = arith.constant 96 : i32
      %eq3A_899 = vector.broadcast %eq3A_898 : i32 to vector<16xi32>
      %eq3A_900 = arith.cmpi eq, %add3A_596, %eq3A_899 : vector<16xi32>
      %broadcast_in_dim3A_901 = vector.broadcast %squeeze3A_283 : i32 to vector<16xi32>
      %select_n3A_902 = arith.select %eq3A_900, %broadcast_in_dim3A_901, %min3A_897 : vector<16xi1>, vector<16xi32>
      %swap3A_903 = arith.constant 16 : index
      %swap3A_904 = tpu.vector_load %arg12[%swap3A_903] {strides = array<i32>} : memref<112xi32, #tpu.memory_space<vmem>>, vector<16xi32>,
      tpu.vector_store %arg12[%swap3A_903], %select_n3A_902 {strides = array<i32>} : memref<112xi32, #tpu.memory_space<vmem>>, vector<16xi32>,
      %iota3A_905 = tpu.iota {dimensions = array<i32: 0>} : vector<16xi32>
      %add3A_906 = arith.constant 32 : i32
      %add3A_907 = vector.broadcast %add3A_906 : i32 to vector<16xi32>
      %add3A_908 = arith.addi %iota3A_905, %add3A_907 : vector<16xi32>
      %broadcast_in_dim3A_909 = arith.constant 0 : i32
      %broadcast_in_dim3A_910 = vector.broadcast %broadcast_in_dim3A_909 : i32 to vector<16xi32>
      %broadcast_in_dim3A_911 = arith.constant 64 : i32
      %broadcast_in_dim3A_912 = vector.broadcast %broadcast_in_dim3A_911 : i32 to vector<16xi32>
      %add3A_913 = arith.addi %broadcast_in_dim3A_910, %broadcast_in_dim3A_912 : vector<16xi32>
      %jit3A_914 = arith.constant 2 : i32
      %div3A_915 = vector.broadcast %jit3A_914 : i32 to vector<16xi32>
      %div3A_916 = arith.divsi %add3A_913, %div3A_915 : vector<16xi32>
      %sign3A_917 = arith.constant 0 : i32
      %sign3A_918 = vector.broadcast %sign3A_917 : i32 to vector<16xi32>
      %sign3A_919 = arith.cmpi sgt, %add3A_913, %sign3A_918 : vector<16xi32>
      %sign3A_920 = arith.extui %sign3A_919 : vector<16xi1> to vector<16xi32>
      %sign3A_921 = arith.constant 0 : i32
      %sign3A_922 = vector.broadcast %sign3A_921 : i32 to vector<16xi32>
      %sign3A_923 = arith.cmpi slt, %add3A_913, %sign3A_922 : vector<16xi32>
      %sign3A_924 = arith.extui %sign3A_923 : vector<16xi1> to vector<16xi32>
      %sign3A_925 = arith.subi %sign3A_920, %sign3A_924 : vector<16xi32>
      %sign3A_926 = arith.constant 0 : i32
      %sign3A_927 = arith.cmpi sgt, %jit3A_914, %sign3A_926 : i32
      %sign3A_928 = arith.extui %sign3A_927 : i1 to i32
      %sign3A_929 = arith.constant 0 : i32
      %sign3A_930 = arith.cmpi slt, %jit3A_914, %sign3A_929 : i32
      %sign3A_931 = arith.extui %sign3A_930 : i1 to i32
      %sign3A_932 = arith.subi %sign3A_928, %sign3A_931 : i32
      %ne3A_933 = vector.broadcast %sign3A_932 : i32 to vector<16xi32>
      %ne3A_934 = arith.cmpi ne, %sign3A_925, %ne3A_933 : vector<16xi32>
      %rem3A_935 = vector.broadcast %jit3A_914 : i32 to vector<16xi32>
      %rem3A_936 = arith.remsi %add3A_913, %rem3A_935 : vector<16xi32>
      %ne3A_937 = arith.constant 0 : i32
      %ne3A_938 = vector.broadcast %ne3A_937 : i32 to vector<16xi32>
      %ne3A_939 = arith.cmpi ne, %rem3A_936, %ne3A_938 : vector<16xi32>
      %and3A_940 = arith.andi %ne3A_934, %ne3A_939 : vector<16xi1>
      %sub3A_941 = arith.constant 1 : i32
      %sub3A_942 = vector.broadcast %sub3A_941 : i32 to vector<16xi32>
      %sub3A_943 = arith.subi %div3A_916, %sub3A_942 : vector<16xi32>
      %select_n3A_944 = arith.select %and3A_940, %sub3A_943, %div3A_916 : vector<16xi1>, vector<16xi32>
      %min3A_945 = arith.constant 63 : i32
      %min3A_946 = vector.broadcast %min3A_945 : i32 to vector<16xi32>
      %min3A_947 = arith.minsi %select_n3A_944, %min3A_946 : vector<16xi32>
      %gather3A_948 = tpu.vector_load_idx %arg11[%min3A_947] : memref<64xi32, #tpu.memory_space<vmem>>[vector<16xi32>], vector<16xi32>,
      %le3A_949 = arith.cmpi sle, %gather3A_948, %add3A_908 : vector<16xi32>
      %add3A_950 = arith.constant 1 : i32
      %add3A_951 = vector.broadcast %add3A_950 : i32 to vector<16xi32>
      %add3A_952 = arith.addi %min3A_947, %add3A_951 : vector<16xi32>
      %select_n3A_953 = arith.select %le3A_949, %add3A_952, %broadcast_in_dim3A_910 : vector<16xi1>, vector<16xi32>
      %select_n3A_954 = arith.select %le3A_949, %broadcast_in_dim3A_912, %min3A_947 : vector<16xi1>, vector<16xi32>
      %add3A_955 = arith.addi %select_n3A_953, %select_n3A_954 : vector<16xi32>
      %jit3A_956 = arith.constant 2 : i32
      %div3A_957 = vector.broadcast %jit3A_956 : i32 to vector<16xi32>
      %div3A_958 = arith.divsi %add3A_955, %div3A_957 : vector<16xi32>
      %sign3A_959 = arith.constant 0 : i32
      %sign3A_960 = vector.broadcast %sign3A_959 : i32 to vector<16xi32>
      %sign3A_961 = arith.cmpi sgt, %add3A_955, %sign3A_960 : vector<16xi32>
      %sign3A_962 = arith.extui %sign3A_961 : vector<16xi1> to vector<16xi32>
      %sign3A_963 = arith.constant 0 : i32
      %sign3A_964 = vector.broadcast %sign3A_963 : i32 to vector<16xi32>
      %sign3A_965 = arith.cmpi slt, %add3A_955, %sign3A_964 : vector<16xi32>
      %sign3A_966 = arith.extui %sign3A_965 : vector<16xi1> to vector<16xi32>
      %sign3A_967 = arith.subi %sign3A_962, %sign3A_966 : vector<16xi32>
      %sign3A_968 = arith.constant 0 : i32
      %sign3A_969 = arith.cmpi sgt, %jit3A_956, %sign3A_968 : i32
      %sign3A_970 = arith.extui %sign3A_969 : i1 to i32
      %sign3A_971 = arith.constant 0 : i32
      %sign3A_972 = arith.cmpi slt, %jit3A_956, %sign3A_971 : i32
      %sign3A_973 = arith.extui %sign3A_972 : i1 to i32
      %sign3A_974 = arith.subi %sign3A_970, %sign3A_973 : i32
      %ne3A_975 = vector.broadcast %sign3A_974 : i32 to vector<16xi32>
      %ne3A_976 = arith.cmpi ne, %sign3A_967, %ne3A_975 : vector<16xi32>
      %rem3A_977 = vector.broadcast %jit3A_956 : i32 to vector<16xi32>
      %rem3A_978 = arith.remsi %add3A_955, %rem3A_977 : vector<16xi32>
      %ne3A_979 = arith.constant 0 : i32
      %ne3A_980 = vector.broadcast %ne3A_979 : i32 to vector<16xi32>
      %ne3A_981 = arith.cmpi ne, %rem3A_978, %ne3A_980 : vector<16xi32>
      %and3A_982 = arith.andi %ne3A_976, %ne3A_981 : vector<16xi1>
      %sub3A_983 = arith.constant 1 : i32
      %sub3A_984 = vector.broadcast %sub3A_983 : i32 to vector<16xi32>
      %sub3A_985 = arith.subi %div3A_958, %sub3A_984 : vector<16xi32>
      %select_n3A_986 = arith.select %and3A_982, %sub3A_985, %div3A_958 : vector<16xi1>, vector<16xi32>
      %min3A_987 = arith.constant 63 : i32
      %min3A_988 = vector.broadcast %min3A_987 : i32 to vector<16xi32>
      %min3A_989 = arith.minsi %select_n3A_986, %min3A_988 : vector<16xi32>
      %gather3A_990 = tpu.vector_load_idx %arg11[%min3A_989] : memref<64xi32, #tpu.memory_space<vmem>>[vector<16xi32>], vector<16xi32>,
      %le3A_991 = arith.cmpi sle, %gather3A_990, %add3A_908 : vector<16xi32>
      %add3A_992 = arith.constant 1 : i32
      %add3A_993 = vector.broadcast %add3A_992 : i32 to vector<16xi32>
      %add3A_994 = arith.addi %min3A_989, %add3A_993 : vector<16xi32>
      %select_n3A_995 = arith.select %le3A_991, %add3A_994, %select_n3A_953 : vector<16xi1>, vector<16xi32>
      %select_n3A_996 = arith.select %le3A_991, %select_n3A_954, %min3A_989 : vector<16xi1>, vector<16xi32>
      %add3A_997 = arith.addi %select_n3A_995, %select_n3A_996 : vector<16xi32>
      %jit3A_998 = arith.constant 2 : i32
      %div3A_999 = vector.broadcast %jit3A_998 : i32 to vector<16xi32>
      %div3A_1000 = arith.divsi %add3A_997, %div3A_999 : vector<16xi32>
      %sign3A_1001 = arith.constant 0 : i32
      %sign3A_1002 = vector.broadcast %sign3A_1001 : i32 to vector<16xi32>
      %sign3A_1003 = arith.cmpi sgt, %add3A_997, %sign3A_1002 : vector<16xi32>
      %sign3A_1004 = arith.extui %sign3A_1003 : vector<16xi1> to vector<16xi32>
      %sign3A_1005 = arith.constant 0 : i32
      %sign3A_1006 = vector.broadcast %sign3A_1005 : i32 to vector<16xi32>
      %sign3A_1007 = arith.cmpi slt, %add3A_997, %sign3A_1006 : vector<16xi32>
      %sign3A_1008 = arith.extui %sign3A_1007 : vector<16xi1> to vector<16xi32>
      %sign3A_1009 = arith.subi %sign3A_1004, %sign3A_1008 : vector<16xi32>
      %sign3A_1010 = arith.constant 0 : i32
      %sign3A_1011 = arith.cmpi sgt, %jit3A_998, %sign3A_1010 : i32
      %sign3A_1012 = arith.extui %sign3A_1011 : i1 to i32
      %sign3A_1013 = arith.constant 0 : i32
      %sign3A_1014 = arith.cmpi slt, %jit3A_998, %sign3A_1013 : i32
      %sign3A_1015 = arith.extui %sign3A_1014 : i1 to i32
      %sign3A_1016 = arith.subi %sign3A_1012, %sign3A_1015 : i32
      %ne3A_1017 = vector.broadcast %sign3A_1016 : i32 to vector<16xi32>
      %ne3A_1018 = arith.cmpi ne, %sign3A_1009, %ne3A_1017 : vector<16xi32>
      %rem3A_1019 = vector.broadcast %jit3A_998 : i32 to vector<16xi32>
      %rem3A_1020 = arith.remsi %add3A_997, %rem3A_1019 : vector<16xi32>
      %ne3A_1021 = arith.constant 0 : i32
      %ne3A_1022 = vector.broadcast %ne3A_1021 : i32 to vector<16xi32>
      %ne3A_1023 = arith.cmpi ne, %rem3A_1020, %ne3A_1022 : vector<16xi32>
      %and3A_1024 = arith.andi %ne3A_1018, %ne3A_1023 : vector<16xi1>
      %sub3A_1025 = arith.constant 1 : i32
      %sub3A_1026 = vector.broadcast %sub3A_1025 : i32 to vector<16xi32>
      %sub3A_1027 = arith.subi %div3A_1000, %sub3A_1026 : vector<16xi32>
      %select_n3A_1028 = arith.select %and3A_1024, %sub3A_1027, %div3A_1000 : vector<16xi1>, vector<16xi32>
      %min3A_1029 = arith.constant 63 : i32
      %min3A_1030 = vector.broadcast %min3A_1029 : i32 to vector<16xi32>
      %min3A_1031 = arith.minsi %select_n3A_1028, %min3A_1030 : vector<16xi32>
      %gather3A_1032 = tpu.vector_load_idx %arg11[%min3A_1031] : memref<64xi32, #tpu.memory_space<vmem>>[vector<16xi32>], vector<16xi32>,
      %le3A_1033 = arith.cmpi sle, %gather3A_1032, %add3A_908 : vector<16xi32>
      %add3A_1034 = arith.constant 1 : i32
      %add3A_1035 = vector.broadcast %add3A_1034 : i32 to vector<16xi32>
      %add3A_1036 = arith.addi %min3A_1031, %add3A_1035 : vector<16xi32>
      %select_n3A_1037 = arith.select %le3A_1033, %add3A_1036, %select_n3A_995 : vector<16xi1>, vector<16xi32>
      %select_n3A_1038 = arith.select %le3A_1033, %select_n3A_996, %min3A_1031 : vector<16xi1>, vector<16xi32>
      %add3A_1039 = arith.addi %select_n3A_1037, %select_n3A_1038 : vector<16xi32>
      %jit3A_1040 = arith.constant 2 : i32
      %div3A_1041 = vector.broadcast %jit3A_1040 : i32 to vector<16xi32>
      %div3A_1042 = arith.divsi %add3A_1039, %div3A_1041 : vector<16xi32>
      %sign3A_1043 = arith.constant 0 : i32
      %sign3A_1044 = vector.broadcast %sign3A_1043 : i32 to vector<16xi32>
      %sign3A_1045 = arith.cmpi sgt, %add3A_1039, %sign3A_1044 : vector<16xi32>
      %sign3A_1046 = arith.extui %sign3A_1045 : vector<16xi1> to vector<16xi32>
      %sign3A_1047 = arith.constant 0 : i32
      %sign3A_1048 = vector.broadcast %sign3A_1047 : i32 to vector<16xi32>
      %sign3A_1049 = arith.cmpi slt, %add3A_1039, %sign3A_1048 : vector<16xi32>
      %sign3A_1050 = arith.extui %sign3A_1049 : vector<16xi1> to vector<16xi32>
      %sign3A_1051 = arith.subi %sign3A_1046, %sign3A_1050 : vector<16xi32>
      %sign3A_1052 = arith.constant 0 : i32
      %sign3A_1053 = arith.cmpi sgt, %jit3A_1040, %sign3A_1052 : i32
      %sign3A_1054 = arith.extui %sign3A_1053 : i1 to i32
      %sign3A_1055 = arith.constant 0 : i32
      %sign3A_1056 = arith.cmpi slt, %jit3A_1040, %sign3A_1055 : i32
      %sign3A_1057 = arith.extui %sign3A_1056 : i1 to i32
      %sign3A_1058 = arith.subi %sign3A_1054, %sign3A_1057 : i32
      %ne3A_1059 = vector.broadcast %sign3A_1058 : i32 to vector<16xi32>
      %ne3A_1060 = arith.cmpi ne, %sign3A_1051, %ne3A_1059 : vector<16xi32>
      %rem3A_1061 = vector.broadcast %jit3A_1040 : i32 to vector<16xi32>
      %rem3A_1062 = arith.remsi %add3A_1039, %rem3A_1061 : vector<16xi32>
      %ne3A_1063 = arith.constant 0 : i32
      %ne3A_1064 = vector.broadcast %ne3A_1063 : i32 to vector<16xi32>
      %ne3A_1065 = arith.cmpi ne, %rem3A_1062, %ne3A_1064 : vector<16xi32>
      %and3A_1066 = arith.andi %ne3A_1060, %ne3A_1065 : vector<16xi1>
      %sub3A_1067 = arith.constant 1 : i32
      %sub3A_1068 = vector.broadcast %sub3A_1067 : i32 to vector<16xi32>
      %sub3A_1069 = arith.subi %div3A_1042, %sub3A_1068 : vector<16xi32>
      %select_n3A_1070 = arith.select %and3A_1066, %sub3A_1069, %div3A_1042 : vector<16xi1>, vector<16xi32>
      %min3A_1071 = arith.constant 63 : i32
      %min3A_1072 = vector.broadcast %min3A_1071 : i32 to vector<16xi32>
      %min3A_1073 = arith.minsi %select_n3A_1070, %min3A_1072 : vector<16xi32>
      %gather3A_1074 = tpu.vector_load_idx %arg11[%min3A_1073] : memref<64xi32, #tpu.memory_space<vmem>>[vector<16xi32>], vector<16xi32>,
      %le3A_1075 = arith.cmpi sle, %gather3A_1074, %add3A_908 : vector<16xi32>
      %add3A_1076 = arith.constant 1 : i32
      %add3A_1077 = vector.broadcast %add3A_1076 : i32 to vector<16xi32>
      %add3A_1078 = arith.addi %min3A_1073, %add3A_1077 : vector<16xi32>
      %select_n3A_1079 = arith.select %le3A_1075, %add3A_1078, %select_n3A_1037 : vector<16xi1>, vector<16xi32>
      %select_n3A_1080 = arith.select %le3A_1075, %select_n3A_1038, %min3A_1073 : vector<16xi1>, vector<16xi32>
      %add3A_1081 = arith.addi %select_n3A_1079, %select_n3A_1080 : vector<16xi32>
      %jit3A_1082 = arith.constant 2 : i32
      %div3A_1083 = vector.broadcast %jit3A_1082 : i32 to vector<16xi32>
      %div3A_1084 = arith.divsi %add3A_1081, %div3A_1083 : vector<16xi32>
      %sign3A_1085 = arith.constant 0 : i32
      %sign3A_1086 = vector.broadcast %sign3A_1085 : i32 to vector<16xi32>
      %sign3A_1087 = arith.cmpi sgt, %add3A_1081, %sign3A_1086 : vector<16xi32>
      %sign3A_1088 = arith.extui %sign3A_1087 : vector<16xi1> to vector<16xi32>
      %sign3A_1089 = arith.constant 0 : i32
      %sign3A_1090 = vector.broadcast %sign3A_1089 : i32 to vector<16xi32>
      %sign3A_1091 = arith.cmpi slt, %add3A_1081, %sign3A_1090 : vector<16xi32>
      %sign3A_1092 = arith.extui %sign3A_1091 : vector<16xi1> to vector<16xi32>
      %sign3A_1093 = arith.subi %sign3A_1088, %sign3A_1092 : vector<16xi32>
      %sign3A_1094 = arith.constant 0 : i32
      %sign3A_1095 = arith.cmpi sgt, %jit3A_1082, %sign3A_1094 : i32
      %sign3A_1096 = arith.extui %sign3A_1095 : i1 to i32
      %sign3A_1097 = arith.constant 0 : i32
      %sign3A_1098 = arith.cmpi slt, %jit3A_1082, %sign3A_1097 : i32
      %sign3A_1099 = arith.extui %sign3A_1098 : i1 to i32
      %sign3A_1100 = arith.subi %sign3A_1096, %sign3A_1099 : i32
      %ne3A_1101 = vector.broadcast %sign3A_1100 : i32 to vector<16xi32>
      %ne3A_1102 = arith.cmpi ne, %sign3A_1093, %ne3A_1101 : vector<16xi32>
      %rem3A_1103 = vector.broadcast %jit3A_1082 : i32 to vector<16xi32>
      %rem3A_1104 = arith.remsi %add3A_1081, %rem3A_1103 : vector<16xi32>
      %ne3A_1105 = arith.constant 0 : i32
      %ne3A_1106 = vector.broadcast %ne3A_1105 : i32 to vector<16xi32>
      %ne3A_1107 = arith.cmpi ne, %rem3A_1104, %ne3A_1106 : vector<16xi32>
      %and3A_1108 = arith.andi %ne3A_1102, %ne3A_1107 : vector<16xi1>
      %sub3A_1109 = arith.constant 1 : i32
      %sub3A_1110 = vector.broadcast %sub3A_1109 : i32 to vector<16xi32>
      %sub3A_1111 = arith.subi %div3A_1084, %sub3A_1110 : vector<16xi32>
      %select_n3A_1112 = arith.select %and3A_1108, %sub3A_1111, %div3A_1084 : vector<16xi1>, vector<16xi32>
      %min3A_1113 = arith.constant 63 : i32
      %min3A_1114 = vector.broadcast %min3A_1113 : i32 to vector<16xi32>
      %min3A_1115 = arith.minsi %select_n3A_1112, %min3A_1114 : vector<16xi32>
      %gather3A_1116 = tpu.vector_load_idx %arg11[%min3A_1115] : memref<64xi32, #tpu.memory_space<vmem>>[vector<16xi32>], vector<16xi32>,
      %le3A_1117 = arith.cmpi sle, %gather3A_1116, %add3A_908 : vector<16xi32>
      %add3A_1118 = arith.constant 1 : i32
      %add3A_1119 = vector.broadcast %add3A_1118 : i32 to vector<16xi32>
      %add3A_1120 = arith.addi %min3A_1115, %add3A_1119 : vector<16xi32>
      %select_n3A_1121 = arith.select %le3A_1117, %add3A_1120, %select_n3A_1079 : vector<16xi1>, vector<16xi32>
      %select_n3A_1122 = arith.select %le3A_1117, %select_n3A_1080, %min3A_1115 : vector<16xi1>, vector<16xi32>
      %add3A_1123 = arith.addi %select_n3A_1121, %select_n3A_1122 : vector<16xi32>
      %jit3A_1124 = arith.constant 2 : i32
      %div3A_1125 = vector.broadcast %jit3A_1124 : i32 to vector<16xi32>
      %div3A_1126 = arith.divsi %add3A_1123, %div3A_1125 : vector<16xi32>
      %sign3A_1127 = arith.constant 0 : i32
      %sign3A_1128 = vector.broadcast %sign3A_1127 : i32 to vector<16xi32>
      %sign3A_1129 = arith.cmpi sgt, %add3A_1123, %sign3A_1128 : vector<16xi32>
      %sign3A_1130 = arith.extui %sign3A_1129 : vector<16xi1> to vector<16xi32>
      %sign3A_1131 = arith.constant 0 : i32
      %sign3A_1132 = vector.broadcast %sign3A_1131 : i32 to vector<16xi32>
      %sign3A_1133 = arith.cmpi slt, %add3A_1123, %sign3A_1132 : vector<16xi32>
      %sign3A_1134 = arith.extui %sign3A_1133 : vector<16xi1> to vector<16xi32>
      %sign3A_1135 = arith.subi %sign3A_1130, %sign3A_1134 : vector<16xi32>
      %sign3A_1136 = arith.constant 0 : i32
      %sign3A_1137 = arith.cmpi sgt, %jit3A_1124, %sign3A_1136 : i32
      %sign3A_1138 = arith.extui %sign3A_1137 : i1 to i32
      %sign3A_1139 = arith.constant 0 : i32
      %sign3A_1140 = arith.cmpi slt, %jit3A_1124, %sign3A_1139 : i32
      %sign3A_1141 = arith.extui %sign3A_1140 : i1 to i32
      %sign3A_1142 = arith.subi %sign3A_1138, %sign3A_1141 : i32
      %ne3A_1143 = vector.broadcast %sign3A_1142 : i32 to vector<16xi32>
      %ne3A_1144 = arith.cmpi ne, %sign3A_1135, %ne3A_1143 : vector<16xi32>
      %rem3A_1145 = vector.broadcast %jit3A_1124 : i32 to vector<16xi32>
      %rem3A_1146 = arith.remsi %add3A_1123, %rem3A_1145 : vector<16xi32>
      %ne3A_1147 = arith.constant 0 : i32
      %ne3A_1148 = vector.broadcast %ne3A_1147 : i32 to vector<16xi32>
      %ne3A_1149 = arith.cmpi ne, %rem3A_1146, %ne3A_1148 : vector<16xi32>
      %and3A_1150 = arith.andi %ne3A_1144, %ne3A_1149 : vector<16xi1>
      %sub3A_1151 = arith.constant 1 : i32
      %sub3A_1152 = vector.broadcast %sub3A_1151 : i32 to vector<16xi32>
      %sub3A_1153 = arith.subi %div3A_1126, %sub3A_1152 : vector<16xi32>
      %select_n3A_1154 = arith.select %and3A_1150, %sub3A_1153, %div3A_1126 : vector<16xi1>, vector<16xi32>
      %min3A_1155 = arith.constant 63 : i32
      %min3A_1156 = vector.broadcast %min3A_1155 : i32 to vector<16xi32>
      %min3A_1157 = arith.minsi %select_n3A_1154, %min3A_1156 : vector<16xi32>
      %gather3A_1158 = tpu.vector_load_idx %arg11[%min3A_1157] : memref<64xi32, #tpu.memory_space<vmem>>[vector<16xi32>], vector<16xi32>,
      %le3A_1159 = arith.cmpi sle, %gather3A_1158, %add3A_908 : vector<16xi32>
      %add3A_1160 = arith.constant 1 : i32
      %add3A_1161 = vector.broadcast %add3A_1160 : i32 to vector<16xi32>
      %add3A_1162 = arith.addi %min3A_1157, %add3A_1161 : vector<16xi32>
      %select_n3A_1163 = arith.select %le3A_1159, %add3A_1162, %select_n3A_1121 : vector<16xi1>, vector<16xi32>
      %select_n3A_1164 = arith.select %le3A_1159, %select_n3A_1122, %min3A_1157 : vector<16xi1>, vector<16xi32>
      %add3A_1165 = arith.addi %select_n3A_1163, %select_n3A_1164 : vector<16xi32>
      %jit3A_1166 = arith.constant 2 : i32
      %div3A_1167 = vector.broadcast %jit3A_1166 : i32 to vector<16xi32>
      %div3A_1168 = arith.divsi %add3A_1165, %div3A_1167 : vector<16xi32>
      %sign3A_1169 = arith.constant 0 : i32
      %sign3A_1170 = vector.broadcast %sign3A_1169 : i32 to vector<16xi32>
      %sign3A_1171 = arith.cmpi sgt, %add3A_1165, %sign3A_1170 : vector<16xi32>
      %sign3A_1172 = arith.extui %sign3A_1171 : vector<16xi1> to vector<16xi32>
      %sign3A_1173 = arith.constant 0 : i32
      %sign3A_1174 = vector.broadcast %sign3A_1173 : i32 to vector<16xi32>
      %sign3A_1175 = arith.cmpi slt, %add3A_1165, %sign3A_1174 : vector<16xi32>
      %sign3A_1176 = arith.extui %sign3A_1175 : vector<16xi1> to vector<16xi32>
      %sign3A_1177 = arith.subi %sign3A_1172, %sign3A_1176 : vector<16xi32>
      %sign3A_1178 = arith.constant 0 : i32
      %sign3A_1179 = arith.cmpi sgt, %jit3A_1166, %sign3A_1178 : i32
      %sign3A_1180 = arith.extui %sign3A_1179 : i1 to i32
      %sign3A_1181 = arith.constant 0 : i32
      %sign3A_1182 = arith.cmpi slt, %jit3A_1166, %sign3A_1181 : i32
      %sign3A_1183 = arith.extui %sign3A_1182 : i1 to i32
      %sign3A_1184 = arith.subi %sign3A_1180, %sign3A_1183 : i32
      %ne3A_1185 = vector.broadcast %sign3A_1184 : i32 to vector<16xi32>
      %ne3A_1186 = arith.cmpi ne, %sign3A_1177, %ne3A_1185 : vector<16xi32>
      %rem3A_1187 = vector.broadcast %jit3A_1166 : i32 to vector<16xi32>
      %rem3A_1188 = arith.remsi %add3A_1165, %rem3A_1187 : vector<16xi32>
      %ne3A_1189 = arith.constant 0 : i32
      %ne3A_1190 = vector.broadcast %ne3A_1189 : i32 to vector<16xi32>
      %ne3A_1191 = arith.cmpi ne, %rem3A_1188, %ne3A_1190 : vector<16xi32>
      %and3A_1192 = arith.andi %ne3A_1186, %ne3A_1191 : vector<16xi1>
      %sub3A_1193 = arith.constant 1 : i32
      %sub3A_1194 = vector.broadcast %sub3A_1193 : i32 to vector<16xi32>
      %sub3A_1195 = arith.subi %div3A_1168, %sub3A_1194 : vector<16xi32>
      %select_n3A_1196 = arith.select %and3A_1192, %sub3A_1195, %div3A_1168 : vector<16xi1>, vector<16xi32>
      %min3A_1197 = arith.constant 63 : i32
      %min3A_1198 = vector.broadcast %min3A_1197 : i32 to vector<16xi32>
      %min3A_1199 = arith.minsi %select_n3A_1196, %min3A_1198 : vector<16xi32>
      %gather3A_1200 = tpu.vector_load_idx %arg11[%min3A_1199] : memref<64xi32, #tpu.memory_space<vmem>>[vector<16xi32>], vector<16xi32>,
      %le3A_1201 = arith.cmpi sle, %gather3A_1200, %add3A_908 : vector<16xi32>
      %add3A_1202 = arith.constant 1 : i32
      %add3A_1203 = vector.broadcast %add3A_1202 : i32 to vector<16xi32>
      %add3A_1204 = arith.addi %min3A_1199, %add3A_1203 : vector<16xi32>
      %select_n3A_1205 = arith.select %le3A_1201, %add3A_1204, %select_n3A_1163 : vector<16xi1>, vector<16xi32>
      %select_n3A_1206 = arith.select %le3A_1201, %select_n3A_1164, %min3A_1199 : vector<16xi1>, vector<16xi32>
      %min3A_1207 = arith.constant 63 : i32
      %min3A_1208 = vector.broadcast %min3A_1207 : i32 to vector<16xi32>
      %min3A_1209 = arith.minsi %select_n3A_1205, %min3A_1208 : vector<16xi32>
      %eq3A_1210 = arith.constant 96 : i32
      %eq3A_1211 = vector.broadcast %eq3A_1210 : i32 to vector<16xi32>
      %eq3A_1212 = arith.cmpi eq, %add3A_908, %eq3A_1211 : vector<16xi32>
      %broadcast_in_dim3A_1213 = vector.broadcast %squeeze3A_283 : i32 to vector<16xi32>
      %select_n3A_1214 = arith.select %eq3A_1212, %broadcast_in_dim3A_1213, %min3A_1209 : vector<16xi1>, vector<16xi32>
      %swap3A_1215 = arith.constant 32 : index
      %swap3A_1216 = tpu.vector_load %arg12[%swap3A_1215] {strides = array<i32>} : memref<112xi32, #tpu.memory_space<vmem>>, vector<16xi32>,
      tpu.vector_store %arg12[%swap3A_1215], %select_n3A_1214 {strides = array<i32>} : memref<112xi32, #tpu.memory_space<vmem>>, vector<16xi32>,
      %iota3A_1217 = tpu.iota {dimensions = array<i32: 0>} : vector<16xi32>
      %add3A_1218 = arith.constant 48 : i32
      %add3A_1219 = vector.broadcast %add3A_1218 : i32 to vector<16xi32>
      %add3A_1220 = arith.addi %iota3A_1217, %add3A_1219 : vector<16xi32>
      %broadcast_in_dim3A_1221 = arith.constant 0 : i32
      %broadcast_in_dim3A_1222 = vector.broadcast %broadcast_in_dim3A_1221 : i32 to vector<16xi32>
      %broadcast_in_dim3A_1223 = arith.constant 64 : i32
      %broadcast_in_dim3A_1224 = vector.broadcast %broadcast_in_dim3A_1223 : i32 to vector<16xi32>
      %add3A_1225 = arith.addi %broadcast_in_dim3A_1222, %broadcast_in_dim3A_1224 : vector<16xi32>
      %jit3A_1226 = arith.constant 2 : i32
      %div3A_1227 = vector.broadcast %jit3A_1226 : i32 to vector<16xi32>
      %div3A_1228 = arith.divsi %add3A_1225, %div3A_1227 : vector<16xi32>
      %sign3A_1229 = arith.constant 0 : i32
      %sign3A_1230 = vector.broadcast %sign3A_1229 : i32 to vector<16xi32>
      %sign3A_1231 = arith.cmpi sgt, %add3A_1225, %sign3A_1230 : vector<16xi32>
      %sign3A_1232 = arith.extui %sign3A_1231 : vector<16xi1> to vector<16xi32>
      %sign3A_1233 = arith.constant 0 : i32
      %sign3A_1234 = vector.broadcast %sign3A_1233 : i32 to vector<16xi32>
      %sign3A_1235 = arith.cmpi slt, %add3A_1225, %sign3A_1234 : vector<16xi32>
      %sign3A_1236 = arith.extui %sign3A_1235 : vector<16xi1> to vector<16xi32>
      %sign3A_1237 = arith.subi %sign3A_1232, %sign3A_1236 : vector<16xi32>
      %sign3A_1238 = arith.constant 0 : i32
      %sign3A_1239 = arith.cmpi sgt, %jit3A_1226, %sign3A_1238 : i32
      %sign3A_1240 = arith.extui %sign3A_1239 : i1 to i32
      %sign3A_1241 = arith.constant 0 : i32
      %sign3A_1242 = arith.cmpi slt, %jit3A_1226, %sign3A_1241 : i32
      %sign3A_1243 = arith.extui %sign3A_1242 : i1 to i32
      %sign3A_1244 = arith.subi %sign3A_1240, %sign3A_1243 : i32
      %ne3A_1245 = vector.broadcast %sign3A_1244 : i32 to vector<16xi32>
      %ne3A_1246 = arith.cmpi ne, %sign3A_1237, %ne3A_1245 : vector<16xi32>
      %rem3A_1247 = vector.broadcast %jit3A_1226 : i32 to vector<16xi32>
      %rem3A_1248 = arith.remsi %add3A_1225, %rem3A_1247 : vector<16xi32>
      %ne3A_1249 = arith.constant 0 : i32
      %ne3A_1250 = vector.broadcast %ne3A_1249 : i32 to vector<16xi32>
      %ne3A_1251 = arith.cmpi ne, %rem3A_1248, %ne3A_1250 : vector<16xi32>
      %and3A_1252 = arith.andi %ne3A_1246, %ne3A_1251 : vector<16xi1>
      %sub3A_1253 = arith.constant 1 : i32
      %sub3A_1254 = vector.broadcast %sub3A_1253 : i32 to vector<16xi32>
      %sub3A_1255 = arith.subi %div3A_1228, %sub3A_1254 : vector<16xi32>
      %select_n3A_1256 = arith.select %and3A_1252, %sub3A_1255, %div3A_1228 : vector<16xi1>, vector<16xi32>
      %min3A_1257 = arith.constant 63 : i32
      %min3A_1258 = vector.broadcast %min3A_1257 : i32 to vector<16xi32>
      %min3A_1259 = arith.minsi %select_n3A_1256, %min3A_1258 : vector<16xi32>
      %gather3A_1260 = tpu.vector_load_idx %arg11[%min3A_1259] : memref<64xi32, #tpu.memory_space<vmem>>[vector<16xi32>], vector<16xi32>,
      %le3A_1261 = arith.cmpi sle, %gather3A_1260, %add3A_1220 : vector<16xi32>
      %add3A_1262 = arith.constant 1 : i32
      %add3A_1263 = vector.broadcast %add3A_1262 : i32 to vector<16xi32>
      %add3A_1264 = arith.addi %min3A_1259, %add3A_1263 : vector<16xi32>
      %select_n3A_1265 = arith.select %le3A_1261, %add3A_1264, %broadcast_in_dim3A_1222 : vector<16xi1>, vector<16xi32>
      %select_n3A_1266 = arith.select %le3A_1261, %broadcast_in_dim3A_1224, %min3A_1259 : vector<16xi1>, vector<16xi32>
      %add3A_1267 = arith.addi %select_n3A_1265, %select_n3A_1266 : vector<16xi32>
      %jit3A_1268 = arith.constant 2 : i32
      %div3A_1269 = vector.broadcast %jit3A_1268 : i32 to vector<16xi32>
      %div3A_1270 = arith.divsi %add3A_1267, %div3A_1269 : vector<16xi32>
      %sign3A_1271 = arith.constant 0 : i32
      %sign3A_1272 = vector.broadcast %sign3A_1271 : i32 to vector<16xi32>
      %sign3A_1273 = arith.cmpi sgt, %add3A_1267, %sign3A_1272 : vector<16xi32>
      %sign3A_1274 = arith.extui %sign3A_1273 : vector<16xi1> to vector<16xi32>
      %sign3A_1275 = arith.constant 0 : i32
      %sign3A_1276 = vector.broadcast %sign3A_1275 : i32 to vector<16xi32>
      %sign3A_1277 = arith.cmpi slt, %add3A_1267, %sign3A_1276 : vector<16xi32>
      %sign3A_1278 = arith.extui %sign3A_1277 : vector<16xi1> to vector<16xi32>
      %sign3A_1279 = arith.subi %sign3A_1274, %sign3A_1278 : vector<16xi32>
      %sign3A_1280 = arith.constant 0 : i32
      %sign3A_1281 = arith.cmpi sgt, %jit3A_1268, %sign3A_1280 : i32
      %sign3A_1282 = arith.extui %sign3A_1281 : i1 to i32
      %sign3A_1283 = arith.constant 0 : i32
      %sign3A_1284 = arith.cmpi slt, %jit3A_1268, %sign3A_1283 : i32
      %sign3A_1285 = arith.extui %sign3A_1284 : i1 to i32
      %sign3A_1286 = arith.subi %sign3A_1282, %sign3A_1285 : i32
      %ne3A_1287 = vector.broadcast %sign3A_1286 : i32 to vector<16xi32>
      %ne3A_1288 = arith.cmpi ne, %sign3A_1279, %ne3A_1287 : vector<16xi32>
      %rem3A_1289 = vector.broadcast %jit3A_1268 : i32 to vector<16xi32>
      %rem3A_1290 = arith.remsi %add3A_1267, %rem3A_1289 : vector<16xi32>
      %ne3A_1291 = arith.constant 0 : i32
      %ne3A_1292 = vector.broadcast %ne3A_1291 : i32 to vector<16xi32>
      %ne3A_1293 = arith.cmpi ne, %rem3A_1290, %ne3A_1292 : vector<16xi32>
      %and3A_1294 = arith.andi %ne3A_1288, %ne3A_1293 : vector<16xi1>
      %sub3A_1295 = arith.constant 1 : i32
      %sub3A_1296 = vector.broadcast %sub3A_1295 : i32 to vector<16xi32>
      %sub3A_1297 = arith.subi %div3A_1270, %sub3A_1296 : vector<16xi32>
      %select_n3A_1298 = arith.select %and3A_1294, %sub3A_1297, %div3A_1270 : vector<16xi1>, vector<16xi32>
      %min3A_1299 = arith.constant 63 : i32
      %min3A_1300 = vector.broadcast %min3A_1299 : i32 to vector<16xi32>
      %min3A_1301 = arith.minsi %select_n3A_1298, %min3A_1300 : vector<16xi32>
      %gather3A_1302 = tpu.vector_load_idx %arg11[%min3A_1301] : memref<64xi32, #tpu.memory_space<vmem>>[vector<16xi32>], vector<16xi32>,
      %le3A_1303 = arith.cmpi sle, %gather3A_1302, %add3A_1220 : vector<16xi32>
      %add3A_1304 = arith.constant 1 : i32
      %add3A_1305 = vector.broadcast %add3A_1304 : i32 to vector<16xi32>
      %add3A_1306 = arith.addi %min3A_1301, %add3A_1305 : vector<16xi32>
      %select_n3A_1307 = arith.select %le3A_1303, %add3A_1306, %select_n3A_1265 : vector<16xi1>, vector<16xi32>
      %select_n3A_1308 = arith.select %le3A_1303, %select_n3A_1266, %min3A_1301 : vector<16xi1>, vector<16xi32>
      %add3A_1309 = arith.addi %select_n3A_1307, %select_n3A_1308 : vector<16xi32>
      %jit3A_1310 = arith.constant 2 : i32
      %div3A_1311 = vector.broadcast %jit3A_1310 : i32 to vector<16xi32>
      %div3A_1312 = arith.divsi %add3A_1309, %div3A_1311 : vector<16xi32>
      %sign3A_1313 = arith.constant 0 : i32
      %sign3A_1314 = vector.broadcast %sign3A_1313 : i32 to vector<16xi32>
      %sign3A_1315 = arith.cmpi sgt, %add3A_1309, %sign3A_1314 : vector<16xi32>
      %sign3A_1316 = arith.extui %sign3A_1315 : vector<16xi1> to vector<16xi32>
      %sign3A_1317 = arith.constant 0 : i32
      %sign3A_1318 = vector.broadcast %sign3A_1317 : i32 to vector<16xi32>
      %sign3A_1319 = arith.cmpi slt, %add3A_1309, %sign3A_1318 : vector<16xi32>
      %sign3A_1320 = arith.extui %sign3A_1319 : vector<16xi1> to vector<16xi32>
      %sign3A_1321 = arith.subi %sign3A_1316, %sign3A_1320 : vector<16xi32>
      %sign3A_1322 = arith.constant 0 : i32
      %sign3A_1323 = arith.cmpi sgt, %jit3A_1310, %sign3A_1322 : i32
      %sign3A_1324 = arith.extui %sign3A_1323 : i1 to i32
      %sign3A_1325 = arith.constant 0 : i32
      %sign3A_1326 = arith.cmpi slt, %jit3A_1310, %sign3A_1325 : i32
      %sign3A_1327 = arith.extui %sign3A_1326 : i1 to i32
      %sign3A_1328 = arith.subi %sign3A_1324, %sign3A_1327 : i32
      %ne3A_1329 = vector.broadcast %sign3A_1328 : i32 to vector<16xi32>
      %ne3A_1330 = arith.cmpi ne, %sign3A_1321, %ne3A_1329 : vector<16xi32>
      %rem3A_1331 = vector.broadcast %jit3A_1310 : i32 to vector<16xi32>
      %rem3A_1332 = arith.remsi %add3A_1309, %rem3A_1331 : vector<16xi32>
      %ne3A_1333 = arith.constant 0 : i32
      %ne3A_1334 = vector.broadcast %ne3A_1333 : i32 to vector<16xi32>
      %ne3A_1335 = arith.cmpi ne, %rem3A_1332, %ne3A_1334 : vector<16xi32>
      %and3A_1336 = arith.andi %ne3A_1330, %ne3A_1335 : vector<16xi1>
      %sub3A_1337 = arith.constant 1 : i32
      %sub3A_1338 = vector.broadcast %sub3A_1337 : i32 to vector<16xi32>
      %sub3A_1339 = arith.subi %div3A_1312, %sub3A_1338 : vector<16xi32>
      %select_n3A_1340 = arith.select %and3A_1336, %sub3A_1339, %div3A_1312 : vector<16xi1>, vector<16xi32>
      %min3A_1341 = arith.constant 63 : i32
      %min3A_1342 = vector.broadcast %min3A_1341 : i32 to vector<16xi32>
      %min3A_1343 = arith.minsi %select_n3A_1340, %min3A_1342 : vector<16xi32>
      %gather3A_1344 = tpu.vector_load_idx %arg11[%min3A_1343] : memref<64xi32, #tpu.memory_space<vmem>>[vector<16xi32>], vector<16xi32>,
      %le3A_1345 = arith.cmpi sle, %gather3A_1344, %add3A_1220 : vector<16xi32>
      %add3A_1346 = arith.constant 1 : i32
      %add3A_1347 = vector.broadcast %add3A_1346 : i32 to vector<16xi32>
      %add3A_1348 = arith.addi %min3A_1343, %add3A_1347 : vector<16xi32>
      %select_n3A_1349 = arith.select %le3A_1345, %add3A_1348, %select_n3A_1307 : vector<16xi1>, vector<16xi32>
      %select_n3A_1350 = arith.select %le3A_1345, %select_n3A_1308, %min3A_1343 : vector<16xi1>, vector<16xi32>
      %add3A_1351 = arith.addi %select_n3A_1349, %select_n3A_1350 : vector<16xi32>
      %jit3A_1352 = arith.constant 2 : i32
      %div3A_1353 = vector.broadcast %jit3A_1352 : i32 to vector<16xi32>
      %div3A_1354 = arith.divsi %add3A_1351, %div3A_1353 : vector<16xi32>
      %sign3A_1355 = arith.constant 0 : i32
      %sign3A_1356 = vector.broadcast %sign3A_1355 : i32 to vector<16xi32>
      %sign3A_1357 = arith.cmpi sgt, %add3A_1351, %sign3A_1356 : vector<16xi32>
      %sign3A_1358 = arith.extui %sign3A_1357 : vector<16xi1> to vector<16xi32>
      %sign3A_1359 = arith.constant 0 : i32
      %sign3A_1360 = vector.broadcast %sign3A_1359 : i32 to vector<16xi32>
      %sign3A_1361 = arith.cmpi slt, %add3A_1351, %sign3A_1360 : vector<16xi32>
      %sign3A_1362 = arith.extui %sign3A_1361 : vector<16xi1> to vector<16xi32>
      %sign3A_1363 = arith.subi %sign3A_1358, %sign3A_1362 : vector<16xi32>
      %sign3A_1364 = arith.constant 0 : i32
      %sign3A_1365 = arith.cmpi sgt, %jit3A_1352, %sign3A_1364 : i32
      %sign3A_1366 = arith.extui %sign3A_1365 : i1 to i32
      %sign3A_1367 = arith.constant 0 : i32
      %sign3A_1368 = arith.cmpi slt, %jit3A_1352, %sign3A_1367 : i32
      %sign3A_1369 = arith.extui %sign3A_1368 : i1 to i32
      %sign3A_1370 = arith.subi %sign3A_1366, %sign3A_1369 : i32
      %ne3A_1371 = vector.broadcast %sign3A_1370 : i32 to vector<16xi32>
      %ne3A_1372 = arith.cmpi ne, %sign3A_1363, %ne3A_1371 : vector<16xi32>
      %rem3A_1373 = vector.broadcast %jit3A_1352 : i32 to vector<16xi32>
      %rem3A_1374 = arith.remsi %add3A_1351, %rem3A_1373 : vector<16xi32>
      %ne3A_1375 = arith.constant 0 : i32
      %ne3A_1376 = vector.broadcast %ne3A_1375 : i32 to vector<16xi32>
      %ne3A_1377 = arith.cmpi ne, %rem3A_1374, %ne3A_1376 : vector<16xi32>
      %and3A_1378 = arith.andi %ne3A_1372, %ne3A_1377 : vector<16xi1>
      %sub3A_1379 = arith.constant 1 : i32
      %sub3A_1380 = vector.broadcast %sub3A_1379 : i32 to vector<16xi32>
      %sub3A_1381 = arith.subi %div3A_1354, %sub3A_1380 : vector<16xi32>
      %select_n3A_1382 = arith.select %and3A_1378, %sub3A_1381, %div3A_1354 : vector<16xi1>, vector<16xi32>
      %min3A_1383 = arith.constant 63 : i32
      %min3A_1384 = vector.broadcast %min3A_1383 : i32 to vector<16xi32>
      %min3A_1385 = arith.minsi %select_n3A_1382, %min3A_1384 : vector<16xi32>
      %gather3A_1386 = tpu.vector_load_idx %arg11[%min3A_1385] : memref<64xi32, #tpu.memory_space<vmem>>[vector<16xi32>], vector<16xi32>,
      %le3A_1387 = arith.cmpi sle, %gather3A_1386, %add3A_1220 : vector<16xi32>
      %add3A_1388 = arith.constant 1 : i32
      %add3A_1389 = vector.broadcast %add3A_1388 : i32 to vector<16xi32>
      %add3A_1390 = arith.addi %min3A_1385, %add3A_1389 : vector<16xi32>
      %select_n3A_1391 = arith.select %le3A_1387, %add3A_1390, %select_n3A_1349 : vector<16xi1>, vector<16xi32>
      %select_n3A_1392 = arith.select %le3A_1387, %select_n3A_1350, %min3A_1385 : vector<16xi1>, vector<16xi32>
      %add3A_1393 = arith.addi %select_n3A_1391, %select_n3A_1392 : vector<16xi32>
      %jit3A_1394 = arith.constant 2 : i32
      %div3A_1395 = vector.broadcast %jit3A_1394 : i32 to vector<16xi32>
      %div3A_1396 = arith.divsi %add3A_1393, %div3A_1395 : vector<16xi32>
      %sign3A_1397 = arith.constant 0 : i32
      %sign3A_1398 = vector.broadcast %sign3A_1397 : i32 to vector<16xi32>
      %sign3A_1399 = arith.cmpi sgt, %add3A_1393, %sign3A_1398 : vector<16xi32>
      %sign3A_1400 = arith.extui %sign3A_1399 : vector<16xi1> to vector<16xi32>
      %sign3A_1401 = arith.constant 0 : i32
      %sign3A_1402 = vector.broadcast %sign3A_1401 : i32 to vector<16xi32>
      %sign3A_1403 = arith.cmpi slt, %add3A_1393, %sign3A_1402 : vector<16xi32>
      %sign3A_1404 = arith.extui %sign3A_1403 : vector<16xi1> to vector<16xi32>
      %sign3A_1405 = arith.subi %sign3A_1400, %sign3A_1404 : vector<16xi32>
      %sign3A_1406 = arith.constant 0 : i32
      %sign3A_1407 = arith.cmpi sgt, %jit3A_1394, %sign3A_1406 : i32
      %sign3A_1408 = arith.extui %sign3A_1407 : i1 to i32
      %sign3A_1409 = arith.constant 0 : i32
      %sign3A_1410 = arith.cmpi slt, %jit3A_1394, %sign3A_1409 : i32
      %sign3A_1411 = arith.extui %sign3A_1410 : i1 to i32
      %sign3A_1412 = arith.subi %sign3A_1408, %sign3A_1411 : i32
      %ne3A_1413 = vector.broadcast %sign3A_1412 : i32 to vector<16xi32>
      %ne3A_1414 = arith.cmpi ne, %sign3A_1405, %ne3A_1413 : vector<16xi32>
      %rem3A_1415 = vector.broadcast %jit3A_1394 : i32 to vector<16xi32>
      %rem3A_1416 = arith.remsi %add3A_1393, %rem3A_1415 : vector<16xi32>
      %ne3A_1417 = arith.constant 0 : i32
      %ne3A_1418 = vector.broadcast %ne3A_1417 : i32 to vector<16xi32>
      %ne3A_1419 = arith.cmpi ne, %rem3A_1416, %ne3A_1418 : vector<16xi32>
      %and3A_1420 = arith.andi %ne3A_1414, %ne3A_1419 : vector<16xi1>
      %sub3A_1421 = arith.constant 1 : i32
      %sub3A_1422 = vector.broadcast %sub3A_1421 : i32 to vector<16xi32>
      %sub3A_1423 = arith.subi %div3A_1396, %sub3A_1422 : vector<16xi32>
      %select_n3A_1424 = arith.select %and3A_1420, %sub3A_1423, %div3A_1396 : vector<16xi1>, vector<16xi32>
      %min3A_1425 = arith.constant 63 : i32
      %min3A_1426 = vector.broadcast %min3A_1425 : i32 to vector<16xi32>
      %min3A_1427 = arith.minsi %select_n3A_1424, %min3A_1426 : vector<16xi32>
      %gather3A_1428 = tpu.vector_load_idx %arg11[%min3A_1427] : memref<64xi32, #tpu.memory_space<vmem>>[vector<16xi32>], vector<16xi32>,
      %le3A_1429 = arith.cmpi sle, %gather3A_1428, %add3A_1220 : vector<16xi32>
      %add3A_1430 = arith.constant 1 : i32
      %add3A_1431 = vector.broadcast %add3A_1430 : i32 to vector<16xi32>
      %add3A_1432 = arith.addi %min3A_1427, %add3A_1431 : vector<16xi32>
      %select_n3A_1433 = arith.select %le3A_1429, %add3A_1432, %select_n3A_1391 : vector<16xi1>, vector<16xi32>
      %select_n3A_1434 = arith.select %le3A_1429, %select_n3A_1392, %min3A_1427 : vector<16xi1>, vector<16xi32>
      %add3A_1435 = arith.addi %select_n3A_1433, %select_n3A_1434 : vector<16xi32>
      %jit3A_1436 = arith.constant 2 : i32
      %div3A_1437 = vector.broadcast %jit3A_1436 : i32 to vector<16xi32>
      %div3A_1438 = arith.divsi %add3A_1435, %div3A_1437 : vector<16xi32>
      %sign3A_1439 = arith.constant 0 : i32
      %sign3A_1440 = vector.broadcast %sign3A_1439 : i32 to vector<16xi32>
      %sign3A_1441 = arith.cmpi sgt, %add3A_1435, %sign3A_1440 : vector<16xi32>
      %sign3A_1442 = arith.extui %sign3A_1441 : vector<16xi1> to vector<16xi32>
      %sign3A_1443 = arith.constant 0 : i32
      %sign3A_1444 = vector.broadcast %sign3A_1443 : i32 to vector<16xi32>
      %sign3A_1445 = arith.cmpi slt, %add3A_1435, %sign3A_1444 : vector<16xi32>
      %sign3A_1446 = arith.extui %sign3A_1445 : vector<16xi1> to vector<16xi32>
      %sign3A_1447 = arith.subi %sign3A_1442, %sign3A_1446 : vector<16xi32>
      %sign3A_1448 = arith.constant 0 : i32
      %sign3A_1449 = arith.cmpi sgt, %jit3A_1436, %sign3A_1448 : i32
      %sign3A_1450 = arith.extui %sign3A_1449 : i1 to i32
      %sign3A_1451 = arith.constant 0 : i32
      %sign3A_1452 = arith.cmpi slt, %jit3A_1436, %sign3A_1451 : i32
      %sign3A_1453 = arith.extui %sign3A_1452 : i1 to i32
      %sign3A_1454 = arith.subi %sign3A_1450, %sign3A_1453 : i32
      %ne3A_1455 = vector.broadcast %sign3A_1454 : i32 to vector<16xi32>
      %ne3A_1456 = arith.cmpi ne, %sign3A_1447, %ne3A_1455 : vector<16xi32>
      %rem3A_1457 = vector.broadcast %jit3A_1436 : i32 to vector<16xi32>
      %rem3A_1458 = arith.remsi %add3A_1435, %rem3A_1457 : vector<16xi32>
      %ne3A_1459 = arith.constant 0 : i32
      %ne3A_1460 = vector.broadcast %ne3A_1459 : i32 to vector<16xi32>
      %ne3A_1461 = arith.cmpi ne, %rem3A_1458, %ne3A_1460 : vector<16xi32>
      %and3A_1462 = arith.andi %ne3A_1456, %ne3A_1461 : vector<16xi1>
      %sub3A_1463 = arith.constant 1 : i32
      %sub3A_1464 = vector.broadcast %sub3A_1463 : i32 to vector<16xi32>
      %sub3A_1465 = arith.subi %div3A_1438, %sub3A_1464 : vector<16xi32>
      %select_n3A_1466 = arith.select %and3A_1462, %sub3A_1465, %div3A_1438 : vector<16xi1>, vector<16xi32>
      %min3A_1467 = arith.constant 63 : i32
      %min3A_1468 = vector.broadcast %min3A_1467 : i32 to vector<16xi32>
      %min3A_1469 = arith.minsi %select_n3A_1466, %min3A_1468 : vector<16xi32>
      %gather3A_1470 = tpu.vector_load_idx %arg11[%min3A_1469] : memref<64xi32, #tpu.memory_space<vmem>>[vector<16xi32>], vector<16xi32>,
      %le3A_1471 = arith.cmpi sle, %gather3A_1470, %add3A_1220 : vector<16xi32>
      %add3A_1472 = arith.constant 1 : i32
      %add3A_1473 = vector.broadcast %add3A_1472 : i32 to vector<16xi32>
      %add3A_1474 = arith.addi %min3A_1469, %add3A_1473 : vector<16xi32>
      %select_n3A_1475 = arith.select %le3A_1471, %add3A_1474, %select_n3A_1433 : vector<16xi1>, vector<16xi32>
      %select_n3A_1476 = arith.select %le3A_1471, %select_n3A_1434, %min3A_1469 : vector<16xi1>, vector<16xi32>
      %add3A_1477 = arith.addi %select_n3A_1475, %select_n3A_1476 : vector<16xi32>
      %jit3A_1478 = arith.constant 2 : i32
      %div3A_1479 = vector.broadcast %jit3A_1478 : i32 to vector<16xi32>
      %div3A_1480 = arith.divsi %add3A_1477, %div3A_1479 : vector<16xi32>
      %sign3A_1481 = arith.constant 0 : i32
      %sign3A_1482 = vector.broadcast %sign3A_1481 : i32 to vector<16xi32>
      %sign3A_1483 = arith.cmpi sgt, %add3A_1477, %sign3A_1482 : vector<16xi32>
      %sign3A_1484 = arith.extui %sign3A_1483 : vector<16xi1> to vector<16xi32>
      %sign3A_1485 = arith.constant 0 : i32
      %sign3A_1486 = vector.broadcast %sign3A_1485 : i32 to vector<16xi32>
      %sign3A_1487 = arith.cmpi slt, %add3A_1477, %sign3A_1486 : vector<16xi32>
      %sign3A_1488 = arith.extui %sign3A_1487 : vector<16xi1> to vector<16xi32>
      %sign3A_1489 = arith.subi %sign3A_1484, %sign3A_1488 : vector<16xi32>
      %sign3A_1490 = arith.constant 0 : i32
      %sign3A_1491 = arith.cmpi sgt, %jit3A_1478, %sign3A_1490 : i32
      %sign3A_1492 = arith.extui %sign3A_1491 : i1 to i32
      %sign3A_1493 = arith.constant 0 : i32
      %sign3A_1494 = arith.cmpi slt, %jit3A_1478, %sign3A_1493 : i32
      %sign3A_1495 = arith.extui %sign3A_1494 : i1 to i32
      %sign3A_1496 = arith.subi %sign3A_1492, %sign3A_1495 : i32
      %ne3A_1497 = vector.broadcast %sign3A_1496 : i32 to vector<16xi32>
      %ne3A_1498 = arith.cmpi ne, %sign3A_1489, %ne3A_1497 : vector<16xi32>
      %rem3A_1499 = vector.broadcast %jit3A_1478 : i32 to vector<16xi32>
      %rem3A_1500 = arith.remsi %add3A_1477, %rem3A_1499 : vector<16xi32>
      %ne3A_1501 = arith.constant 0 : i32
      %ne3A_1502 = vector.broadcast %ne3A_1501 : i32 to vector<16xi32>
      %ne3A_1503 = arith.cmpi ne, %rem3A_1500, %ne3A_1502 : vector<16xi32>
      %and3A_1504 = arith.andi %ne3A_1498, %ne3A_1503 : vector<16xi1>
      %sub3A_1505 = arith.constant 1 : i32
      %sub3A_1506 = vector.broadcast %sub3A_1505 : i32 to vector<16xi32>
      %sub3A_1507 = arith.subi %div3A_1480, %sub3A_1506 : vector<16xi32>
      %select_n3A_1508 = arith.select %and3A_1504, %sub3A_1507, %div3A_1480 : vector<16xi1>, vector<16xi32>
      %min3A_1509 = arith.constant 63 : i32
      %min3A_1510 = vector.broadcast %min3A_1509 : i32 to vector<16xi32>
      %min3A_1511 = arith.minsi %select_n3A_1508, %min3A_1510 : vector<16xi32>
      %gather3A_1512 = tpu.vector_load_idx %arg11[%min3A_1511] : memref<64xi32, #tpu.memory_space<vmem>>[vector<16xi32>], vector<16xi32>,
      %le3A_1513 = arith.cmpi sle, %gather3A_1512, %add3A_1220 : vector<16xi32>
      %add3A_1514 = arith.constant 1 : i32
      %add3A_1515 = vector.broadcast %add3A_1514 : i32 to vector<16xi32>
      %add3A_1516 = arith.addi %min3A_1511, %add3A_1515 : vector<16xi32>
      %select_n3A_1517 = arith.select %le3A_1513, %add3A_1516, %select_n3A_1475 : vector<16xi1>, vector<16xi32>
      %select_n3A_1518 = arith.select %le3A_1513, %select_n3A_1476, %min3A_1511 : vector<16xi1>, vector<16xi32>
      %min3A_1519 = arith.constant 63 : i32
      %min3A_1520 = vector.broadcast %min3A_1519 : i32 to vector<16xi32>
      %min3A_1521 = arith.minsi %select_n3A_1517, %min3A_1520 : vector<16xi32>
      %eq3A_1522 = arith.constant 96 : i32
      %eq3A_1523 = vector.broadcast %eq3A_1522 : i32 to vector<16xi32>
      %eq3A_1524 = arith.cmpi eq, %add3A_1220, %eq3A_1523 : vector<16xi32>
      %broadcast_in_dim3A_1525 = vector.broadcast %squeeze3A_283 : i32 to vector<16xi32>
      %select_n3A_1526 = arith.select %eq3A_1524, %broadcast_in_dim3A_1525, %min3A_1521 : vector<16xi1>, vector<16xi32>
      %swap3A_1527 = arith.constant 48 : index
      %swap3A_1528 = tpu.vector_load %arg12[%swap3A_1527] {strides = array<i32>} : memref<112xi32, #tpu.memory_space<vmem>>, vector<16xi32>,
      tpu.vector_store %arg12[%swap3A_1527], %select_n3A_1526 {strides = array<i32>} : memref<112xi32, #tpu.memory_space<vmem>>, vector<16xi32>,
      %iota3A_1529 = tpu.iota {dimensions = array<i32: 0>} : vector<16xi32>
      %add3A_1530 = arith.constant 64 : i32
      %add3A_1531 = vector.broadcast %add3A_1530 : i32 to vector<16xi32>
      %add3A_1532 = arith.addi %iota3A_1529, %add3A_1531 : vector<16xi32>
      %broadcast_in_dim3A_1533 = arith.constant 0 : i32
      %broadcast_in_dim3A_1534 = vector.broadcast %broadcast_in_dim3A_1533 : i32 to vector<16xi32>
      %broadcast_in_dim3A_1535 = arith.constant 64 : i32
      %broadcast_in_dim3A_1536 = vector.broadcast %broadcast_in_dim3A_1535 : i32 to vector<16xi32>
      %add3A_1537 = arith.addi %broadcast_in_dim3A_1534, %broadcast_in_dim3A_1536 : vector<16xi32>
      %jit3A_1538 = arith.constant 2 : i32
      %div3A_1539 = vector.broadcast %jit3A_1538 : i32 to vector<16xi32>
      %div3A_1540 = arith.divsi %add3A_1537, %div3A_1539 : vector<16xi32>
      %sign3A_1541 = arith.constant 0 : i32
      %sign3A_1542 = vector.broadcast %sign3A_1541 : i32 to vector<16xi32>
      %sign3A_1543 = arith.cmpi sgt, %add3A_1537, %sign3A_1542 : vector<16xi32>
      %sign3A_1544 = arith.extui %sign3A_1543 : vector<16xi1> to vector<16xi32>
      %sign3A_1545 = arith.constant 0 : i32
      %sign3A_1546 = vector.broadcast %sign3A_1545 : i32 to vector<16xi32>
      %sign3A_1547 = arith.cmpi slt, %add3A_1537, %sign3A_1546 : vector<16xi32>
      %sign3A_1548 = arith.extui %sign3A_1547 : vector<16xi1> to vector<16xi32>
      %sign3A_1549 = arith.subi %sign3A_1544, %sign3A_1548 : vector<16xi32>
      %sign3A_1550 = arith.constant 0 : i32
      %sign3A_1551 = arith.cmpi sgt, %jit3A_1538, %sign3A_1550 : i32
      %sign3A_1552 = arith.extui %sign3A_1551 : i1 to i32
      %sign3A_1553 = arith.constant 0 : i32
      %sign3A_1554 = arith.cmpi slt, %jit3A_1538, %sign3A_1553 : i32
      %sign3A_1555 = arith.extui %sign3A_1554 : i1 to i32
      %sign3A_1556 = arith.subi %sign3A_1552, %sign3A_1555 : i32
      %ne3A_1557 = vector.broadcast %sign3A_1556 : i32 to vector<16xi32>
      %ne3A_1558 = arith.cmpi ne, %sign3A_1549, %ne3A_1557 : vector<16xi32>
      %rem3A_1559 = vector.broadcast %jit3A_1538 : i32 to vector<16xi32>
      %rem3A_1560 = arith.remsi %add3A_1537, %rem3A_1559 : vector<16xi32>
      %ne3A_1561 = arith.constant 0 : i32
      %ne3A_1562 = vector.broadcast %ne3A_1561 : i32 to vector<16xi32>
      %ne3A_1563 = arith.cmpi ne, %rem3A_1560, %ne3A_1562 : vector<16xi32>
      %and3A_1564 = arith.andi %ne3A_1558, %ne3A_1563 : vector<16xi1>
      %sub3A_1565 = arith.constant 1 : i32
      %sub3A_1566 = vector.broadcast %sub3A_1565 : i32 to vector<16xi32>
      %sub3A_1567 = arith.subi %div3A_1540, %sub3A_1566 : vector<16xi32>
      %select_n3A_1568 = arith.select %and3A_1564, %sub3A_1567, %div3A_1540 : vector<16xi1>, vector<16xi32>
      %min3A_1569 = arith.constant 63 : i32
      %min3A_1570 = vector.broadcast %min3A_1569 : i32 to vector<16xi32>
      %min3A_1571 = arith.minsi %select_n3A_1568, %min3A_1570 : vector<16xi32>
      %gather3A_1572 = tpu.vector_load_idx %arg11[%min3A_1571] : memref<64xi32, #tpu.memory_space<vmem>>[vector<16xi32>], vector<16xi32>,
      %le3A_1573 = arith.cmpi sle, %gather3A_1572, %add3A_1532 : vector<16xi32>
      %add3A_1574 = arith.constant 1 : i32
      %add3A_1575 = vector.broadcast %add3A_1574 : i32 to vector<16xi32>
      %add3A_1576 = arith.addi %min3A_1571, %add3A_1575 : vector<16xi32>
      %select_n3A_1577 = arith.select %le3A_1573, %add3A_1576, %broadcast_in_dim3A_1534 : vector<16xi1>, vector<16xi32>
      %select_n3A_1578 = arith.select %le3A_1573, %broadcast_in_dim3A_1536, %min3A_1571 : vector<16xi1>, vector<16xi32>
      %add3A_1579 = arith.addi %select_n3A_1577, %select_n3A_1578 : vector<16xi32>
      %jit3A_1580 = arith.constant 2 : i32
      %div3A_1581 = vector.broadcast %jit3A_1580 : i32 to vector<16xi32>
      %div3A_1582 = arith.divsi %add3A_1579, %div3A_1581 : vector<16xi32>
      %sign3A_1583 = arith.constant 0 : i32
      %sign3A_1584 = vector.broadcast %sign3A_1583 : i32 to vector<16xi32>
      %sign3A_1585 = arith.cmpi sgt, %add3A_1579, %sign3A_1584 : vector<16xi32>
      %sign3A_1586 = arith.extui %sign3A_1585 : vector<16xi1> to vector<16xi32>
      %sign3A_1587 = arith.constant 0 : i32
      %sign3A_1588 = vector.broadcast %sign3A_1587 : i32 to vector<16xi32>
      %sign3A_1589 = arith.cmpi slt, %add3A_1579, %sign3A_1588 : vector<16xi32>
      %sign3A_1590 = arith.extui %sign3A_1589 : vector<16xi1> to vector<16xi32>
      %sign3A_1591 = arith.subi %sign3A_1586, %sign3A_1590 : vector<16xi32>
      %sign3A_1592 = arith.constant 0 : i32
      %sign3A_1593 = arith.cmpi sgt, %jit3A_1580, %sign3A_1592 : i32
      %sign3A_1594 = arith.extui %sign3A_1593 : i1 to i32
      %sign3A_1595 = arith.constant 0 : i32
      %sign3A_1596 = arith.cmpi slt, %jit3A_1580, %sign3A_1595 : i32
      %sign3A_1597 = arith.extui %sign3A_1596 : i1 to i32
      %sign3A_1598 = arith.subi %sign3A_1594, %sign3A_1597 : i32
      %ne3A_1599 = vector.broadcast %sign3A_1598 : i32 to vector<16xi32>
      %ne3A_1600 = arith.cmpi ne, %sign3A_1591, %ne3A_1599 : vector<16xi32>
      %rem3A_1601 = vector.broadcast %jit3A_1580 : i32 to vector<16xi32>
      %rem3A_1602 = arith.remsi %add3A_1579, %rem3A_1601 : vector<16xi32>
      %ne3A_1603 = arith.constant 0 : i32
      %ne3A_1604 = vector.broadcast %ne3A_1603 : i32 to vector<16xi32>
      %ne3A_1605 = arith.cmpi ne, %rem3A_1602, %ne3A_1604 : vector<16xi32>
      %and3A_1606 = arith.andi %ne3A_1600, %ne3A_1605 : vector<16xi1>
      %sub3A_1607 = arith.constant 1 : i32
      %sub3A_1608 = vector.broadcast %sub3A_1607 : i32 to vector<16xi32>
      %sub3A_1609 = arith.subi %div3A_1582, %sub3A_1608 : vector<16xi32>
      %select_n3A_1610 = arith.select %and3A_1606, %sub3A_1609, %div3A_1582 : vector<16xi1>, vector<16xi32>
      %min3A_1611 = arith.constant 63 : i32
      %min3A_1612 = vector.broadcast %min3A_1611 : i32 to vector<16xi32>
      %min3A_1613 = arith.minsi %select_n3A_1610, %min3A_1612 : vector<16xi32>
      %gather3A_1614 = tpu.vector_load_idx %arg11[%min3A_1613] : memref<64xi32, #tpu.memory_space<vmem>>[vector<16xi32>], vector<16xi32>,
      %le3A_1615 = arith.cmpi sle, %gather3A_1614, %add3A_1532 : vector<16xi32>
      %add3A_1616 = arith.constant 1 : i32
      %add3A_1617 = vector.broadcast %add3A_1616 : i32 to vector<16xi32>
      %add3A_1618 = arith.addi %min3A_1613, %add3A_1617 : vector<16xi32>
      %select_n3A_1619 = arith.select %le3A_1615, %add3A_1618, %select_n3A_1577 : vector<16xi1>, vector<16xi32>
      %select_n3A_1620 = arith.select %le3A_1615, %select_n3A_1578, %min3A_1613 : vector<16xi1>, vector<16xi32>
      %add3A_1621 = arith.addi %select_n3A_1619, %select_n3A_1620 : vector<16xi32>
      %jit3A_1622 = arith.constant 2 : i32
      %div3A_1623 = vector.broadcast %jit3A_1622 : i32 to vector<16xi32>
      %div3A_1624 = arith.divsi %add3A_1621, %div3A_1623 : vector<16xi32>
      %sign3A_1625 = arith.constant 0 : i32
      %sign3A_1626 = vector.broadcast %sign3A_1625 : i32 to vector<16xi32>
      %sign3A_1627 = arith.cmpi sgt, %add3A_1621, %sign3A_1626 : vector<16xi32>
      %sign3A_1628 = arith.extui %sign3A_1627 : vector<16xi1> to vector<16xi32>
      %sign3A_1629 = arith.constant 0 : i32
      %sign3A_1630 = vector.broadcast %sign3A_1629 : i32 to vector<16xi32>
      %sign3A_1631 = arith.cmpi slt, %add3A_1621, %sign3A_1630 : vector<16xi32>
      %sign3A_1632 = arith.extui %sign3A_1631 : vector<16xi1> to vector<16xi32>
      %sign3A_1633 = arith.subi %sign3A_1628, %sign3A_1632 : vector<16xi32>
      %sign3A_1634 = arith.constant 0 : i32
      %sign3A_1635 = arith.cmpi sgt, %jit3A_1622, %sign3A_1634 : i32
      %sign3A_1636 = arith.extui %sign3A_1635 : i1 to i32
      %sign3A_1637 = arith.constant 0 : i32
      %sign3A_1638 = arith.cmpi slt, %jit3A_1622, %sign3A_1637 : i32
      %sign3A_1639 = arith.extui %sign3A_1638 : i1 to i32
      %sign3A_1640 = arith.subi %sign3A_1636, %sign3A_1639 : i32
      %ne3A_1641 = vector.broadcast %sign3A_1640 : i32 to vector<16xi32>
      %ne3A_1642 = arith.cmpi ne, %sign3A_1633, %ne3A_1641 : vector<16xi32>
      %rem3A_1643 = vector.broadcast %jit3A_1622 : i32 to vector<16xi32>
      %rem3A_1644 = arith.remsi %add3A_1621, %rem3A_1643 : vector<16xi32>
      %ne3A_1645 = arith.constant 0 : i32
      %ne3A_1646 = vector.broadcast %ne3A_1645 : i32 to vector<16xi32>
      %ne3A_1647 = arith.cmpi ne, %rem3A_1644, %ne3A_1646 : vector<16xi32>
      %and3A_1648 = arith.andi %ne3A_1642, %ne3A_1647 : vector<16xi1>
      %sub3A_1649 = arith.constant 1 : i32
      %sub3A_1650 = vector.broadcast %sub3A_1649 : i32 to vector<16xi32>
      %sub3A_1651 = arith.subi %div3A_1624, %sub3A_1650 : vector<16xi32>
      %select_n3A_1652 = arith.select %and3A_1648, %sub3A_1651, %div3A_1624 : vector<16xi1>, vector<16xi32>
      %min3A_1653 = arith.constant 63 : i32
      %min3A_1654 = vector.broadcast %min3A_1653 : i32 to vector<16xi32>
      %min3A_1655 = arith.minsi %select_n3A_1652, %min3A_1654 : vector<16xi32>
      %gather3A_1656 = tpu.vector_load_idx %arg11[%min3A_1655] : memref<64xi32, #tpu.memory_space<vmem>>[vector<16xi32>], vector<16xi32>,
      %le3A_1657 = arith.cmpi sle, %gather3A_1656, %add3A_1532 : vector<16xi32>
      %add3A_1658 = arith.constant 1 : i32
      %add3A_1659 = vector.broadcast %add3A_1658 : i32 to vector<16xi32>
      %add3A_1660 = arith.addi %min3A_1655, %add3A_1659 : vector<16xi32>
      %select_n3A_1661 = arith.select %le3A_1657, %add3A_1660, %select_n3A_1619 : vector<16xi1>, vector<16xi32>
      %select_n3A_1662 = arith.select %le3A_1657, %select_n3A_1620, %min3A_1655 : vector<16xi1>, vector<16xi32>
      %add3A_1663 = arith.addi %select_n3A_1661, %select_n3A_1662 : vector<16xi32>
      %jit3A_1664 = arith.constant 2 : i32
      %div3A_1665 = vector.broadcast %jit3A_1664 : i32 to vector<16xi32>
      %div3A_1666 = arith.divsi %add3A_1663, %div3A_1665 : vector<16xi32>
      %sign3A_1667 = arith.constant 0 : i32
      %sign3A_1668 = vector.broadcast %sign3A_1667 : i32 to vector<16xi32>
      %sign3A_1669 = arith.cmpi sgt, %add3A_1663, %sign3A_1668 : vector<16xi32>
      %sign3A_1670 = arith.extui %sign3A_1669 : vector<16xi1> to vector<16xi32>
      %sign3A_1671 = arith.constant 0 : i32
      %sign3A_1672 = vector.broadcast %sign3A_1671 : i32 to vector<16xi32>
      %sign3A_1673 = arith.cmpi slt, %add3A_1663, %sign3A_1672 : vector<16xi32>
      %sign3A_1674 = arith.extui %sign3A_1673 : vector<16xi1> to vector<16xi32>
      %sign3A_1675 = arith.subi %sign3A_1670, %sign3A_1674 : vector<16xi32>
      %sign3A_1676 = arith.constant 0 : i32
      %sign3A_1677 = arith.cmpi sgt, %jit3A_1664, %sign3A_1676 : i32
      %sign3A_1678 = arith.extui %sign3A_1677 : i1 to i32
      %sign3A_1679 = arith.constant 0 : i32
      %sign3A_1680 = arith.cmpi slt, %jit3A_1664, %sign3A_1679 : i32
      %sign3A_1681 = arith.extui %sign3A_1680 : i1 to i32
      %sign3A_1682 = arith.subi %sign3A_1678, %sign3A_1681 : i32
      %ne3A_1683 = vector.broadcast %sign3A_1682 : i32 to vector<16xi32>
      %ne3A_1684 = arith.cmpi ne, %sign3A_1675, %ne3A_1683 : vector<16xi32>
      %rem3A_1685 = vector.broadcast %jit3A_1664 : i32 to vector<16xi32>
      %rem3A_1686 = arith.remsi %add3A_1663, %rem3A_1685 : vector<16xi32>
      %ne3A_1687 = arith.constant 0 : i32
      %ne3A_1688 = vector.broadcast %ne3A_1687 : i32 to vector<16xi32>
      %ne3A_1689 = arith.cmpi ne, %rem3A_1686, %ne3A_1688 : vector<16xi32>
      %and3A_1690 = arith.andi %ne3A_1684, %ne3A_1689 : vector<16xi1>
      %sub3A_1691 = arith.constant 1 : i32
      %sub3A_1692 = vector.broadcast %sub3A_1691 : i32 to vector<16xi32>
      %sub3A_1693 = arith.subi %div3A_1666, %sub3A_1692 : vector<16xi32>
      %select_n3A_1694 = arith.select %and3A_1690, %sub3A_1693, %div3A_1666 : vector<16xi1>, vector<16xi32>
      %min3A_1695 = arith.constant 63 : i32
      %min3A_1696 = vector.broadcast %min3A_1695 : i32 to vector<16xi32>
      %min3A_1697 = arith.minsi %select_n3A_1694, %min3A_1696 : vector<16xi32>
      %gather3A_1698 = tpu.vector_load_idx %arg11[%min3A_1697] : memref<64xi32, #tpu.memory_space<vmem>>[vector<16xi32>], vector<16xi32>,
      %le3A_1699 = arith.cmpi sle, %gather3A_1698, %add3A_1532 : vector<16xi32>
      %add3A_1700 = arith.constant 1 : i32
      %add3A_1701 = vector.broadcast %add3A_1700 : i32 to vector<16xi32>
      %add3A_1702 = arith.addi %min3A_1697, %add3A_1701 : vector<16xi32>
      %select_n3A_1703 = arith.select %le3A_1699, %add3A_1702, %select_n3A_1661 : vector<16xi1>, vector<16xi32>
      %select_n3A_1704 = arith.select %le3A_1699, %select_n3A_1662, %min3A_1697 : vector<16xi1>, vector<16xi32>
      %add3A_1705 = arith.addi %select_n3A_1703, %select_n3A_1704 : vector<16xi32>
      %jit3A_1706 = arith.constant 2 : i32
      %div3A_1707 = vector.broadcast %jit3A_1706 : i32 to vector<16xi32>
      %div3A_1708 = arith.divsi %add3A_1705, %div3A_1707 : vector<16xi32>
      %sign3A_1709 = arith.constant 0 : i32
      %sign3A_1710 = vector.broadcast %sign3A_1709 : i32 to vector<16xi32>
      %sign3A_1711 = arith.cmpi sgt, %add3A_1705, %sign3A_1710 : vector<16xi32>
      %sign3A_1712 = arith.extui %sign3A_1711 : vector<16xi1> to vector<16xi32>
      %sign3A_1713 = arith.constant 0 : i32
      %sign3A_1714 = vector.broadcast %sign3A_1713 : i32 to vector<16xi32>
      %sign3A_1715 = arith.cmpi slt, %add3A_1705, %sign3A_1714 : vector<16xi32>
      %sign3A_1716 = arith.extui %sign3A_1715 : vector<16xi1> to vector<16xi32>
      %sign3A_1717 = arith.subi %sign3A_1712, %sign3A_1716 : vector<16xi32>
      %sign3A_1718 = arith.constant 0 : i32
      %sign3A_1719 = arith.cmpi sgt, %jit3A_1706, %sign3A_1718 : i32
      %sign3A_1720 = arith.extui %sign3A_1719 : i1 to i32
      %sign3A_1721 = arith.constant 0 : i32
      %sign3A_1722 = arith.cmpi slt, %jit3A_1706, %sign3A_1721 : i32
      %sign3A_1723 = arith.extui %sign3A_1722 : i1 to i32
      %sign3A_1724 = arith.subi %sign3A_1720, %sign3A_1723 : i32
      %ne3A_1725 = vector.broadcast %sign3A_1724 : i32 to vector<16xi32>
      %ne3A_1726 = arith.cmpi ne, %sign3A_1717, %ne3A_1725 : vector<16xi32>
      %rem3A_1727 = vector.broadcast %jit3A_1706 : i32 to vector<16xi32>
      %rem3A_1728 = arith.remsi %add3A_1705, %rem3A_1727 : vector<16xi32>
      %ne3A_1729 = arith.constant 0 : i32
      %ne3A_1730 = vector.broadcast %ne3A_1729 : i32 to vector<16xi32>
      %ne3A_1731 = arith.cmpi ne, %rem3A_1728, %ne3A_1730 : vector<16xi32>
      %and3A_1732 = arith.andi %ne3A_1726, %ne3A_1731 : vector<16xi1>
      %sub3A_1733 = arith.constant 1 : i32
      %sub3A_1734 = vector.broadcast %sub3A_1733 : i32 to vector<16xi32>
      %sub3A_1735 = arith.subi %div3A_1708, %sub3A_1734 : vector<16xi32>
      %select_n3A_1736 = arith.select %and3A_1732, %sub3A_1735, %div3A_1708 : vector<16xi1>, vector<16xi32>
      %min3A_1737 = arith.constant 63 : i32
      %min3A_1738 = vector.broadcast %min3A_1737 : i32 to vector<16xi32>
      %min3A_1739 = arith.minsi %select_n3A_1736, %min3A_1738 : vector<16xi32>
      %gather3A_1740 = tpu.vector_load_idx %arg11[%min3A_1739] : memref<64xi32, #tpu.memory_space<vmem>>[vector<16xi32>], vector<16xi32>,
      %le3A_1741 = arith.cmpi sle, %gather3A_1740, %add3A_1532 : vector<16xi32>
      %add3A_1742 = arith.constant 1 : i32
      %add3A_1743 = vector.broadcast %add3A_1742 : i32 to vector<16xi32>
      %add3A_1744 = arith.addi %min3A_1739, %add3A_1743 : vector<16xi32>
      %select_n3A_1745 = arith.select %le3A_1741, %add3A_1744, %select_n3A_1703 : vector<16xi1>, vector<16xi32>
      %select_n3A_1746 = arith.select %le3A_1741, %select_n3A_1704, %min3A_1739 : vector<16xi1>, vector<16xi32>
      %add3A_1747 = arith.addi %select_n3A_1745, %select_n3A_1746 : vector<16xi32>
      %jit3A_1748 = arith.constant 2 : i32
      %div3A_1749 = vector.broadcast %jit3A_1748 : i32 to vector<16xi32>
      %div3A_1750 = arith.divsi %add3A_1747, %div3A_1749 : vector<16xi32>
      %sign3A_1751 = arith.constant 0 : i32
      %sign3A_1752 = vector.broadcast %sign3A_1751 : i32 to vector<16xi32>
      %sign3A_1753 = arith.cmpi sgt, %add3A_1747, %sign3A_1752 : vector<16xi32>
      %sign3A_1754 = arith.extui %sign3A_1753 : vector<16xi1> to vector<16xi32>
      %sign3A_1755 = arith.constant 0 : i32
      %sign3A_1756 = vector.broadcast %sign3A_1755 : i32 to vector<16xi32>
      %sign3A_1757 = arith.cmpi slt, %add3A_1747, %sign3A_1756 : vector<16xi32>
      %sign3A_1758 = arith.extui %sign3A_1757 : vector<16xi1> to vector<16xi32>
      %sign3A_1759 = arith.subi %sign3A_1754, %sign3A_1758 : vector<16xi32>
      %sign3A_1760 = arith.constant 0 : i32
      %sign3A_1761 = arith.cmpi sgt, %jit3A_1748, %sign3A_1760 : i32
      %sign3A_1762 = arith.extui %sign3A_1761 : i1 to i32
      %sign3A_1763 = arith.constant 0 : i32
      %sign3A_1764 = arith.cmpi slt, %jit3A_1748, %sign3A_1763 : i32
      %sign3A_1765 = arith.extui %sign3A_1764 : i1 to i32
      %sign3A_1766 = arith.subi %sign3A_1762, %sign3A_1765 : i32
      %ne3A_1767 = vector.broadcast %sign3A_1766 : i32 to vector<16xi32>
      %ne3A_1768 = arith.cmpi ne, %sign3A_1759, %ne3A_1767 : vector<16xi32>
      %rem3A_1769 = vector.broadcast %jit3A_1748 : i32 to vector<16xi32>
      %rem3A_1770 = arith.remsi %add3A_1747, %rem3A_1769 : vector<16xi32>
      %ne3A_1771 = arith.constant 0 : i32
      %ne3A_1772 = vector.broadcast %ne3A_1771 : i32 to vector<16xi32>
      %ne3A_1773 = arith.cmpi ne, %rem3A_1770, %ne3A_1772 : vector<16xi32>
      %and3A_1774 = arith.andi %ne3A_1768, %ne3A_1773 : vector<16xi1>
      %sub3A_1775 = arith.constant 1 : i32
      %sub3A_1776 = vector.broadcast %sub3A_1775 : i32 to vector<16xi32>
      %sub3A_1777 = arith.subi %div3A_1750, %sub3A_1776 : vector<16xi32>
      %select_n3A_1778 = arith.select %and3A_1774, %sub3A_1777, %div3A_1750 : vector<16xi1>, vector<16xi32>
      %min3A_1779 = arith.constant 63 : i32
      %min3A_1780 = vector.broadcast %min3A_1779 : i32 to vector<16xi32>
      %min3A_1781 = arith.minsi %select_n3A_1778, %min3A_1780 : vector<16xi32>
      %gather3A_1782 = tpu.vector_load_idx %arg11[%min3A_1781] : memref<64xi32, #tpu.memory_space<vmem>>[vector<16xi32>], vector<16xi32>,
      %le3A_1783 = arith.cmpi sle, %gather3A_1782, %add3A_1532 : vector<16xi32>
      %add3A_1784 = arith.constant 1 : i32
      %add3A_1785 = vector.broadcast %add3A_1784 : i32 to vector<16xi32>
      %add3A_1786 = arith.addi %min3A_1781, %add3A_1785 : vector<16xi32>
      %select_n3A_1787 = arith.select %le3A_1783, %add3A_1786, %select_n3A_1745 : vector<16xi1>, vector<16xi32>
      %select_n3A_1788 = arith.select %le3A_1783, %select_n3A_1746, %min3A_1781 : vector<16xi1>, vector<16xi32>
      %add3A_1789 = arith.addi %select_n3A_1787, %select_n3A_1788 : vector<16xi32>
      %jit3A_1790 = arith.constant 2 : i32
      %div3A_1791 = vector.broadcast %jit3A_1790 : i32 to vector<16xi32>
      %div3A_1792 = arith.divsi %add3A_1789, %div3A_1791 : vector<16xi32>
      %sign3A_1793 = arith.constant 0 : i32
      %sign3A_1794 = vector.broadcast %sign3A_1793 : i32 to vector<16xi32>
      %sign3A_1795 = arith.cmpi sgt, %add3A_1789, %sign3A_1794 : vector<16xi32>
      %sign3A_1796 = arith.extui %sign3A_1795 : vector<16xi1> to vector<16xi32>
      %sign3A_1797 = arith.constant 0 : i32
      %sign3A_1798 = vector.broadcast %sign3A_1797 : i32 to vector<16xi32>
      %sign3A_1799 = arith.cmpi slt, %add3A_1789, %sign3A_1798 : vector<16xi32>
      %sign3A_1800 = arith.extui %sign3A_1799 : vector<16xi1> to vector<16xi32>
      %sign3A_1801 = arith.subi %sign3A_1796, %sign3A_1800 : vector<16xi32>
      %sign3A_1802 = arith.constant 0 : i32
      %sign3A_1803 = arith.cmpi sgt, %jit3A_1790, %sign3A_1802 : i32
      %sign3A_1804 = arith.extui %sign3A_1803 : i1 to i32
      %sign3A_1805 = arith.constant 0 : i32
      %sign3A_1806 = arith.cmpi slt, %jit3A_1790, %sign3A_1805 : i32
      %sign3A_1807 = arith.extui %sign3A_1806 : i1 to i32
      %sign3A_1808 = arith.subi %sign3A_1804, %sign3A_1807 : i32
      %ne3A_1809 = vector.broadcast %sign3A_1808 : i32 to vector<16xi32>
      %ne3A_1810 = arith.cmpi ne, %sign3A_1801, %ne3A_1809 : vector<16xi32>
      %rem3A_1811 = vector.broadcast %jit3A_1790 : i32 to vector<16xi32>
      %rem3A_1812 = arith.remsi %add3A_1789, %rem3A_1811 : vector<16xi32>
      %ne3A_1813 = arith.constant 0 : i32
      %ne3A_1814 = vector.broadcast %ne3A_1813 : i32 to vector<16xi32>
      %ne3A_1815 = arith.cmpi ne, %rem3A_1812, %ne3A_1814 : vector<16xi32>
      %and3A_1816 = arith.andi %ne3A_1810, %ne3A_1815 : vector<16xi1>
      %sub3A_1817 = arith.constant 1 : i32
      %sub3A_1818 = vector.broadcast %sub3A_1817 : i32 to vector<16xi32>
      %sub3A_1819 = arith.subi %div3A_1792, %sub3A_1818 : vector<16xi32>
      %select_n3A_1820 = arith.select %and3A_1816, %sub3A_1819, %div3A_1792 : vector<16xi1>, vector<16xi32>
      %min3A_1821 = arith.constant 63 : i32
      %min3A_1822 = vector.broadcast %min3A_1821 : i32 to vector<16xi32>
      %min3A_1823 = arith.minsi %select_n3A_1820, %min3A_1822 : vector<16xi32>
      %gather3A_1824 = tpu.vector_load_idx %arg11[%min3A_1823] : memref<64xi32, #tpu.memory_space<vmem>>[vector<16xi32>], vector<16xi32>,
      %le3A_1825 = arith.cmpi sle, %gather3A_1824, %add3A_1532 : vector<16xi32>
      %add3A_1826 = arith.constant 1 : i32
      %add3A_1827 = vector.broadcast %add3A_1826 : i32 to vector<16xi32>
      %add3A_1828 = arith.addi %min3A_1823, %add3A_1827 : vector<16xi32>
      %select_n3A_1829 = arith.select %le3A_1825, %add3A_1828, %select_n3A_1787 : vector<16xi1>, vector<16xi32>
      %select_n3A_1830 = arith.select %le3A_1825, %select_n3A_1788, %min3A_1823 : vector<16xi1>, vector<16xi32>
      %min3A_1831 = arith.constant 63 : i32
      %min3A_1832 = vector.broadcast %min3A_1831 : i32 to vector<16xi32>
      %min3A_1833 = arith.minsi %select_n3A_1829, %min3A_1832 : vector<16xi32>
      %eq3A_1834 = arith.constant 96 : i32
      %eq3A_1835 = vector.broadcast %eq3A_1834 : i32 to vector<16xi32>
      %eq3A_1836 = arith.cmpi eq, %add3A_1532, %eq3A_1835 : vector<16xi32>
      %broadcast_in_dim3A_1837 = vector.broadcast %squeeze3A_283 : i32 to vector<16xi32>
      %select_n3A_1838 = arith.select %eq3A_1836, %broadcast_in_dim3A_1837, %min3A_1833 : vector<16xi1>, vector<16xi32>
      %swap3A_1839 = arith.constant 64 : index
      %swap3A_1840 = tpu.vector_load %arg12[%swap3A_1839] {strides = array<i32>} : memref<112xi32, #tpu.memory_space<vmem>>, vector<16xi32>,
      tpu.vector_store %arg12[%swap3A_1839], %select_n3A_1838 {strides = array<i32>} : memref<112xi32, #tpu.memory_space<vmem>>, vector<16xi32>,
      %iota3A_1841 = tpu.iota {dimensions = array<i32: 0>} : vector<16xi32>
      %add3A_1842 = arith.constant 80 : i32
      %add3A_1843 = vector.broadcast %add3A_1842 : i32 to vector<16xi32>
      %add3A_1844 = arith.addi %iota3A_1841, %add3A_1843 : vector<16xi32>
      %broadcast_in_dim3A_1845 = arith.constant 0 : i32
      %broadcast_in_dim3A_1846 = vector.broadcast %broadcast_in_dim3A_1845 : i32 to vector<16xi32>
      %broadcast_in_dim3A_1847 = arith.constant 64 : i32
      %broadcast_in_dim3A_1848 = vector.broadcast %broadcast_in_dim3A_1847 : i32 to vector<16xi32>
      %add3A_1849 = arith.addi %broadcast_in_dim3A_1846, %broadcast_in_dim3A_1848 : vector<16xi32>
      %jit3A_1850 = arith.constant 2 : i32
      %div3A_1851 = vector.broadcast %jit3A_1850 : i32 to vector<16xi32>
      %div3A_1852 = arith.divsi %add3A_1849, %div3A_1851 : vector<16xi32>
      %sign3A_1853 = arith.constant 0 : i32
      %sign3A_1854 = vector.broadcast %sign3A_1853 : i32 to vector<16xi32>
      %sign3A_1855 = arith.cmpi sgt, %add3A_1849, %sign3A_1854 : vector<16xi32>
      %sign3A_1856 = arith.extui %sign3A_1855 : vector<16xi1> to vector<16xi32>
      %sign3A_1857 = arith.constant 0 : i32
      %sign3A_1858 = vector.broadcast %sign3A_1857 : i32 to vector<16xi32>
      %sign3A_1859 = arith.cmpi slt, %add3A_1849, %sign3A_1858 : vector<16xi32>
      %sign3A_1860 = arith.extui %sign3A_1859 : vector<16xi1> to vector<16xi32>
      %sign3A_1861 = arith.subi %sign3A_1856, %sign3A_1860 : vector<16xi32>
      %sign3A_1862 = arith.constant 0 : i32
      %sign3A_1863 = arith.cmpi sgt, %jit3A_1850, %sign3A_1862 : i32
      %sign3A_1864 = arith.extui %sign3A_1863 : i1 to i32
      %sign3A_1865 = arith.constant 0 : i32
      %sign3A_1866 = arith.cmpi slt, %jit3A_1850, %sign3A_1865 : i32
      %sign3A_1867 = arith.extui %sign3A_1866 : i1 to i32
      %sign3A_1868 = arith.subi %sign3A_1864, %sign3A_1867 : i32
      %ne3A_1869 = vector.broadcast %sign3A_1868 : i32 to vector<16xi32>
      %ne3A_1870 = arith.cmpi ne, %sign3A_1861, %ne3A_1869 : vector<16xi32>
      %rem3A_1871 = vector.broadcast %jit3A_1850 : i32 to vector<16xi32>
      %rem3A_1872 = arith.remsi %add3A_1849, %rem3A_1871 : vector<16xi32>
      %ne3A_1873 = arith.constant 0 : i32
      %ne3A_1874 = vector.broadcast %ne3A_1873 : i32 to vector<16xi32>
      %ne3A_1875 = arith.cmpi ne, %rem3A_1872, %ne3A_1874 : vector<16xi32>
      %and3A_1876 = arith.andi %ne3A_1870, %ne3A_1875 : vector<16xi1>
      %sub3A_1877 = arith.constant 1 : i32
      %sub3A_1878 = vector.broadcast %sub3A_1877 : i32 to vector<16xi32>
      %sub3A_1879 = arith.subi %div3A_1852, %sub3A_1878 : vector<16xi32>
      %select_n3A_1880 = arith.select %and3A_1876, %sub3A_1879, %div3A_1852 : vector<16xi1>, vector<16xi32>
      %min3A_1881 = arith.constant 63 : i32
      %min3A_1882 = vector.broadcast %min3A_1881 : i32 to vector<16xi32>
      %min3A_1883 = arith.minsi %select_n3A_1880, %min3A_1882 : vector<16xi32>
      %gather3A_1884 = tpu.vector_load_idx %arg11[%min3A_1883] : memref<64xi32, #tpu.memory_space<vmem>>[vector<16xi32>], vector<16xi32>,
      %le3A_1885 = arith.cmpi sle, %gather3A_1884, %add3A_1844 : vector<16xi32>
      %add3A_1886 = arith.constant 1 : i32
      %add3A_1887 = vector.broadcast %add3A_1886 : i32 to vector<16xi32>
      %add3A_1888 = arith.addi %min3A_1883, %add3A_1887 : vector<16xi32>
      %select_n3A_1889 = arith.select %le3A_1885, %add3A_1888, %broadcast_in_dim3A_1846 : vector<16xi1>, vector<16xi32>
      %select_n3A_1890 = arith.select %le3A_1885, %broadcast_in_dim3A_1848, %min3A_1883 : vector<16xi1>, vector<16xi32>
      %add3A_1891 = arith.addi %select_n3A_1889, %select_n3A_1890 : vector<16xi32>
      %jit3A_1892 = arith.constant 2 : i32
      %div3A_1893 = vector.broadcast %jit3A_1892 : i32 to vector<16xi32>
      %div3A_1894 = arith.divsi %add3A_1891, %div3A_1893 : vector<16xi32>
      %sign3A_1895 = arith.constant 0 : i32
      %sign3A_1896 = vector.broadcast %sign3A_1895 : i32 to vector<16xi32>
      %sign3A_1897 = arith.cmpi sgt, %add3A_1891, %sign3A_1896 : vector<16xi32>
      %sign3A_1898 = arith.extui %sign3A_1897 : vector<16xi1> to vector<16xi32>
      %sign3A_1899 = arith.constant 0 : i32
      %sign3A_1900 = vector.broadcast %sign3A_1899 : i32 to vector<16xi32>
      %sign3A_1901 = arith.cmpi slt, %add3A_1891, %sign3A_1900 : vector<16xi32>
      %sign3A_1902 = arith.extui %sign3A_1901 : vector<16xi1> to vector<16xi32>
      %sign3A_1903 = arith.subi %sign3A_1898, %sign3A_1902 : vector<16xi32>
      %sign3A_1904 = arith.constant 0 : i32
      %sign3A_1905 = arith.cmpi sgt, %jit3A_1892, %sign3A_1904 : i32
      %sign3A_1906 = arith.extui %sign3A_1905 : i1 to i32
      %sign3A_1907 = arith.constant 0 : i32
      %sign3A_1908 = arith.cmpi slt, %jit3A_1892, %sign3A_1907 : i32
      %sign3A_1909 = arith.extui %sign3A_1908 : i1 to i32
      %sign3A_1910 = arith.subi %sign3A_1906, %sign3A_1909 : i32
      %ne3A_1911 = vector.broadcast %sign3A_1910 : i32 to vector<16xi32>
      %ne3A_1912 = arith.cmpi ne, %sign3A_1903, %ne3A_1911 : vector<16xi32>
      %rem3A_1913 = vector.broadcast %jit3A_1892 : i32 to vector<16xi32>
      %rem3A_1914 = arith.remsi %add3A_1891, %rem3A_1913 : vector<16xi32>
      %ne3A_1915 = arith.constant 0 : i32
      %ne3A_1916 = vector.broadcast %ne3A_1915 : i32 to vector<16xi32>
      %ne3A_1917 = arith.cmpi ne, %rem3A_1914, %ne3A_1916 : vector<16xi32>
      %and3A_1918 = arith.andi %ne3A_1912, %ne3A_1917 : vector<16xi1>
      %sub3A_1919 = arith.constant 1 : i32
      %sub3A_1920 = vector.broadcast %sub3A_1919 : i32 to vector<16xi32>
      %sub3A_1921 = arith.subi %div3A_1894, %sub3A_1920 : vector<16xi32>
      %select_n3A_1922 = arith.select %and3A_1918, %sub3A_1921, %div3A_1894 : vector<16xi1>, vector<16xi32>
      %min3A_1923 = arith.constant 63 : i32
      %min3A_1924 = vector.broadcast %min3A_1923 : i32 to vector<16xi32>
      %min3A_1925 = arith.minsi %select_n3A_1922, %min3A_1924 : vector<16xi32>
      %gather3A_1926 = tpu.vector_load_idx %arg11[%min3A_1925] : memref<64xi32, #tpu.memory_space<vmem>>[vector<16xi32>], vector<16xi32>,
      %le3A_1927 = arith.cmpi sle, %gather3A_1926, %add3A_1844 : vector<16xi32>
      %add3A_1928 = arith.constant 1 : i32
      %add3A_1929 = vector.broadcast %add3A_1928 : i32 to vector<16xi32>
      %add3A_1930 = arith.addi %min3A_1925, %add3A_1929 : vector<16xi32>
      %select_n3A_1931 = arith.select %le3A_1927, %add3A_1930, %select_n3A_1889 : vector<16xi1>, vector<16xi32>
      %select_n3A_1932 = arith.select %le3A_1927, %select_n3A_1890, %min3A_1925 : vector<16xi1>, vector<16xi32>
      %add3A_1933 = arith.addi %select_n3A_1931, %select_n3A_1932 : vector<16xi32>
      %jit3A_1934 = arith.constant 2 : i32
      %div3A_1935 = vector.broadcast %jit3A_1934 : i32 to vector<16xi32>
      %div3A_1936 = arith.divsi %add3A_1933, %div3A_1935 : vector<16xi32>
      %sign3A_1937 = arith.constant 0 : i32
      %sign3A_1938 = vector.broadcast %sign3A_1937 : i32 to vector<16xi32>
      %sign3A_1939 = arith.cmpi sgt, %add3A_1933, %sign3A_1938 : vector<16xi32>
      %sign3A_1940 = arith.extui %sign3A_1939 : vector<16xi1> to vector<16xi32>
      %sign3A_1941 = arith.constant 0 : i32
      %sign3A_1942 = vector.broadcast %sign3A_1941 : i32 to vector<16xi32>
      %sign3A_1943 = arith.cmpi slt, %add3A_1933, %sign3A_1942 : vector<16xi32>
      %sign3A_1944 = arith.extui %sign3A_1943 : vector<16xi1> to vector<16xi32>
      %sign3A_1945 = arith.subi %sign3A_1940, %sign3A_1944 : vector<16xi32>
      %sign3A_1946 = arith.constant 0 : i32
      %sign3A_1947 = arith.cmpi sgt, %jit3A_1934, %sign3A_1946 : i32
      %sign3A_1948 = arith.extui %sign3A_1947 : i1 to i32
      %sign3A_1949 = arith.constant 0 : i32
      %sign3A_1950 = arith.cmpi slt, %jit3A_1934, %sign3A_1949 : i32
      %sign3A_1951 = arith.extui %sign3A_1950 : i1 to i32
      %sign3A_1952 = arith.subi %sign3A_1948, %sign3A_1951 : i32
      %ne3A_1953 = vector.broadcast %sign3A_1952 : i32 to vector<16xi32>
      %ne3A_1954 = arith.cmpi ne, %sign3A_1945, %ne3A_1953 : vector<16xi32>
      %rem3A_1955 = vector.broadcast %jit3A_1934 : i32 to vector<16xi32>
      %rem3A_1956 = arith.remsi %add3A_1933, %rem3A_1955 : vector<16xi32>
      %ne3A_1957 = arith.constant 0 : i32
      %ne3A_1958 = vector.broadcast %ne3A_1957 : i32 to vector<16xi32>
      %ne3A_1959 = arith.cmpi ne, %rem3A_1956, %ne3A_1958 : vector<16xi32>
      %and3A_1960 = arith.andi %ne3A_1954, %ne3A_1959 : vector<16xi1>
      %sub3A_1961 = arith.constant 1 : i32
      %sub3A_1962 = vector.broadcast %sub3A_1961 : i32 to vector<16xi32>
      %sub3A_1963 = arith.subi %div3A_1936, %sub3A_1962 : vector<16xi32>
      %select_n3A_1964 = arith.select %and3A_1960, %sub3A_1963, %div3A_1936 : vector<16xi1>, vector<16xi32>
      %min3A_1965 = arith.constant 63 : i32
      %min3A_1966 = vector.broadcast %min3A_1965 : i32 to vector<16xi32>
      %min3A_1967 = arith.minsi %select_n3A_1964, %min3A_1966 : vector<16xi32>
      %gather3A_1968 = tpu.vector_load_idx %arg11[%min3A_1967] : memref<64xi32, #tpu.memory_space<vmem>>[vector<16xi32>], vector<16xi32>,
      %le3A_1969 = arith.cmpi sle, %gather3A_1968, %add3A_1844 : vector<16xi32>
      %add3A_1970 = arith.constant 1 : i32
      %add3A_1971 = vector.broadcast %add3A_1970 : i32 to vector<16xi32>
      %add3A_1972 = arith.addi %min3A_1967, %add3A_1971 : vector<16xi32>
      %select_n3A_1973 = arith.select %le3A_1969, %add3A_1972, %select_n3A_1931 : vector<16xi1>, vector<16xi32>
      %select_n3A_1974 = arith.select %le3A_1969, %select_n3A_1932, %min3A_1967 : vector<16xi1>, vector<16xi32>
      %add3A_1975 = arith.addi %select_n3A_1973, %select_n3A_1974 : vector<16xi32>
      %jit3A_1976 = arith.constant 2 : i32
      %div3A_1977 = vector.broadcast %jit3A_1976 : i32 to vector<16xi32>
      %div3A_1978 = arith.divsi %add3A_1975, %div3A_1977 : vector<16xi32>
      %sign3A_1979 = arith.constant 0 : i32
      %sign3A_1980 = vector.broadcast %sign3A_1979 : i32 to vector<16xi32>
      %sign3A_1981 = arith.cmpi sgt, %add3A_1975, %sign3A_1980 : vector<16xi32>
      %sign3A_1982 = arith.extui %sign3A_1981 : vector<16xi1> to vector<16xi32>
      %sign3A_1983 = arith.constant 0 : i32
      %sign3A_1984 = vector.broadcast %sign3A_1983 : i32 to vector<16xi32>
      %sign3A_1985 = arith.cmpi slt, %add3A_1975, %sign3A_1984 : vector<16xi32>
      %sign3A_1986 = arith.extui %sign3A_1985 : vector<16xi1> to vector<16xi32>
      %sign3A_1987 = arith.subi %sign3A_1982, %sign3A_1986 : vector<16xi32>
      %sign3A_1988 = arith.constant 0 : i32
      %sign3A_1989 = arith.cmpi sgt, %jit3A_1976, %sign3A_1988 : i32
      %sign3A_1990 = arith.extui %sign3A_1989 : i1 to i32
      %sign3A_1991 = arith.constant 0 : i32
      %sign3A_1992 = arith.cmpi slt, %jit3A_1976, %sign3A_1991 : i32
      %sign3A_1993 = arith.extui %sign3A_1992 : i1 to i32
      %sign3A_1994 = arith.subi %sign3A_1990, %sign3A_1993 : i32
      %ne3A_1995 = vector.broadcast %sign3A_1994 : i32 to vector<16xi32>
      %ne3A_1996 = arith.cmpi ne, %sign3A_1987, %ne3A_1995 : vector<16xi32>
      %rem3A_1997 = vector.broadcast %jit3A_1976 : i32 to vector<16xi32>
      %rem3A_1998 = arith.remsi %add3A_1975, %rem3A_1997 : vector<16xi32>
      %ne3A_1999 = arith.constant 0 : i32
      %ne3A_2000 = vector.broadcast %ne3A_1999 : i32 to vector<16xi32>
      %ne3A_2001 = arith.cmpi ne, %rem3A_1998, %ne3A_2000 : vector<16xi32>
      %and3A_2002 = arith.andi %ne3A_1996, %ne3A_2001 : vector<16xi1>
      %sub3A_2003 = arith.constant 1 : i32
      %sub3A_2004 = vector.broadcast %sub3A_2003 : i32 to vector<16xi32>
      %sub3A_2005 = arith.subi %div3A_1978, %sub3A_2004 : vector<16xi32>
      %select_n3A_2006 = arith.select %and3A_2002, %sub3A_2005, %div3A_1978 : vector<16xi1>, vector<16xi32>
      %min3A_2007 = arith.constant 63 : i32
      %min3A_2008 = vector.broadcast %min3A_2007 : i32 to vector<16xi32>
      %min3A_2009 = arith.minsi %select_n3A_2006, %min3A_2008 : vector<16xi32>
      %gather3A_2010 = tpu.vector_load_idx %arg11[%min3A_2009] : memref<64xi32, #tpu.memory_space<vmem>>[vector<16xi32>], vector<16xi32>,
      %le3A_2011 = arith.cmpi sle, %gather3A_2010, %add3A_1844 : vector<16xi32>
      %add3A_2012 = arith.constant 1 : i32
      %add3A_2013 = vector.broadcast %add3A_2012 : i32 to vector<16xi32>
      %add3A_2014 = arith.addi %min3A_2009, %add3A_2013 : vector<16xi32>
      %select_n3A_2015 = arith.select %le3A_2011, %add3A_2014, %select_n3A_1973 : vector<16xi1>, vector<16xi32>
      %select_n3A_2016 = arith.select %le3A_2011, %select_n3A_1974, %min3A_2009 : vector<16xi1>, vector<16xi32>
      %add3A_2017 = arith.addi %select_n3A_2015, %select_n3A_2016 : vector<16xi32>
      %jit3A_2018 = arith.constant 2 : i32
      %div3A_2019 = vector.broadcast %jit3A_2018 : i32 to vector<16xi32>
      %div3A_2020 = arith.divsi %add3A_2017, %div3A_2019 : vector<16xi32>
      %sign3A_2021 = arith.constant 0 : i32
      %sign3A_2022 = vector.broadcast %sign3A_2021 : i32 to vector<16xi32>
      %sign3A_2023 = arith.cmpi sgt, %add3A_2017, %sign3A_2022 : vector<16xi32>
      %sign3A_2024 = arith.extui %sign3A_2023 : vector<16xi1> to vector<16xi32>
      %sign3A_2025 = arith.constant 0 : i32
      %sign3A_2026 = vector.broadcast %sign3A_2025 : i32 to vector<16xi32>
      %sign3A_2027 = arith.cmpi slt, %add3A_2017, %sign3A_2026 : vector<16xi32>
      %sign3A_2028 = arith.extui %sign3A_2027 : vector<16xi1> to vector<16xi32>
      %sign3A_2029 = arith.subi %sign3A_2024, %sign3A_2028 : vector<16xi32>
      %sign3A_2030 = arith.constant 0 : i32
      %sign3A_2031 = arith.cmpi sgt, %jit3A_2018, %sign3A_2030 : i32
      %sign3A_2032 = arith.extui %sign3A_2031 : i1 to i32
      %sign3A_2033 = arith.constant 0 : i32
      %sign3A_2034 = arith.cmpi slt, %jit3A_2018, %sign3A_2033 : i32
      %sign3A_2035 = arith.extui %sign3A_2034 : i1 to i32
      %sign3A_2036 = arith.subi %sign3A_2032, %sign3A_2035 : i32
      %ne3A_2037 = vector.broadcast %sign3A_2036 : i32 to vector<16xi32>
      %ne3A_2038 = arith.cmpi ne, %sign3A_2029, %ne3A_2037 : vector<16xi32>
      %rem3A_2039 = vector.broadcast %jit3A_2018 : i32 to vector<16xi32>
      %rem3A_2040 = arith.remsi %add3A_2017, %rem3A_2039 : vector<16xi32>
      %ne3A_2041 = arith.constant 0 : i32
      %ne3A_2042 = vector.broadcast %ne3A_2041 : i32 to vector<16xi32>
      %ne3A_2043 = arith.cmpi ne, %rem3A_2040, %ne3A_2042 : vector<16xi32>
      %and3A_2044 = arith.andi %ne3A_2038, %ne3A_2043 : vector<16xi1>
      %sub3A_2045 = arith.constant 1 : i32
      %sub3A_2046 = vector.broadcast %sub3A_2045 : i32 to vector<16xi32>
      %sub3A_2047 = arith.subi %div3A_2020, %sub3A_2046 : vector<16xi32>
      %select_n3A_2048 = arith.select %and3A_2044, %sub3A_2047, %div3A_2020 : vector<16xi1>, vector<16xi32>
      %min3A_2049 = arith.constant 63 : i32
      %min3A_2050 = vector.broadcast %min3A_2049 : i32 to vector<16xi32>
      %min3A_2051 = arith.minsi %select_n3A_2048, %min3A_2050 : vector<16xi32>
      %gather3A_2052 = tpu.vector_load_idx %arg11[%min3A_2051] : memref<64xi32, #tpu.memory_space<vmem>>[vector<16xi32>], vector<16xi32>,
      %le3A_2053 = arith.cmpi sle, %gather3A_2052, %add3A_1844 : vector<16xi32>
      %add3A_2054 = arith.constant 1 : i32
      %add3A_2055 = vector.broadcast %add3A_2054 : i32 to vector<16xi32>
      %add3A_2056 = arith.addi %min3A_2051, %add3A_2055 : vector<16xi32>
      %select_n3A_2057 = arith.select %le3A_2053, %add3A_2056, %select_n3A_2015 : vector<16xi1>, vector<16xi32>
      %select_n3A_2058 = arith.select %le3A_2053, %select_n3A_2016, %min3A_2051 : vector<16xi1>, vector<16xi32>
      %add3A_2059 = arith.addi %select_n3A_2057, %select_n3A_2058 : vector<16xi32>
      %jit3A_2060 = arith.constant 2 : i32
      %div3A_2061 = vector.broadcast %jit3A_2060 : i32 to vector<16xi32>
      %div3A_2062 = arith.divsi %add3A_2059, %div3A_2061 : vector<16xi32>
      %sign3A_2063 = arith.constant 0 : i32
      %sign3A_2064 = vector.broadcast %sign3A_2063 : i32 to vector<16xi32>
      %sign3A_2065 = arith.cmpi sgt, %add3A_2059, %sign3A_2064 : vector<16xi32>
      %sign3A_2066 = arith.extui %sign3A_2065 : vector<16xi1> to vector<16xi32>
      %sign3A_2067 = arith.constant 0 : i32
      %sign3A_2068 = vector.broadcast %sign3A_2067 : i32 to vector<16xi32>
      %sign3A_2069 = arith.cmpi slt, %add3A_2059, %sign3A_2068 : vector<16xi32>
      %sign3A_2070 = arith.extui %sign3A_2069 : vector<16xi1> to vector<16xi32>
      %sign3A_2071 = arith.subi %sign3A_2066, %sign3A_2070 : vector<16xi32>
      %sign3A_2072 = arith.constant 0 : i32
      %sign3A_2073 = arith.cmpi sgt, %jit3A_2060, %sign3A_2072 : i32
      %sign3A_2074 = arith.extui %sign3A_2073 : i1 to i32
      %sign3A_2075 = arith.constant 0 : i32
      %sign3A_2076 = arith.cmpi slt, %jit3A_2060, %sign3A_2075 : i32
      %sign3A_2077 = arith.extui %sign3A_2076 : i1 to i32
      %sign3A_2078 = arith.subi %sign3A_2074, %sign3A_2077 : i32
      %ne3A_2079 = vector.broadcast %sign3A_2078 : i32 to vector<16xi32>
      %ne3A_2080 = arith.cmpi ne, %sign3A_2071, %ne3A_2079 : vector<16xi32>
      %rem3A_2081 = vector.broadcast %jit3A_2060 : i32 to vector<16xi32>
      %rem3A_2082 = arith.remsi %add3A_2059, %rem3A_2081 : vector<16xi32>
      %ne3A_2083 = arith.constant 0 : i32
      %ne3A_2084 = vector.broadcast %ne3A_2083 : i32 to vector<16xi32>
      %ne3A_2085 = arith.cmpi ne, %rem3A_2082, %ne3A_2084 : vector<16xi32>
      %and3A_2086 = arith.andi %ne3A_2080, %ne3A_2085 : vector<16xi1>
      %sub3A_2087 = arith.constant 1 : i32
      %sub3A_2088 = vector.broadcast %sub3A_2087 : i32 to vector<16xi32>
      %sub3A_2089 = arith.subi %div3A_2062, %sub3A_2088 : vector<16xi32>
      %select_n3A_2090 = arith.select %and3A_2086, %sub3A_2089, %div3A_2062 : vector<16xi1>, vector<16xi32>
      %min3A_2091 = arith.constant 63 : i32
      %min3A_2092 = vector.broadcast %min3A_2091 : i32 to vector<16xi32>
      %min3A_2093 = arith.minsi %select_n3A_2090, %min3A_2092 : vector<16xi32>
      %gather3A_2094 = tpu.vector_load_idx %arg11[%min3A_2093] : memref<64xi32, #tpu.memory_space<vmem>>[vector<16xi32>], vector<16xi32>,
      %le3A_2095 = arith.cmpi sle, %gather3A_2094, %add3A_1844 : vector<16xi32>
      %add3A_2096 = arith.constant 1 : i32
      %add3A_2097 = vector.broadcast %add3A_2096 : i32 to vector<16xi32>
      %add3A_2098 = arith.addi %min3A_2093, %add3A_2097 : vector<16xi32>
      %select_n3A_2099 = arith.select %le3A_2095, %add3A_2098, %select_n3A_2057 : vector<16xi1>, vector<16xi32>
      %select_n3A_2100 = arith.select %le3A_2095, %select_n3A_2058, %min3A_2093 : vector<16xi1>, vector<16xi32>
      %add3A_2101 = arith.addi %select_n3A_2099, %select_n3A_2100 : vector<16xi32>
      %jit3A_2102 = arith.constant 2 : i32
      %div3A_2103 = vector.broadcast %jit3A_2102 : i32 to vector<16xi32>
      %div3A_2104 = arith.divsi %add3A_2101, %div3A_2103 : vector<16xi32>
      %sign3A_2105 = arith.constant 0 : i32
      %sign3A_2106 = vector.broadcast %sign3A_2105 : i32 to vector<16xi32>
      %sign3A_2107 = arith.cmpi sgt, %add3A_2101, %sign3A_2106 : vector<16xi32>
      %sign3A_2108 = arith.extui %sign3A_2107 : vector<16xi1> to vector<16xi32>
      %sign3A_2109 = arith.constant 0 : i32
      %sign3A_2110 = vector.broadcast %sign3A_2109 : i32 to vector<16xi32>
      %sign3A_2111 = arith.cmpi slt, %add3A_2101, %sign3A_2110 : vector<16xi32>
      %sign3A_2112 = arith.extui %sign3A_2111 : vector<16xi1> to vector<16xi32>
      %sign3A_2113 = arith.subi %sign3A_2108, %sign3A_2112 : vector<16xi32>
      %sign3A_2114 = arith.constant 0 : i32
      %sign3A_2115 = arith.cmpi sgt, %jit3A_2102, %sign3A_2114 : i32
      %sign3A_2116 = arith.extui %sign3A_2115 : i1 to i32
      %sign3A_2117 = arith.constant 0 : i32
      %sign3A_2118 = arith.cmpi slt, %jit3A_2102, %sign3A_2117 : i32
      %sign3A_2119 = arith.extui %sign3A_2118 : i1 to i32
      %sign3A_2120 = arith.subi %sign3A_2116, %sign3A_2119 : i32
      %ne3A_2121 = vector.broadcast %sign3A_2120 : i32 to vector<16xi32>
      %ne3A_2122 = arith.cmpi ne, %sign3A_2113, %ne3A_2121 : vector<16xi32>
      %rem3A_2123 = vector.broadcast %jit3A_2102 : i32 to vector<16xi32>
      %rem3A_2124 = arith.remsi %add3A_2101, %rem3A_2123 : vector<16xi32>
      %ne3A_2125 = arith.constant 0 : i32
      %ne3A_2126 = vector.broadcast %ne3A_2125 : i32 to vector<16xi32>
      %ne3A_2127 = arith.cmpi ne, %rem3A_2124, %ne3A_2126 : vector<16xi32>
      %and3A_2128 = arith.andi %ne3A_2122, %ne3A_2127 : vector<16xi1>
      %sub3A_2129 = arith.constant 1 : i32
      %sub3A_2130 = vector.broadcast %sub3A_2129 : i32 to vector<16xi32>
      %sub3A_2131 = arith.subi %div3A_2104, %sub3A_2130 : vector<16xi32>
      %select_n3A_2132 = arith.select %and3A_2128, %sub3A_2131, %div3A_2104 : vector<16xi1>, vector<16xi32>
      %min3A_2133 = arith.constant 63 : i32
      %min3A_2134 = vector.broadcast %min3A_2133 : i32 to vector<16xi32>
      %min3A_2135 = arith.minsi %select_n3A_2132, %min3A_2134 : vector<16xi32>
      %gather3A_2136 = tpu.vector_load_idx %arg11[%min3A_2135] : memref<64xi32, #tpu.memory_space<vmem>>[vector<16xi32>], vector<16xi32>,
      %le3A_2137 = arith.cmpi sle, %gather3A_2136, %add3A_1844 : vector<16xi32>
      %add3A_2138 = arith.constant 1 : i32
      %add3A_2139 = vector.broadcast %add3A_2138 : i32 to vector<16xi32>
      %add3A_2140 = arith.addi %min3A_2135, %add3A_2139 : vector<16xi32>
      %select_n3A_2141 = arith.select %le3A_2137, %add3A_2140, %select_n3A_2099 : vector<16xi1>, vector<16xi32>
      %select_n3A_2142 = arith.select %le3A_2137, %select_n3A_2100, %min3A_2135 : vector<16xi1>, vector<16xi32>
      %min3A_2143 = arith.constant 63 : i32
      %min3A_2144 = vector.broadcast %min3A_2143 : i32 to vector<16xi32>
      %min3A_2145 = arith.minsi %select_n3A_2141, %min3A_2144 : vector<16xi32>
      %eq3A_2146 = arith.constant 96 : i32
      %eq3A_2147 = vector.broadcast %eq3A_2146 : i32 to vector<16xi32>
      %eq3A_2148 = arith.cmpi eq, %add3A_1844, %eq3A_2147 : vector<16xi32>
      %broadcast_in_dim3A_2149 = vector.broadcast %squeeze3A_283 : i32 to vector<16xi32>
      %select_n3A_2150 = arith.select %eq3A_2148, %broadcast_in_dim3A_2149, %min3A_2145 : vector<16xi1>, vector<16xi32>
      %swap3A_2151 = arith.constant 80 : index
      %swap3A_2152 = tpu.vector_load %arg12[%swap3A_2151] {strides = array<i32>} : memref<112xi32, #tpu.memory_space<vmem>>, vector<16xi32>,
      tpu.vector_store %arg12[%swap3A_2151], %select_n3A_2150 {strides = array<i32>} : memref<112xi32, #tpu.memory_space<vmem>>, vector<16xi32>,
      %iota3A_2153 = tpu.iota {dimensions = array<i32: 0>} : vector<16xi32>
      %add3A_2154 = arith.constant 96 : i32
      %add3A_2155 = vector.broadcast %add3A_2154 : i32 to vector<16xi32>
      %add3A_2156 = arith.addi %iota3A_2153, %add3A_2155 : vector<16xi32>
      %broadcast_in_dim3A_2157 = arith.constant 0 : i32
      %broadcast_in_dim3A_2158 = vector.broadcast %broadcast_in_dim3A_2157 : i32 to vector<16xi32>
      %broadcast_in_dim3A_2159 = arith.constant 64 : i32
      %broadcast_in_dim3A_2160 = vector.broadcast %broadcast_in_dim3A_2159 : i32 to vector<16xi32>
      %add3A_2161 = arith.addi %broadcast_in_dim3A_2158, %broadcast_in_dim3A_2160 : vector<16xi32>
      %jit3A_2162 = arith.constant 2 : i32
      %div3A_2163 = vector.broadcast %jit3A_2162 : i32 to vector<16xi32>
      %div3A_2164 = arith.divsi %add3A_2161, %div3A_2163 : vector<16xi32>
      %sign3A_2165 = arith.constant 0 : i32
      %sign3A_2166 = vector.broadcast %sign3A_2165 : i32 to vector<16xi32>
      %sign3A_2167 = arith.cmpi sgt, %add3A_2161, %sign3A_2166 : vector<16xi32>
      %sign3A_2168 = arith.extui %sign3A_2167 : vector<16xi1> to vector<16xi32>
      %sign3A_2169 = arith.constant 0 : i32
      %sign3A_2170 = vector.broadcast %sign3A_2169 : i32 to vector<16xi32>
      %sign3A_2171 = arith.cmpi slt, %add3A_2161, %sign3A_2170 : vector<16xi32>
      %sign3A_2172 = arith.extui %sign3A_2171 : vector<16xi1> to vector<16xi32>
      %sign3A_2173 = arith.subi %sign3A_2168, %sign3A_2172 : vector<16xi32>
      %sign3A_2174 = arith.constant 0 : i32
      %sign3A_2175 = arith.cmpi sgt, %jit3A_2162, %sign3A_2174 : i32
      %sign3A_2176 = arith.extui %sign3A_2175 : i1 to i32
      %sign3A_2177 = arith.constant 0 : i32
      %sign3A_2178 = arith.cmpi slt, %jit3A_2162, %sign3A_2177 : i32
      %sign3A_2179 = arith.extui %sign3A_2178 : i1 to i32
      %sign3A_2180 = arith.subi %sign3A_2176, %sign3A_2179 : i32
      %ne3A_2181 = vector.broadcast %sign3A_2180 : i32 to vector<16xi32>
      %ne3A_2182 = arith.cmpi ne, %sign3A_2173, %ne3A_2181 : vector<16xi32>
      %rem3A_2183 = vector.broadcast %jit3A_2162 : i32 to vector<16xi32>
      %rem3A_2184 = arith.remsi %add3A_2161, %rem3A_2183 : vector<16xi32>
      %ne3A_2185 = arith.constant 0 : i32
      %ne3A_2186 = vector.broadcast %ne3A_2185 : i32 to vector<16xi32>
      %ne3A_2187 = arith.cmpi ne, %rem3A_2184, %ne3A_2186 : vector<16xi32>
      %and3A_2188 = arith.andi %ne3A_2182, %ne3A_2187 : vector<16xi1>
      %sub3A_2189 = arith.constant 1 : i32
      %sub3A_2190 = vector.broadcast %sub3A_2189 : i32 to vector<16xi32>
      %sub3A_2191 = arith.subi %div3A_2164, %sub3A_2190 : vector<16xi32>
      %select_n3A_2192 = arith.select %and3A_2188, %sub3A_2191, %div3A_2164 : vector<16xi1>, vector<16xi32>
      %min3A_2193 = arith.constant 63 : i32
      %min3A_2194 = vector.broadcast %min3A_2193 : i32 to vector<16xi32>
      %min3A_2195 = arith.minsi %select_n3A_2192, %min3A_2194 : vector<16xi32>
      %gather3A_2196 = tpu.vector_load_idx %arg11[%min3A_2195] : memref<64xi32, #tpu.memory_space<vmem>>[vector<16xi32>], vector<16xi32>,
      %le3A_2197 = arith.cmpi sle, %gather3A_2196, %add3A_2156 : vector<16xi32>
      %add3A_2198 = arith.constant 1 : i32
      %add3A_2199 = vector.broadcast %add3A_2198 : i32 to vector<16xi32>
      %add3A_2200 = arith.addi %min3A_2195, %add3A_2199 : vector<16xi32>
      %select_n3A_2201 = arith.select %le3A_2197, %add3A_2200, %broadcast_in_dim3A_2158 : vector<16xi1>, vector<16xi32>
      %select_n3A_2202 = arith.select %le3A_2197, %broadcast_in_dim3A_2160, %min3A_2195 : vector<16xi1>, vector<16xi32>
      %add3A_2203 = arith.addi %select_n3A_2201, %select_n3A_2202 : vector<16xi32>
      %jit3A_2204 = arith.constant 2 : i32
      %div3A_2205 = vector.broadcast %jit3A_2204 : i32 to vector<16xi32>
      %div3A_2206 = arith.divsi %add3A_2203, %div3A_2205 : vector<16xi32>
      %sign3A_2207 = arith.constant 0 : i32
      %sign3A_2208 = vector.broadcast %sign3A_2207 : i32 to vector<16xi32>
      %sign3A_2209 = arith.cmpi sgt, %add3A_2203, %sign3A_2208 : vector<16xi32>
      %sign3A_2210 = arith.extui %sign3A_2209 : vector<16xi1> to vector<16xi32>
      %sign3A_2211 = arith.constant 0 : i32
      %sign3A_2212 = vector.broadcast %sign3A_2211 : i32 to vector<16xi32>
      %sign3A_2213 = arith.cmpi slt, %add3A_2203, %sign3A_2212 : vector<16xi32>
      %sign3A_2214 = arith.extui %sign3A_2213 : vector<16xi1> to vector<16xi32>
      %sign3A_2215 = arith.subi %sign3A_2210, %sign3A_2214 : vector<16xi32>
      %sign3A_2216 = arith.constant 0 : i32
      %sign3A_2217 = arith.cmpi sgt, %jit3A_2204, %sign3A_2216 : i32
      %sign3A_2218 = arith.extui %sign3A_2217 : i1 to i32
      %sign3A_2219 = arith.constant 0 : i32
      %sign3A_2220 = arith.cmpi slt, %jit3A_2204, %sign3A_2219 : i32
      %sign3A_2221 = arith.extui %sign3A_2220 : i1 to i32
      %sign3A_2222 = arith.subi %sign3A_2218, %sign3A_2221 : i32
      %ne3A_2223 = vector.broadcast %sign3A_2222 : i32 to vector<16xi32>
      %ne3A_2224 = arith.cmpi ne, %sign3A_2215, %ne3A_2223 : vector<16xi32>
      %rem3A_2225 = vector.broadcast %jit3A_2204 : i32 to vector<16xi32>
      %rem3A_2226 = arith.remsi %add3A_2203, %rem3A_2225 : vector<16xi32>
      %ne3A_2227 = arith.constant 0 : i32
      %ne3A_2228 = vector.broadcast %ne3A_2227 : i32 to vector<16xi32>
      %ne3A_2229 = arith.cmpi ne, %rem3A_2226, %ne3A_2228 : vector<16xi32>
      %and3A_2230 = arith.andi %ne3A_2224, %ne3A_2229 : vector<16xi1>
      %sub3A_2231 = arith.constant 1 : i32
      %sub3A_2232 = vector.broadcast %sub3A_2231 : i32 to vector<16xi32>
      %sub3A_2233 = arith.subi %div3A_2206, %sub3A_2232 : vector<16xi32>
      %select_n3A_2234 = arith.select %and3A_2230, %sub3A_2233, %div3A_2206 : vector<16xi1>, vector<16xi32>
      %min3A_2235 = arith.constant 63 : i32
      %min3A_2236 = vector.broadcast %min3A_2235 : i32 to vector<16xi32>
      %min3A_2237 = arith.minsi %select_n3A_2234, %min3A_2236 : vector<16xi32>
      %gather3A_2238 = tpu.vector_load_idx %arg11[%min3A_2237] : memref<64xi32, #tpu.memory_space<vmem>>[vector<16xi32>], vector<16xi32>,
      %le3A_2239 = arith.cmpi sle, %gather3A_2238, %add3A_2156 : vector<16xi32>
      %add3A_2240 = arith.constant 1 : i32
      %add3A_2241 = vector.broadcast %add3A_2240 : i32 to vector<16xi32>
      %add3A_2242 = arith.addi %min3A_2237, %add3A_2241 : vector<16xi32>
      %select_n3A_2243 = arith.select %le3A_2239, %add3A_2242, %select_n3A_2201 : vector<16xi1>, vector<16xi32>
      %select_n3A_2244 = arith.select %le3A_2239, %select_n3A_2202, %min3A_2237 : vector<16xi1>, vector<16xi32>
      %add3A_2245 = arith.addi %select_n3A_2243, %select_n3A_2244 : vector<16xi32>
      %jit3A_2246 = arith.constant 2 : i32
      %div3A_2247 = vector.broadcast %jit3A_2246 : i32 to vector<16xi32>
      %div3A_2248 = arith.divsi %add3A_2245, %div3A_2247 : vector<16xi32>
      %sign3A_2249 = arith.constant 0 : i32
      %sign3A_2250 = vector.broadcast %sign3A_2249 : i32 to vector<16xi32>
      %sign3A_2251 = arith.cmpi sgt, %add3A_2245, %sign3A_2250 : vector<16xi32>
      %sign3A_2252 = arith.extui %sign3A_2251 : vector<16xi1> to vector<16xi32>
      %sign3A_2253 = arith.constant 0 : i32
      %sign3A_2254 = vector.broadcast %sign3A_2253 : i32 to vector<16xi32>
      %sign3A_2255 = arith.cmpi slt, %add3A_2245, %sign3A_2254 : vector<16xi32>
      %sign3A_2256 = arith.extui %sign3A_2255 : vector<16xi1> to vector<16xi32>
      %sign3A_2257 = arith.subi %sign3A_2252, %sign3A_2256 : vector<16xi32>
      %sign3A_2258 = arith.constant 0 : i32
      %sign3A_2259 = arith.cmpi sgt, %jit3A_2246, %sign3A_2258 : i32
      %sign3A_2260 = arith.extui %sign3A_2259 : i1 to i32
      %sign3A_2261 = arith.constant 0 : i32
      %sign3A_2262 = arith.cmpi slt, %jit3A_2246, %sign3A_2261 : i32
      %sign3A_2263 = arith.extui %sign3A_2262 : i1 to i32
      %sign3A_2264 = arith.subi %sign3A_2260, %sign3A_2263 : i32
      %ne3A_2265 = vector.broadcast %sign3A_2264 : i32 to vector<16xi32>
      %ne3A_2266 = arith.cmpi ne, %sign3A_2257, %ne3A_2265 : vector<16xi32>
      %rem3A_2267 = vector.broadcast %jit3A_2246 : i32 to vector<16xi32>
      %rem3A_2268 = arith.remsi %add3A_2245, %rem3A_2267 : vector<16xi32>
      %ne3A_2269 = arith.constant 0 : i32
      %ne3A_2270 = vector.broadcast %ne3A_2269 : i32 to vector<16xi32>
      %ne3A_2271 = arith.cmpi ne, %rem3A_2268, %ne3A_2270 : vector<16xi32>
      %and3A_2272 = arith.andi %ne3A_2266, %ne3A_2271 : vector<16xi1>
      %sub3A_2273 = arith.constant 1 : i32
      %sub3A_2274 = vector.broadcast %sub3A_2273 : i32 to vector<16xi32>
      %sub3A_2275 = arith.subi %div3A_2248, %sub3A_2274 : vector<16xi32>
      %select_n3A_2276 = arith.select %and3A_2272, %sub3A_2275, %div3A_2248 : vector<16xi1>, vector<16xi32>
      %min3A_2277 = arith.constant 63 : i32
      %min3A_2278 = vector.broadcast %min3A_2277 : i32 to vector<16xi32>
      %min3A_2279 = arith.minsi %select_n3A_2276, %min3A_2278 : vector<16xi32>
      %gather3A_2280 = tpu.vector_load_idx %arg11[%min3A_2279] : memref<64xi32, #tpu.memory_space<vmem>>[vector<16xi32>], vector<16xi32>,
      %le3A_2281 = arith.cmpi sle, %gather3A_2280, %add3A_2156 : vector<16xi32>
      %add3A_2282 = arith.constant 1 : i32
      %add3A_2283 = vector.broadcast %add3A_2282 : i32 to vector<16xi32>
      %add3A_2284 = arith.addi %min3A_2279, %add3A_2283 : vector<16xi32>
      %select_n3A_2285 = arith.select %le3A_2281, %add3A_2284, %select_n3A_2243 : vector<16xi1>, vector<16xi32>
      %select_n3A_2286 = arith.select %le3A_2281, %select_n3A_2244, %min3A_2279 : vector<16xi1>, vector<16xi32>
      %add3A_2287 = arith.addi %select_n3A_2285, %select_n3A_2286 : vector<16xi32>
      %jit3A_2288 = arith.constant 2 : i32
      %div3A_2289 = vector.broadcast %jit3A_2288 : i32 to vector<16xi32>
      %div3A_2290 = arith.divsi %add3A_2287, %div3A_2289 : vector<16xi32>
      %sign3A_2291 = arith.constant 0 : i32
      %sign3A_2292 = vector.broadcast %sign3A_2291 : i32 to vector<16xi32>
      %sign3A_2293 = arith.cmpi sgt, %add3A_2287, %sign3A_2292 : vector<16xi32>
      %sign3A_2294 = arith.extui %sign3A_2293 : vector<16xi1> to vector<16xi32>
      %sign3A_2295 = arith.constant 0 : i32
      %sign3A_2296 = vector.broadcast %sign3A_2295 : i32 to vector<16xi32>
      %sign3A_2297 = arith.cmpi slt, %add3A_2287, %sign3A_2296 : vector<16xi32>
      %sign3A_2298 = arith.extui %sign3A_2297 : vector<16xi1> to vector<16xi32>
      %sign3A_2299 = arith.subi %sign3A_2294, %sign3A_2298 : vector<16xi32>
      %sign3A_2300 = arith.constant 0 : i32
      %sign3A_2301 = arith.cmpi sgt, %jit3A_2288, %sign3A_2300 : i32
      %sign3A_2302 = arith.extui %sign3A_2301 : i1 to i32
      %sign3A_2303 = arith.constant 0 : i32
      %sign3A_2304 = arith.cmpi slt, %jit3A_2288, %sign3A_2303 : i32
      %sign3A_2305 = arith.extui %sign3A_2304 : i1 to i32
      %sign3A_2306 = arith.subi %sign3A_2302, %sign3A_2305 : i32
      %ne3A_2307 = vector.broadcast %sign3A_2306 : i32 to vector<16xi32>
      %ne3A_2308 = arith.cmpi ne, %sign3A_2299, %ne3A_2307 : vector<16xi32>
      %rem3A_2309 = vector.broadcast %jit3A_2288 : i32 to vector<16xi32>
      %rem3A_2310 = arith.remsi %add3A_2287, %rem3A_2309 : vector<16xi32>
      %ne3A_2311 = arith.constant 0 : i32
      %ne3A_2312 = vector.broadcast %ne3A_2311 : i32 to vector<16xi32>
      %ne3A_2313 = arith.cmpi ne, %rem3A_2310, %ne3A_2312 : vector<16xi32>
      %and3A_2314 = arith.andi %ne3A_2308, %ne3A_2313 : vector<16xi1>
      %sub3A_2315 = arith.constant 1 : i32
      %sub3A_2316 = vector.broadcast %sub3A_2315 : i32 to vector<16xi32>
      %sub3A_2317 = arith.subi %div3A_2290, %sub3A_2316 : vector<16xi32>
      %select_n3A_2318 = arith.select %and3A_2314, %sub3A_2317, %div3A_2290 : vector<16xi1>, vector<16xi32>
      %min3A_2319 = arith.constant 63 : i32
      %min3A_2320 = vector.broadcast %min3A_2319 : i32 to vector<16xi32>
      %min3A_2321 = arith.minsi %select_n3A_2318, %min3A_2320 : vector<16xi32>
      %gather3A_2322 = tpu.vector_load_idx %arg11[%min3A_2321] : memref<64xi32, #tpu.memory_space<vmem>>[vector<16xi32>], vector<16xi32>,
      %le3A_2323 = arith.cmpi sle, %gather3A_2322, %add3A_2156 : vector<16xi32>
      %add3A_2324 = arith.constant 1 : i32
      %add3A_2325 = vector.broadcast %add3A_2324 : i32 to vector<16xi32>
      %add3A_2326 = arith.addi %min3A_2321, %add3A_2325 : vector<16xi32>
      %select_n3A_2327 = arith.select %le3A_2323, %add3A_2326, %select_n3A_2285 : vector<16xi1>, vector<16xi32>
      %select_n3A_2328 = arith.select %le3A_2323, %select_n3A_2286, %min3A_2321 : vector<16xi1>, vector<16xi32>
      %add3A_2329 = arith.addi %select_n3A_2327, %select_n3A_2328 : vector<16xi32>
      %jit3A_2330 = arith.constant 2 : i32
      %div3A_2331 = vector.broadcast %jit3A_2330 : i32 to vector<16xi32>
      %div3A_2332 = arith.divsi %add3A_2329, %div3A_2331 : vector<16xi32>
      %sign3A_2333 = arith.constant 0 : i32
      %sign3A_2334 = vector.broadcast %sign3A_2333 : i32 to vector<16xi32>
      %sign3A_2335 = arith.cmpi sgt, %add3A_2329, %sign3A_2334 : vector<16xi32>
      %sign3A_2336 = arith.extui %sign3A_2335 : vector<16xi1> to vector<16xi32>
      %sign3A_2337 = arith.constant 0 : i32
      %sign3A_2338 = vector.broadcast %sign3A_2337 : i32 to vector<16xi32>
      %sign3A_2339 = arith.cmpi slt, %add3A_2329, %sign3A_2338 : vector<16xi32>
      %sign3A_2340 = arith.extui %sign3A_2339 : vector<16xi1> to vector<16xi32>
      %sign3A_2341 = arith.subi %sign3A_2336, %sign3A_2340 : vector<16xi32>
      %sign3A_2342 = arith.constant 0 : i32
      %sign3A_2343 = arith.cmpi sgt, %jit3A_2330, %sign3A_2342 : i32
      %sign3A_2344 = arith.extui %sign3A_2343 : i1 to i32
      %sign3A_2345 = arith.constant 0 : i32
      %sign3A_2346 = arith.cmpi slt, %jit3A_2330, %sign3A_2345 : i32
      %sign3A_2347 = arith.extui %sign3A_2346 : i1 to i32
      %sign3A_2348 = arith.subi %sign3A_2344, %sign3A_2347 : i32
      %ne3A_2349 = vector.broadcast %sign3A_2348 : i32 to vector<16xi32>
      %ne3A_2350 = arith.cmpi ne, %sign3A_2341, %ne3A_2349 : vector<16xi32>
      %rem3A_2351 = vector.broadcast %jit3A_2330 : i32 to vector<16xi32>
      %rem3A_2352 = arith.remsi %add3A_2329, %rem3A_2351 : vector<16xi32>
      %ne3A_2353 = arith.constant 0 : i32
      %ne3A_2354 = vector.broadcast %ne3A_2353 : i32 to vector<16xi32>
      %ne3A_2355 = arith.cmpi ne, %rem3A_2352, %ne3A_2354 : vector<16xi32>
      %and3A_2356 = arith.andi %ne3A_2350, %ne3A_2355 : vector<16xi1>
      %sub3A_2357 = arith.constant 1 : i32
      %sub3A_2358 = vector.broadcast %sub3A_2357 : i32 to vector<16xi32>
      %sub3A_2359 = arith.subi %div3A_2332, %sub3A_2358 : vector<16xi32>
      %select_n3A_2360 = arith.select %and3A_2356, %sub3A_2359, %div3A_2332 : vector<16xi1>, vector<16xi32>
      %min3A_2361 = arith.constant 63 : i32
      %min3A_2362 = vector.broadcast %min3A_2361 : i32 to vector<16xi32>
      %min3A_2363 = arith.minsi %select_n3A_2360, %min3A_2362 : vector<16xi32>
      %gather3A_2364 = tpu.vector_load_idx %arg11[%min3A_2363] : memref<64xi32, #tpu.memory_space<vmem>>[vector<16xi32>], vector<16xi32>,
      %le3A_2365 = arith.cmpi sle, %gather3A_2364, %add3A_2156 : vector<16xi32>
      %add3A_2366 = arith.constant 1 : i32
      %add3A_2367 = vector.broadcast %add3A_2366 : i32 to vector<16xi32>
      %add3A_2368 = arith.addi %min3A_2363, %add3A_2367 : vector<16xi32>
      %select_n3A_2369 = arith.select %le3A_2365, %add3A_2368, %select_n3A_2327 : vector<16xi1>, vector<16xi32>
      %select_n3A_2370 = arith.select %le3A_2365, %select_n3A_2328, %min3A_2363 : vector<16xi1>, vector<16xi32>
      %add3A_2371 = arith.addi %select_n3A_2369, %select_n3A_2370 : vector<16xi32>
      %jit3A_2372 = arith.constant 2 : i32
      %div3A_2373 = vector.broadcast %jit3A_2372 : i32 to vector<16xi32>
      %div3A_2374 = arith.divsi %add3A_2371, %div3A_2373 : vector<16xi32>
      %sign3A_2375 = arith.constant 0 : i32
      %sign3A_2376 = vector.broadcast %sign3A_2375 : i32 to vector<16xi32>
      %sign3A_2377 = arith.cmpi sgt, %add3A_2371, %sign3A_2376 : vector<16xi32>
      %sign3A_2378 = arith.extui %sign3A_2377 : vector<16xi1> to vector<16xi32>
      %sign3A_2379 = arith.constant 0 : i32
      %sign3A_2380 = vector.broadcast %sign3A_2379 : i32 to vector<16xi32>
      %sign3A_2381 = arith.cmpi slt, %add3A_2371, %sign3A_2380 : vector<16xi32>
      %sign3A_2382 = arith.extui %sign3A_2381 : vector<16xi1> to vector<16xi32>
      %sign3A_2383 = arith.subi %sign3A_2378, %sign3A_2382 : vector<16xi32>
      %sign3A_2384 = arith.constant 0 : i32
      %sign3A_2385 = arith.cmpi sgt, %jit3A_2372, %sign3A_2384 : i32
      %sign3A_2386 = arith.extui %sign3A_2385 : i1 to i32
      %sign3A_2387 = arith.constant 0 : i32
      %sign3A_2388 = arith.cmpi slt, %jit3A_2372, %sign3A_2387 : i32
      %sign3A_2389 = arith.extui %sign3A_2388 : i1 to i32
      %sign3A_2390 = arith.subi %sign3A_2386, %sign3A_2389 : i32
      %ne3A_2391 = vector.broadcast %sign3A_2390 : i32 to vector<16xi32>
      %ne3A_2392 = arith.cmpi ne, %sign3A_2383, %ne3A_2391 : vector<16xi32>
      %rem3A_2393 = vector.broadcast %jit3A_2372 : i32 to vector<16xi32>
      %rem3A_2394 = arith.remsi %add3A_2371, %rem3A_2393 : vector<16xi32>
      %ne3A_2395 = arith.constant 0 : i32
      %ne3A_2396 = vector.broadcast %ne3A_2395 : i32 to vector<16xi32>
      %ne3A_2397 = arith.cmpi ne, %rem3A_2394, %ne3A_2396 : vector<16xi32>
      %and3A_2398 = arith.andi %ne3A_2392, %ne3A_2397 : vector<16xi1>
      %sub3A_2399 = arith.constant 1 : i32
      %sub3A_2400 = vector.broadcast %sub3A_2399 : i32 to vector<16xi32>
      %sub3A_2401 = arith.subi %div3A_2374, %sub3A_2400 : vector<16xi32>
      %select_n3A_2402 = arith.select %and3A_2398, %sub3A_2401, %div3A_2374 : vector<16xi1>, vector<16xi32>
      %min3A_2403 = arith.constant 63 : i32
      %min3A_2404 = vector.broadcast %min3A_2403 : i32 to vector<16xi32>
      %min3A_2405 = arith.minsi %select_n3A_2402, %min3A_2404 : vector<16xi32>
      %gather3A_2406 = tpu.vector_load_idx %arg11[%min3A_2405] : memref<64xi32, #tpu.memory_space<vmem>>[vector<16xi32>], vector<16xi32>,
      %le3A_2407 = arith.cmpi sle, %gather3A_2406, %add3A_2156 : vector<16xi32>
      %add3A_2408 = arith.constant 1 : i32
      %add3A_2409 = vector.broadcast %add3A_2408 : i32 to vector<16xi32>
      %add3A_2410 = arith.addi %min3A_2405, %add3A_2409 : vector<16xi32>
      %select_n3A_2411 = arith.select %le3A_2407, %add3A_2410, %select_n3A_2369 : vector<16xi1>, vector<16xi32>
      %select_n3A_2412 = arith.select %le3A_2407, %select_n3A_2370, %min3A_2405 : vector<16xi1>, vector<16xi32>
      %add3A_2413 = arith.addi %select_n3A_2411, %select_n3A_2412 : vector<16xi32>
      %jit3A_2414 = arith.constant 2 : i32
      %div3A_2415 = vector.broadcast %jit3A_2414 : i32 to vector<16xi32>
      %div3A_2416 = arith.divsi %add3A_2413, %div3A_2415 : vector<16xi32>
      %sign3A_2417 = arith.constant 0 : i32
      %sign3A_2418 = vector.broadcast %sign3A_2417 : i32 to vector<16xi32>
      %sign3A_2419 = arith.cmpi sgt, %add3A_2413, %sign3A_2418 : vector<16xi32>
      %sign3A_2420 = arith.extui %sign3A_2419 : vector<16xi1> to vector<16xi32>
      %sign3A_2421 = arith.constant 0 : i32
      %sign3A_2422 = vector.broadcast %sign3A_2421 : i32 to vector<16xi32>
      %sign3A_2423 = arith.cmpi slt, %add3A_2413, %sign3A_2422 : vector<16xi32>
      %sign3A_2424 = arith.extui %sign3A_2423 : vector<16xi1> to vector<16xi32>
      %sign3A_2425 = arith.subi %sign3A_2420, %sign3A_2424 : vector<16xi32>
      %sign3A_2426 = arith.constant 0 : i32
      %sign3A_2427 = arith.cmpi sgt, %jit3A_2414, %sign3A_2426 : i32
      %sign3A_2428 = arith.extui %sign3A_2427 : i1 to i32
      %sign3A_2429 = arith.constant 0 : i32
      %sign3A_2430 = arith.cmpi slt, %jit3A_2414, %sign3A_2429 : i32
      %sign3A_2431 = arith.extui %sign3A_2430 : i1 to i32
      %sign3A_2432 = arith.subi %sign3A_2428, %sign3A_2431 : i32
      %ne3A_2433 = vector.broadcast %sign3A_2432 : i32 to vector<16xi32>
      %ne3A_2434 = arith.cmpi ne, %sign3A_2425, %ne3A_2433 : vector<16xi32>
      %rem3A_2435 = vector.broadcast %jit3A_2414 : i32 to vector<16xi32>
      %rem3A_2436 = arith.remsi %add3A_2413, %rem3A_2435 : vector<16xi32>
      %ne3A_2437 = arith.constant 0 : i32
      %ne3A_2438 = vector.broadcast %ne3A_2437 : i32 to vector<16xi32>
      %ne3A_2439 = arith.cmpi ne, %rem3A_2436, %ne3A_2438 : vector<16xi32>
      %and3A_2440 = arith.andi %ne3A_2434, %ne3A_2439 : vector<16xi1>
      %sub3A_2441 = arith.constant 1 : i32
      %sub3A_2442 = vector.broadcast %sub3A_2441 : i32 to vector<16xi32>
      %sub3A_2443 = arith.subi %div3A_2416, %sub3A_2442 : vector<16xi32>
      %select_n3A_2444 = arith.select %and3A_2440, %sub3A_2443, %div3A_2416 : vector<16xi1>, vector<16xi32>
      %min3A_2445 = arith.constant 63 : i32
      %min3A_2446 = vector.broadcast %min3A_2445 : i32 to vector<16xi32>
      %min3A_2447 = arith.minsi %select_n3A_2444, %min3A_2446 : vector<16xi32>
      %gather3A_2448 = tpu.vector_load_idx %arg11[%min3A_2447] : memref<64xi32, #tpu.memory_space<vmem>>[vector<16xi32>], vector<16xi32>,
      %le3A_2449 = arith.cmpi sle, %gather3A_2448, %add3A_2156 : vector<16xi32>
      %add3A_2450 = arith.constant 1 : i32
      %add3A_2451 = vector.broadcast %add3A_2450 : i32 to vector<16xi32>
      %add3A_2452 = arith.addi %min3A_2447, %add3A_2451 : vector<16xi32>
      %select_n3A_2453 = arith.select %le3A_2449, %add3A_2452, %select_n3A_2411 : vector<16xi1>, vector<16xi32>
      %select_n3A_2454 = arith.select %le3A_2449, %select_n3A_2412, %min3A_2447 : vector<16xi1>, vector<16xi32>
      %min3A_2455 = arith.constant 63 : i32
      %min3A_2456 = vector.broadcast %min3A_2455 : i32 to vector<16xi32>
      %min3A_2457 = arith.minsi %select_n3A_2453, %min3A_2456 : vector<16xi32>
      %eq3A_2458 = arith.constant 96 : i32
      %eq3A_2459 = vector.broadcast %eq3A_2458 : i32 to vector<16xi32>
      %eq3A_2460 = arith.cmpi eq, %add3A_2156, %eq3A_2459 : vector<16xi32>
      %broadcast_in_dim3A_2461 = vector.broadcast %squeeze3A_283 : i32 to vector<16xi32>
      %select_n3A_2462 = arith.select %eq3A_2460, %broadcast_in_dim3A_2461, %min3A_2457 : vector<16xi1>, vector<16xi32>
      %swap3A_2463 = arith.constant 96 : index
      %swap3A_2464 = tpu.vector_load %arg12[%swap3A_2463] {strides = array<i32>} : memref<112xi32, #tpu.memory_space<vmem>>, vector<16xi32>,
      tpu.vector_store %arg12[%swap3A_2463], %select_n3A_2462 {strides = array<i32>} : memref<112xi32, #tpu.memory_space<vmem>>, vector<16xi32>,
      "tpu.region"() ({
        %run_scoped3A = tpu.sem_alloc : memref<!tpu.dma_semaphore, #tpu.memory_space<semaphore_mem>>
        tpu.enqueue_dma source(%arg12 : memref<112xi32, #tpu.memory_space<vmem>>) target(%arg5 : memref<112xi32, #tpu.memory_space<hbm>>) target_semaphore(%run_scoped3A : memref<!tpu.dma_semaphore, #tpu.memory_space<semaphore_mem>>)
        tpu.wait_dma2 semaphore(%run_scoped3A : memref<!tpu.dma_semaphore, #tpu.memory_space<semaphore_mem>>) src(%arg12 : memref<112xi32, #tpu.memory_space<vmem>>) dst(%arg5 : memref<112xi32, #tpu.memory_space<hbm>>)
        tpu.yield
      }) : () -> ()
    } else {
    }
    "tpu.region"() ({
      %run_scoped3A = tpu.sem_alloc : memref<!tpu.dma_semaphore, #tpu.memory_space<semaphore_mem>>
      %dma_start3A_280 = arith.constant 0 : i32
      %dma_start3A_281 = tpu.memref_slice %arg3[%mul3A_2, %dma_start3A_280] : memref<2048x768xf32, #tpu.memory_space<hbm>> -> memref<64x768xf32, #tpu.memory_space<hbm>>
      %dma_start3A_282 = arith.constant 0 : i32
      %dma_start3A_283 = tpu.memref_slice %arg3[%mul3A_2, %dma_start3A_282] : memref<2048x768xf32, #tpu.memory_space<hbm>> -> memref<64x768xf32, #tpu.memory_space<hbm>>
      tpu.enqueue_dma source(%dma_start3A_283 : memref<64x768xf32, #tpu.memory_space<hbm>>) target(%arg14 : memref<64x768xf32, #tpu.memory_space<vmem>>) target_semaphore(%run_scoped3A : memref<!tpu.dma_semaphore, #tpu.memory_space<semaphore_mem>>)
      %dma_wait3A_284 = arith.constant 0 : i32
      %dma_wait3A_285 = tpu.memref_slice %arg3[%mul3A_2, %dma_wait3A_284] : memref<2048x768xf32, #tpu.memory_space<hbm>> -> memref<64x768xf32, #tpu.memory_space<hbm>>
      %dma_wait3A_286 = arith.constant 0 : i32
      %dma_wait3A_287 = tpu.memref_slice %arg3[%mul3A_2, %dma_wait3A_286] : memref<2048x768xf32, #tpu.memory_space<hbm>> -> memref<64x768xf32, #tpu.memory_space<hbm>>
      tpu.wait_dma2 semaphore(%run_scoped3A : memref<!tpu.dma_semaphore, #tpu.memory_space<semaphore_mem>>) src(%dma_wait3A_287 : memref<64x768xf32, #tpu.memory_space<hbm>>) dst(%arg14 : memref<64x768xf32, #tpu.memory_space<vmem>>)
      tpu.yield
    }) : () -> ()
    %dma_start3A = arith.constant 0 : i32
    %dma_start3A_276 = arith.constant 0 : i32
    %dma_start3A_277 = tpu.memref_slice %arg6[%dma_start3A, %dma_start3A_276] : memref<6144x768xf32, #tpu.memory_space<hbm>> -> memref<6144x768xf32, #tpu.memory_space<hbm>>
    tpu.enqueue_indirect_dma source(%arg14 : memref<64x768xf32, #tpu.memory_space<vmem>>) target(%dma_start3A_277 : memref<6144x768xf32, #tpu.memory_space<hbm>>) offsets(%arg13 : memref<64xi32, #tpu.memory_space<vmem>>) semaphore(%arg15 : memref<!tpu.dma_semaphore, #tpu.memory_space<semaphore_mem>>)
    %dma_wait3A = arith.constant 0 : i32
    %dma_wait3A_278 = arith.constant 0 : i32
    %dma_wait3A_279 = tpu.memref_slice %arg6[%dma_wait3A, %dma_wait3A_278] : memref<6144x768xf32, #tpu.memory_space<hbm>> -> memref<6144x768xf32, #tpu.memory_space<hbm>>
    tpu.wait_indirect_dma semaphore(%arg15 : memref<!tpu.dma_semaphore, #tpu.memory_space<semaphore_mem>>) src(%arg14 : memref<64x768xf32, #tpu.memory_space<vmem>>) dst(%dma_wait3A_279 : memref<6144x768xf32, #tpu.memory_space<hbm>>)
    return
  }
}

#map = affine_map<(d0, d1) -> (0)>
#map1 = affine_map<(d0, d1) -> (0, 0)>
module attributes {stable_mosaic.version = 14 : i64} {
  func.func @moe_unpermute_scale(%arg0: i32, %arg1: i32, %arg2: memref<2048xi32, #tpu.memory_space<hbm>>, %arg3: memref<6144x768xf32, #tpu.memory_space<hbm>>, %arg4: memref<2048xf32, #tpu.memory_space<hbm>>, %arg5: memref<2048x768xf32, #tpu.memory_space<hbm>>, %arg6: memref<64xi32, #tpu.memory_space<vmem>>, %arg7: memref<64x768xf32, #tpu.memory_space<vmem>>, %arg8: memref<80xf32, #tpu.memory_space<vmem>>, %arg9: memref<!tpu.dma_semaphore, #tpu.memory_space<semaphore_mem>>) attributes {dimension_semantics = [#tpu.dimension_semantics<core_parallel>, #tpu.dimension_semantics<subcore_parallel>], iteration_bounds = array<i64: 2, 16>, scalar_prefetch = 0 : i64, scratch_operands = 4 : i64, tpu.core_type = #tpu.core_type<sc_vector_subcore>, window_params = [{transform_indices = #map}, {transform_indices = #map1}, {transform_indices = #map}, {transform_indices = #map1}]} {
    %mul3A = arith.constant 2 : i32
    %mul3A_0 = arith.muli %arg1, %mul3A : i32
    %add3A = arith.addi %mul3A_0, %arg0 : i32
    %mul3A_1 = arith.constant 64 : i32
    %mul3A_2 = arith.muli %add3A, %mul3A_1 : i32
    "tpu.region"() ({
      %run_scoped3A = tpu.sem_alloc : memref<!tpu.dma_semaphore, #tpu.memory_space<semaphore_mem>>
      %dma_start3A_11 = tpu.memref_slice %arg2[%mul3A_2] : memref<2048xi32, #tpu.memory_space<hbm>> -> memref<64xi32, #tpu.memory_space<hbm>>
      %dma_start3A_12 = tpu.memref_slice %arg2[%mul3A_2] : memref<2048xi32, #tpu.memory_space<hbm>> -> memref<64xi32, #tpu.memory_space<hbm>>
      tpu.enqueue_dma source(%dma_start3A_12 : memref<64xi32, #tpu.memory_space<hbm>>) target(%arg6 : memref<64xi32, #tpu.memory_space<vmem>>) target_semaphore(%run_scoped3A : memref<!tpu.dma_semaphore, #tpu.memory_space<semaphore_mem>>)
      %dma_wait3A_13 = tpu.memref_slice %arg2[%mul3A_2] : memref<2048xi32, #tpu.memory_space<hbm>> -> memref<64xi32, #tpu.memory_space<hbm>>
      %dma_wait3A_14 = tpu.memref_slice %arg2[%mul3A_2] : memref<2048xi32, #tpu.memory_space<hbm>> -> memref<64xi32, #tpu.memory_space<hbm>>
      tpu.wait_dma2 semaphore(%run_scoped3A : memref<!tpu.dma_semaphore, #tpu.memory_space<semaphore_mem>>) src(%dma_wait3A_14 : memref<64xi32, #tpu.memory_space<hbm>>) dst(%arg6 : memref<64xi32, #tpu.memory_space<vmem>>)
      tpu.yield
    }) : () -> ()
    %dma_start3A = arith.constant 0 : i32
    %dma_start3A_3 = arith.constant 0 : i32
    %dma_start3A_4 = tpu.memref_slice %arg3[%dma_start3A, %dma_start3A_3] : memref<6144x768xf32, #tpu.memory_space<hbm>> -> memref<6144x768xf32, #tpu.memory_space<hbm>>
    tpu.enqueue_indirect_dma source(%dma_start3A_4 : memref<6144x768xf32, #tpu.memory_space<hbm>>) target(%arg7 : memref<64x768xf32, #tpu.memory_space<vmem>>) offsets(%arg6 : memref<64xi32, #tpu.memory_space<vmem>>) semaphore(%arg9 : memref<!tpu.dma_semaphore, #tpu.memory_space<semaphore_mem>>)
    %dma_wait3A = arith.constant 0 : i32
    %dma_wait3A_5 = arith.constant 0 : i32
    %dma_wait3A_6 = tpu.memref_slice %arg3[%dma_wait3A, %dma_wait3A_5] : memref<6144x768xf32, #tpu.memory_space<hbm>> -> memref<6144x768xf32, #tpu.memory_space<hbm>>
    tpu.wait_indirect_dma semaphore(%arg9 : memref<!tpu.dma_semaphore, #tpu.memory_space<semaphore_mem>>) src(%dma_wait3A_6 : memref<6144x768xf32, #tpu.memory_space<hbm>>) dst(%arg7 : memref<64x768xf32, #tpu.memory_space<vmem>>)
    "tpu.region"() ({
      %run_scoped3A = tpu.sem_alloc : memref<!tpu.dma_semaphore, #tpu.memory_space<semaphore_mem>>
      %dma_start3A_11 = arith.constant 0 : i32
      %dma_start3A_12 = tpu.memref_slice %arg8[%dma_start3A_11] : memref<80xf32, #tpu.memory_space<vmem>> -> memref<64xf32, #tpu.memory_space<vmem>>
      %dma_start3A_13 = tpu.memref_slice %arg4[%mul3A_2] : memref<2048xf32, #tpu.memory_space<hbm>> -> memref<64xf32, #tpu.memory_space<hbm>>
      %dma_start3A_14 = arith.constant 0 : i32
      %dma_start3A_15 = tpu.memref_slice %arg8[%dma_start3A_14] : memref<80xf32, #tpu.memory_space<vmem>> -> memref<64xf32, #tpu.memory_space<vmem>>
      %dma_start3A_16 = tpu.memref_slice %arg4[%mul3A_2] : memref<2048xf32, #tpu.memory_space<hbm>> -> memref<64xf32, #tpu.memory_space<hbm>>
      tpu.enqueue_dma source(%dma_start3A_16 : memref<64xf32, #tpu.memory_space<hbm>>) target(%dma_start3A_15 : memref<64xf32, #tpu.memory_space<vmem>>) target_semaphore(%run_scoped3A : memref<!tpu.dma_semaphore, #tpu.memory_space<semaphore_mem>>)
      %dma_wait3A_17 = arith.constant 0 : i32
      %dma_wait3A_18 = tpu.memref_slice %arg8[%dma_wait3A_17] : memref<80xf32, #tpu.memory_space<vmem>> -> memref<64xf32, #tpu.memory_space<vmem>>
      %dma_wait3A_19 = tpu.memref_slice %arg4[%mul3A_2] : memref<2048xf32, #tpu.memory_space<hbm>> -> memref<64xf32, #tpu.memory_space<hbm>>
      %dma_wait3A_20 = arith.constant 0 : i32
      %dma_wait3A_21 = tpu.memref_slice %arg8[%dma_wait3A_20] : memref<80xf32, #tpu.memory_space<vmem>> -> memref<64xf32, #tpu.memory_space<vmem>>
      %dma_wait3A_22 = tpu.memref_slice %arg4[%mul3A_2] : memref<2048xf32, #tpu.memory_space<hbm>> -> memref<64xf32, #tpu.memory_space<hbm>>
      tpu.wait_dma2 semaphore(%run_scoped3A : memref<!tpu.dma_semaphore, #tpu.memory_space<semaphore_mem>>) src(%dma_wait3A_22 : memref<64xf32, #tpu.memory_space<hbm>>) dst(%dma_wait3A_21 : memref<64xf32, #tpu.memory_space<vmem>>)
      tpu.yield
    }) : () -> ()
    %scan3A = arith.constant 0 : i32
    %scan3A_7 = arith.constant 64 : i32
    %scan3A_8 = arith.addi %scan3A, %scan3A_7 : i32
    %scan3A_9 = arith.constant 1 : i32
    scf.for %scan3A_11 = %scan3A to %scan3A_8 step %scan3A_9  : i32 {
      %mul3A_12 = arith.constant 1 : i32
      %mul3A_13 = arith.muli %scan3A_11, %mul3A_12 : i32
      %add3A_14 = arith.constant 0 : i32
      %add3A_15 = arith.addi %add3A_14, %mul3A_13 : i32
      %get3A = arith.index_cast %add3A_15 : i32 to index
      %get3A_16 = tpu.vector_load %arg8[%get3A] {strides = array<i32>} : memref<80xf32, #tpu.memory_space<vmem>>, vector<16xf32>,
      %get3A_17 = vector.shape_cast %get3A_16 : vector<16xf32> to vector<16xf32>
      %slice3A = vector.extract_strided_slice %get3A_17 {offsets = [0], sizes = [1], strides = [1]} : vector<16xf32> to vector<1xf32>
      %squeeze3A = vector.extract %slice3A[0] : f32 from vector<1xf32>
      %get3A_18 = arith.index_cast %add3A_15 : i32 to index
      %get3A_19 = arith.constant 0 : index
      %get3A_20 = tpu.vector_load %arg7[%get3A_18, %get3A_19] {strides = array<i32>} : memref<64x768xf32, #tpu.memory_space<vmem>>, vector<1x16xf32>,
      %get3A_21 = vector.shape_cast %get3A_20 : vector<1x16xf32> to vector<16xf32>
      %mul3A_22 = vector.broadcast %squeeze3A : f32 to vector<16xf32>
      %mul3A_23 = arith.mulf %get3A_21, %mul3A_22 : vector<16xf32>
      %swap3A = arith.index_cast %add3A_15 : i32 to index
      %swap3A_24 = arith.constant 0 : index
      %swap3A_25 = tpu.vector_load %arg7[%swap3A, %swap3A_24] {strides = array<i32>} : memref<64x768xf32, #tpu.memory_space<vmem>>, vector<1x16xf32>,
      %swap3A_26 = vector.shape_cast %swap3A_25 : vector<1x16xf32> to vector<16xf32>
      %swap3A_27 = vector.shape_cast %mul3A_23 : vector<16xf32> to vector<1x16xf32>
      tpu.vector_store %arg7[%swap3A, %swap3A_24], %swap3A_27 {strides = array<i32>} : memref<64x768xf32, #tpu.memory_space<vmem>>, vector<1x16xf32>,
      %get3A_28 = arith.index_cast %add3A_15 : i32 to index
      %get3A_29 = arith.constant 16 : index
      %get3A_30 = tpu.vector_load %arg7[%get3A_28, %get3A_29] {strides = array<i32>} : memref<64x768xf32, #tpu.memory_space<vmem>>, vector<1x16xf32>,
      %get3A_31 = vector.shape_cast %get3A_30 : vector<1x16xf32> to vector<16xf32>
      %mul3A_32 = vector.broadcast %squeeze3A : f32 to vector<16xf32>
      %mul3A_33 = arith.mulf %get3A_31, %mul3A_32 : vector<16xf32>
      %swap3A_34 = arith.index_cast %add3A_15 : i32 to index
      %swap3A_35 = arith.constant 16 : index
      %swap3A_36 = tpu.vector_load %arg7[%swap3A_34, %swap3A_35] {strides = array<i32>} : memref<64x768xf32, #tpu.memory_space<vmem>>, vector<1x16xf32>,
      %swap3A_37 = vector.shape_cast %swap3A_36 : vector<1x16xf32> to vector<16xf32>
      %swap3A_38 = vector.shape_cast %mul3A_33 : vector<16xf32> to vector<1x16xf32>
      tpu.vector_store %arg7[%swap3A_34, %swap3A_35], %swap3A_38 {strides = array<i32>} : memref<64x768xf32, #tpu.memory_space<vmem>>, vector<1x16xf32>,
      %get3A_39 = arith.index_cast %add3A_15 : i32 to index
      %get3A_40 = arith.constant 32 : index
      %get3A_41 = tpu.vector_load %arg7[%get3A_39, %get3A_40] {strides = array<i32>} : memref<64x768xf32, #tpu.memory_space<vmem>>, vector<1x16xf32>,
      %get3A_42 = vector.shape_cast %get3A_41 : vector<1x16xf32> to vector<16xf32>
      %mul3A_43 = vector.broadcast %squeeze3A : f32 to vector<16xf32>
      %mul3A_44 = arith.mulf %get3A_42, %mul3A_43 : vector<16xf32>
      %swap3A_45 = arith.index_cast %add3A_15 : i32 to index
      %swap3A_46 = arith.constant 32 : index
      %swap3A_47 = tpu.vector_load %arg7[%swap3A_45, %swap3A_46] {strides = array<i32>} : memref<64x768xf32, #tpu.memory_space<vmem>>, vector<1x16xf32>,
      %swap3A_48 = vector.shape_cast %swap3A_47 : vector<1x16xf32> to vector<16xf32>
      %swap3A_49 = vector.shape_cast %mul3A_44 : vector<16xf32> to vector<1x16xf32>
      tpu.vector_store %arg7[%swap3A_45, %swap3A_46], %swap3A_49 {strides = array<i32>} : memref<64x768xf32, #tpu.memory_space<vmem>>, vector<1x16xf32>,
      %get3A_50 = arith.index_cast %add3A_15 : i32 to index
      %get3A_51 = arith.constant 48 : index
      %get3A_52 = tpu.vector_load %arg7[%get3A_50, %get3A_51] {strides = array<i32>} : memref<64x768xf32, #tpu.memory_space<vmem>>, vector<1x16xf32>,
      %get3A_53 = vector.shape_cast %get3A_52 : vector<1x16xf32> to vector<16xf32>
      %mul3A_54 = vector.broadcast %squeeze3A : f32 to vector<16xf32>
      %mul3A_55 = arith.mulf %get3A_53, %mul3A_54 : vector<16xf32>
      %swap3A_56 = arith.index_cast %add3A_15 : i32 to index
      %swap3A_57 = arith.constant 48 : index
      %swap3A_58 = tpu.vector_load %arg7[%swap3A_56, %swap3A_57] {strides = array<i32>} : memref<64x768xf32, #tpu.memory_space<vmem>>, vector<1x16xf32>,
      %swap3A_59 = vector.shape_cast %swap3A_58 : vector<1x16xf32> to vector<16xf32>
      %swap3A_60 = vector.shape_cast %mul3A_55 : vector<16xf32> to vector<1x16xf32>
      tpu.vector_store %arg7[%swap3A_56, %swap3A_57], %swap3A_60 {strides = array<i32>} : memref<64x768xf32, #tpu.memory_space<vmem>>, vector<1x16xf32>,
      %get3A_61 = arith.index_cast %add3A_15 : i32 to index
      %get3A_62 = arith.constant 64 : index
      %get3A_63 = tpu.vector_load %arg7[%get3A_61, %get3A_62] {strides = array<i32>} : memref<64x768xf32, #tpu.memory_space<vmem>>, vector<1x16xf32>,
      %get3A_64 = vector.shape_cast %get3A_63 : vector<1x16xf32> to vector<16xf32>
      %mul3A_65 = vector.broadcast %squeeze3A : f32 to vector<16xf32>
      %mul3A_66 = arith.mulf %get3A_64, %mul3A_65 : vector<16xf32>
      %swap3A_67 = arith.index_cast %add3A_15 : i32 to index
      %swap3A_68 = arith.constant 64 : index
      %swap3A_69 = tpu.vector_load %arg7[%swap3A_67, %swap3A_68] {strides = array<i32>} : memref<64x768xf32, #tpu.memory_space<vmem>>, vector<1x16xf32>,
      %swap3A_70 = vector.shape_cast %swap3A_69 : vector<1x16xf32> to vector<16xf32>
      %swap3A_71 = vector.shape_cast %mul3A_66 : vector<16xf32> to vector<1x16xf32>
      tpu.vector_store %arg7[%swap3A_67, %swap3A_68], %swap3A_71 {strides = array<i32>} : memref<64x768xf32, #tpu.memory_space<vmem>>, vector<1x16xf32>,
      %get3A_72 = arith.index_cast %add3A_15 : i32 to index
      %get3A_73 = arith.constant 80 : index
      %get3A_74 = tpu.vector_load %arg7[%get3A_72, %get3A_73] {strides = array<i32>} : memref<64x768xf32, #tpu.memory_space<vmem>>, vector<1x16xf32>,
      %get3A_75 = vector.shape_cast %get3A_74 : vector<1x16xf32> to vector<16xf32>
      %mul3A_76 = vector.broadcast %squeeze3A : f32 to vector<16xf32>
      %mul3A_77 = arith.mulf %get3A_75, %mul3A_76 : vector<16xf32>
      %swap3A_78 = arith.index_cast %add3A_15 : i32 to index
      %swap3A_79 = arith.constant 80 : index
      %swap3A_80 = tpu.vector_load %arg7[%swap3A_78, %swap3A_79] {strides = array<i32>} : memref<64x768xf32, #tpu.memory_space<vmem>>, vector<1x16xf32>,
      %swap3A_81 = vector.shape_cast %swap3A_80 : vector<1x16xf32> to vector<16xf32>
      %swap3A_82 = vector.shape_cast %mul3A_77 : vector<16xf32> to vector<1x16xf32>
      tpu.vector_store %arg7[%swap3A_78, %swap3A_79], %swap3A_82 {strides = array<i32>} : memref<64x768xf32, #tpu.memory_space<vmem>>, vector<1x16xf32>,
      %get3A_83 = arith.index_cast %add3A_15 : i32 to index
      %get3A_84 = arith.constant 96 : index
      %get3A_85 = tpu.vector_load %arg7[%get3A_83, %get3A_84] {strides = array<i32>} : memref<64x768xf32, #tpu.memory_space<vmem>>, vector<1x16xf32>,
      %get3A_86 = vector.shape_cast %get3A_85 : vector<1x16xf32> to vector<16xf32>
      %mul3A_87 = vector.broadcast %squeeze3A : f32 to vector<16xf32>
      %mul3A_88 = arith.mulf %get3A_86, %mul3A_87 : vector<16xf32>
      %swap3A_89 = arith.index_cast %add3A_15 : i32 to index
      %swap3A_90 = arith.constant 96 : index
      %swap3A_91 = tpu.vector_load %arg7[%swap3A_89, %swap3A_90] {strides = array<i32>} : memref<64x768xf32, #tpu.memory_space<vmem>>, vector<1x16xf32>,
      %swap3A_92 = vector.shape_cast %swap3A_91 : vector<1x16xf32> to vector<16xf32>
      %swap3A_93 = vector.shape_cast %mul3A_88 : vector<16xf32> to vector<1x16xf32>
      tpu.vector_store %arg7[%swap3A_89, %swap3A_90], %swap3A_93 {strides = array<i32>} : memref<64x768xf32, #tpu.memory_space<vmem>>, vector<1x16xf32>,
      %get3A_94 = arith.index_cast %add3A_15 : i32 to index
      %get3A_95 = arith.constant 112 : index
      %get3A_96 = tpu.vector_load %arg7[%get3A_94, %get3A_95] {strides = array<i32>} : memref<64x768xf32, #tpu.memory_space<vmem>>, vector<1x16xf32>,
      %get3A_97 = vector.shape_cast %get3A_96 : vector<1x16xf32> to vector<16xf32>
      %mul3A_98 = vector.broadcast %squeeze3A : f32 to vector<16xf32>
      %mul3A_99 = arith.mulf %get3A_97, %mul3A_98 : vector<16xf32>
      %swap3A_100 = arith.index_cast %add3A_15 : i32 to index
      %swap3A_101 = arith.constant 112 : index
      %swap3A_102 = tpu.vector_load %arg7[%swap3A_100, %swap3A_101] {strides = array<i32>} : memref<64x768xf32, #tpu.memory_space<vmem>>, vector<1x16xf32>,
      %swap3A_103 = vector.shape_cast %swap3A_102 : vector<1x16xf32> to vector<16xf32>
      %swap3A_104 = vector.shape_cast %mul3A_99 : vector<16xf32> to vector<1x16xf32>
      tpu.vector_store %arg7[%swap3A_100, %swap3A_101], %swap3A_104 {strides = array<i32>} : memref<64x768xf32, #tpu.memory_space<vmem>>, vector<1x16xf32>,
      %get3A_105 = arith.index_cast %add3A_15 : i32 to index
      %get3A_106 = arith.constant 128 : index
      %get3A_107 = tpu.vector_load %arg7[%get3A_105, %get3A_106] {strides = array<i32>} : memref<64x768xf32, #tpu.memory_space<vmem>>, vector<1x16xf32>,
      %get3A_108 = vector.shape_cast %get3A_107 : vector<1x16xf32> to vector<16xf32>
      %mul3A_109 = vector.broadcast %squeeze3A : f32 to vector<16xf32>
      %mul3A_110 = arith.mulf %get3A_108, %mul3A_109 : vector<16xf32>
      %swap3A_111 = arith.index_cast %add3A_15 : i32 to index
      %swap3A_112 = arith.constant 128 : index
      %swap3A_113 = tpu.vector_load %arg7[%swap3A_111, %swap3A_112] {strides = array<i32>} : memref<64x768xf32, #tpu.memory_space<vmem>>, vector<1x16xf32>,
      %swap3A_114 = vector.shape_cast %swap3A_113 : vector<1x16xf32> to vector<16xf32>
      %swap3A_115 = vector.shape_cast %mul3A_110 : vector<16xf32> to vector<1x16xf32>
      tpu.vector_store %arg7[%swap3A_111, %swap3A_112], %swap3A_115 {strides = array<i32>} : memref<64x768xf32, #tpu.memory_space<vmem>>, vector<1x16xf32>,
      %get3A_116 = arith.index_cast %add3A_15 : i32 to index
      %get3A_117 = arith.constant 144 : index
      %get3A_118 = tpu.vector_load %arg7[%get3A_116, %get3A_117] {strides = array<i32>} : memref<64x768xf32, #tpu.memory_space<vmem>>, vector<1x16xf32>,
      %get3A_119 = vector.shape_cast %get3A_118 : vector<1x16xf32> to vector<16xf32>
      %mul3A_120 = vector.broadcast %squeeze3A : f32 to vector<16xf32>
      %mul3A_121 = arith.mulf %get3A_119, %mul3A_120 : vector<16xf32>
      %swap3A_122 = arith.index_cast %add3A_15 : i32 to index
      %swap3A_123 = arith.constant 144 : index
      %swap3A_124 = tpu.vector_load %arg7[%swap3A_122, %swap3A_123] {strides = array<i32>} : memref<64x768xf32, #tpu.memory_space<vmem>>, vector<1x16xf32>,
      %swap3A_125 = vector.shape_cast %swap3A_124 : vector<1x16xf32> to vector<16xf32>
      %swap3A_126 = vector.shape_cast %mul3A_121 : vector<16xf32> to vector<1x16xf32>
      tpu.vector_store %arg7[%swap3A_122, %swap3A_123], %swap3A_126 {strides = array<i32>} : memref<64x768xf32, #tpu.memory_space<vmem>>, vector<1x16xf32>,
      %get3A_127 = arith.index_cast %add3A_15 : i32 to index
      %get3A_128 = arith.constant 160 : index
      %get3A_129 = tpu.vector_load %arg7[%get3A_127, %get3A_128] {strides = array<i32>} : memref<64x768xf32, #tpu.memory_space<vmem>>, vector<1x16xf32>,
      %get3A_130 = vector.shape_cast %get3A_129 : vector<1x16xf32> to vector<16xf32>
      %mul3A_131 = vector.broadcast %squeeze3A : f32 to vector<16xf32>
      %mul3A_132 = arith.mulf %get3A_130, %mul3A_131 : vector<16xf32>
      %swap3A_133 = arith.index_cast %add3A_15 : i32 to index
      %swap3A_134 = arith.constant 160 : index
      %swap3A_135 = tpu.vector_load %arg7[%swap3A_133, %swap3A_134] {strides = array<i32>} : memref<64x768xf32, #tpu.memory_space<vmem>>, vector<1x16xf32>,
      %swap3A_136 = vector.shape_cast %swap3A_135 : vector<1x16xf32> to vector<16xf32>
      %swap3A_137 = vector.shape_cast %mul3A_132 : vector<16xf32> to vector<1x16xf32>
      tpu.vector_store %arg7[%swap3A_133, %swap3A_134], %swap3A_137 {strides = array<i32>} : memref<64x768xf32, #tpu.memory_space<vmem>>, vector<1x16xf32>,
      %get3A_138 = arith.index_cast %add3A_15 : i32 to index
      %get3A_139 = arith.constant 176 : index
      %get3A_140 = tpu.vector_load %arg7[%get3A_138, %get3A_139] {strides = array<i32>} : memref<64x768xf32, #tpu.memory_space<vmem>>, vector<1x16xf32>,
      %get3A_141 = vector.shape_cast %get3A_140 : vector<1x16xf32> to vector<16xf32>
      %mul3A_142 = vector.broadcast %squeeze3A : f32 to vector<16xf32>
      %mul3A_143 = arith.mulf %get3A_141, %mul3A_142 : vector<16xf32>
      %swap3A_144 = arith.index_cast %add3A_15 : i32 to index
      %swap3A_145 = arith.constant 176 : index
      %swap3A_146 = tpu.vector_load %arg7[%swap3A_144, %swap3A_145] {strides = array<i32>} : memref<64x768xf32, #tpu.memory_space<vmem>>, vector<1x16xf32>,
      %swap3A_147 = vector.shape_cast %swap3A_146 : vector<1x16xf32> to vector<16xf32>
      %swap3A_148 = vector.shape_cast %mul3A_143 : vector<16xf32> to vector<1x16xf32>
      tpu.vector_store %arg7[%swap3A_144, %swap3A_145], %swap3A_148 {strides = array<i32>} : memref<64x768xf32, #tpu.memory_space<vmem>>, vector<1x16xf32>,
      %get3A_149 = arith.index_cast %add3A_15 : i32 to index
      %get3A_150 = arith.constant 192 : index
      %get3A_151 = tpu.vector_load %arg7[%get3A_149, %get3A_150] {strides = array<i32>} : memref<64x768xf32, #tpu.memory_space<vmem>>, vector<1x16xf32>,
      %get3A_152 = vector.shape_cast %get3A_151 : vector<1x16xf32> to vector<16xf32>
      %mul3A_153 = vector.broadcast %squeeze3A : f32 to vector<16xf32>
      %mul3A_154 = arith.mulf %get3A_152, %mul3A_153 : vector<16xf32>
      %swap3A_155 = arith.index_cast %add3A_15 : i32 to index
      %swap3A_156 = arith.constant 192 : index
      %swap3A_157 = tpu.vector_load %arg7[%swap3A_155, %swap3A_156] {strides = array<i32>} : memref<64x768xf32, #tpu.memory_space<vmem>>, vector<1x16xf32>,
      %swap3A_158 = vector.shape_cast %swap3A_157 : vector<1x16xf32> to vector<16xf32>
      %swap3A_159 = vector.shape_cast %mul3A_154 : vector<16xf32> to vector<1x16xf32>
      tpu.vector_store %arg7[%swap3A_155, %swap3A_156], %swap3A_159 {strides = array<i32>} : memref<64x768xf32, #tpu.memory_space<vmem>>, vector<1x16xf32>,
      %get3A_160 = arith.index_cast %add3A_15 : i32 to index
      %get3A_161 = arith.constant 208 : index
      %get3A_162 = tpu.vector_load %arg7[%get3A_160, %get3A_161] {strides = array<i32>} : memref<64x768xf32, #tpu.memory_space<vmem>>, vector<1x16xf32>,
      %get3A_163 = vector.shape_cast %get3A_162 : vector<1x16xf32> to vector<16xf32>
      %mul3A_164 = vector.broadcast %squeeze3A : f32 to vector<16xf32>
      %mul3A_165 = arith.mulf %get3A_163, %mul3A_164 : vector<16xf32>
      %swap3A_166 = arith.index_cast %add3A_15 : i32 to index
      %swap3A_167 = arith.constant 208 : index
      %swap3A_168 = tpu.vector_load %arg7[%swap3A_166, %swap3A_167] {strides = array<i32>} : memref<64x768xf32, #tpu.memory_space<vmem>>, vector<1x16xf32>,
      %swap3A_169 = vector.shape_cast %swap3A_168 : vector<1x16xf32> to vector<16xf32>
      %swap3A_170 = vector.shape_cast %mul3A_165 : vector<16xf32> to vector<1x16xf32>
      tpu.vector_store %arg7[%swap3A_166, %swap3A_167], %swap3A_170 {strides = array<i32>} : memref<64x768xf32, #tpu.memory_space<vmem>>, vector<1x16xf32>,
      %get3A_171 = arith.index_cast %add3A_15 : i32 to index
      %get3A_172 = arith.constant 224 : index
      %get3A_173 = tpu.vector_load %arg7[%get3A_171, %get3A_172] {strides = array<i32>} : memref<64x768xf32, #tpu.memory_space<vmem>>, vector<1x16xf32>,
      %get3A_174 = vector.shape_cast %get3A_173 : vector<1x16xf32> to vector<16xf32>
      %mul3A_175 = vector.broadcast %squeeze3A : f32 to vector<16xf32>
      %mul3A_176 = arith.mulf %get3A_174, %mul3A_175 : vector<16xf32>
      %swap3A_177 = arith.index_cast %add3A_15 : i32 to index
      %swap3A_178 = arith.constant 224 : index
      %swap3A_179 = tpu.vector_load %arg7[%swap3A_177, %swap3A_178] {strides = array<i32>} : memref<64x768xf32, #tpu.memory_space<vmem>>, vector<1x16xf32>,
      %swap3A_180 = vector.shape_cast %swap3A_179 : vector<1x16xf32> to vector<16xf32>
      %swap3A_181 = vector.shape_cast %mul3A_176 : vector<16xf32> to vector<1x16xf32>
      tpu.vector_store %arg7[%swap3A_177, %swap3A_178], %swap3A_181 {strides = array<i32>} : memref<64x768xf32, #tpu.memory_space<vmem>>, vector<1x16xf32>,
      %get3A_182 = arith.index_cast %add3A_15 : i32 to index
      %get3A_183 = arith.constant 240 : index
      %get3A_184 = tpu.vector_load %arg7[%get3A_182, %get3A_183] {strides = array<i32>} : memref<64x768xf32, #tpu.memory_space<vmem>>, vector<1x16xf32>,
      %get3A_185 = vector.shape_cast %get3A_184 : vector<1x16xf32> to vector<16xf32>
      %mul3A_186 = vector.broadcast %squeeze3A : f32 to vector<16xf32>
      %mul3A_187 = arith.mulf %get3A_185, %mul3A_186 : vector<16xf32>
      %swap3A_188 = arith.index_cast %add3A_15 : i32 to index
      %swap3A_189 = arith.constant 240 : index
      %swap3A_190 = tpu.vector_load %arg7[%swap3A_188, %swap3A_189] {strides = array<i32>} : memref<64x768xf32, #tpu.memory_space<vmem>>, vector<1x16xf32>,
      %swap3A_191 = vector.shape_cast %swap3A_190 : vector<1x16xf32> to vector<16xf32>
      %swap3A_192 = vector.shape_cast %mul3A_187 : vector<16xf32> to vector<1x16xf32>
      tpu.vector_store %arg7[%swap3A_188, %swap3A_189], %swap3A_192 {strides = array<i32>} : memref<64x768xf32, #tpu.memory_space<vmem>>, vector<1x16xf32>,
      %get3A_193 = arith.index_cast %add3A_15 : i32 to index
      %get3A_194 = arith.constant 256 : index
      %get3A_195 = tpu.vector_load %arg7[%get3A_193, %get3A_194] {strides = array<i32>} : memref<64x768xf32, #tpu.memory_space<vmem>>, vector<1x16xf32>,
      %get3A_196 = vector.shape_cast %get3A_195 : vector<1x16xf32> to vector<16xf32>
      %mul3A_197 = vector.broadcast %squeeze3A : f32 to vector<16xf32>
      %mul3A_198 = arith.mulf %get3A_196, %mul3A_197 : vector<16xf32>
      %swap3A_199 = arith.index_cast %add3A_15 : i32 to index
      %swap3A_200 = arith.constant 256 : index
      %swap3A_201 = tpu.vector_load %arg7[%swap3A_199, %swap3A_200] {strides = array<i32>} : memref<64x768xf32, #tpu.memory_space<vmem>>, vector<1x16xf32>,
      %swap3A_202 = vector.shape_cast %swap3A_201 : vector<1x16xf32> to vector<16xf32>
      %swap3A_203 = vector.shape_cast %mul3A_198 : vector<16xf32> to vector<1x16xf32>
      tpu.vector_store %arg7[%swap3A_199, %swap3A_200], %swap3A_203 {strides = array<i32>} : memref<64x768xf32, #tpu.memory_space<vmem>>, vector<1x16xf32>,
      %get3A_204 = arith.index_cast %add3A_15 : i32 to index
      %get3A_205 = arith.constant 272 : index
      %get3A_206 = tpu.vector_load %arg7[%get3A_204, %get3A_205] {strides = array<i32>} : memref<64x768xf32, #tpu.memory_space<vmem>>, vector<1x16xf32>,
      %get3A_207 = vector.shape_cast %get3A_206 : vector<1x16xf32> to vector<16xf32>
      %mul3A_208 = vector.broadcast %squeeze3A : f32 to vector<16xf32>
      %mul3A_209 = arith.mulf %get3A_207, %mul3A_208 : vector<16xf32>
      %swap3A_210 = arith.index_cast %add3A_15 : i32 to index
      %swap3A_211 = arith.constant 272 : index
      %swap3A_212 = tpu.vector_load %arg7[%swap3A_210, %swap3A_211] {strides = array<i32>} : memref<64x768xf32, #tpu.memory_space<vmem>>, vector<1x16xf32>,
      %swap3A_213 = vector.shape_cast %swap3A_212 : vector<1x16xf32> to vector<16xf32>
      %swap3A_214 = vector.shape_cast %mul3A_209 : vector<16xf32> to vector<1x16xf32>
      tpu.vector_store %arg7[%swap3A_210, %swap3A_211], %swap3A_214 {strides = array<i32>} : memref<64x768xf32, #tpu.memory_space<vmem>>, vector<1x16xf32>,
      %get3A_215 = arith.index_cast %add3A_15 : i32 to index
      %get3A_216 = arith.constant 288 : index
      %get3A_217 = tpu.vector_load %arg7[%get3A_215, %get3A_216] {strides = array<i32>} : memref<64x768xf32, #tpu.memory_space<vmem>>, vector<1x16xf32>,
      %get3A_218 = vector.shape_cast %get3A_217 : vector<1x16xf32> to vector<16xf32>
      %mul3A_219 = vector.broadcast %squeeze3A : f32 to vector<16xf32>
      %mul3A_220 = arith.mulf %get3A_218, %mul3A_219 : vector<16xf32>
      %swap3A_221 = arith.index_cast %add3A_15 : i32 to index
      %swap3A_222 = arith.constant 288 : index
      %swap3A_223 = tpu.vector_load %arg7[%swap3A_221, %swap3A_222] {strides = array<i32>} : memref<64x768xf32, #tpu.memory_space<vmem>>, vector<1x16xf32>,
      %swap3A_224 = vector.shape_cast %swap3A_223 : vector<1x16xf32> to vector<16xf32>
      %swap3A_225 = vector.shape_cast %mul3A_220 : vector<16xf32> to vector<1x16xf32>
      tpu.vector_store %arg7[%swap3A_221, %swap3A_222], %swap3A_225 {strides = array<i32>} : memref<64x768xf32, #tpu.memory_space<vmem>>, vector<1x16xf32>,
      %get3A_226 = arith.index_cast %add3A_15 : i32 to index
      %get3A_227 = arith.constant 304 : index
      %get3A_228 = tpu.vector_load %arg7[%get3A_226, %get3A_227] {strides = array<i32>} : memref<64x768xf32, #tpu.memory_space<vmem>>, vector<1x16xf32>,
      %get3A_229 = vector.shape_cast %get3A_228 : vector<1x16xf32> to vector<16xf32>
      %mul3A_230 = vector.broadcast %squeeze3A : f32 to vector<16xf32>
      %mul3A_231 = arith.mulf %get3A_229, %mul3A_230 : vector<16xf32>
      %swap3A_232 = arith.index_cast %add3A_15 : i32 to index
      %swap3A_233 = arith.constant 304 : index
      %swap3A_234 = tpu.vector_load %arg7[%swap3A_232, %swap3A_233] {strides = array<i32>} : memref<64x768xf32, #tpu.memory_space<vmem>>, vector<1x16xf32>,
      %swap3A_235 = vector.shape_cast %swap3A_234 : vector<1x16xf32> to vector<16xf32>
      %swap3A_236 = vector.shape_cast %mul3A_231 : vector<16xf32> to vector<1x16xf32>
      tpu.vector_store %arg7[%swap3A_232, %swap3A_233], %swap3A_236 {strides = array<i32>} : memref<64x768xf32, #tpu.memory_space<vmem>>, vector<1x16xf32>,
      %get3A_237 = arith.index_cast %add3A_15 : i32 to index
      %get3A_238 = arith.constant 320 : index
      %get3A_239 = tpu.vector_load %arg7[%get3A_237, %get3A_238] {strides = array<i32>} : memref<64x768xf32, #tpu.memory_space<vmem>>, vector<1x16xf32>,
      %get3A_240 = vector.shape_cast %get3A_239 : vector<1x16xf32> to vector<16xf32>
      %mul3A_241 = vector.broadcast %squeeze3A : f32 to vector<16xf32>
      %mul3A_242 = arith.mulf %get3A_240, %mul3A_241 : vector<16xf32>
      %swap3A_243 = arith.index_cast %add3A_15 : i32 to index
      %swap3A_244 = arith.constant 320 : index
      %swap3A_245 = tpu.vector_load %arg7[%swap3A_243, %swap3A_244] {strides = array<i32>} : memref<64x768xf32, #tpu.memory_space<vmem>>, vector<1x16xf32>,
      %swap3A_246 = vector.shape_cast %swap3A_245 : vector<1x16xf32> to vector<16xf32>
      %swap3A_247 = vector.shape_cast %mul3A_242 : vector<16xf32> to vector<1x16xf32>
      tpu.vector_store %arg7[%swap3A_243, %swap3A_244], %swap3A_247 {strides = array<i32>} : memref<64x768xf32, #tpu.memory_space<vmem>>, vector<1x16xf32>,
      %get3A_248 = arith.index_cast %add3A_15 : i32 to index
      %get3A_249 = arith.constant 336 : index
      %get3A_250 = tpu.vector_load %arg7[%get3A_248, %get3A_249] {strides = array<i32>} : memref<64x768xf32, #tpu.memory_space<vmem>>, vector<1x16xf32>,
      %get3A_251 = vector.shape_cast %get3A_250 : vector<1x16xf32> to vector<16xf32>
      %mul3A_252 = vector.broadcast %squeeze3A : f32 to vector<16xf32>
      %mul3A_253 = arith.mulf %get3A_251, %mul3A_252 : vector<16xf32>
      %swap3A_254 = arith.index_cast %add3A_15 : i32 to index
      %swap3A_255 = arith.constant 336 : index
      %swap3A_256 = tpu.vector_load %arg7[%swap3A_254, %swap3A_255] {strides = array<i32>} : memref<64x768xf32, #tpu.memory_space<vmem>>, vector<1x16xf32>,
      %swap3A_257 = vector.shape_cast %swap3A_256 : vector<1x16xf32> to vector<16xf32>
      %swap3A_258 = vector.shape_cast %mul3A_253 : vector<16xf32> to vector<1x16xf32>
      tpu.vector_store %arg7[%swap3A_254, %swap3A_255], %swap3A_258 {strides = array<i32>} : memref<64x768xf32, #tpu.memory_space<vmem>>, vector<1x16xf32>,
      %get3A_259 = arith.index_cast %add3A_15 : i32 to index
      %get3A_260 = arith.constant 352 : index
      %get3A_261 = tpu.vector_load %arg7[%get3A_259, %get3A_260] {strides = array<i32>} : memref<64x768xf32, #tpu.memory_space<vmem>>, vector<1x16xf32>,
      %get3A_262 = vector.shape_cast %get3A_261 : vector<1x16xf32> to vector<16xf32>
      %mul3A_263 = vector.broadcast %squeeze3A : f32 to vector<16xf32>
      %mul3A_264 = arith.mulf %get3A_262, %mul3A_263 : vector<16xf32>
      %swap3A_265 = arith.index_cast %add3A_15 : i32 to index
      %swap3A_266 = arith.constant 352 : index
      %swap3A_267 = tpu.vector_load %arg7[%swap3A_265, %swap3A_266] {strides = array<i32>} : memref<64x768xf32, #tpu.memory_space<vmem>>, vector<1x16xf32>,
      %swap3A_268 = vector.shape_cast %swap3A_267 : vector<1x16xf32> to vector<16xf32>
      %swap3A_269 = vector.shape_cast %mul3A_264 : vector<16xf32> to vector<1x16xf32>
      tpu.vector_store %arg7[%swap3A_265, %swap3A_266], %swap3A_269 {strides = array<i32>} : memref<64x768xf32, #tpu.memory_space<vmem>>, vector<1x16xf32>,
      %get3A_270 = arith.index_cast %add3A_15 : i32 to index
      %get3A_271 = arith.constant 368 : index
      %get3A_272 = tpu.vector_load %arg7[%get3A_270, %get3A_271] {strides = array<i32>} : memref<64x768xf32, #tpu.memory_space<vmem>>, vector<1x16xf32>,
      %get3A_273 = vector.shape_cast %get3A_272 : vector<1x16xf32> to vector<16xf32>
      %mul3A_274 = vector.broadcast %squeeze3A : f32 to vector<16xf32>
      %mul3A_275 = arith.mulf %get3A_273, %mul3A_274 : vector<16xf32>
      %swap3A_276 = arith.index_cast %add3A_15 : i32 to index
      %swap3A_277 = arith.constant 368 : index
      %swap3A_278 = tpu.vector_load %arg7[%swap3A_276, %swap3A_277] {strides = array<i32>} : memref<64x768xf32, #tpu.memory_space<vmem>>, vector<1x16xf32>,
      %swap3A_279 = vector.shape_cast %swap3A_278 : vector<1x16xf32> to vector<16xf32>
      %swap3A_280 = vector.shape_cast %mul3A_275 : vector<16xf32> to vector<1x16xf32>
      tpu.vector_store %arg7[%swap3A_276, %swap3A_277], %swap3A_280 {strides = array<i32>} : memref<64x768xf32, #tpu.memory_space<vmem>>, vector<1x16xf32>,
      %get3A_281 = arith.index_cast %add3A_15 : i32 to index
      %get3A_282 = arith.constant 384 : index
      %get3A_283 = tpu.vector_load %arg7[%get3A_281, %get3A_282] {strides = array<i32>} : memref<64x768xf32, #tpu.memory_space<vmem>>, vector<1x16xf32>,
      %get3A_284 = vector.shape_cast %get3A_283 : vector<1x16xf32> to vector<16xf32>
      %mul3A_285 = vector.broadcast %squeeze3A : f32 to vector<16xf32>
      %mul3A_286 = arith.mulf %get3A_284, %mul3A_285 : vector<16xf32>
      %swap3A_287 = arith.index_cast %add3A_15 : i32 to index
      %swap3A_288 = arith.constant 384 : index
      %swap3A_289 = tpu.vector_load %arg7[%swap3A_287, %swap3A_288] {strides = array<i32>} : memref<64x768xf32, #tpu.memory_space<vmem>>, vector<1x16xf32>,
      %swap3A_290 = vector.shape_cast %swap3A_289 : vector<1x16xf32> to vector<16xf32>
      %swap3A_291 = vector.shape_cast %mul3A_286 : vector<16xf32> to vector<1x16xf32>
      tpu.vector_store %arg7[%swap3A_287, %swap3A_288], %swap3A_291 {strides = array<i32>} : memref<64x768xf32, #tpu.memory_space<vmem>>, vector<1x16xf32>,
      %get3A_292 = arith.index_cast %add3A_15 : i32 to index
      %get3A_293 = arith.constant 400 : index
      %get3A_294 = tpu.vector_load %arg7[%get3A_292, %get3A_293] {strides = array<i32>} : memref<64x768xf32, #tpu.memory_space<vmem>>, vector<1x16xf32>,
      %get3A_295 = vector.shape_cast %get3A_294 : vector<1x16xf32> to vector<16xf32>
      %mul3A_296 = vector.broadcast %squeeze3A : f32 to vector<16xf32>
      %mul3A_297 = arith.mulf %get3A_295, %mul3A_296 : vector<16xf32>
      %swap3A_298 = arith.index_cast %add3A_15 : i32 to index
      %swap3A_299 = arith.constant 400 : index
      %swap3A_300 = tpu.vector_load %arg7[%swap3A_298, %swap3A_299] {strides = array<i32>} : memref<64x768xf32, #tpu.memory_space<vmem>>, vector<1x16xf32>,
      %swap3A_301 = vector.shape_cast %swap3A_300 : vector<1x16xf32> to vector<16xf32>
      %swap3A_302 = vector.shape_cast %mul3A_297 : vector<16xf32> to vector<1x16xf32>
      tpu.vector_store %arg7[%swap3A_298, %swap3A_299], %swap3A_302 {strides = array<i32>} : memref<64x768xf32, #tpu.memory_space<vmem>>, vector<1x16xf32>,
      %get3A_303 = arith.index_cast %add3A_15 : i32 to index
      %get3A_304 = arith.constant 416 : index
      %get3A_305 = tpu.vector_load %arg7[%get3A_303, %get3A_304] {strides = array<i32>} : memref<64x768xf32, #tpu.memory_space<vmem>>, vector<1x16xf32>,
      %get3A_306 = vector.shape_cast %get3A_305 : vector<1x16xf32> to vector<16xf32>
      %mul3A_307 = vector.broadcast %squeeze3A : f32 to vector<16xf32>
      %mul3A_308 = arith.mulf %get3A_306, %mul3A_307 : vector<16xf32>
      %swap3A_309 = arith.index_cast %add3A_15 : i32 to index
      %swap3A_310 = arith.constant 416 : index
      %swap3A_311 = tpu.vector_load %arg7[%swap3A_309, %swap3A_310] {strides = array<i32>} : memref<64x768xf32, #tpu.memory_space<vmem>>, vector<1x16xf32>,
      %swap3A_312 = vector.shape_cast %swap3A_311 : vector<1x16xf32> to vector<16xf32>
      %swap3A_313 = vector.shape_cast %mul3A_308 : vector<16xf32> to vector<1x16xf32>
      tpu.vector_store %arg7[%swap3A_309, %swap3A_310], %swap3A_313 {strides = array<i32>} : memref<64x768xf32, #tpu.memory_space<vmem>>, vector<1x16xf32>,
      %get3A_314 = arith.index_cast %add3A_15 : i32 to index
      %get3A_315 = arith.constant 432 : index
      %get3A_316 = tpu.vector_load %arg7[%get3A_314, %get3A_315] {strides = array<i32>} : memref<64x768xf32, #tpu.memory_space<vmem>>, vector<1x16xf32>,
      %get3A_317 = vector.shape_cast %get3A_316 : vector<1x16xf32> to vector<16xf32>
      %mul3A_318 = vector.broadcast %squeeze3A : f32 to vector<16xf32>
      %mul3A_319 = arith.mulf %get3A_317, %mul3A_318 : vector<16xf32>
      %swap3A_320 = arith.index_cast %add3A_15 : i32 to index
      %swap3A_321 = arith.constant 432 : index
      %swap3A_322 = tpu.vector_load %arg7[%swap3A_320, %swap3A_321] {strides = array<i32>} : memref<64x768xf32, #tpu.memory_space<vmem>>, vector<1x16xf32>,
      %swap3A_323 = vector.shape_cast %swap3A_322 : vector<1x16xf32> to vector<16xf32>
      %swap3A_324 = vector.shape_cast %mul3A_319 : vector<16xf32> to vector<1x16xf32>
      tpu.vector_store %arg7[%swap3A_320, %swap3A_321], %swap3A_324 {strides = array<i32>} : memref<64x768xf32, #tpu.memory_space<vmem>>, vector<1x16xf32>,
      %get3A_325 = arith.index_cast %add3A_15 : i32 to index
      %get3A_326 = arith.constant 448 : index
      %get3A_327 = tpu.vector_load %arg7[%get3A_325, %get3A_326] {strides = array<i32>} : memref<64x768xf32, #tpu.memory_space<vmem>>, vector<1x16xf32>,
      %get3A_328 = vector.shape_cast %get3A_327 : vector<1x16xf32> to vector<16xf32>
      %mul3A_329 = vector.broadcast %squeeze3A : f32 to vector<16xf32>
      %mul3A_330 = arith.mulf %get3A_328, %mul3A_329 : vector<16xf32>
      %swap3A_331 = arith.index_cast %add3A_15 : i32 to index
      %swap3A_332 = arith.constant 448 : index
      %swap3A_333 = tpu.vector_load %arg7[%swap3A_331, %swap3A_332] {strides = array<i32>} : memref<64x768xf32, #tpu.memory_space<vmem>>, vector<1x16xf32>,
      %swap3A_334 = vector.shape_cast %swap3A_333 : vector<1x16xf32> to vector<16xf32>
      %swap3A_335 = vector.shape_cast %mul3A_330 : vector<16xf32> to vector<1x16xf32>
      tpu.vector_store %arg7[%swap3A_331, %swap3A_332], %swap3A_335 {strides = array<i32>} : memref<64x768xf32, #tpu.memory_space<vmem>>, vector<1x16xf32>,
      %get3A_336 = arith.index_cast %add3A_15 : i32 to index
      %get3A_337 = arith.constant 464 : index
      %get3A_338 = tpu.vector_load %arg7[%get3A_336, %get3A_337] {strides = array<i32>} : memref<64x768xf32, #tpu.memory_space<vmem>>, vector<1x16xf32>,
      %get3A_339 = vector.shape_cast %get3A_338 : vector<1x16xf32> to vector<16xf32>
      %mul3A_340 = vector.broadcast %squeeze3A : f32 to vector<16xf32>
      %mul3A_341 = arith.mulf %get3A_339, %mul3A_340 : vector<16xf32>
      %swap3A_342 = arith.index_cast %add3A_15 : i32 to index
      %swap3A_343 = arith.constant 464 : index
      %swap3A_344 = tpu.vector_load %arg7[%swap3A_342, %swap3A_343] {strides = array<i32>} : memref<64x768xf32, #tpu.memory_space<vmem>>, vector<1x16xf32>,
      %swap3A_345 = vector.shape_cast %swap3A_344 : vector<1x16xf32> to vector<16xf32>
      %swap3A_346 = vector.shape_cast %mul3A_341 : vector<16xf32> to vector<1x16xf32>
      tpu.vector_store %arg7[%swap3A_342, %swap3A_343], %swap3A_346 {strides = array<i32>} : memref<64x768xf32, #tpu.memory_space<vmem>>, vector<1x16xf32>,
      %get3A_347 = arith.index_cast %add3A_15 : i32 to index
      %get3A_348 = arith.constant 480 : index
      %get3A_349 = tpu.vector_load %arg7[%get3A_347, %get3A_348] {strides = array<i32>} : memref<64x768xf32, #tpu.memory_space<vmem>>, vector<1x16xf32>,
      %get3A_350 = vector.shape_cast %get3A_349 : vector<1x16xf32> to vector<16xf32>
      %mul3A_351 = vector.broadcast %squeeze3A : f32 to vector<16xf32>
      %mul3A_352 = arith.mulf %get3A_350, %mul3A_351 : vector<16xf32>
      %swap3A_353 = arith.index_cast %add3A_15 : i32 to index
      %swap3A_354 = arith.constant 480 : index
      %swap3A_355 = tpu.vector_load %arg7[%swap3A_353, %swap3A_354] {strides = array<i32>} : memref<64x768xf32, #tpu.memory_space<vmem>>, vector<1x16xf32>,
      %swap3A_356 = vector.shape_cast %swap3A_355 : vector<1x16xf32> to vector<16xf32>
      %swap3A_357 = vector.shape_cast %mul3A_352 : vector<16xf32> to vector<1x16xf32>
      tpu.vector_store %arg7[%swap3A_353, %swap3A_354], %swap3A_357 {strides = array<i32>} : memref<64x768xf32, #tpu.memory_space<vmem>>, vector<1x16xf32>,
      %get3A_358 = arith.index_cast %add3A_15 : i32 to index
      %get3A_359 = arith.constant 496 : index
      %get3A_360 = tpu.vector_load %arg7[%get3A_358, %get3A_359] {strides = array<i32>} : memref<64x768xf32, #tpu.memory_space<vmem>>, vector<1x16xf32>,
      %get3A_361 = vector.shape_cast %get3A_360 : vector<1x16xf32> to vector<16xf32>
      %mul3A_362 = vector.broadcast %squeeze3A : f32 to vector<16xf32>
      %mul3A_363 = arith.mulf %get3A_361, %mul3A_362 : vector<16xf32>
      %swap3A_364 = arith.index_cast %add3A_15 : i32 to index
      %swap3A_365 = arith.constant 496 : index
      %swap3A_366 = tpu.vector_load %arg7[%swap3A_364, %swap3A_365] {strides = array<i32>} : memref<64x768xf32, #tpu.memory_space<vmem>>, vector<1x16xf32>,
      %swap3A_367 = vector.shape_cast %swap3A_366 : vector<1x16xf32> to vector<16xf32>
      %swap3A_368 = vector.shape_cast %mul3A_363 : vector<16xf32> to vector<1x16xf32>
      tpu.vector_store %arg7[%swap3A_364, %swap3A_365], %swap3A_368 {strides = array<i32>} : memref<64x768xf32, #tpu.memory_space<vmem>>, vector<1x16xf32>,
      %get3A_369 = arith.index_cast %add3A_15 : i32 to index
      %get3A_370 = arith.constant 512 : index
      %get3A_371 = tpu.vector_load %arg7[%get3A_369, %get3A_370] {strides = array<i32>} : memref<64x768xf32, #tpu.memory_space<vmem>>, vector<1x16xf32>,
      %get3A_372 = vector.shape_cast %get3A_371 : vector<1x16xf32> to vector<16xf32>
      %mul3A_373 = vector.broadcast %squeeze3A : f32 to vector<16xf32>
      %mul3A_374 = arith.mulf %get3A_372, %mul3A_373 : vector<16xf32>
      %swap3A_375 = arith.index_cast %add3A_15 : i32 to index
      %swap3A_376 = arith.constant 512 : index
      %swap3A_377 = tpu.vector_load %arg7[%swap3A_375, %swap3A_376] {strides = array<i32>} : memref<64x768xf32, #tpu.memory_space<vmem>>, vector<1x16xf32>,
      %swap3A_378 = vector.shape_cast %swap3A_377 : vector<1x16xf32> to vector<16xf32>
      %swap3A_379 = vector.shape_cast %mul3A_374 : vector<16xf32> to vector<1x16xf32>
      tpu.vector_store %arg7[%swap3A_375, %swap3A_376], %swap3A_379 {strides = array<i32>} : memref<64x768xf32, #tpu.memory_space<vmem>>, vector<1x16xf32>,
      %get3A_380 = arith.index_cast %add3A_15 : i32 to index
      %get3A_381 = arith.constant 528 : index
      %get3A_382 = tpu.vector_load %arg7[%get3A_380, %get3A_381] {strides = array<i32>} : memref<64x768xf32, #tpu.memory_space<vmem>>, vector<1x16xf32>,
      %get3A_383 = vector.shape_cast %get3A_382 : vector<1x16xf32> to vector<16xf32>
      %mul3A_384 = vector.broadcast %squeeze3A : f32 to vector<16xf32>
      %mul3A_385 = arith.mulf %get3A_383, %mul3A_384 : vector<16xf32>
      %swap3A_386 = arith.index_cast %add3A_15 : i32 to index
      %swap3A_387 = arith.constant 528 : index
      %swap3A_388 = tpu.vector_load %arg7[%swap3A_386, %swap3A_387] {strides = array<i32>} : memref<64x768xf32, #tpu.memory_space<vmem>>, vector<1x16xf32>,
      %swap3A_389 = vector.shape_cast %swap3A_388 : vector<1x16xf32> to vector<16xf32>
      %swap3A_390 = vector.shape_cast %mul3A_385 : vector<16xf32> to vector<1x16xf32>
      tpu.vector_store %arg7[%swap3A_386, %swap3A_387], %swap3A_390 {strides = array<i32>} : memref<64x768xf32, #tpu.memory_space<vmem>>, vector<1x16xf32>,
      %get3A_391 = arith.index_cast %add3A_15 : i32 to index
      %get3A_392 = arith.constant 544 : index
      %get3A_393 = tpu.vector_load %arg7[%get3A_391, %get3A_392] {strides = array<i32>} : memref<64x768xf32, #tpu.memory_space<vmem>>, vector<1x16xf32>,
      %get3A_394 = vector.shape_cast %get3A_393 : vector<1x16xf32> to vector<16xf32>
      %mul3A_395 = vector.broadcast %squeeze3A : f32 to vector<16xf32>
      %mul3A_396 = arith.mulf %get3A_394, %mul3A_395 : vector<16xf32>
      %swap3A_397 = arith.index_cast %add3A_15 : i32 to index
      %swap3A_398 = arith.constant 544 : index
      %swap3A_399 = tpu.vector_load %arg7[%swap3A_397, %swap3A_398] {strides = array<i32>} : memref<64x768xf32, #tpu.memory_space<vmem>>, vector<1x16xf32>,
      %swap3A_400 = vector.shape_cast %swap3A_399 : vector<1x16xf32> to vector<16xf32>
      %swap3A_401 = vector.shape_cast %mul3A_396 : vector<16xf32> to vector<1x16xf32>
      tpu.vector_store %arg7[%swap3A_397, %swap3A_398], %swap3A_401 {strides = array<i32>} : memref<64x768xf32, #tpu.memory_space<vmem>>, vector<1x16xf32>,
      %get3A_402 = arith.index_cast %add3A_15 : i32 to index
      %get3A_403 = arith.constant 560 : index
      %get3A_404 = tpu.vector_load %arg7[%get3A_402, %get3A_403] {strides = array<i32>} : memref<64x768xf32, #tpu.memory_space<vmem>>, vector<1x16xf32>,
      %get3A_405 = vector.shape_cast %get3A_404 : vector<1x16xf32> to vector<16xf32>
      %mul3A_406 = vector.broadcast %squeeze3A : f32 to vector<16xf32>
      %mul3A_407 = arith.mulf %get3A_405, %mul3A_406 : vector<16xf32>
      %swap3A_408 = arith.index_cast %add3A_15 : i32 to index
      %swap3A_409 = arith.constant 560 : index
      %swap3A_410 = tpu.vector_load %arg7[%swap3A_408, %swap3A_409] {strides = array<i32>} : memref<64x768xf32, #tpu.memory_space<vmem>>, vector<1x16xf32>,
      %swap3A_411 = vector.shape_cast %swap3A_410 : vector<1x16xf32> to vector<16xf32>
      %swap3A_412 = vector.shape_cast %mul3A_407 : vector<16xf32> to vector<1x16xf32>
      tpu.vector_store %arg7[%swap3A_408, %swap3A_409], %swap3A_412 {strides = array<i32>} : memref<64x768xf32, #tpu.memory_space<vmem>>, vector<1x16xf32>,
      %get3A_413 = arith.index_cast %add3A_15 : i32 to index
      %get3A_414 = arith.constant 576 : index
      %get3A_415 = tpu.vector_load %arg7[%get3A_413, %get3A_414] {strides = array<i32>} : memref<64x768xf32, #tpu.memory_space<vmem>>, vector<1x16xf32>,
      %get3A_416 = vector.shape_cast %get3A_415 : vector<1x16xf32> to vector<16xf32>
      %mul3A_417 = vector.broadcast %squeeze3A : f32 to vector<16xf32>
      %mul3A_418 = arith.mulf %get3A_416, %mul3A_417 : vector<16xf32>
      %swap3A_419 = arith.index_cast %add3A_15 : i32 to index
      %swap3A_420 = arith.constant 576 : index
      %swap3A_421 = tpu.vector_load %arg7[%swap3A_419, %swap3A_420] {strides = array<i32>} : memref<64x768xf32, #tpu.memory_space<vmem>>, vector<1x16xf32>,
      %swap3A_422 = vector.shape_cast %swap3A_421 : vector<1x16xf32> to vector<16xf32>
      %swap3A_423 = vector.shape_cast %mul3A_418 : vector<16xf32> to vector<1x16xf32>
      tpu.vector_store %arg7[%swap3A_419, %swap3A_420], %swap3A_423 {strides = array<i32>} : memref<64x768xf32, #tpu.memory_space<vmem>>, vector<1x16xf32>,
      %get3A_424 = arith.index_cast %add3A_15 : i32 to index
      %get3A_425 = arith.constant 592 : index
      %get3A_426 = tpu.vector_load %arg7[%get3A_424, %get3A_425] {strides = array<i32>} : memref<64x768xf32, #tpu.memory_space<vmem>>, vector<1x16xf32>,
      %get3A_427 = vector.shape_cast %get3A_426 : vector<1x16xf32> to vector<16xf32>
      %mul3A_428 = vector.broadcast %squeeze3A : f32 to vector<16xf32>
      %mul3A_429 = arith.mulf %get3A_427, %mul3A_428 : vector<16xf32>
      %swap3A_430 = arith.index_cast %add3A_15 : i32 to index
      %swap3A_431 = arith.constant 592 : index
      %swap3A_432 = tpu.vector_load %arg7[%swap3A_430, %swap3A_431] {strides = array<i32>} : memref<64x768xf32, #tpu.memory_space<vmem>>, vector<1x16xf32>,
      %swap3A_433 = vector.shape_cast %swap3A_432 : vector<1x16xf32> to vector<16xf32>
      %swap3A_434 = vector.shape_cast %mul3A_429 : vector<16xf32> to vector<1x16xf32>
      tpu.vector_store %arg7[%swap3A_430, %swap3A_431], %swap3A_434 {strides = array<i32>} : memref<64x768xf32, #tpu.memory_space<vmem>>, vector<1x16xf32>,
      %get3A_435 = arith.index_cast %add3A_15 : i32 to index
      %get3A_436 = arith.constant 608 : index
      %get3A_437 = tpu.vector_load %arg7[%get3A_435, %get3A_436] {strides = array<i32>} : memref<64x768xf32, #tpu.memory_space<vmem>>, vector<1x16xf32>,
      %get3A_438 = vector.shape_cast %get3A_437 : vector<1x16xf32> to vector<16xf32>
      %mul3A_439 = vector.broadcast %squeeze3A : f32 to vector<16xf32>
      %mul3A_440 = arith.mulf %get3A_438, %mul3A_439 : vector<16xf32>
      %swap3A_441 = arith.index_cast %add3A_15 : i32 to index
      %swap3A_442 = arith.constant 608 : index
      %swap3A_443 = tpu.vector_load %arg7[%swap3A_441, %swap3A_442] {strides = array<i32>} : memref<64x768xf32, #tpu.memory_space<vmem>>, vector<1x16xf32>,
      %swap3A_444 = vector.shape_cast %swap3A_443 : vector<1x16xf32> to vector<16xf32>
      %swap3A_445 = vector.shape_cast %mul3A_440 : vector<16xf32> to vector<1x16xf32>
      tpu.vector_store %arg7[%swap3A_441, %swap3A_442], %swap3A_445 {strides = array<i32>} : memref<64x768xf32, #tpu.memory_space<vmem>>, vector<1x16xf32>,
      %get3A_446 = arith.index_cast %add3A_15 : i32 to index
      %get3A_447 = arith.constant 624 : index
      %get3A_448 = tpu.vector_load %arg7[%get3A_446, %get3A_447] {strides = array<i32>} : memref<64x768xf32, #tpu.memory_space<vmem>>, vector<1x16xf32>,
      %get3A_449 = vector.shape_cast %get3A_448 : vector<1x16xf32> to vector<16xf32>
      %mul3A_450 = vector.broadcast %squeeze3A : f32 to vector<16xf32>
      %mul3A_451 = arith.mulf %get3A_449, %mul3A_450 : vector<16xf32>
      %swap3A_452 = arith.index_cast %add3A_15 : i32 to index
      %swap3A_453 = arith.constant 624 : index
      %swap3A_454 = tpu.vector_load %arg7[%swap3A_452, %swap3A_453] {strides = array<i32>} : memref<64x768xf32, #tpu.memory_space<vmem>>, vector<1x16xf32>,
      %swap3A_455 = vector.shape_cast %swap3A_454 : vector<1x16xf32> to vector<16xf32>
      %swap3A_456 = vector.shape_cast %mul3A_451 : vector<16xf32> to vector<1x16xf32>
      tpu.vector_store %arg7[%swap3A_452, %swap3A_453], %swap3A_456 {strides = array<i32>} : memref<64x768xf32, #tpu.memory_space<vmem>>, vector<1x16xf32>,
      %get3A_457 = arith.index_cast %add3A_15 : i32 to index
      %get3A_458 = arith.constant 640 : index
      %get3A_459 = tpu.vector_load %arg7[%get3A_457, %get3A_458] {strides = array<i32>} : memref<64x768xf32, #tpu.memory_space<vmem>>, vector<1x16xf32>,
      %get3A_460 = vector.shape_cast %get3A_459 : vector<1x16xf32> to vector<16xf32>
      %mul3A_461 = vector.broadcast %squeeze3A : f32 to vector<16xf32>
      %mul3A_462 = arith.mulf %get3A_460, %mul3A_461 : vector<16xf32>
      %swap3A_463 = arith.index_cast %add3A_15 : i32 to index
      %swap3A_464 = arith.constant 640 : index
      %swap3A_465 = tpu.vector_load %arg7[%swap3A_463, %swap3A_464] {strides = array<i32>} : memref<64x768xf32, #tpu.memory_space<vmem>>, vector<1x16xf32>,
      %swap3A_466 = vector.shape_cast %swap3A_465 : vector<1x16xf32> to vector<16xf32>
      %swap3A_467 = vector.shape_cast %mul3A_462 : vector<16xf32> to vector<1x16xf32>
      tpu.vector_store %arg7[%swap3A_463, %swap3A_464], %swap3A_467 {strides = array<i32>} : memref<64x768xf32, #tpu.memory_space<vmem>>, vector<1x16xf32>,
      %get3A_468 = arith.index_cast %add3A_15 : i32 to index
      %get3A_469 = arith.constant 656 : index
      %get3A_470 = tpu.vector_load %arg7[%get3A_468, %get3A_469] {strides = array<i32>} : memref<64x768xf32, #tpu.memory_space<vmem>>, vector<1x16xf32>,
      %get3A_471 = vector.shape_cast %get3A_470 : vector<1x16xf32> to vector<16xf32>
      %mul3A_472 = vector.broadcast %squeeze3A : f32 to vector<16xf32>
      %mul3A_473 = arith.mulf %get3A_471, %mul3A_472 : vector<16xf32>
      %swap3A_474 = arith.index_cast %add3A_15 : i32 to index
      %swap3A_475 = arith.constant 656 : index
      %swap3A_476 = tpu.vector_load %arg7[%swap3A_474, %swap3A_475] {strides = array<i32>} : memref<64x768xf32, #tpu.memory_space<vmem>>, vector<1x16xf32>,
      %swap3A_477 = vector.shape_cast %swap3A_476 : vector<1x16xf32> to vector<16xf32>
      %swap3A_478 = vector.shape_cast %mul3A_473 : vector<16xf32> to vector<1x16xf32>
      tpu.vector_store %arg7[%swap3A_474, %swap3A_475], %swap3A_478 {strides = array<i32>} : memref<64x768xf32, #tpu.memory_space<vmem>>, vector<1x16xf32>,
      %get3A_479 = arith.index_cast %add3A_15 : i32 to index
      %get3A_480 = arith.constant 672 : index
      %get3A_481 = tpu.vector_load %arg7[%get3A_479, %get3A_480] {strides = array<i32>} : memref<64x768xf32, #tpu.memory_space<vmem>>, vector<1x16xf32>,
      %get3A_482 = vector.shape_cast %get3A_481 : vector<1x16xf32> to vector<16xf32>
      %mul3A_483 = vector.broadcast %squeeze3A : f32 to vector<16xf32>
      %mul3A_484 = arith.mulf %get3A_482, %mul3A_483 : vector<16xf32>
      %swap3A_485 = arith.index_cast %add3A_15 : i32 to index
      %swap3A_486 = arith.constant 672 : index
      %swap3A_487 = tpu.vector_load %arg7[%swap3A_485, %swap3A_486] {strides = array<i32>} : memref<64x768xf32, #tpu.memory_space<vmem>>, vector<1x16xf32>,
      %swap3A_488 = vector.shape_cast %swap3A_487 : vector<1x16xf32> to vector<16xf32>
      %swap3A_489 = vector.shape_cast %mul3A_484 : vector<16xf32> to vector<1x16xf32>
      tpu.vector_store %arg7[%swap3A_485, %swap3A_486], %swap3A_489 {strides = array<i32>} : memref<64x768xf32, #tpu.memory_space<vmem>>, vector<1x16xf32>,
      %get3A_490 = arith.index_cast %add3A_15 : i32 to index
      %get3A_491 = arith.constant 688 : index
      %get3A_492 = tpu.vector_load %arg7[%get3A_490, %get3A_491] {strides = array<i32>} : memref<64x768xf32, #tpu.memory_space<vmem>>, vector<1x16xf32>,
      %get3A_493 = vector.shape_cast %get3A_492 : vector<1x16xf32> to vector<16xf32>
      %mul3A_494 = vector.broadcast %squeeze3A : f32 to vector<16xf32>
      %mul3A_495 = arith.mulf %get3A_493, %mul3A_494 : vector<16xf32>
      %swap3A_496 = arith.index_cast %add3A_15 : i32 to index
      %swap3A_497 = arith.constant 688 : index
      %swap3A_498 = tpu.vector_load %arg7[%swap3A_496, %swap3A_497] {strides = array<i32>} : memref<64x768xf32, #tpu.memory_space<vmem>>, vector<1x16xf32>,
      %swap3A_499 = vector.shape_cast %swap3A_498 : vector<1x16xf32> to vector<16xf32>
      %swap3A_500 = vector.shape_cast %mul3A_495 : vector<16xf32> to vector<1x16xf32>
      tpu.vector_store %arg7[%swap3A_496, %swap3A_497], %swap3A_500 {strides = array<i32>} : memref<64x768xf32, #tpu.memory_space<vmem>>, vector<1x16xf32>,
      %get3A_501 = arith.index_cast %add3A_15 : i32 to index
      %get3A_502 = arith.constant 704 : index
      %get3A_503 = tpu.vector_load %arg7[%get3A_501, %get3A_502] {strides = array<i32>} : memref<64x768xf32, #tpu.memory_space<vmem>>, vector<1x16xf32>,
      %get3A_504 = vector.shape_cast %get3A_503 : vector<1x16xf32> to vector<16xf32>
      %mul3A_505 = vector.broadcast %squeeze3A : f32 to vector<16xf32>
      %mul3A_506 = arith.mulf %get3A_504, %mul3A_505 : vector<16xf32>
      %swap3A_507 = arith.index_cast %add3A_15 : i32 to index
      %swap3A_508 = arith.constant 704 : index
      %swap3A_509 = tpu.vector_load %arg7[%swap3A_507, %swap3A_508] {strides = array<i32>} : memref<64x768xf32, #tpu.memory_space<vmem>>, vector<1x16xf32>,
      %swap3A_510 = vector.shape_cast %swap3A_509 : vector<1x16xf32> to vector<16xf32>
      %swap3A_511 = vector.shape_cast %mul3A_506 : vector<16xf32> to vector<1x16xf32>
      tpu.vector_store %arg7[%swap3A_507, %swap3A_508], %swap3A_511 {strides = array<i32>} : memref<64x768xf32, #tpu.memory_space<vmem>>, vector<1x16xf32>,
      %get3A_512 = arith.index_cast %add3A_15 : i32 to index
      %get3A_513 = arith.constant 720 : index
      %get3A_514 = tpu.vector_load %arg7[%get3A_512, %get3A_513] {strides = array<i32>} : memref<64x768xf32, #tpu.memory_space<vmem>>, vector<1x16xf32>,
      %get3A_515 = vector.shape_cast %get3A_514 : vector<1x16xf32> to vector<16xf32>
      %mul3A_516 = vector.broadcast %squeeze3A : f32 to vector<16xf32>
      %mul3A_517 = arith.mulf %get3A_515, %mul3A_516 : vector<16xf32>
      %swap3A_518 = arith.index_cast %add3A_15 : i32 to index
      %swap3A_519 = arith.constant 720 : index
      %swap3A_520 = tpu.vector_load %arg7[%swap3A_518, %swap3A_519] {strides = array<i32>} : memref<64x768xf32, #tpu.memory_space<vmem>>, vector<1x16xf32>,
      %swap3A_521 = vector.shape_cast %swap3A_520 : vector<1x16xf32> to vector<16xf32>
      %swap3A_522 = vector.shape_cast %mul3A_517 : vector<16xf32> to vector<1x16xf32>
      tpu.vector_store %arg7[%swap3A_518, %swap3A_519], %swap3A_522 {strides = array<i32>} : memref<64x768xf32, #tpu.memory_space<vmem>>, vector<1x16xf32>,
      %get3A_523 = arith.index_cast %add3A_15 : i32 to index
      %get3A_524 = arith.constant 736 : index
      %get3A_525 = tpu.vector_load %arg7[%get3A_523, %get3A_524] {strides = array<i32>} : memref<64x768xf32, #tpu.memory_space<vmem>>, vector<1x16xf32>,
      %get3A_526 = vector.shape_cast %get3A_525 : vector<1x16xf32> to vector<16xf32>
      %mul3A_527 = vector.broadcast %squeeze3A : f32 to vector<16xf32>
      %mul3A_528 = arith.mulf %get3A_526, %mul3A_527 : vector<16xf32>
      %swap3A_529 = arith.index_cast %add3A_15 : i32 to index
      %swap3A_530 = arith.constant 736 : index
      %swap3A_531 = tpu.vector_load %arg7[%swap3A_529, %swap3A_530] {strides = array<i32>} : memref<64x768xf32, #tpu.memory_space<vmem>>, vector<1x16xf32>,
      %swap3A_532 = vector.shape_cast %swap3A_531 : vector<1x16xf32> to vector<16xf32>
      %swap3A_533 = vector.shape_cast %mul3A_528 : vector<16xf32> to vector<1x16xf32>
      tpu.vector_store %arg7[%swap3A_529, %swap3A_530], %swap3A_533 {strides = array<i32>} : memref<64x768xf32, #tpu.memory_space<vmem>>, vector<1x16xf32>,
      %get3A_534 = arith.index_cast %add3A_15 : i32 to index
      %get3A_535 = arith.constant 752 : index
      %get3A_536 = tpu.vector_load %arg7[%get3A_534, %get3A_535] {strides = array<i32>} : memref<64x768xf32, #tpu.memory_space<vmem>>, vector<1x16xf32>,
      %get3A_537 = vector.shape_cast %get3A_536 : vector<1x16xf32> to vector<16xf32>
      %mul3A_538 = vector.broadcast %squeeze3A : f32 to vector<16xf32>
      %mul3A_539 = arith.mulf %get3A_537, %mul3A_538 : vector<16xf32>
      %swap3A_540 = arith.index_cast %add3A_15 : i32 to index
      %swap3A_541 = arith.constant 752 : index
      %swap3A_542 = tpu.vector_load %arg7[%swap3A_540, %swap3A_541] {strides = array<i32>} : memref<64x768xf32, #tpu.memory_space<vmem>>, vector<1x16xf32>,
      %swap3A_543 = vector.shape_cast %swap3A_542 : vector<1x16xf32> to vector<16xf32>
      %swap3A_544 = vector.shape_cast %mul3A_539 : vector<16xf32> to vector<1x16xf32>
      tpu.vector_store %arg7[%swap3A_540, %swap3A_541], %swap3A_544 {strides = array<i32>} : memref<64x768xf32, #tpu.memory_space<vmem>>, vector<1x16xf32>,
    }
    %scan3A_10 = arith.constant 64 : i32
    "tpu.region"() ({
      %run_scoped3A = tpu.sem_alloc : memref<!tpu.dma_semaphore, #tpu.memory_space<semaphore_mem>>
      %dma_start3A_11 = arith.constant 0 : i32
      %dma_start3A_12 = tpu.memref_slice %arg5[%mul3A_2, %dma_start3A_11] : memref<2048x768xf32, #tpu.memory_space<hbm>> -> memref<64x768xf32, #tpu.memory_space<hbm>>
      %dma_start3A_13 = arith.constant 0 : i32
      %dma_start3A_14 = tpu.memref_slice %arg5[%mul3A_2, %dma_start3A_13] : memref<2048x768xf32, #tpu.memory_space<hbm>> -> memref<64x768xf32, #tpu.memory_space<hbm>>
      tpu.enqueue_dma source(%arg7 : memref<64x768xf32, #tpu.memory_space<vmem>>) target(%dma_start3A_14 : memref<64x768xf32, #tpu.memory_space<hbm>>) target_semaphore(%run_scoped3A : memref<!tpu.dma_semaphore, #tpu.memory_space<semaphore_mem>>)
      %dma_wait3A_15 = arith.constant 0 : i32
      %dma_wait3A_16 = tpu.memref_slice %arg5[%mul3A_2, %dma_wait3A_15] : memref<2048x768xf32, #tpu.memory_space<hbm>> -> memref<64x768xf32, #tpu.memory_space<hbm>>
      %dma_wait3A_17 = arith.constant 0 : i32
      %dma_wait3A_18 = tpu.memref_slice %arg5[%mul3A_2, %dma_wait3A_17] : memref<2048x768xf32, #tpu.memory_space<hbm>> -> memref<64x768xf32, #tpu.memory_space<hbm>>
      tpu.wait_dma2 semaphore(%run_scoped3A : memref<!tpu.dma_semaphore, #tpu.memory_space<semaphore_mem>>) src(%arg7 : memref<64x768xf32, #tpu.memory_space<vmem>>) dst(%dma_wait3A_18 : memref<64x768xf32, #tpu.memory_space<hbm>>)
      tpu.yield
    }) : () -> ()
    return
  }
}

module attributes {stable_mosaic.version = 14 : i64} {
  func.func @_ffn_body(%arg0: i32, %arg1: memref<112xi32, #tpu.memory_space<smem>>, %arg2: memref<64x768xf32, #tpu.memory_space<vmem>>, %arg3: memref<1x768x1536xf32, #tpu.memory_space<vmem>>, %arg4: memref<1x768x1536xf32, #tpu.memory_space<vmem>>, %arg5: memref<1x1536x768xf32, #tpu.memory_space<vmem>>, %arg6: memref<64x768xf32, #tpu.memory_space<vmem>>) attributes {dimension_semantics = [#tpu.dimension_semantics<arbitrary>], iteration_bounds = array<i64: 96>, scalar_prefetch = 1 : i64, scratch_operands = 0 : i64, tpu.core_type = #tpu.core_type<tc>, window_params = [{transform_indices = @transform_0, window_bounds = array<i64: 64, 768>}, {transform_indices = @transform_1, window_bounds = array<i64: 1, 768, 1536>}, {transform_indices = @transform_2, window_bounds = array<i64: 1, 768, 1536>}, {transform_indices = @transform_3, window_bounds = array<i64: 1, 1536, 768>}, {transform_indices = @transform_4, window_bounds = array<i64: 64, 768>}]} {
    %get3A = arith.constant 96 : index
    %get3A_0 = memref.load %arg1[%get3A] : memref<112xi32, #tpu.memory_space<smem>>
    %lt3A = arith.cmpi slt, %arg0, %get3A_0 : i32
    %convert_element_type3A = arith.extui %lt3A : i1 to i32
    %cond3A = arith.constant 0 : i32
    %cond3A_1 = arith.cmpi ne, %convert_element_type3A, %cond3A : i32
    scf.if %cond3A_1 {
      %get3A_2 = arith.constant 0 : index
      %get3A_3 = arith.constant 0 : index
      %get3A_4 = vector.load %arg2[%get3A_2, %get3A_3] : memref<64x768xf32, #tpu.memory_space<vmem>>, vector<64x768xf32>
      %convert_element_type3A_5 = arith.truncf %get3A_4 : vector<64x768xf32> to vector<64x768xbf16>
      %get3A_6 = arith.constant 0 : index
      %get3A_7 = arith.constant 0 : index
      %get3A_8 = arith.constant 0 : index
      %get3A_9 = vector.load %arg3[%get3A_6, %get3A_7, %get3A_8] : memref<1x768x1536xf32, #tpu.memory_space<vmem>>, vector<1x768x1536xf32>
      %get3A_10 = vector.shape_cast %get3A_9 : vector<1x768x1536xf32> to vector<768x1536xf32>
      %convert_element_type3A_11 = arith.truncf %get3A_10 : vector<768x1536xf32> to vector<768x1536xbf16>
      %dot_general3A = arith.constant dense<0.000000e+00> : vector<64x1536xf32>
      %dot_general3A_12 = tpu.matmul %convert_element_type3A_5, %convert_element_type3A_11, %dot_general3A {dimension_numbers = #tpu.dot_dimension_numbers<[1], [0], [0], [1], [0, 0, 1, 1], [], []>, transpose_lhs_hint = false} : vector<64x768xbf16>, vector<768x1536xbf16>, vector<64x1536xf32> -> vector<64x1536xf32>
      %get3A_13 = arith.constant 0 : index
      %get3A_14 = arith.constant 0 : index
      %get3A_15 = arith.constant 0 : index
      %get3A_16 = vector.load %arg4[%get3A_13, %get3A_14, %get3A_15] : memref<1x768x1536xf32, #tpu.memory_space<vmem>>, vector<1x768x1536xf32>
      %get3A_17 = vector.shape_cast %get3A_16 : vector<1x768x1536xf32> to vector<768x1536xf32>
      %convert_element_type3A_18 = arith.truncf %get3A_17 : vector<768x1536xf32> to vector<768x1536xbf16>
      %dot_general3A_19 = arith.constant dense<0.000000e+00> : vector<64x1536xf32>
      %dot_general3A_20 = tpu.matmul %convert_element_type3A_5, %convert_element_type3A_18, %dot_general3A_19 {dimension_numbers = #tpu.dot_dimension_numbers<[1], [0], [0], [1], [0, 0, 1, 1], [], []>, transpose_lhs_hint = false} : vector<64x768xbf16>, vector<768x1536xbf16>, vector<64x1536xf32> -> vector<64x1536xf32>
      %logistic3A = arith.negf %dot_general3A_12 : vector<64x1536xf32>
      %logistic3A_21 = math.exp %logistic3A : vector<64x1536xf32>
      %logistic3A_22 = arith.constant 1.000000e+00 : f32
      %logistic3A_23 = vector.broadcast %logistic3A_22 : f32 to vector<64x1536xf32>
      %logistic3A_24 = arith.addf %logistic3A_23, %logistic3A_21 : vector<64x1536xf32>
      %logistic3A_25 = arith.divf %logistic3A_23, %logistic3A_24 : vector<64x1536xf32>
      %mul3A = arith.mulf %dot_general3A_12, %logistic3A_25 : vector<64x1536xf32>
      %mul3A_26 = arith.mulf %mul3A, %dot_general3A_20 : vector<64x1536xf32>
      %convert_element_type3A_27 = arith.truncf %mul3A_26 : vector<64x1536xf32> to vector<64x1536xbf16>
      %get3A_28 = arith.constant 0 : index
      %get3A_29 = arith.constant 0 : index
      %get3A_30 = arith.constant 0 : index
      %get3A_31 = vector.load %arg5[%get3A_28, %get3A_29, %get3A_30] : memref<1x1536x768xf32, #tpu.memory_space<vmem>>, vector<1x1536x768xf32>
      %get3A_32 = vector.shape_cast %get3A_31 : vector<1x1536x768xf32> to vector<1536x768xf32>
      %convert_element_type3A_33 = arith.truncf %get3A_32 : vector<1536x768xf32> to vector<1536x768xbf16>
      %dot_general3A_34 = arith.constant dense<0.000000e+00> : vector<64x768xf32>
      %dot_general3A_35 = tpu.matmul %convert_element_type3A_27, %convert_element_type3A_33, %dot_general3A_34 {dimension_numbers = #tpu.dot_dimension_numbers<[1], [0], [0], [1], [0, 0, 1, 1], [], []>, transpose_lhs_hint = false} : vector<64x1536xbf16>, vector<1536x768xbf16>, vector<64x768xf32> -> vector<64x768xf32>
      %swap3A = arith.constant 0 : index
      %swap3A_36 = arith.constant 0 : index
      %swap3A_37 = vector.load %arg6[%swap3A, %swap3A_36] : memref<64x768xf32, #tpu.memory_space<vmem>>, vector<64x768xf32>
      tpu.vector_store %arg6[%swap3A, %swap3A_36], %dot_general3A_35 {strides = array<i32>} : memref<64x768xf32, #tpu.memory_space<vmem>>, vector<64x768xf32>,
    } else {
    }
    return
  }
  func.func @transform_0(%arg0: i32, %arg1: memref<112xi32, #tpu.memory_space<smem>>) -> (i32, i32) {
    %get3A = arith.constant 96 : index
    %get3A_0 = memref.load %arg1[%get3A] : memref<112xi32, #tpu.memory_space<smem>>
    %sub3A = arith.constant 1 : i32
    %sub3A_1 = arith.subi %get3A_0, %sub3A : i32
    %min3A = arith.minsi %arg0, %sub3A_1 : i32
    %c0_i32 = arith.constant 0 : i32
    %c0_i32_2 = arith.constant 0 : i32
    return %min3A, %c0_i32 : i32, i32
  }
  func.func @transform_1(%arg0: i32, %arg1: memref<112xi32, #tpu.memory_space<smem>>) -> (i32, i32, i32) {
    %get3A = arith.index_cast %arg0 : i32 to index
    %get3A_0 = memref.load %arg1[%get3A] : memref<112xi32, #tpu.memory_space<smem>>
    %c0_i32 = arith.constant 0 : i32
    %c0_i32_1 = arith.constant 0 : i32
    %c0_i32_2 = arith.constant 0 : i32
    return %get3A_0, %c0_i32, %c0_i32_1 : i32, i32, i32
  }
  func.func @transform_2(%arg0: i32, %arg1: memref<112xi32, #tpu.memory_space<smem>>) -> (i32, i32, i32) {
    %get3A = arith.index_cast %arg0 : i32 to index
    %get3A_0 = memref.load %arg1[%get3A] : memref<112xi32, #tpu.memory_space<smem>>
    %c0_i32 = arith.constant 0 : i32
    %c0_i32_1 = arith.constant 0 : i32
    %c0_i32_2 = arith.constant 0 : i32
    return %get3A_0, %c0_i32, %c0_i32_1 : i32, i32, i32
  }
  func.func @transform_3(%arg0: i32, %arg1: memref<112xi32, #tpu.memory_space<smem>>) -> (i32, i32, i32) {
    %get3A = arith.index_cast %arg0 : i32 to index
    %get3A_0 = memref.load %arg1[%get3A] : memref<112xi32, #tpu.memory_space<smem>>
    %c0_i32 = arith.constant 0 : i32
    %c0_i32_1 = arith.constant 0 : i32
    %c0_i32_2 = arith.constant 0 : i32
    return %get3A_0, %c0_i32, %c0_i32_1 : i32, i32, i32
  }
  func.func @transform_4(%arg0: i32, %arg1: memref<112xi32, #tpu.memory_space<smem>>) -> (i32, i32) {
    %get3A = arith.constant 96 : index
    %get3A_0 = memref.load %arg1[%get3A] : memref<112xi32, #tpu.memory_space<smem>>
    %sub3A = arith.constant 1 : i32
    %sub3A_1 = arith.subi %get3A_0, %sub3A : i32
    %min3A = arith.minsi %arg0, %sub3A_1 : i32
    %c0_i32 = arith.constant 0 : i32
    %c0_i32_2 = arith.constant 0 : i32
    return %min3A, %c0_i32 : i32, i32
  }
}

</mosaic_0001>

<sc_bundles>
// kernel: moe_route_scatter.3.cloned.1.call-start
scs
__scs_entry_jumppad:
0x0: {  	(pc) =	sbr.rel $0x88, $3  }
0x1: {  	(tag) =	ssettag $0x0;
	lr =	simm.s32 $0x1  }
0x2: {  	[smem:$0x3F9B] =	sst lr;
	_ =	strace $0xD0000000  }
0x3: {  	_ = 	snop  }
0x4: {  	_ = 	snop  }
0x5: {  	_ = 	snop  }
0x6: {  	_ = 	snop  }
0x7: {  	_ = 	snop  }
__scs_overlays_trampoline_lowered:
0x8: {  	[smem:$0x3FAA] =	sst s0  }
0x9: {  	[smem:$0x3FAB] =	sst s1  }
0xa: {  	[smem:$0x3FAC] =	sst s2  }
0xb: {  	[smem:$0x3FAD] =	sst s3  }
0xc: {  	[smem:$0x3FAE] =	sst s4  }
0xd: {  	[smem:$0x3FAF] =	sst s5  }
0xe: {  	[smem:$0x3FB0] =	sst s6  }
0xf: {  	[smem:$0x3FB1] =	sst s7  }
0x10: {  	[smem:$0x3FB2] =	sst s8  }
0x11: {  	[smem:$0x3FB3] =	sst s9;
	s0 =	simm.s32 @!p0 $0x0  }
0x12: {  	s1 =	sld [smem:$0x3F99];
	s0 =	simm.s32 @p0 $0x1  }
0x13: {  	[smem:$0x3FB4] =	sst s0;
	s0 =	simm.s32 @!p1 $0x0  }
0x14: {  	s2 =	sld [smem:$0x3F98];
	s0 =	simm.s32 @p1 $0x1  }
0x15: {  	[smem:$0x3FB5] =	sst s0;
	s0 =	simm.s32 @!p2 $0x0  }
0x16: {  	s3 =	sld [smem:$0x3FDB];
	s0 =	simm.s32 @p2 $0x1  }
0x17: {  	s4 =	simm.s32 $0x1BF5;
	[smem:$0x3FB7] =	sst s0  }
0x18: {  	s0 =	sld [smem:$0x3F9A];
	_ =	swait.ge [sflag:s4], $0x0  }
0x19: {  	s7 =	sld [smem:$0x3F9B]  }
0x1a: {  	s8 =	sadd.s32 $0xFFFFE003, lr  }
0x1b: {  	s9 =	sadd.s32 $0xFFFFFEF7, lr;
	s5 =	simm.s32 $0xFFFFFFFF;
	p2 =	slt.u32 s8, $0xFFFFF086  }
0x1c: {  	p1 =	slt.u32 s9, $0xF7A;
	s5 =	simm.s32 @!p2 $0x0  }
0x1d: {  	s5 =	simm.s32 @p1 $0x1;
	p0 =	seq.s32 s7, s2  }
0x1e: {  	s7 =	smul.u32 @!p0 $0xF7A, s2;
	p2 =	seq.s32 @!p0 s5, $0x0  }
0x1f: {  	s9 =	smul.u32 $0xF7A, s1;
	s8 =	simm.s32 @!p0 $0x1BF5;
	p2 =	por !p2, p0  }
0x20: {  	[sflag:s8] =	ssyncset.s32 @!p0 $0xFFFFF086;
	s6 =	sadd.s32 @!p0 s3, s7;
	s7 =	simm.s32 @!p0 $0x108  }
0x21: {  	s3 =	sadd.s32 s3, s9;
	s6 =	sadd.s32 @!p0 $0x88, s6;
	s7 =	simm.s32 @p2 $0x1082  }
0x22: {  	[simem:s7], [sflag:s8] =	dma.local @!p0 [hbm:s6], $0xF7A  }
0x23: {  	s9 =	sor.u32 $0xD0000000, s2;
	s6 =	simm.s32 $0x108;
	_ =	swait.ge @!p0 [sflag:s8], $0x0  }
0x24: {  	s3 =	sadd.s32 $0x88, s3;
	s6 =	simm.s32 @!p1 $0x1082;
	[sflag:s4] =	ssyncset.s32 $0xFFFFF086  }
0x25: {  	[simem:s6], [sflag:s4] =	dma.local [hbm:s3], $0xF7A  }
0x26: {  	[smem:$0x3F9B] =	sst s1;
	(tag) =	ssettag s2;
	_ =	strace s9  }
0x27: {  	s1 =	sld [smem:$0x3FAB]  }
0x28: {  	s2 =	sld [smem:$0x3FAC]  }
0x29: {  	s4 =	sld [smem:$0x3FAE]  }
0x2a: {  	p0 =	seq.s32 s5, $0x0;
	s5 =	sld [smem:$0x3FAF]  }
0x2b: {  	s6 =	sld [smem:$0x3FB0]  }
0x2c: {  	s7 =	sld [smem:$0x3FB1]  }
0x2d: {  	s3 =	simm.s32 $0x108;
	s8 =	sld [smem:$0x3FB2]  }
0x2e: {  	s3 =	simm.s32 @!p0 $0x1082;
	s9 =	sld [smem:$0x3FB3]  }
0x2f: {  	lr =	sadd.s32 s0, s3;
	s0 =	sld [smem:$0x3FAA]  }
0x30: {  	s3 =	sld [smem:$0x3FAD]  }
0x31: {  	[smem:$0x3FB6] =	sst s10  }
0x32: {  	s10 =	sld [smem:$0x3FB4];
	_ =	sdelay $0x3  }
0x33: {  	p0 =	seq.s32 s10, $0x1;
	s10 =	sld [smem:$0x3FB6];
	_ =	sdelay $0x3  }
0x34: {  	[smem:$0x3FB6] =	sst s10  }
0x35: {  	s10 =	sld [smem:$0x3FB5];
	_ =	sdelay $0x3  }
0x36: {  	p1 =	seq.s32 s10, $0x1;
	s10 =	sld [smem:$0x3FB6];
	_ =	sdelay $0x3  }
0x37: {  	[smem:$0x3FB6] =	sst s10  }
0x38: {  	s10 =	sld [smem:$0x3FB7]  }
0x39: {  	_ = 	snop;
	(pc) =	sbr.ind lr, $3  }
0x3a: {  	_ = 	snop  }
0x3b: {  	_ = 	snop  }
0x3c: {  	p2 =	seq.s32 s10, $0x1;
	s10 =	sld [smem:$0x3FB6]  }
0x3d: {  	_ =	shalt  }
0x3e: {  	_ =	shalt  }
0x3f: {  	_ =	shalt  }
0x40: {  	_ =	shalt  }
0x41: {  	_ =	shalt  }
0x42: {  	_ =	shalt  }
0x43: {  	_ =	shalt  }
0x44: {  	_ =	shalt  }
0x45: {  	_ =	shalt  }
0x46: {  	_ =	shalt  }
0x47: {  	_ =	shalt  }
0x48: {  	_ =	shalt  }
0x49: {  	_ =	shalt  }
0x4a: {  	_ =	shalt  }
0x4b: {  	_ =	shalt  }
0x4c: {  	_ =	shalt  }
0x4d: {  	_ =	shalt  }
0x4e: {  	_ =	shalt  }
0x4f: {  	_ =	shalt  }
0x50: {  	_ =	shalt  }
0x51: {  	_ =	shalt  }
0x52: {  	_ =	shalt  }
0x53: {  	_ =	shalt  }
0x54: {  	_ =	shalt  }
0x55: {  	_ =	shalt  }
0x56: {  	_ =	shalt  }
0x57: {  	_ =	shalt  }
0x58: {  	_ =	shalt  }
0x59: {  	_ =	shalt  }
0x5a: {  	_ =	shalt  }
0x5b: {  	_ =	shalt  }
0x5c: {  	_ =	shalt  }
0x5d: {  	_ =	shalt  }
0x5e: {  	_ =	shalt  }
0x5f: {  	_ =	shalt  }
0x60: {  	_ =	shalt  }
0x61: {  	_ =	shalt  }
0x62: {  	_ =	shalt  }
0x63: {  	_ =	shalt  }
0x64: {  	_ =	shalt  }
0x65: {  	_ =	shalt  }
0x66: {  	_ =	shalt  }
0x67: {  	_ =	shalt  }
0x68: {  	_ =	shalt  }
0x69: {  	_ =	shalt  }
0x6a: {  	_ =	shalt  }
0x6b: {  	_ =	shalt  }
0x6c: {  	_ =	shalt  }
0x6d: {  	_ =	shalt  }
0x6e: {  	_ =	shalt  }
0x6f: {  	_ =	shalt  }
0x70: {  	_ =	shalt  }
0x71: {  	_ =	shalt  }
0x72: {  	_ =	shalt  }
0x73: {  	_ =	shalt  }
0x74: {  	_ =	shalt  }
0x75: {  	_ =	shalt  }
0x76: {  	_ =	shalt  }
0x77: {  	_ =	shalt  }
0x78: {  	_ =	shalt  }
0x79: {  	_ =	shalt  }
0x7a: {  	_ =	shalt  }
0x7b: {  	_ =	shalt  }
0x7c: {  	_ =	shalt  }
0x7d: {  	_ =	shalt  }
0x7e: {  	_ =	shalt  }
0x7f: {  	_ =	shalt  }
0x80: {  	_ =	shalt  }
0x81: {  	_ =	shalt  }
0x82: {  	_ =	shalt  }
0x83: {  	_ =	shalt  }
0x84: {  	_ =	shalt  }
0x85: {  	_ =	shalt  }
0x86: {  	_ =	shalt  }
0x87: {  	_ =	shalt  }
.Lfunc_end0:
.L_simem_size_0:
called_computation_lowered:
.L_overlay_start_0:
0x88: {  	s2 =	sld [smem:$0x3FD9]  }
0x89: {  	s3 =	sld [smem:$0x3FFE];
	_ =	sdelay $0x1  }
0x8a: {  	s1 =	srdreg.scid  }
0x8b: {  	s0 =	sand.u32 $0x1, s1  }
0x8c: {  	s17 =	sshll.u32 s0, $0xA;
	s2 =	sadd.s32 s3, s2  }
0x8d: {  	s2 =	sadd.s32 s2, s17  }
0x8e: {  	[smem:$0x3FC2] =	sst s2  }
0x8f: {  	_ = 	snop  }
0x90: {  	s2 =	sld [smem:$0x3FC9]  }
0x91: {  	s18 =	sld [smem:$0x3FC8]  }
0x92: {  	s4 =	sld [smem:$0x3FD0];
	(tm) =	ssettm $0x1  }
0x93: {  	s5 =	sld [smem:$0x3FFB];
	_ =	sdelay $0x3  }
0x94: {  	_ =	strace s5  }
0x95: {  	s5 =	sld [smem:$0x3FFC];
	_ =	sdelay $0x3  }
0x96: {  	_ =	strace s5  }
0x97: {  	s5 =	sld [smem:$0x3FFD];
	_ =	sdelay $0x3  }
0x98: {  	_ =	strace s5  }
0x99: {  	_ =	strace $0x8FFFFFFF  }
0x9a: {  	s19 =	sld [smem:$0x3FDB];
	_ =	sdelay $0x1  }
0x9b: {  	s6 =	simm.s32 $_scs_section_size  }
0x9c: {  	s7 =	simm.s32 $_size__tile_overlayer_lowered;
	s8 =	simm.s32 $_tile_overlayer_lowered  }
0x9d: {  	s22 =	simm.s32 $0x1BFF;
	s21 =	sshll.u32 s8, $0x1;
	s5 =	sadd.s32 s6, s19  }
0x9e: {  	s9 =	simm.s32 $0x0;
	s20 =	sshll.u32 s7, $0x1;
	s7 =	sadd.s32 s21, s5  }
0x9f: {  	[timem:s9], [sflag:s22] =	dma.local [hbm:s7], s20  }
0xa0: {  	_ =	swait.ge [sflag:s22], s20  }
0xa1: {  	s6 =	ssub.s32 $0x0, s20;
	[sflag:s22] =	ssyncset.done $0x0  }
0xa2: {  	[sflag:s22] =	ssyncadd.s32 s6;
	_ =	sdelay $0x1  }
0xa3: {  	s23 =	simm.s32 $0x1B8B  }
0xa4: {  	_ =	swait.ge [sflag:s23], $0x1  }
0xa5: {  	[sflag:s23] =	ssyncset.done $0x0  }
0xa6: {  	s25 =	simm.s32 $0x1B8E;
	s24 =	sld [smem:$0x3FFE];
	[sflag:s23] =	ssyncadd.s32 $0xFFFFFFFF  }
0xa7: {  	s26 =	simm.s32 $execute0_lowered;
	[smem:$0x3FD2] =	sst s25  }
0xa8: {  	s7 =	sshll.u32 s26, $0x1;
	_ =	strace $0x80000046;
	[dreg:$0x1] =	wrdreg $0xFFFFFFFF  }
0xa9: {  	s28 =	simm.s32 $_size_execute0_lowered;
	s5 =	sadd.s32 s5, s7;
	[dreg:$0x0] =	wrdreg $0x0  }
0xaa: {  	s7 =	sshll.u32 s28, $0x1;
	[dreg:$0x2] =	wrdreg s5  }
0xab: {  	[dreg:$0x3] =	wrdreg s7  }
0xac: {  	[dreg:$0x4] =	wrdreg $0xC0  }
0xad: {  	_ =	task [dreg:s9], $0x5FFFF  }
0xae: {  	[dreg:$0x1] =	wrdreg $0xFFFFFFFF  }
0xaf: {  	[dreg:$0x0] =	wrdreg $0x60  }
0xb0: {  	[dreg:$0x2] =	wrdreg s18  }
0xb1: {  	[dreg:$0x3] =	wrdreg s2  }
0xb2: {  	[dreg:$0x4] =	wrdreg s24  }
0xb3: {  	[dreg:$0x5] =	wrdreg s4  }
0xb4: {  	[dreg:$0x6] =	wrdreg $0x9  }
0xb5: {  	_ =	task.clear_ibuf [dreg:s9], $0x7FFFF;
	_ =	strace $0x90000046  }
0xb6: {  	s29 =	simm.s32 $0x9;
	_ =	strace $0x80000048  }
0xb7: {  	_ =	swait.ge [sflag:s29], $0x1  }
0xb8: {  	[sflag:s29] =	ssyncadd.s32 $0xFFFFFFFF  }
0xb9: {  	_ =	strace $0x90000048  }
0xba: {  	_ =	sfence  }
0xbb: {  	s30 =	sld [smem:$0x0];
	_ =	sdelay $0x2  }
0xbc: {  	s31 =	sshll.u32 s1, $0xD;
	s1 =	sshrl.u32 s1, $0x2  }
0xbd: {  	s3 =	sand.u32 $0x4000, s31;
	s1 =	sadd.s32 s1, s30  }
0xbe: {  	s0 =	sor.u32 s3, s0;
	s1 =	sshll.u32 s1, $0x11  }
0xbf: {  	s0 =	sor.u32 s1, s0  }
0xc0: {  	s0 =	sadd.s32 $0x8F2B, s0  }
0xc1: {  	[sflag:s0] =	ssyncadd.remote.s32 $0x1  }
0xc2: {  	_ =	sfence.sel $0xFFFF  }
0xc3: {  	[dreg:$0x0] =	wrdreg $0xFFFFFFFF;
	(pc) =	sbr.abs _section_cstart, $3  }
0xc4: {  	[dreg:$0x1] =	wrdreg $0xFFFFFFFF  }
0xc5: {  	_ =	task.clear_ibuf [dreg:s9], $0x2FFFF;
	_ =	strace $0x9FFFFFFF  }
0xc6: {  	(tm) =	ssettm $0x7FFFFFFF  }
0xc7: {  	_ =	shalt  }
tec
execute0_lowered:
.L_overlay_start_1:
0x0: {  	(tag) =	ssettag $0x1  }
0x1: {  	s0 =	rddreg [dreg:$0x1];
	s4 =	simm.s32 $0x0  }
0x2: {  	[smem:$0x7FF] =	sst s4  }
0x3: {  	s1 =	rddreg [dreg:$0x2];
	v0 =	vimm.s32 $0x0;
	_ =	strace $0x80000047  }
0x4: {  	s2 =	srdreg.scid;
	s13 =	stileid.u32;
	s14 =	simm.s32 $0x880;
	(xrf1) =	vunique.msk.u32 $0xffff, v0  }
0x5: {  	s15 =	simm.s32 $0x900;
	s17 =	simm.s32 $0x980;
	s19 =	simm.s32 $0xB00  }
0x6: {  	s18 =	simm.s32 $0x8300;
	s16 =	simm.s32 $0x9300;
	s20 =	simm.s32 $0x9B00  }
0x7: {  	s21 =	simm.s32 $0xA300;
	s22 =	simm.s32 $0xAB00;
	s23 =	simm.s32 $0xB300  }
0x8: {  	s24 =	simm.s32 $0xBB00;
	s28 =	simm.s32 $0x0;
	s2 =	sand.u32 $0x1, s2  }
0x9: {  	s3 =	sshll.u32 s13, $0x1;
	s12 =	sshll.u32 s13, $0x9;
	s9 =	sadd.s32 $0x1100, s1  }
0xa: {  	s29 =	sshll.u32 s13, $0x3;
	s13 =	simm.s32 $0x2;
	s3 =	sor.u32 s2, s3  }
0xb: {  	s6 =	ssub.s32 $0x2, s2;
	s10 =	sshll.u32 s2, $0x8;
	s2 =	sshll.u32 s2, $0x2  }
0xc: {  	s5 =	sshll.u32 s3, $0x3;
	s8 =	sshrl.u32 s6, $0x1;
	s25 =	smul.u32 $0x1800, s3  }
0xd: {  	s26 =	sor.u32 s12, s10;
	s10 =	sadd.s32 $0x1200, s1;
	s31 =	sor.u32 s29, s2  }
0xe: {  	p0 =	sne.s32 s3, $0x0;
	s2 =	simm.s32 $0x7300;
	s7 =	sadd.s32 s5, s1  }
.Ltmp0:
0xf: {  	v3 =	vimm.s32 $0x20;
	s5 =	sadd.s32 $0x1000, s1;
	s11 =	ssub.s32 s6, s8;
	(pc) =	sbr.rel .LBB2_1-.Ltmp0, $4  }
0x10: {  	v4 =	vlaneseq.u32;
	v6 =	vimm.s32 $0x10;
	vm0 =	vmmov $0x1;
	s6 =	sshll.u32 s3, $0x6;
	s8 =	sadd.s32 s0, s25;
	s0 =	ssub.s32 $0x0, s26  }
0x11: {  	v5 =	vadd.s32 $0x1, v4;
	v7 =	vadd.s32 $0x11, v4;
	v8 =	vadd.s32 $0x21, v4;
	s30 =	ssub.s32 $0x0, s31;
	s3 =	simm.s32 $0x7B00;
	s0 =	sshra.s32 s0, $0x2  }
0x12: {  	v9 =	vadd.s32 $0x31, v4;
	v10 =	vadd.s32 $0x41, v4;
	v11 =	vadd.s32 $0x51, v4;
	s1 =	simm.s32 $0x8B00;
	s7 =	sadd.s32 $0x91000, s7;
	s0 =	sadd.s32 $0x800, s0;
	_, v2, _ =	vpop (xrf1)  }
0x13: {  	v12 =	vadd.s32 $0x61, v4;
	s11 =	smax.u32 s11, $0x1;
	s25 =	simm.s32 $0xC300;
	s26 =	simm.s32 $0x1;
	v1 =	vmov s0;
	v2 =	vbroadcast v2, $0x0  }
.LBB2_5:
0x14: {  	[tilespmem:s19], [sflag:$0x2] =	stream.linear.gather [hbm4b:s8+s4], $0xC000, $0x38;
	[tilespmem:$0xCB00] =	vst v63  }
0x15: {  	_ =	swait.ge [sflag:s13], $0xC000  }
0x16: {  	[sflag:s13] =	ssyncset.done $0x0  }
0x17: {  	[sflag:s13] =	ssyncadd.s32 $0xFFFF4000  }
0x18: {  	v13 =	vld [tilespmem:$0xA80];
	_ =	sdelay $0x4  }
0x19: {  	v14 =	vshrl.u32 v13, $0x3  }
0x1a: {  	v14 =	vmul.u32 $0x30, v14  }
0x1b: {  	v13 =	vand.u32 $0x7, v13  }
0x1c: {  	v15 =	vshrl.u32 v4, $0x3;
	v13 =	vor.u32 v13, v14;
	v14 =	vand.u32 $0x7, v4  }
0x1d: {  	v15 =	vmul.u32 $0x8, v15;
	v16 =	vperm.xlane v13, v14;
	_ =	sdelay $0x1  }
0x1e: {  	v16 =	vadd.s32 v15, v16;
	_ =	sdelay $0x2  }
0x1f: {  	v17 =	vor.u32 $0x8, v4  }
0x20: {  	vm1 =	vmmov $0xffff;
	v13 =	vperm.xlane v13, v17  }
0x21: {  	[hbm4b:s5+s4] =	stream.indirect_vreg.scatter [tilespmem:s19], [sflag:$0x1], $0x80, v16, vm1, $0xb8;
	[tilespmem:$0xCB00] =	vst v63  }
0x22: {  	s0 =	simm.s32 $0x1300;
	v13 =	vadd.s32 v15, v13  }
0x23: {  	[hbm4b:s9+s4] =	stream.indirect_vreg.scatter [tilespmem:s0], [sflag:$0x1], $0x80, v16, vm1, $0xb8;
	[tilespmem:$0xCB00] =	vst v63  }
0x24: {  	s29 =	simm.s32 $0x1B00  }
0x25: {  	[hbm4b:s10+s4] =	stream.indirect_vreg.scatter [tilespmem:s29], [sflag:$0x1], $0x80, v16, vm1, $0xb8;
	[tilespmem:$0xCB00] =	vst v63  }
0x26: {  	s31 =	simm.s32 $0x2300  }
0x27: {  	[hbm4b:s5+s4] =	stream.indirect_vreg.scatter [tilespmem:s31], [sflag:$0x1], $0x80, v13, vm1, $0xb8;
	[tilespmem:$0xCB00] =	vst v63  }
0x28: {  	s12 =	simm.s32 $0x2B00  }
0x29: {  	[hbm4b:s9+s4] =	stream.indirect_vreg.scatter [tilespmem:s12], [sflag:$0x1], $0x80, v13, vm1, $0xb8;
	[tilespmem:$0xCB00] =	vst v63  }
0x2a: {  	s29 =	simm.s32 $0x3300  }
0x2b: {  	[hbm4b:s10+s4] =	stream.indirect_vreg.scatter [tilespmem:s29], [sflag:$0x1], $0x80, v13, vm1, $0xb8;
	[tilespmem:$0xCB00] =	vst v63  }
0x2c: {  	v13 =	vld [tilespmem:$0xA90];
	_ =	sdelay $0x4  }
0x2d: {  	v61 =	vshrl.u32 v13, $0x3  }
0x2e: {  	v16 =	vmul.u32 $0x30, v61  }
0x2f: {  	v13 =	vand.u32 $0x7, v13  }
0x30: {  	v13 =	vor.u32 v13, v16  }
0x31: {  	v16 =	vperm.xlane v13, v14;
	_ =	sdelay $0x1  }
0x32: {  	v16 =	vadd.s32 v15, v16;
	_ =	sdelay $0x3  }
0x33: {  	s31 =	simm.s32 $0x3B00;
	v13 =	vperm.xlane v13, v17  }
0x34: {  	[hbm4b:s5+s4] =	stream.indirect_vreg.scatter [tilespmem:s31], [sflag:$0x1], $0x80, v16, vm1, $0xb8;
	[tilespmem:$0xCB00] =	vst v63  }
0x35: {  	s12 =	simm.s32 $0x4300;
	v13 =	vadd.s32 v15, v13  }
0x36: {  	[hbm4b:s9+s4] =	stream.indirect_vreg.scatter [tilespmem:s12], [sflag:$0x1], $0x80, v16, vm1, $0xb8;
	[tilespmem:$0xCB00] =	vst v63  }
0x37: {  	s29 =	simm.s32 $0x4B00  }
0x38: {  	[hbm4b:s10+s4] =	stream.indirect_vreg.scatter [tilespmem:s29], [sflag:$0x1], $0x80, v16, vm1, $0xb8;
	[tilespmem:$0xCB00] =	vst v63  }
0x39: {  	s31 =	simm.s32 $0x5300  }
0x3a: {  	[hbm4b:s5+s4] =	stream.indirect_vreg.scatter [tilespmem:s31], [sflag:$0x1], $0x80, v13, vm1, $0xb8;
	[tilespmem:$0xCB00] =	vst v63  }
0x3b: {  	s12 =	simm.s32 $0x5B00  }
0x3c: {  	[hbm4b:s9+s4] =	stream.indirect_vreg.scatter [tilespmem:s12], [sflag:$0x1], $0x80, v13, vm1, $0xb8;
	[tilespmem:$0xCB00] =	vst v63  }
0x3d: {  	s29 =	simm.s32 $0x6300  }
0x3e: {  	[hbm4b:s10+s4] =	stream.indirect_vreg.scatter [tilespmem:s29], [sflag:$0x1], $0x80, v13, vm1, $0xb8;
	[tilespmem:$0xCB00] =	vst v63  }
0x3f: {  	v13 =	vld [tilespmem:$0xAA0];
	_ =	sdelay $0x4  }
0x40: {  	v62 =	vshrl.u32 v13, $0x3  }
0x41: {  	v16 =	vmul.u32 $0x30, v62  }
0x42: {  	v13 =	vand.u32 $0x7, v13  }
0x43: {  	v13 =	vor.u32 v13, v16  }
0x44: {  	v16 =	vperm.xlane v13, v14;
	_ =	sdelay $0x1  }
0x45: {  	v16 =	vadd.s32 v15, v16;
	_ =	sdelay $0x3  }
0x46: {  	s31 =	simm.s32 $0x6B00;
	v13 =	vperm.xlane v13, v17  }
0x47: {  	[hbm4b:s5+s4] =	stream.indirect_vreg.scatter [tilespmem:s31], [sflag:$0x1], $0x80, v16, vm1, $0xb8;
	[tilespmem:$0xCB00] =	vst v63  }
0x48: {  	v13 =	vadd.s32 v15, v13  }
0x49: {  	[hbm4b:s9+s4] =	stream.indirect_vreg.scatter [tilespmem:s2], [sflag:$0x1], $0x80, v16, vm1, $0xb8;
	[tilespmem:$0xCB00] =	vst v63  }
0x4a: {  	_ = 	snop  }
0x4b: {  	[hbm4b:s10+s4] =	stream.indirect_vreg.scatter [tilespmem:s3], [sflag:$0x1], $0x80, v16, vm1, $0xb8;
	[tilespmem:$0xCB00] =	vst v63  }
0x4c: {  	_ = 	snop  }
0x4d: {  	[hbm4b:s5+s4] =	stream.indirect_vreg.scatter [tilespmem:s18], [sflag:$0x1], $0x80, v13, vm1, $0xb8;
	[tilespmem:$0xCB00] =	vst v63  }
0x4e: {  	_ = 	snop  }
0x4f: {  	[hbm4b:s9+s4] =	stream.indirect_vreg.scatter [tilespmem:s1], [sflag:$0x1], $0x80, v13, vm1, $0xb8;
	[tilespmem:$0xCB00] =	vst v63  }
0x50: {  	_ = 	snop  }
0x51: {  	[hbm4b:s10+s4] =	stream.indirect_vreg.scatter [tilespmem:s16], [sflag:$0x1], $0x80, v13, vm1, $0xb8;
	[tilespmem:$0xCB00] =	vst v63  }
0x52: {  	v13 =	vld [tilespmem:$0xAB0];
	_ =	sdelay $0x4  }
0x53: {  	v63 =	vshrl.u32 v13, $0x3  }
0x54: {  	v16 =	vmul.u32 $0x30, v63  }
0x55: {  	v13 =	vand.u32 $0x7, v13  }
0x56: {  	v13 =	vor.u32 v13, v16  }
0x57: {  	v14 =	vperm.xlane v13, v14;
	_ =	sdelay $0x1  }
0x58: {  	v14 =	vadd.s32 v15, v14;
	_ =	sdelay $0x3  }
0x59: {  	v13 =	vperm.xlane v13, v17  }
0x5a: {  	[hbm4b:s5+s4] =	stream.indirect_vreg.scatter [tilespmem:s20], [sflag:$0x1], $0x80, v14, vm1, $0xb8;
	[tilespmem:$0xCB00] =	vst v63  }
0x5b: {  	v13 =	vadd.s32 v15, v13  }
0x5c: {  	[hbm4b:s9+s4] =	stream.indirect_vreg.scatter [tilespmem:s21], [sflag:$0x1], $0x80, v14, vm1, $0xb8;
	[tilespmem:$0xCB00] =	vst v63  }
0x5d: {  	_ = 	snop  }
0x5e: {  	[hbm4b:s10+s4] =	stream.indirect_vreg.scatter [tilespmem:s22], [sflag:$0x1], $0x80, v14, vm1, $0xb8;
	[tilespmem:$0xCB00] =	vst v63  }
0x5f: {  	s28 =	sadd.s32 $0x1, s28  }
0x60: {  	[hbm4b:s5+s4] =	stream.indirect_vreg.scatter [tilespmem:s23], [sflag:$0x1], $0x80, v13, vm1, $0xb8;
	[tilespmem:$0xCB00] =	vst v63  }
0x61: {  	p1 =	sne.s32 s28, s11  }
0x62: {  	[hbm4b:s9+s4] =	stream.indirect_vreg.scatter [tilespmem:s24], [sflag:$0x1], $0x80, v13, vm1, $0xb8;
	[tilespmem:$0xCB00] =	vst v63  }
.Ltmp1:
0x63: {  	_ = 	snop;
	(pc) =	sbr.rel @!p1 .LBB2_6-.Ltmp1, $4  }
0x64: {  	[hbm4b:s10+s4] =	stream.indirect_vreg.scatter [tilespmem:s25], [sflag:$0x1], $0x80, v13, vm1, $0xb8;
	[tilespmem:$0xCB00] =	vst v63  }
0x65: {  	_ =	swait.ge [sflag:s26], $0xC000  }
0x66: {  	[sflag:s26] =	ssyncset.done $0x0  }
0x67: {  	[sflag:s26] =	ssyncadd.s32 $0xFFFF4000  }
.LBB2_1:
0x68: {  	s0 =	rddreg [dreg:$0x0]  }
0x69: {  	[tilespmem:s4], [sflag:$0x2] =	stream.linear.gather [hbm4b:s0+s4], $0x800, $0x38;
	[tilespmem:$0xCB00] =	vst v63  }
0x6a: {  	_ =	swait.ge [sflag:s13], $0x800  }
0x6b: {  	[sflag:s13] =	ssyncset.done $0x0  }
0x6c: {  	[sflag:s13] =	ssyncadd.s32 $0xFFFFF800  }
0x6d: {  	[tilespmem:$0x880] =	vst v0  }
0x6e: {  	[tilespmem:$0x890] =	vst v0  }
0x6f: {  	[tilespmem:$0x8A0] =	vst v0  }
0x70: {  	s12 =	simm.s32 $0x0;
	[tilespmem:$0x8B0] =	vst v0  }
0x71: {  	v13 =	vld [tilespmem:s12+$0x0];
	_ =	sdelay $0x4  }
0x72: {  	(xrf1) =	vunique.msk.u32 $0xffff, v13;
	_ =	sdelay $0xc  }
0x73: {  	v14 =	vld.idx.msk [tilespmem:v13+s14+$0x0], $0xffff  }
0x74: {  	_, v15, vm1 =	vpop (xrf1);
	_ =	sdelay $0x2  }
0x75: {  	p1 =	sgt.u32 s30, $0x3;
	v15 =	vsub.s32 v15, v2  }
0x76: {  	s12 =	simm.s32 @!p1 $0x0;
	v16 =	vadd.s32 @!p1 v14, v15  }
0x77: {  	s29 =	simm.s32 $0x40;
	v14 =	vadd.s32 $0x1, v15;
	[tilespmem:v1+s12+$0x0 ss:$0x1] =	vst.idx.msk @!p1 $0xffff, v16;
	s12 =	smov.u32 s30  }
.LBB2_2:
0x78: {  	s31 =	sshra.s32 s29, $0x2;
	[tilespmem:v13+s14+$0x0] =	vst.idx.add.s32.msk vm1, v14;
	s0 =	smov.u32 s29;
	s29 =	sadd.s32 $0x40, s29  }
0x79: {  	v13 =	vld [tilespmem:s31+$0x0];
	p1 =	sne.s32 s29, $0x2000;
	_ =	sdelay $0x4  }
0x7a: {  	(xrf1) =	vunique.msk.u32 $0xffff, v13;
	_ =	sdelay $0xb  }
0x7b: {  	v14 =	vld.idx.msk [tilespmem:v13+s14+$0x0], $0xffff;
	_ =	sdelay $0x1  }
0x7c: {  	_, v15, vm1 =	vpop (xrf1)  }
.Ltmp2:
0x7d: {  	(pc) =	sbr.rel @p1 .LBB2_2-.Ltmp2, $4  }
0x7e: {  	s12 =	sadd.s32 $0x1, s12  }
0x7f: {  	p2 =	sgt.u32 s12, $0x3;
	v15 =	vsub.s32 v15, v2  }
0x80: {  	s0 =	sshra.s32 @!p2 s0, $0x2;
	v16 =	vadd.s32 @!p2 v14, v15;
	v14 =	vadd.s32 $0x1, v15  }
0x81: {  	[tilespmem:v1+s0+$0x0 ss:$0x1] =	vst.idx.msk @!p2 $0xffff, v16  }
0x82: {  	_ =	sdelay $0x4  }
0x83: {  	[tilespmem:v13+s14+$0x0] =	vst.idx.add.s32.msk vm1, v14  }
0x84: {  	v13 =	vld [tilespmem:$0x880];
	_ =	sdelay $0x2  }
0x85: {  	v14 =	vld [tilespmem:$0x890];
	_ =	sdelay $0x1  }
0x86: {  	v13 =	vadd.s32 $0x3F, v13  }
0x87: {  	v15 =	vshra.s32 v13, $0x1F;
	v16 =	vand.u32 $0x3F, v13  }
0x88: {  	v54 =	vld [tilespmem:$0x8A0];
	vm1 =	vlt.s32 v13, $0x1;
	v15 =	vshrl.u32 v15, $0x1A;
	vm2 =	vne.s32 v16, $0x0  }
0x89: {  	v14 =	vadd.s32 $0x3F, v14;
	v13 =	vadd.s32 v15, v13;
	vm1 =	vmand vm1, vm2  }
0x8a: {  	v17 =	vshra.s32 v14, $0x1F;
	v13 =	vshra.s32 v13, $0x6;
	v15 =	vsel vm1, $0xFFFFFFFF, v0  }
0x8b: {  	v55 =	vand.u32 $0x3F, v14;
	v13 =	vadd.s32 v15, v13;
	v15 =	vshrl.u32 v17, $0x1A  }
0x8c: {  	vm2 =	vne.s32 v55, $0x0;
	vm1 =	vlt.s32 v14, $0x1;
	v15 =	vadd.s32 v15, v14  }
0x8d: {  	vm1 =	vmand vm1, vm2;
	v14 =	vshra.s32 v15, $0x6;
	v15 =	vadd.s32 $0x3F, v54  }
0x8e: {  	v56 =	vsel vm1, $0xFFFFFFFF, v0;
	v57 =	vshra.s32 v15, $0x1F;
	v18 =	vand.u32 $0x3F, v15  }
0x8f: {  	vm1 =	vlt.s32 v15, $0x1;
	v17 =	vshrl.u32 v57, $0x1A;
	vm2 =	vne.s32 v18, $0x0  }
0x90: {  	(xrf0) =	vadd.scan.msk.s32 $0xffff, v13;
	v14 =	vadd.s32 v56, v14;
	v15 =	vadd.s32 v17, v15;
	vm1 =	vmand vm1, vm2  }
0x91: {  	(xrf0) =	vadd.scan.msk.s32 $0xffff, v14;
	v15 =	vshra.s32 v15, $0x6;
	v58 =	vsel vm1, $0xFFFFFFFF, v0  }
0x92: {  	v15 =	vadd.s32 v58, v15  }
0x93: {  	(xrf0) =	vadd.scan.msk.s32 $0xffff, v15;
	_ =	sdelay $0x2  }
0x94: {  	v59, _, _ =	vpop (xrf0)  }
0x95: {  	(v2sf) =	vpush v59, $0xF;
	v60, _, _ =	vpop (xrf0)  }
0x96: {  	v61 =	vld [tilespmem:$0x8B0];
	(v2sf) =	vpush v60, $0xF  }
0x97: {  	v19, _, _ =	vpop (xrf0)  }
0x98: {  	(v2sf) =	vpush v19, $0xF;
	_ =	sdelay $0x2  }
0x99: {  	v18 =	vadd.s32 $0x3F, v61  }
0x9a: {  	v20 =	vshra.s32 v18, $0x1F;
	v21 =	vand.u32 $0x3F, v18  }
0x9b: {  	vm2 =	vlt.s32 v18, $0x1;
	vm1 =	vne.s32 v21, $0x0;
	v20 =	vshrl.u32 v20, $0x1A  }
0x9c: {  	v18 =	vadd.s32 v20, v18;
	vm1 =	vmand vm2, vm1  }
0x9d: {  	v18 =	vshra.s32 v18, $0x6;
	v62 =	vsel vm1, $0xFFFFFFFF, v0  }
0x9e: {  	v18 =	vadd.s32 v62, v18  }
0x9f: {  	(xrf0) =	vadd.scan.msk.s32 $0xffff, v18  }
0xa0: {  	v63 =	vbroadcast v59, $0xF  }
0xa1: {  	v13 =	vsub.s32 v59, v13  }
0xa2: {  	v13 =	vshll.u32 v13, $0x6;
	v14 =	vsub.s32 v63, v14;
	s0 =	spop (v2sf)  }
0xa3: {  	[tilespmem:$0x900] =	vst v13;
	v13 =	vadd.s32 v60, v14;
	s12 =	spop (v2sf)  }
0xa4: {  	[tilespmem:$0x980] =	vst v59;
	v13 =	vshll.u32 v13, $0x6;
	v14 =	vsub.s32 v19, v15;
	s0 =	sadd.s32 s0, s12  }
0xa5: {  	[tilespmem:$0x910] =	vst v13;
	v13 =	vadd.s32 v63, v60;
	v15, _, _ =	vpop (xrf0);
	v14 =	vadd.s32 s0, v14;
	s29 =	spop (v2sf)  }
0xa6: {  	[tilespmem:$0x990] =	vst v13;
	v13 =	vshll.u32 v14, $0x6;
	v14 =	vsub.s32 v15, v18;
	s12 =	sadd.s32 s0, s29  }
0xa7: {  	[tilespmem:$0x920] =	vst v13;
	v13 =	vadd.s32 s0, v19;
	v14 =	vadd.s32 s12, v14  }
0xa8: {  	[tilespmem:$0x9A0] =	vst v13;
	v13 =	vshll.u32 v14, $0x6  }
0xa9: {  	[tilespmem:$0x930] =	vst v13;
	v13 =	vadd.s32 s12, v15  }
0xaa: {  	[tilespmem:$0x9B0] =	vst v13  }
0xab: {  	v13 =	vld [tilespmem:s6+$0x0];
	_ =	sdelay $0x6  }
0xac: {  	v14 =	vld [tilespmem:$0x800]  }
0xad: {  	v13 =	vld.idx.msk [tilespmem:v13+s15+$0x0], $0xffff;
	_ =	sdelay $0x4  }
0xae: {  	v13 =	vadd.s32 v13, v14  }
0xaf: {  	[tilespmem:$0xA80] =	vst v13  }
0xb0: {  	v13 =	vld [tilespmem:s6+$0x10];
	_ =	sdelay $0x6  }
0xb1: {  	v14 =	vld [tilespmem:$0x810]  }
0xb2: {  	v13 =	vld.idx.msk [tilespmem:v13+s15+$0x0], $0xffff;
	_ =	sdelay $0x4  }
0xb3: {  	v13 =	vadd.s32 v13, v14  }
0xb4: {  	[tilespmem:$0xA90] =	vst v13  }
0xb5: {  	v13 =	vld [tilespmem:s6+$0x20];
	_ =	sdelay $0x6  }
0xb6: {  	v14 =	vld [tilespmem:$0x820]  }
0xb7: {  	v13 =	vld.idx.msk [tilespmem:v13+s15+$0x0], $0xffff;
	_ =	sdelay $0x4  }
0xb8: {  	v13 =	vadd.s32 v13, v14  }
0xb9: {  	[tilespmem:$0xAA0] =	vst v13  }
0xba: {  	v13 =	vld [tilespmem:s6+$0x30];
	_ =	sdelay $0x6  }
0xbb: {  	v14 =	vld [tilespmem:$0x830]  }
0xbc: {  	v13 =	vld.idx.msk [tilespmem:v13+s15+$0x0], $0xffff;
	_ =	sdelay $0x4  }
0xbd: {  	v13 =	vadd.s32 v13, v14  }
.Ltmp3:
0xbe: {  	s31 =	simm.s32 $0xA80;
	[tilespmem:$0xAB0] =	vst v13;
	(pc) =	sbr.rel @p0 .LBB2_5-.Ltmp3, $4  }
0xbf: {  	[hbm4b:s7+s4] =	stream.linear.scatter [tilespmem:s31], [sflag:$0x2], $0x40, $0x38;
	[tilespmem:$0xCB00] =	vst v63  }
0xc0: {  	_ =	swait.ge [sflag:s13], $0x40  }
0xc1: {  	[sflag:s13] =	ssyncset.done $0x0  }
0xc2: {  	[sflag:s13] =	ssyncadd.s32 $0xFFFFFFC0  }
0xc3: {  	_ =	sdelay $0x3  }
0xc4: {  	v13 =	vld.idx.msk [tilespmem:v3+s17+$0x0], $0xffff;
	_ =	sdelay $0x4  }
0xc5: {  	vm1 =	vlt.s32 v13, v5  }
0xc6: {  	v13 =	vsel vm1, $0x30, v6;
	_ =	sdelay $0x4  }
0xc7: {  	v14 =	vld.idx.msk [tilespmem:v13+s17+$0x0], $0xffff;
	_ =	sdelay $0x4  }
0xc8: {  	v15 =	vsel vm1, $0x40, v3;
	vm2 =	vlt.s32 v14, v5  }
0xc9: {  	v16 =	vor.u32 $0x1, v13;
	v14 =	vsel vm1, $0x21, v0;
	v13 =	vsel vm2, v15, v13  }
0xca: {  	v14 =	vsel vm2, v16, v14;
	v15 =	vadd.s32 $0xFFFFFFFF, v13  }
0xcb: {  	v16 =	vxor.u32 v15, v14  }
0xcc: {  	v15 =	vor.u32 v15, v14;
	v16 =	vshrl.u32 v16, $0x1  }
0xcd: {  	v15 =	vsub.s32 v15, v16;
	_ =	sdelay $0x4  }
0xce: {  	v16 =	vld.idx.msk [tilespmem:v15+s17+$0x0], $0xffff;
	_ =	sdelay $0x4  }
0xcf: {  	v59 =	vor.u32 $0x1, v15;
	vm1 =	vlt.s32 v16, v5  }
0xd0: {  	v14 =	vsel vm1, v59, v14;
	v13 =	vsel vm1, v13, v15  }
0xd1: {  	v15 =	vxor.u32 v13, v14  }
0xd2: {  	v16 =	vand.u32 v13, v14;
	v15 =	vshrl.u32 v15, $0x1  }
0xd3: {  	v15 =	vadd.s32 v15, v16;
	_ =	sdelay $0x4  }
0xd4: {  	v16 =	vld.idx.msk [tilespmem:v15+s17+$0x0], $0xffff;
	_ =	sdelay $0x4  }
0xd5: {  	v60 =	vadd.s32 $0x1, v15;
	vm1 =	vlt.s32 v16, v5  }
0xd6: {  	v14 =	vsel vm1, v60, v14;
	v13 =	vsel vm1, v13, v15  }
0xd7: {  	v15 =	vadd.s32 v13, v14  }
0xd8: {  	v15 =	vshrl.u32 v15, $0x1;
	_ =	sdelay $0x4  }
0xd9: {  	v61 =	vld.idx.msk [tilespmem:v15+s17+$0x0], $0xffff;
	_ =	sdelay $0x4  }
0xda: {  	v62 =	vadd.s32 $0x1, v15;
	vm1 =	vlt.s32 v61, v5  }
0xdb: {  	v14 =	vsel vm1, v62, v14;
	v13 =	vsel vm1, v13, v15  }
0xdc: {  	v15 =	vadd.s32 v13, v14  }
0xdd: {  	v15 =	vshrl.u32 v15, $0x1;
	_ =	sdelay $0x4  }
0xde: {  	v63 =	vld.idx.msk [tilespmem:v15+s17+$0x0], $0xffff;
	_ =	sdelay $0x4  }
0xdf: {  	v20 =	vadd.s32 $0x1, v15;
	vm1 =	vlt.s32 v63, v5  }
0xe0: {  	v14 =	vsel vm1, v20, v14;
	v13 =	vsel vm1, v13, v15  }
0xe1: {  	v13 =	vadd.s32 v13, v14  }
0xe2: {  	v13 =	vshrl.u32 v13, $0x1  }
0xe3: {  	v13 =	vmin.u32 v13, $0x3F;
	_ =	sdelay $0x4  }
0xe4: {  	v15 =	vld.idx.msk [tilespmem:v13+s17+$0x0], $0xffff;
	_ =	sdelay $0x4  }
0xe5: {  	v13 =	vadd.s32 $0x1, v13;
	vm1 =	vlt.s32 v15, v5  }
0xe6: {  	v13 =	vsel vm1, v13, v14  }
0xe7: {  	v13 =	vmin.u32 v13, $0x3F  }
0xe8: {  	[tilespmem:$0xA00] =	vst v13  }
0xe9: {  	v13 =	vld.idx.msk [tilespmem:v3+s17+$0x0], $0xffff;
	_ =	sdelay $0x4  }
0xea: {  	vm1 =	vlt.s32 v13, v7  }
0xeb: {  	v13 =	vsel vm1, $0x30, v6;
	_ =	sdelay $0x4  }
0xec: {  	v14 =	vld.idx.msk [tilespmem:v13+s17+$0x0], $0xffff;
	_ =	sdelay $0x4  }
0xed: {  	v15 =	vsel vm1, $0x40, v3;
	vm2 =	vlt.s32 v14, v7  }
0xee: {  	v21 =	vor.u32 $0x1, v13;
	v14 =	vsel vm1, $0x21, v0;
	v13 =	vsel vm2, v15, v13  }
0xef: {  	v14 =	vsel vm2, v21, v14;
	v15 =	vadd.s32 $0xFFFFFFFF, v13  }
0xf0: {  	v16 =	vxor.u32 v15, v14  }
0xf1: {  	v15 =	vor.u32 v15, v14;
	v16 =	vshrl.u32 v16, $0x1  }
0xf2: {  	v15 =	vsub.s32 v15, v16;
	_ =	sdelay $0x4  }
0xf3: {  	v16 =	vld.idx.msk [tilespmem:v15+s17+$0x0], $0xffff;
	_ =	sdelay $0x4  }
0xf4: {  	v22 =	vor.u32 $0x1, v15;
	vm1 =	vlt.s32 v16, v7  }
0xf5: {  	v14 =	vsel vm1, v22, v14;
	v13 =	vsel vm1, v13, v15  }
0xf6: {  	v15 =	vxor.u32 v13, v14  }
0xf7: {  	v16 =	vand.u32 v13, v14;
	v15 =	vshrl.u32 v15, $0x1  }
0xf8: {  	v15 =	vadd.s32 v15, v16;
	_ =	sdelay $0x4  }
0xf9: {  	v16 =	vld.idx.msk [tilespmem:v15+s17+$0x0], $0xffff;
	_ =	sdelay $0x4  }
0xfa: {  	v23 =	vadd.s32 $0x1, v15;
	vm1 =	vlt.s32 v16, v7  }
0xfb: {  	v14 =	vsel vm1, v23, v14;
	v13 =	vsel vm1, v13, v15  }
0xfc: {  	v15 =	vadd.s32 v13, v14  }
0xfd: {  	v15 =	vshrl.u32 v15, $0x1;
	_ =	sdelay $0x4  }
0xfe: {  	v24 =	vld.idx.msk [tilespmem:v15+s17+$0x0], $0xffff;
	_ =	sdelay $0x4  }
0xff: {  	v25 =	vadd.s32 $0x1, v15;
	vm1 =	vlt.s32 v24, v7  }
0x100: {  	v14 =	vsel vm1, v25, v14;
	v13 =	vsel vm1, v13, v15  }
0x101: {  	v15 =	vadd.s32 v13, v14  }
0x102: {  	v15 =	vshrl.u32 v15, $0x1;
	_ =	sdelay $0x4  }
0x103: {  	v26 =	vld.idx.msk [tilespmem:v15+s17+$0x0], $0xffff;
	_ =	sdelay $0x4  }
0x104: {  	v27 =	vadd.s32 $0x1, v15;
	vm1 =	vlt.s32 v26, v7  }
0x105: {  	v14 =	vsel vm1, v27, v14;
	v13 =	vsel vm1, v13, v15  }
0x106: {  	v13 =	vadd.s32 v13, v14  }
0x107: {  	v13 =	vshrl.u32 v13, $0x1  }
0x108: {  	v13 =	vmin.u32 v13, $0x3F;
	_ =	sdelay $0x4  }
0x109: {  	v15 =	vld.idx.msk [tilespmem:v13+s17+$0x0], $0xffff;
	_ =	sdelay $0x4  }
0x10a: {  	v13 =	vadd.s32 $0x1, v13;
	vm1 =	vlt.s32 v15, v7  }
0x10b: {  	v13 =	vsel vm1, v13, v14  }
0x10c: {  	v13 =	vmin.u32 v13, $0x3F  }
0x10d: {  	[tilespmem:$0xA10] =	vst v13  }
0x10e: {  	v13 =	vld.idx.msk [tilespmem:v3+s17+$0x0], $0xffff;
	_ =	sdelay $0x4  }
0x10f: {  	vm1 =	vlt.s32 v13, v8  }
0x110: {  	v13 =	vsel vm1, $0x30, v6;
	_ =	sdelay $0x4  }
0x111: {  	v14 =	vld.idx.msk [tilespmem:v13+s17+$0x0], $0xffff;
	_ =	sdelay $0x4  }
0x112: {  	v15 =	vsel vm1, $0x40, v3;
	vm2 =	vlt.s32 v14, v8  }
0x113: {  	v28 =	vor.u32 $0x1, v13;
	v14 =	vsel vm1, $0x21, v0;
	v13 =	vsel vm2, v15, v13  }
0x114: {  	v14 =	vsel vm2, v28, v14;
	v15 =	vadd.s32 $0xFFFFFFFF, v13  }
0x115: {  	v16 =	vxor.u32 v15, v14  }
0x116: {  	v15 =	vor.u32 v15, v14;
	v16 =	vshrl.u32 v16, $0x1  }
0x117: {  	v15 =	vsub.s32 v15, v16;
	_ =	sdelay $0x4  }
0x118: {  	v16 =	vld.idx.msk [tilespmem:v15+s17+$0x0], $0xffff;
	_ =	sdelay $0x4  }
0x119: {  	v29 =	vor.u32 $0x1, v15;
	vm1 =	vlt.s32 v16, v8  }
0x11a: {  	v14 =	vsel vm1, v29, v14;
	v13 =	vsel vm1, v13, v15  }
0x11b: {  	v15 =	vxor.u32 v13, v14  }
0x11c: {  	v16 =	vand.u32 v13, v14;
	v15 =	vshrl.u32 v15, $0x1  }
0x11d: {  	v15 =	vadd.s32 v15, v16;
	_ =	sdelay $0x4  }
0x11e: {  	v16 =	vld.idx.msk [tilespmem:v15+s17+$0x0], $0xffff;
	_ =	sdelay $0x4  }
0x11f: {  	v30 =	vadd.s32 $0x1, v15;
	vm1 =	vlt.s32 v16, v8  }
0x120: {  	v14 =	vsel vm1, v30, v14;
	v13 =	vsel vm1, v13, v15  }
0x121: {  	v15 =	vadd.s32 v13, v14  }
0x122: {  	v15 =	vshrl.u32 v15, $0x1;
	_ =	sdelay $0x4  }
0x123: {  	v31 =	vld.idx.msk [tilespmem:v15+s17+$0x0], $0xffff;
	_ =	sdelay $0x4  }
0x124: {  	v32 =	vadd.s32 $0x1, v15;
	vm1 =	vlt.s32 v31, v8  }
0x125: {  	v14 =	vsel vm1, v32, v14;
	v13 =	vsel vm1, v13, v15  }
0x126: {  	v15 =	vadd.s32 v13, v14  }
0x127: {  	v15 =	vshrl.u32 v15, $0x1;
	_ =	sdelay $0x4  }
0x128: {  	v33 =	vld.idx.msk [tilespmem:v15+s17+$0x0], $0xffff;
	_ =	sdelay $0x4  }
0x129: {  	v34 =	vadd.s32 $0x1, v15;
	vm1 =	vlt.s32 v33, v8  }
0x12a: {  	v14 =	vsel vm1, v34, v14;
	v13 =	vsel vm1, v13, v15  }
0x12b: {  	v13 =	vadd.s32 v13, v14  }
0x12c: {  	v13 =	vshrl.u32 v13, $0x1  }
0x12d: {  	v13 =	vmin.u32 v13, $0x3F;
	_ =	sdelay $0x4  }
0x12e: {  	v15 =	vld.idx.msk [tilespmem:v13+s17+$0x0], $0xffff;
	_ =	sdelay $0x4  }
0x12f: {  	v13 =	vadd.s32 $0x1, v13;
	vm1 =	vlt.s32 v15, v8  }
0x130: {  	v13 =	vsel vm1, v13, v14  }
0x131: {  	v13 =	vmin.u32 v13, $0x3F  }
0x132: {  	[tilespmem:$0xA20] =	vst v13  }
0x133: {  	v13 =	vld.idx.msk [tilespmem:v3+s17+$0x0], $0xffff;
	_ =	sdelay $0x4  }
0x134: {  	vm1 =	vlt.s32 v13, v9  }
0x135: {  	v13 =	vsel vm1, $0x30, v6;
	_ =	sdelay $0x4  }
0x136: {  	v14 =	vld.idx.msk [tilespmem:v13+s17+$0x0], $0xffff;
	_ =	sdelay $0x4  }
0x137: {  	v15 =	vsel vm1, $0x40, v3;
	vm2 =	vlt.s32 v14, v9  }
0x138: {  	v35 =	vor.u32 $0x1, v13;
	v14 =	vsel vm1, $0x21, v0;
	v13 =	vsel vm2, v15, v13  }
0x139: {  	v14 =	vsel vm2, v35, v14;
	v15 =	vadd.s32 $0xFFFFFFFF, v13  }
0x13a: {  	v16 =	vxor.u32 v15, v14  }
0x13b: {  	v15 =	vor.u32 v15, v14;
	v16 =	vshrl.u32 v16, $0x1  }
0x13c: {  	v15 =	vsub.s32 v15, v16;
	_ =	sdelay $0x4  }
0x13d: {  	v16 =	vld.idx.msk [tilespmem:v15+s17+$0x0], $0xffff;
	_ =	sdelay $0x4  }
0x13e: {  	v36 =	vor.u32 $0x1, v15;
	vm1 =	vlt.s32 v16, v9  }
0x13f: {  	v14 =	vsel vm1, v36, v14;
	v13 =	vsel vm1, v13, v15  }
0x140: {  	v15 =	vxor.u32 v13, v14  }
0x141: {  	v16 =	vand.u32 v13, v14;
	v15 =	vshrl.u32 v15, $0x1  }
0x142: {  	v15 =	vadd.s32 v15, v16;
	_ =	sdelay $0x4  }
0x143: {  	v16 =	vld.idx.msk [tilespmem:v15+s17+$0x0], $0xffff;
	_ =	sdelay $0x4  }
0x144: {  	v37 =	vadd.s32 $0x1, v15;
	vm1 =	vlt.s32 v16, v9  }
0x145: {  	v14 =	vsel vm1, v37, v14;
	v13 =	vsel vm1, v13, v15  }
0x146: {  	v15 =	vadd.s32 v13, v14  }
0x147: {  	v15 =	vshrl.u32 v15, $0x1;
	_ =	sdelay $0x4  }
0x148: {  	v38 =	vld.idx.msk [tilespmem:v15+s17+$0x0], $0xffff;
	_ =	sdelay $0x4  }
0x149: {  	v39 =	vadd.s32 $0x1, v15;
	vm1 =	vlt.s32 v38, v9  }
0x14a: {  	v14 =	vsel vm1, v39, v14;
	v13 =	vsel vm1, v13, v15  }
0x14b: {  	v15 =	vadd.s32 v13, v14  }
0x14c: {  	v15 =	vshrl.u32 v15, $0x1;
	_ =	sdelay $0x4  }
0x14d: {  	v40 =	vld.idx.msk [tilespmem:v15+s17+$0x0], $0xffff;
	_ =	sdelay $0x4  }
0x14e: {  	v41 =	vadd.s32 $0x1, v15;
	vm1 =	vlt.s32 v40, v9  }
0x14f: {  	v14 =	vsel vm1, v41, v14;
	v13 =	vsel vm1, v13, v15  }
0x150: {  	v13 =	vadd.s32 v13, v14  }
0x151: {  	v13 =	vshrl.u32 v13, $0x1  }
0x152: {  	v13 =	vmin.u32 v13, $0x3F;
	_ =	sdelay $0x4  }
0x153: {  	v15 =	vld.idx.msk [tilespmem:v13+s17+$0x0], $0xffff;
	_ =	sdelay $0x4  }
0x154: {  	v13 =	vadd.s32 $0x1, v13;
	vm1 =	vlt.s32 v15, v9  }
0x155: {  	v13 =	vsel vm1, v13, v14  }
0x156: {  	v13 =	vmin.u32 v13, $0x3F  }
0x157: {  	[tilespmem:$0xA30] =	vst v13  }
0x158: {  	v13 =	vld.idx.msk [tilespmem:v3+s17+$0x0], $0xffff;
	_ =	sdelay $0x4  }
0x159: {  	vm1 =	vlt.s32 v13, v10  }
0x15a: {  	v13 =	vsel vm1, $0x30, v6;
	_ =	sdelay $0x4  }
0x15b: {  	v14 =	vld.idx.msk [tilespmem:v13+s17+$0x0], $0xffff;
	_ =	sdelay $0x4  }
0x15c: {  	v15 =	vsel vm1, $0x40, v3;
	vm2 =	vlt.s32 v14, v10  }
0x15d: {  	v42 =	vor.u32 $0x1, v13;
	v14 =	vsel vm1, $0x21, v0;
	v13 =	vsel vm2, v15, v13  }
0x15e: {  	v14 =	vsel vm2, v42, v14;
	v15 =	vadd.s32 $0xFFFFFFFF, v13  }
0x15f: {  	v16 =	vxor.u32 v15, v14  }
0x160: {  	v15 =	vor.u32 v15, v14;
	v16 =	vshrl.u32 v16, $0x1  }
0x161: {  	v15 =	vsub.s32 v15, v16;
	_ =	sdelay $0x4  }
0x162: {  	v16 =	vld.idx.msk [tilespmem:v15+s17+$0x0], $0xffff;
	_ =	sdelay $0x4  }
0x163: {  	v43 =	vor.u32 $0x1, v15;
	vm1 =	vlt.s32 v16, v10  }
0x164: {  	v14 =	vsel vm1, v43, v14;
	v13 =	vsel vm1, v13, v15  }
0x165: {  	v15 =	vxor.u32 v13, v14  }
0x166: {  	v16 =	vand.u32 v13, v14;
	v15 =	vshrl.u32 v15, $0x1  }
0x167: {  	v15 =	vadd.s32 v15, v16;
	_ =	sdelay $0x4  }
0x168: {  	v16 =	vld.idx.msk [tilespmem:v15+s17+$0x0], $0xffff;
	_ =	sdelay $0x4  }
0x169: {  	v44 =	vadd.s32 $0x1, v15;
	vm1 =	vlt.s32 v16, v10  }
0x16a: {  	v14 =	vsel vm1, v44, v14;
	v13 =	vsel vm1, v13, v15  }
0x16b: {  	v15 =	vadd.s32 v13, v14  }
0x16c: {  	v15 =	vshrl.u32 v15, $0x1;
	_ =	sdelay $0x4  }
0x16d: {  	v45 =	vld.idx.msk [tilespmem:v15+s17+$0x0], $0xffff;
	_ =	sdelay $0x4  }
0x16e: {  	v46 =	vadd.s32 $0x1, v15;
	vm1 =	vlt.s32 v45, v10  }
0x16f: {  	v14 =	vsel vm1, v46, v14;
	v13 =	vsel vm1, v13, v15  }
0x170: {  	v15 =	vadd.s32 v13, v14  }
0x171: {  	v15 =	vshrl.u32 v15, $0x1;
	_ =	sdelay $0x4  }
0x172: {  	v47 =	vld.idx.msk [tilespmem:v15+s17+$0x0], $0xffff;
	_ =	sdelay $0x4  }
0x173: {  	v48 =	vadd.s32 $0x1, v15;
	vm1 =	vlt.s32 v47, v10  }
0x174: {  	v14 =	vsel vm1, v48, v14;
	v13 =	vsel vm1, v13, v15  }
0x175: {  	v13 =	vadd.s32 v13, v14  }
0x176: {  	v13 =	vshrl.u32 v13, $0x1  }
0x177: {  	v13 =	vmin.u32 v13, $0x3F;
	_ =	sdelay $0x4  }
0x178: {  	v15 =	vld.idx.msk [tilespmem:v13+s17+$0x0], $0xffff;
	_ =	sdelay $0x4  }
0x179: {  	v13 =	vadd.s32 $0x1, v13;
	vm1 =	vlt.s32 v15, v10  }
0x17a: {  	v13 =	vsel vm1, v13, v14  }
0x17b: {  	v13 =	vmin.u32 v13, $0x3F  }
0x17c: {  	[tilespmem:$0xA40] =	vst v13  }
0x17d: {  	v13 =	vld.idx.msk [tilespmem:v3+s17+$0x0], $0xffff;
	_ =	sdelay $0x4  }
0x17e: {  	vm1 =	vlt.s32 v13, v11  }
0x17f: {  	v13 =	vsel vm1, $0x30, v6;
	_ =	sdelay $0x4  }
0x180: {  	v14 =	vld.idx.msk [tilespmem:v13+s17+$0x0], $0xffff;
	_ =	sdelay $0x4  }
0x181: {  	v15 =	vsel vm1, $0x40, v3;
	vm2 =	vlt.s32 v14, v11  }
0x182: {  	v49 =	vor.u32 $0x1, v13;
	v14 =	vsel vm1, $0x21, v0;
	v13 =	vsel vm2, v15, v13  }
0x183: {  	v14 =	vsel vm2, v49, v14;
	v15 =	vadd.s32 $0xFFFFFFFF, v13  }
0x184: {  	v16 =	vxor.u32 v15, v14  }
0x185: {  	v15 =	vor.u32 v15, v14;
	v16 =	vshrl.u32 v16, $0x1  }
0x186: {  	v15 =	vsub.s32 v15, v16;
	_ =	sdelay $0x4  }
0x187: {  	v16 =	vld.idx.msk [tilespmem:v15+s17+$0x0], $0xffff;
	_ =	sdelay $0x4  }
0x188: {  	v50 =	vor.u32 $0x1, v15;
	vm1 =	vlt.s32 v16, v11  }
0x189: {  	v14 =	vsel vm1, v50, v14;
	v13 =	vsel vm1, v13, v15  }
0x18a: {  	v15 =	vxor.u32 v13, v14  }
0x18b: {  	v16 =	vand.u32 v13, v14;
	v15 =	vshrl.u32 v15, $0x1  }
0x18c: {  	v15 =	vadd.s32 v15, v16;
	_ =	sdelay $0x4  }
0x18d: {  	v16 =	vld.idx.msk [tilespmem:v15+s17+$0x0], $0xffff;
	_ =	sdelay $0x4  }
0x18e: {  	v51 =	vadd.s32 $0x1, v15;
	vm1 =	vlt.s32 v16, v11  }
0x18f: {  	v14 =	vsel vm1, v51, v14;
	v13 =	vsel vm1, v13, v15  }
0x190: {  	v15 =	vadd.s32 v13, v14  }
0x191: {  	v15 =	vshrl.u32 v15, $0x1;
	_ =	sdelay $0x4  }
0x192: {  	v52 =	vld.idx.msk [tilespmem:v15+s17+$0x0], $0xffff;
	_ =	sdelay $0x4  }
0x193: {  	v53 =	vadd.s32 $0x1, v15;
	vm1 =	vlt.s32 v52, v11  }
0x194: {  	v14 =	vsel vm1, v53, v14;
	v13 =	vsel vm1, v13, v15  }
0x195: {  	v15 =	vadd.s32 v13, v14  }
0x196: {  	v15 =	vshrl.u32 v15, $0x1;
	_ =	sdelay $0x4  }
0x197: {  	v54 =	vld.idx.msk [tilespmem:v15+s17+$0x0], $0xffff;
	_ =	sdelay $0x4  }
0x198: {  	v55 =	vadd.s32 $0x1, v15;
	vm1 =	vlt.s32 v54, v11  }
0x199: {  	v14 =	vsel vm1, v55, v14;
	v13 =	vsel vm1, v13, v15  }
0x19a: {  	v13 =	vadd.s32 v13, v14  }
0x19b: {  	v13 =	vshrl.u32 v13, $0x1  }
0x19c: {  	v13 =	vmin.u32 v13, $0x3F;
	_ =	sdelay $0x4  }
0x19d: {  	v15 =	vld.idx.msk [tilespmem:v13+s17+$0x0], $0xffff;
	_ =	sdelay $0x4  }
0x19e: {  	v13 =	vadd.s32 $0x1, v13;
	vm1 =	vlt.s32 v15, v11  }
0x19f: {  	v13 =	vsel vm1, v13, v14  }
0x1a0: {  	v13 =	vmin.u32 v13, $0x3F  }
0x1a1: {  	[tilespmem:$0xA50] =	vst v13  }
0x1a2: {  	v13 =	vld.idx.msk [tilespmem:v3+s17+$0x0], $0xffff;
	_ =	sdelay $0x4  }
0x1a3: {  	vm1 =	vlt.s32 v13, v12  }
0x1a4: {  	v13 =	vsel vm1, $0x30, v6;
	_ =	sdelay $0x4  }
0x1a5: {  	v14 =	vld.idx.msk [tilespmem:v13+s17+$0x0], $0xffff;
	_ =	sdelay $0x4  }
0x1a6: {  	v15 =	vsel vm1, $0x40, v3;
	vm2 =	vlt.s32 v14, v12  }
0x1a7: {  	v56 =	vor.u32 $0x1, v13;
	v14 =	vsel vm1, $0x21, v0;
	v13 =	vsel vm2, v15, v13  }
0x1a8: {  	v14 =	vsel vm2, v56, v14;
	v15 =	vadd.s32 $0xFFFFFFFF, v13  }
0x1a9: {  	v16 =	vxor.u32 v15, v14  }
0x1aa: {  	v15 =	vor.u32 v15, v14;
	v16 =	vshrl.u32 v16, $0x1  }
0x1ab: {  	v15 =	vsub.s32 v15, v16;
	_ =	sdelay $0x4  }
0x1ac: {  	v16 =	vld.idx.msk [tilespmem:v15+s17+$0x0], $0xffff;
	_ =	sdelay $0x4  }
0x1ad: {  	v57 =	vor.u32 $0x1, v15;
	vm1 =	vlt.s32 v16, v12  }
0x1ae: {  	v14 =	vsel vm1, v57, v14;
	v13 =	vsel vm1, v13, v15  }
0x1af: {  	v15 =	vxor.u32 v13, v14  }
0x1b0: {  	v16 =	vand.u32 v13, v14;
	v15 =	vshrl.u32 v15, $0x1  }
0x1b1: {  	v15 =	vadd.s32 v15, v16;
	_ =	sdelay $0x4  }
0x1b2: {  	v16 =	vld.idx.msk [tilespmem:v15+s17+$0x0], $0xffff;
	_ =	sdelay $0x4  }
0x1b3: {  	v58 =	vadd.s32 $0x1, v15;
	vm1 =	vlt.s32 v16, v12  }
0x1b4: {  	v14 =	vsel vm1, v58, v14;
	v13 =	vsel vm1, v13, v15  }
0x1b5: {  	v15 =	vadd.s32 v13, v14  }
0x1b6: {  	v15 =	vshrl.u32 v15, $0x1;
	_ =	sdelay $0x4  }
0x1b7: {  	v59 =	vld.idx.msk [tilespmem:v15+s17+$0x0], $0xffff;
	_ =	sdelay $0x4  }
0x1b8: {  	v60 =	vadd.s32 $0x1, v15;
	vm1 =	vlt.s32 v59, v12  }
0x1b9: {  	v14 =	vsel vm1, v60, v14;
	v13 =	vsel vm1, v13, v15  }
0x1ba: {  	v15 =	vadd.s32 v13, v14  }
0x1bb: {  	v15 =	vshrl.u32 v15, $0x1;
	_ =	sdelay $0x4  }
0x1bc: {  	v61 =	vld.idx.msk [tilespmem:v15+s17+$0x0], $0xffff;
	_ =	sdelay $0x4  }
0x1bd: {  	v62 =	vadd.s32 $0x1, v15;
	vm1 =	vlt.s32 v61, v12  }
0x1be: {  	v14 =	vsel vm1, v62, v14;
	v13 =	vsel vm1, v13, v15  }
0x1bf: {  	v13 =	vadd.s32 v13, v14  }
0x1c0: {  	v13 =	vshrl.u32 v13, $0x1  }
0x1c1: {  	v13 =	vmin.u32 v13, $0x3F;
	_ =	sdelay $0x4  }
0x1c2: {  	v15 =	vld.idx.msk [tilespmem:v13+s17+$0x0], $0xffff  }
0x1c3: {  	v63 =	vld [tilespmem:$0x9B0];
	_ =	sdelay $0x3  }
0x1c4: {  	v13 =	vadd.s32 $0x1, v13;
	vm1 =	vlt.s32 v15, v12  }
0x1c5: {  	v15 =	vbroadcast v63, $0xF;
	v13 =	vsel vm1, v13, v14  }
0x1c6: {  	v13 =	vmin.u32 v13, $0x3F  }
0x1c7: {  	v13 =	vsel vm0, v15, v13  }
.Ltmp4:
0x1c8: {  	s0 =	rddreg [dreg:$0x3];
	s12 =	simm.s32 $0xA00;
	[tilespmem:$0xA60] =	vst v13;
	(pc) =	sbr.rel .LBB2_5-.Ltmp4, $4  }
0x1c9: {  	[hbm4b:s0+s4] =	stream.linear.scatter [tilespmem:s12], [sflag:$0x2], $0x80, $0x38;
	[tilespmem:$0xCB00] =	vst v63  }
0x1ca: {  	_ =	swait.ge [sflag:s13], $0x80  }
0x1cb: {  	[sflag:s13] =	ssyncset.done $0x0  }
0x1cc: {  	[sflag:s13] =	ssyncadd.s32 $0xFFFFFF80  }
.LBB2_6:
0x1cd: {  	_ =	sfence.sel $0x180000  }
0x1ce: {  	[bflag:$0x0] =	sbarrier.arrive $0xFFFF  }
0x1cf: {  	_ =	strace $0x90000047  }
0x1d0: {  	s0 =	stileid.u32;
	[bflag:$0x2] =	sbarrier.arrive $0xFFFF  }
0x1d1: {  	p0 =	sne.s32 s0, $0x0;
	s0 =	rddreg [dreg:$0x4]  }
0x1d2: {  	s0 =	sadd.s32 @!p0 $0x100000, s0  }
0x1d3: {  	[sflag:s0] =	ssyncadd.tile.s32 @!p0 $0x1;
	_ =	shalt  }
.Lfunc_end2:
_tile_overlayer_lowered:
.L_overlay_start_2:
0x1d4: {  	(tag) =	ssettag $0x2  }
0x1d5: {  	s0 =	rddreg [dreg:$0x0];
	s2 =	stileid.u32  }
0x1d6: {  	s1 =	rddreg [dreg:$0x1];
	p0 =	sne.s32 s2, $0x0  }
0x1d7: {  	s3 =	rddreg [dreg:$0x2];
	[bflag:$0x3] =	sbarrier.arrive $0xFFFF;
	s2 =	simm.s32 @!p0 $0x1C02  }
0x1d8: {  	[timem:s3], [sflag:s2] =	dma.local @!p0 [hbm:s0], s1  }
0x1d9: {  	s0 =	simm.s32 @!p0 $0x2  }
0x1da: {  	_ =	swait.ge @!p0 [sflag:s0], s1  }
0x1db: {  	s1 =	ssub.s32 @!p0 $0x0, s1;
	[sflag:s0] =	ssyncset.done @!p0 $0x0  }
0x1dc: {  	[sflag:s0] =	ssyncadd.s32 @!p0 s1  }
0x1dd: {  	[bflag:$0x3] =	sbarrier.arrive $0xFFFF  }
0x1de: {  	_ =	shalt  }

// kernel: moe_unpermute_scale.3.cloned.1.call-start
scs
__scs_entry_jumppad:
0x0: {  	(pc) =	sbr.rel $0x88, $3  }
0x1: {  	(tag) =	ssettag $0x0;
	lr =	simm.s32 $0x1  }
0x2: {  	[smem:$0x3F9B] =	sst lr;
	_ =	strace $0xD0000000  }
0x3: {  	_ = 	snop  }
0x4: {  	_ = 	snop  }
0x5: {  	_ = 	snop  }
0x6: {  	_ = 	snop  }
0x7: {  	_ = 	snop  }
__scs_overlays_trampoline_lowered:
0x8: {  	[smem:$0x3FAA] =	sst s0  }
0x9: {  	[smem:$0x3FAB] =	sst s1  }
0xa: {  	[smem:$0x3FAC] =	sst s2  }
0xb: {  	[smem:$0x3FAD] =	sst s3  }
0xc: {  	[smem:$0x3FAE] =	sst s4  }
0xd: {  	[smem:$0x3FAF] =	sst s5  }
0xe: {  	[smem:$0x3FB0] =	sst s6  }
0xf: {  	[smem:$0x3FB1] =	sst s7  }
0x10: {  	[smem:$0x3FB2] =	sst s8  }
0x11: {  	[smem:$0x3FB3] =	sst s9;
	s0 =	simm.s32 @!p0 $0x0  }
0x12: {  	s1 =	sld [smem:$0x3F99];
	s0 =	simm.s32 @p0 $0x1  }
0x13: {  	[smem:$0x3FB4] =	sst s0;
	s0 =	simm.s32 @!p1 $0x0  }
0x14: {  	s2 =	sld [smem:$0x3F98];
	s0 =	simm.s32 @p1 $0x1  }
0x15: {  	[smem:$0x3FB5] =	sst s0;
	s0 =	simm.s32 @!p2 $0x0  }
0x16: {  	s3 =	sld [smem:$0x3FDB];
	s0 =	simm.s32 @p2 $0x1  }
0x17: {  	s4 =	simm.s32 $0x1BF5;
	[smem:$0x3FB7] =	sst s0  }
0x18: {  	s0 =	sld [smem:$0x3F9A];
	_ =	swait.ge [sflag:s4], $0x0  }
0x19: {  	s7 =	sld [smem:$0x3F9B]  }
0x1a: {  	s8 =	sadd.s32 $0xFFFFE003, lr  }
0x1b: {  	s9 =	sadd.s32 $0xFFFFFEF7, lr;
	s5 =	simm.s32 $0xFFFFFFFF;
	p2 =	slt.u32 s8, $0xFFFFF086  }
0x1c: {  	p1 =	slt.u32 s9, $0xF7A;
	s5 =	simm.s32 @!p2 $0x0  }
0x1d: {  	s5 =	simm.s32 @p1 $0x1;
	p0 =	seq.s32 s7, s2  }
0x1e: {  	s7 =	smul.u32 @!p0 $0xF7A, s2;
	p2 =	seq.s32 @!p0 s5, $0x0  }
0x1f: {  	s9 =	smul.u32 $0xF7A, s1;
	s8 =	simm.s32 @!p0 $0x1BF5;
	p2 =	por !p2, p0  }
0x20: {  	[sflag:s8] =	ssyncset.s32 @!p0 $0xFFFFF086;
	s6 =	sadd.s32 @!p0 s3, s7;
	s7 =	simm.s32 @!p0 $0x108  }
0x21: {  	s3 =	sadd.s32 s3, s9;
	s6 =	sadd.s32 @!p0 $0x88, s6;
	s7 =	simm.s32 @p2 $0x1082  }
0x22: {  	[simem:s7], [sflag:s8] =	dma.local @!p0 [hbm:s6], $0xF7A  }
0x23: {  	s9 =	sor.u32 $0xD0000000, s2;
	s6 =	simm.s32 $0x108;
	_ =	swait.ge @!p0 [sflag:s8], $0x0  }
0x24: {  	s3 =	sadd.s32 $0x88, s3;
	s6 =	simm.s32 @!p1 $0x1082;
	[sflag:s4] =	ssyncset.s32 $0xFFFFF086  }
0x25: {  	[simem:s6], [sflag:s4] =	dma.local [hbm:s3], $0xF7A  }
0x26: {  	[smem:$0x3F9B] =	sst s1;
	(tag) =	ssettag s2;
	_ =	strace s9  }
0x27: {  	s1 =	sld [smem:$0x3FAB]  }
0x28: {  	s2 =	sld [smem:$0x3FAC]  }
0x29: {  	s4 =	sld [smem:$0x3FAE]  }
0x2a: {  	p0 =	seq.s32 s5, $0x0;
	s5 =	sld [smem:$0x3FAF]  }
0x2b: {  	s6 =	sld [smem:$0x3FB0]  }
0x2c: {  	s7 =	sld [smem:$0x3FB1]  }
0x2d: {  	s3 =	simm.s32 $0x108;
	s8 =	sld [smem:$0x3FB2]  }
0x2e: {  	s3 =	simm.s32 @!p0 $0x1082;
	s9 =	sld [smem:$0x3FB3]  }
0x2f: {  	lr =	sadd.s32 s0, s3;
	s0 =	sld [smem:$0x3FAA]  }
0x30: {  	s3 =	sld [smem:$0x3FAD]  }
0x31: {  	[smem:$0x3FB6] =	sst s10  }
0x32: {  	s10 =	sld [smem:$0x3FB4];
	_ =	sdelay $0x3  }
0x33: {  	p0 =	seq.s32 s10, $0x1;
	s10 =	sld [smem:$0x3FB6];
	_ =	sdelay $0x3  }
0x34: {  	[smem:$0x3FB6] =	sst s10  }
0x35: {  	s10 =	sld [smem:$0x3FB5];
	_ =	sdelay $0x3  }
0x36: {  	p1 =	seq.s32 s10, $0x1;
	s10 =	sld [smem:$0x3FB6];
	_ =	sdelay $0x3  }
0x37: {  	[smem:$0x3FB6] =	sst s10  }
0x38: {  	s10 =	sld [smem:$0x3FB7]  }
0x39: {  	_ = 	snop;
	(pc) =	sbr.ind lr, $3  }
0x3a: {  	_ = 	snop  }
0x3b: {  	_ = 	snop  }
0x3c: {  	p2 =	seq.s32 s10, $0x1;
	s10 =	sld [smem:$0x3FB6]  }
0x3d: {  	_ =	shalt  }
0x3e: {  	_ =	shalt  }
0x3f: {  	_ =	shalt  }
0x40: {  	_ =	shalt  }
0x41: {  	_ =	shalt  }
0x42: {  	_ =	shalt  }
0x43: {  	_ =	shalt  }
0x44: {  	_ =	shalt  }
0x45: {  	_ =	shalt  }
0x46: {  	_ =	shalt  }
0x47: {  	_ =	shalt  }
0x48: {  	_ =	shalt  }
0x49: {  	_ =	shalt  }
0x4a: {  	_ =	shalt  }
0x4b: {  	_ =	shalt  }
0x4c: {  	_ =	shalt  }
0x4d: {  	_ =	shalt  }
0x4e: {  	_ =	shalt  }
0x4f: {  	_ =	shalt  }
0x50: {  	_ =	shalt  }
0x51: {  	_ =	shalt  }
0x52: {  	_ =	shalt  }
0x53: {  	_ =	shalt  }
0x54: {  	_ =	shalt  }
0x55: {  	_ =	shalt  }
0x56: {  	_ =	shalt  }
0x57: {  	_ =	shalt  }
0x58: {  	_ =	shalt  }
0x59: {  	_ =	shalt  }
0x5a: {  	_ =	shalt  }
0x5b: {  	_ =	shalt  }
0x5c: {  	_ =	shalt  }
0x5d: {  	_ =	shalt  }
0x5e: {  	_ =	shalt  }
0x5f: {  	_ =	shalt  }
0x60: {  	_ =	shalt  }
0x61: {  	_ =	shalt  }
0x62: {  	_ =	shalt  }
0x63: {  	_ =	shalt  }
0x64: {  	_ =	shalt  }
0x65: {  	_ =	shalt  }
0x66: {  	_ =	shalt  }
0x67: {  	_ =	shalt  }
0x68: {  	_ =	shalt  }
0x69: {  	_ =	shalt  }
0x6a: {  	_ =	shalt  }
0x6b: {  	_ =	shalt  }
0x6c: {  	_ =	shalt  }
0x6d: {  	_ =	shalt  }
0x6e: {  	_ =	shalt  }
0x6f: {  	_ =	shalt  }
0x70: {  	_ =	shalt  }
0x71: {  	_ =	shalt  }
0x72: {  	_ =	shalt  }
0x73: {  	_ =	shalt  }
0x74: {  	_ =	shalt  }
0x75: {  	_ =	shalt  }
0x76: {  	_ =	shalt  }
0x77: {  	_ =	shalt  }
0x78: {  	_ =	shalt  }
0x79: {  	_ =	shalt  }
0x7a: {  	_ =	shalt  }
0x7b: {  	_ =	shalt  }
0x7c: {  	_ =	shalt  }
0x7d: {  	_ =	shalt  }
0x7e: {  	_ =	shalt  }
0x7f: {  	_ =	shalt  }
0x80: {  	_ =	shalt  }
0x81: {  	_ =	shalt  }
0x82: {  	_ =	shalt  }
0x83: {  	_ =	shalt  }
0x84: {  	_ =	shalt  }
0x85: {  	_ =	shalt  }
0x86: {  	_ =	shalt  }
0x87: {  	_ =	shalt  }
.Lfunc_end0:
.L_simem_size_0:
called_computation.1_lowered:
.L_overlay_start_0:
0x88: {  	s2 =	sld [smem:$0x3FD9]  }
0x89: {  	s3 =	sld [smem:$0x3FFE];
	_ =	sdelay $0x1  }
0x8a: {  	s1 =	srdreg.scid  }
0x8b: {  	s0 =	sand.u32 $0x1, s1  }
0x8c: {  	s17 =	sshll.u32 s0, $0xA;
	s2 =	sadd.s32 s3, s2  }
0x8d: {  	s2 =	sadd.s32 s2, s17  }
0x8e: {  	[smem:$0x3FC2] =	sst s2  }
0x8f: {  	_ = 	snop  }
0x90: {  	s2 =	sld [smem:$0x3FC7]  }
0x91: {  	s18 =	sld [smem:$0x3FD0];
	(tm) =	ssettm $0x1  }
0x92: {  	s4 =	sld [smem:$0x3FFB];
	_ =	sdelay $0x3  }
0x93: {  	_ =	strace s4  }
0x94: {  	s4 =	sld [smem:$0x3FFC];
	_ =	sdelay $0x3  }
0x95: {  	_ =	strace s4  }
0x96: {  	s4 =	sld [smem:$0x3FFD];
	_ =	sdelay $0x3  }
0x97: {  	_ =	strace s4  }
0x98: {  	_ =	strace $0x8FFFFFFF  }
0x99: {  	s19 =	sld [smem:$0x3FDB];
	_ =	sdelay $0x1  }
0x9a: {  	s5 =	simm.s32 $_scs_section_size  }
0x9b: {  	s6 =	simm.s32 $_size__tile_overlayer_lowered;
	s7 =	simm.s32 $_tile_overlayer_lowered  }
0x9c: {  	s22 =	simm.s32 $0x1BFF;
	s21 =	sshll.u32 s7, $0x1;
	s4 =	sadd.s32 s5, s19  }
0x9d: {  	s8 =	simm.s32 $0x0;
	s20 =	sshll.u32 s6, $0x1;
	s6 =	sadd.s32 s21, s4  }
0x9e: {  	[timem:s8], [sflag:s22] =	dma.local [hbm:s6], s20  }
0x9f: {  	_ =	swait.ge [sflag:s22], s20  }
0xa0: {  	s5 =	ssub.s32 $0x0, s20;
	[sflag:s22] =	ssyncset.done $0x0  }
0xa1: {  	[sflag:s22] =	ssyncadd.s32 s5;
	_ =	sdelay $0x1  }
0xa2: {  	s23 =	simm.s32 $0x1B8B  }
0xa3: {  	_ =	swait.ge [sflag:s23], $0x1  }
0xa4: {  	[sflag:s23] =	ssyncset.done $0x0  }
0xa5: {  	s25 =	simm.s32 $0x1B8E;
	s24 =	sld [smem:$0x3FFE];
	[sflag:s23] =	ssyncadd.s32 $0xFFFFFFFF  }
0xa6: {  	s26 =	simm.s32 $execute0_lowered;
	[smem:$0x3FD2] =	sst s25  }
0xa7: {  	s6 =	sshll.u32 s26, $0x1;
	_ =	strace $0x80000049;
	[dreg:$0x1] =	wrdreg $0xFFFFFFFF  }
0xa8: {  	s28 =	simm.s32 $_size_execute0_lowered;
	s4 =	sadd.s32 s4, s6;
	[dreg:$0x0] =	wrdreg $0x0  }
0xa9: {  	s6 =	sshll.u32 s28, $0x1;
	[dreg:$0x2] =	wrdreg s4  }
0xaa: {  	[dreg:$0x3] =	wrdreg s6  }
0xab: {  	[dreg:$0x4] =	wrdreg $0xC0  }
0xac: {  	_ =	task [dreg:s8], $0x5FFFF  }
0xad: {  	[dreg:$0x1] =	wrdreg $0xFFFFFFFF  }
0xae: {  	[dreg:$0x0] =	wrdreg $0x60  }
0xaf: {  	[dreg:$0x2] =	wrdreg s24  }
0xb0: {  	[dreg:$0x3] =	wrdreg s2  }
0xb1: {  	[dreg:$0x4] =	wrdreg s18  }
0xb2: {  	[dreg:$0x5] =	wrdreg $0x9  }
0xb3: {  	_ =	task.clear_ibuf [dreg:s8], $0x6FFFF;
	_ =	strace $0x90000049  }
0xb4: {  	s29 =	simm.s32 $0x9;
	_ =	strace $0x8000004B  }
0xb5: {  	_ =	swait.ge [sflag:s29], $0x1  }
0xb6: {  	[sflag:s29] =	ssyncadd.s32 $0xFFFFFFFF  }
0xb7: {  	_ =	strace $0x9000004B  }
0xb8: {  	_ =	sfence  }
0xb9: {  	s30 =	sld [smem:$0x0];
	_ =	sdelay $0x2  }
0xba: {  	s31 =	sshll.u32 s1, $0xD;
	s1 =	sshrl.u32 s1, $0x2  }
0xbb: {  	s3 =	sand.u32 $0x4000, s31;
	s1 =	sadd.s32 s1, s30  }
0xbc: {  	s0 =	sor.u32 s3, s0;
	s1 =	sshll.u32 s1, $0x11  }
0xbd: {  	s0 =	sor.u32 s1, s0  }
0xbe: {  	s0 =	sadd.s32 $0x8F2B, s0  }
0xbf: {  	[sflag:s0] =	ssyncadd.remote.s32 $0x1  }
0xc0: {  	_ =	sfence.sel $0xFFFF  }
0xc1: {  	[dreg:$0x0] =	wrdreg $0xFFFFFFFF;
	(pc) =	sbr.abs _section_cstart, $3  }
0xc2: {  	[dreg:$0x1] =	wrdreg $0xFFFFFFFF  }
0xc3: {  	_ =	task.clear_ibuf [dreg:s8], $0x2FFFF;
	_ =	strace $0x9FFFFFFF  }
0xc4: {  	(tm) =	ssettm $0x7FFFFFFF  }
0xc5: {  	_ =	shalt  }
tec
execute0_lowered:
.L_overlay_start_1:
0x0: {  	(tag) =	ssettag $0x1  }
0x1: {  	s0 =	rddreg [dreg:$0x0]  }
0x2: {  	s1 =	rddreg [dreg:$0x1]  }
0x3: {  	s8 =	rddreg [dreg:$0x2]  }
0x4: {  	s2 =	srdreg.scid;
	s4 =	stileid.u32;
	s11 =	simm.s32 $0x80  }
0x5: {  	s21 =	simm.s32 $0x5080;
	s22 =	simm.s32 $0x5880;
	s23 =	simm.s32 $0x6080  }
0x6: {  	s24 =	simm.s32 $0x6880;
	s25 =	simm.s32 $0x7080;
	s28 =	simm.s32 $0x8080  }
0x7: {  	s29 =	simm.s32 $0x8880;
	s30 =	simm.s32 $0x9080;
	s31 =	simm.s32 $0x9880  }
0x8: {  	s12 =	simm.s32 $0xB080;
	s13 =	simm.s32 $0xB880;
	s14 =	simm.s32 $0x1  }
0x9: {  	s15 =	simm.s32 $0x0;
	s3 =	sand.u32 $0x1, s2;
	s2 =	simm.s32 $0x0  }
0xa: {  	s4 =	sshll.u32 s4, $0x4;
	s5 =	sshll.u32 s3, $0x3;
	[smem:$0x7FF] =	sst s2  }
0xb: {  	s26 =	ssub.s32 $0x2, s3;
	s3 =	sadd.s32 $0x1000, s0;
	s7 =	sor.u32 s5, s4  }
0xc: {  	_ =	strace $0x8000004A;
	s6 =	sshrl.u32 s26, $0x1;
	s5 =	sadd.s32 s7, s0  }
0xd: {  	s9 =	ssub.s32 s26, s6;
	s10 =	smul.u32 $0x300, s7;
	s6 =	sadd.s32 $0x1200, s0  }
0xe: {  	v2 =	vlaneseq.u32;
	s7 =	sadd.s32 s1, s7;
	s26 =	simm.s32 $0x7880;
	s1 =	simm.s32 $0xA880  }
0xf: {  	vm0 =	vmmov $0xffff;
	v1 =	vshrl.u32 v2, $0x3;
	s4 =	sadd.s32 $0x91000, s5;
	s5 =	sadd.s32 $0x1100, s0;
	s9 =	smax.u32 s9, $0x1  }
0x10: {  	v0 =	vand.u32 $0x7, v2;
	v2 =	vor.u32 $0x8, v2;
	v1 =	vmul.u32 $0x8, v1;
	s0 =	simm.s32 $0xA080;
	s8 =	sadd.s32 s8, s10;
	s10 =	simm.s32 $0x2  }
.LBB2_1:
0x11: {  	[tilespmem:s2], [sflag:$0x2] =	stream.linear.gather [hbm4b:s4+s2], $0x40, $0x38;
	[tilespmem:$0xC100] =	vst v63  }
0x12: {  	_ =	swait.ge [sflag:s10], $0x40  }
0x13: {  	[sflag:s10] =	ssyncset.done $0x0  }
0x14: {  	[sflag:s10] =	ssyncadd.s32 $0xFFFFFFC0  }
0x15: {  	v3 =	vld [tilespmem:$0x0];
	_ =	sdelay $0x4  }
0x16: {  	v4 =	vshrl.u32 v3, $0x3  }
0x17: {  	v4 =	vmul.u32 $0x30, v4  }
0x18: {  	v3 =	vand.u32 $0x7, v3  }
0x19: {  	v3 =	vor.u32 v3, v4  }
0x1a: {  	v4 =	vperm.xlane v3, v0;
	_ =	sdelay $0x1  }
0x1b: {  	v4 =	vadd.s32 v1, v4;
	_ =	sdelay $0x3  }
0x1c: {  	v3 =	vperm.xlane v3, v2  }
0x1d: {  	[tilespmem:s11], [sflag:$0x1] =	stream.indirect_vreg.gather [hbm4b:s3+s2], $0x80, v4, vm0, $0xb8;
	[tilespmem:$0xC100] =	vst v63  }
0x1e: {  	s16 =	simm.s32 $0x880;
	v3 =	vadd.s32 v1, v3  }
0x1f: {  	[tilespmem:s16], [sflag:$0x1] =	stream.indirect_vreg.gather [hbm4b:s5+s2], $0x80, v4, vm0, $0xb8;
	[tilespmem:$0xC100] =	vst v63  }
0x20: {  	s17 =	simm.s32 $0x1080  }
0x21: {  	[tilespmem:s17], [sflag:$0x1] =	stream.indirect_vreg.gather [hbm4b:s6+s2], $0x80, v4, vm0, $0xb8;
	[tilespmem:$0xC100] =	vst v63  }
0x22: {  	s18 =	simm.s32 $0x1880  }
0x23: {  	[tilespmem:s18], [sflag:$0x1] =	stream.indirect_vreg.gather [hbm4b:s3+s2], $0x80, v3, vm0, $0xb8;
	[tilespmem:$0xC100] =	vst v63  }
0x24: {  	s19 =	simm.s32 $0x2080  }
0x25: {  	[tilespmem:s19], [sflag:$0x1] =	stream.indirect_vreg.gather [hbm4b:s5+s2], $0x80, v3, vm0, $0xb8;
	[tilespmem:$0xC100] =	vst v63  }
0x26: {  	s20 =	simm.s32 $0x2880  }
0x27: {  	[tilespmem:s20], [sflag:$0x1] =	stream.indirect_vreg.gather [hbm4b:s6+s2], $0x80, v3, vm0, $0xb8;
	[tilespmem:$0xC100] =	vst v63  }
0x28: {  	v3 =	vld [tilespmem:$0x10];
	_ =	sdelay $0x4  }
0x29: {  	v61 =	vshrl.u32 v3, $0x3  }
0x2a: {  	v4 =	vmul.u32 $0x30, v61  }
0x2b: {  	v3 =	vand.u32 $0x7, v3  }
0x2c: {  	v3 =	vor.u32 v3, v4  }
0x2d: {  	v4 =	vperm.xlane v3, v0;
	_ =	sdelay $0x1  }
0x2e: {  	v4 =	vadd.s32 v1, v4;
	_ =	sdelay $0x3  }
0x2f: {  	s17 =	simm.s32 $0x3080;
	v3 =	vperm.xlane v3, v2  }
0x30: {  	[tilespmem:s17], [sflag:$0x1] =	stream.indirect_vreg.gather [hbm4b:s3+s2], $0x80, v4, vm0, $0xb8;
	[tilespmem:$0xC100] =	vst v63  }
0x31: {  	s18 =	simm.s32 $0x3880;
	v3 =	vadd.s32 v1, v3  }
0x32: {  	[tilespmem:s18], [sflag:$0x1] =	stream.indirect_vreg.gather [hbm4b:s5+s2], $0x80, v4, vm0, $0xb8;
	[tilespmem:$0xC100] =	vst v63  }
0x33: {  	s19 =	simm.s32 $0x4080  }
0x34: {  	[tilespmem:s19], [sflag:$0x1] =	stream.indirect_vreg.gather [hbm4b:s6+s2], $0x80, v4, vm0, $0xb8;
	[tilespmem:$0xC100] =	vst v63  }
0x35: {  	s20 =	simm.s32 $0x4880  }
0x36: {  	[tilespmem:s20], [sflag:$0x1] =	stream.indirect_vreg.gather [hbm4b:s3+s2], $0x80, v3, vm0, $0xb8;
	[tilespmem:$0xC100] =	vst v63  }
0x37: {  	_ = 	snop  }
0x38: {  	[tilespmem:s21], [sflag:$0x1] =	stream.indirect_vreg.gather [hbm4b:s5+s2], $0x80, v3, vm0, $0xb8;
	[tilespmem:$0xC100] =	vst v63  }
0x39: {  	_ = 	snop  }
0x3a: {  	[tilespmem:s22], [sflag:$0x1] =	stream.indirect_vreg.gather [hbm4b:s6+s2], $0x80, v3, vm0, $0xb8;
	[tilespmem:$0xC100] =	vst v63  }
0x3b: {  	v3 =	vld [tilespmem:$0x20];
	_ =	sdelay $0x4  }
0x3c: {  	v62 =	vshrl.u32 v3, $0x3  }
0x3d: {  	v4 =	vmul.u32 $0x30, v62  }
0x3e: {  	v3 =	vand.u32 $0x7, v3  }
0x3f: {  	v3 =	vor.u32 v3, v4  }
0x40: {  	v4 =	vperm.xlane v3, v0;
	_ =	sdelay $0x1  }
0x41: {  	v4 =	vadd.s32 v1, v4;
	_ =	sdelay $0x3  }
0x42: {  	v3 =	vperm.xlane v3, v2  }
0x43: {  	[tilespmem:s23], [sflag:$0x1] =	stream.indirect_vreg.gather [hbm4b:s3+s2], $0x80, v4, vm0, $0xb8;
	[tilespmem:$0xC100] =	vst v63  }
0x44: {  	v3 =	vadd.s32 v1, v3  }
0x45: {  	[tilespmem:s24], [sflag:$0x1] =	stream.indirect_vreg.gather [hbm4b:s5+s2], $0x80, v4, vm0, $0xb8;
	[tilespmem:$0xC100] =	vst v63  }
0x46: {  	_ = 	snop  }
0x47: {  	[tilespmem:s25], [sflag:$0x1] =	stream.indirect_vreg.gather [hbm4b:s6+s2], $0x80, v4, vm0, $0xb8;
	[tilespmem:$0xC100] =	vst v63  }
0x48: {  	_ = 	snop  }
0x49: {  	[tilespmem:s26], [sflag:$0x1] =	stream.indirect_vreg.gather [hbm4b:s3+s2], $0x80, v3, vm0, $0xb8;
	[tilespmem:$0xC100] =	vst v63  }
0x4a: {  	_ = 	snop  }
0x4b: {  	[tilespmem:s28], [sflag:$0x1] =	stream.indirect_vreg.gather [hbm4b:s5+s2], $0x80, v3, vm0, $0xb8;
	[tilespmem:$0xC100] =	vst v63  }
0x4c: {  	_ = 	snop  }
0x4d: {  	[tilespmem:s29], [sflag:$0x1] =	stream.indirect_vreg.gather [hbm4b:s6+s2], $0x80, v3, vm0, $0xb8;
	[tilespmem:$0xC100] =	vst v63  }
0x4e: {  	v3 =	vld [tilespmem:$0x30];
	_ =	sdelay $0x4  }
0x4f: {  	v63 =	vshrl.u32 v3, $0x3  }
0x50: {  	v4 =	vmul.u32 $0x30, v63  }
0x51: {  	v3 =	vand.u32 $0x7, v3  }
0x52: {  	v3 =	vor.u32 v3, v4  }
0x53: {  	v4 =	vperm.xlane v3, v0;
	_ =	sdelay $0x1  }
0x54: {  	v4 =	vadd.s32 v1, v4;
	_ =	sdelay $0x3  }
0x55: {  	v3 =	vperm.xlane v3, v2  }
0x56: {  	[tilespmem:s30], [sflag:$0x1] =	stream.indirect_vreg.gather [hbm4b:s3+s2], $0x80, v4, vm0, $0xb8;
	[tilespmem:$0xC100] =	vst v63  }
0x57: {  	v3 =	vadd.s32 v1, v3  }
0x58: {  	[tilespmem:s31], [sflag:$0x1] =	stream.indirect_vreg.gather [hbm4b:s5+s2], $0x80, v4, vm0, $0xb8;
	[tilespmem:$0xC100] =	vst v63  }
0x59: {  	_ = 	snop  }
0x5a: {  	[tilespmem:s0], [sflag:$0x1] =	stream.indirect_vreg.gather [hbm4b:s6+s2], $0x80, v4, vm0, $0xb8;
	[tilespmem:$0xC100] =	vst v63  }
0x5b: {  	_ = 	snop  }
0x5c: {  	[tilespmem:s1], [sflag:$0x1] =	stream.indirect_vreg.gather [hbm4b:s3+s2], $0x80, v3, vm0, $0xb8;
	[tilespmem:$0xC100] =	vst v63  }
0x5d: {  	_ = 	snop  }
0x5e: {  	[tilespmem:s12], [sflag:$0x1] =	stream.indirect_vreg.gather [hbm4b:s5+s2], $0x80, v3, vm0, $0xb8;
	[tilespmem:$0xC100] =	vst v63  }
0x5f: {  	_ = 	snop  }
0x60: {  	[tilespmem:s13], [sflag:$0x1] =	stream.indirect_vreg.gather [hbm4b:s6+s2], $0x80, v3, vm0, $0xb8;
	[tilespmem:$0xC100] =	vst v63  }
0x61: {  	_ =	swait.ge [sflag:s14], $0xC000  }
0x62: {  	[sflag:s14] =	ssyncset.done $0x0  }
0x63: {  	s16 =	simm.s32 $0xC080;
	[sflag:s14] =	ssyncadd.s32 $0xFFFF4000  }
0x64: {  	[tilespmem:s16], [sflag:$0x2] =	stream.linear.gather [hbm4b:s7+s2], $0x40, $0x38;
	[tilespmem:$0xC100] =	vst v63  }
0x65: {  	_ =	swait.ge [sflag:s10], $0x40  }
0x66: {  	[sflag:s10] =	ssyncset.done $0x0  }
0x67: {  	s17 =	simm.s32 $0x0;
	s18 =	simm.s32 $0x0;
	[sflag:s10] =	ssyncadd.s32 $0xFFFFFFC0  }
.LBB2_2:
0x68: {  	s19 =	sshrl.u32 s18, $0x3  }
0x69: {  	s19 =	smul.u32 $0x6000, s19;
	_ =	sdelay $0x1  }
0x6a: {  	s20 =	sand.u32 $0x380, s17;
	s19 =	sshra.s32 s19, $0x2  }
0x6b: {  	v3 =	vld.msk [tilespmem:s16+$0x0 ss:$0x0], $0xffff;
	s19 =	sor.u32 s20, s19  }
0x6c: {  	v4 =	vld [tilespmem:s19+$0x80]  }
0x6d: {  	v5 =	vld [tilespmem:s19+$0x90]  }
0x6e: {  	v6 =	vld [tilespmem:s19+$0xA0]  }
0x6f: {  	v7 =	vld [tilespmem:s19+$0xB0]  }
0x70: {  	v8 =	vld [tilespmem:s19+$0xC0]  }
0x71: {  	v9 =	vld [tilespmem:s19+$0xD0];
	v4 =	vmul.f32 v3, v4  }
0x72: {  	v10 =	vld [tilespmem:s19+$0xE0];
	v5 =	vmul.f32 v5, v3  }
0x73: {  	v31 =	vld [tilespmem:s19+$0xF0];
	v30 =	vmul.f32 v6, v3;
	[tilespmem:s19+$0x80] =	vst v4  }
0x74: {  	v33 =	vld [tilespmem:s19+$0x480];
	v32 =	vmul.f32 v7, v3;
	[tilespmem:s19+$0x90] =	vst v5  }
0x75: {  	v35 =	vld [tilespmem:s19+$0x490];
	v34 =	vmul.f32 v8, v3;
	[tilespmem:s19+$0xA0] =	vst v30  }
0x76: {  	v37 =	vld [tilespmem:s19+$0x4A0];
	v36 =	vmul.f32 v9, v3;
	[tilespmem:s19+$0xB0] =	vst v32  }
0x77: {  	v39 =	vld [tilespmem:s19+$0x4B0];
	v38 =	vmul.f32 v10, v3;
	[tilespmem:s19+$0xC0] =	vst v34  }
0x78: {  	v41 =	vld [tilespmem:s19+$0x4C0];
	v40 =	vmul.f32 v31, v3;
	[tilespmem:s19+$0xD0] =	vst v36  }
0x79: {  	v43 =	vld [tilespmem:s19+$0x4D0];
	v42 =	vmul.f32 v33, v3;
	[tilespmem:s19+$0xE0] =	vst v38  }
0x7a: {  	v45 =	vld [tilespmem:s19+$0x4E0];
	v44 =	vmul.f32 v35, v3;
	[tilespmem:s19+$0xF0] =	vst v40  }
0x7b: {  	v47 =	vld [tilespmem:s19+$0x4F0];
	v46 =	vmul.f32 v37, v3;
	[tilespmem:s19+$0x480] =	vst v42  }
0x7c: {  	v49 =	vld [tilespmem:s19+$0x880];
	v48 =	vmul.f32 v39, v3;
	[tilespmem:s19+$0x490] =	vst v44  }
0x7d: {  	v51 =	vld [tilespmem:s19+$0x890];
	v50 =	vmul.f32 v41, v3;
	[tilespmem:s19+$0x4A0] =	vst v46  }
0x7e: {  	v53 =	vld [tilespmem:s19+$0x8A0];
	v52 =	vmul.f32 v43, v3;
	[tilespmem:s19+$0x4B0] =	vst v48  }
0x7f: {  	v55 =	vld [tilespmem:s19+$0x8B0];
	v54 =	vmul.f32 v45, v3;
	[tilespmem:s19+$0x4C0] =	vst v50  }
0x80: {  	v57 =	vld [tilespmem:s19+$0x8C0];
	v56 =	vmul.f32 v47, v3;
	[tilespmem:s19+$0x4D0] =	vst v52  }
0x81: {  	v59 =	vld [tilespmem:s19+$0x8D0];
	v58 =	vmul.f32 v49, v3;
	[tilespmem:s19+$0x4E0] =	vst v54  }
0x82: {  	v61 =	vld [tilespmem:s19+$0x8E0];
	v60 =	vmul.f32 v51, v3;
	[tilespmem:s19+$0x4F0] =	vst v56  }
0x83: {  	v63 =	vld [tilespmem:s19+$0x8F0];
	v62 =	vmul.f32 v53, v3;
	[tilespmem:s19+$0x880] =	vst v58  }
0x84: {  	v13 =	vld [tilespmem:s19+$0xC80];
	v12 =	vmul.f32 v55, v3;
	[tilespmem:s19+$0x890] =	vst v60  }
0x85: {  	v15 =	vld [tilespmem:s19+$0xC90];
	v14 =	vmul.f32 v57, v3;
	[tilespmem:s19+$0x8A0] =	vst v62  }
0x86: {  	v17 =	vld [tilespmem:s19+$0xCA0];
	v16 =	vmul.f32 v59, v3;
	[tilespmem:s19+$0x8B0] =	vst v12  }
0x87: {  	v19 =	vld [tilespmem:s19+$0xCB0];
	v18 =	vmul.f32 v61, v3;
	[tilespmem:s19+$0x8C0] =	vst v14  }
0x88: {  	v21 =	vld [tilespmem:s19+$0xCC0];
	v20 =	vmul.f32 v63, v3;
	[tilespmem:s19+$0x8D0] =	vst v16  }
0x89: {  	v23 =	vld [tilespmem:s19+$0xCD0];
	v22 =	vmul.f32 v13, v3;
	[tilespmem:s19+$0x8E0] =	vst v18  }
0x8a: {  	v25 =	vld [tilespmem:s19+$0xCE0];
	v24 =	vmul.f32 v15, v3;
	[tilespmem:s19+$0x8F0] =	vst v20  }
0x8b: {  	v27 =	vld [tilespmem:s19+$0xCF0];
	v26 =	vmul.f32 v17, v3;
	[tilespmem:s19+$0xC80] =	vst v22  }
0x8c: {  	v29 =	vld [tilespmem:s19+$0x1080];
	v28 =	vmul.f32 v19, v3;
	[tilespmem:s19+$0xC90] =	vst v24  }
0x8d: {  	v31 =	vld [tilespmem:s19+$0x1090];
	[tilespmem:s19+$0xCA0] =	vst v26;
	v30 =	vmul.f32 v21, v3  }
0x8e: {  	v33 =	vld [tilespmem:s19+$0x10A0];
	[tilespmem:s19+$0xCB0] =	vst v28;
	v32 =	vmul.f32 v23, v3  }
0x8f: {  	v35 =	vld [tilespmem:s19+$0x10B0];
	v34 =	vmul.f32 v25, v3;
	[tilespmem:s19+$0xCC0] =	vst v30  }
0x90: {  	v37 =	vld [tilespmem:s19+$0x10C0];
	v36 =	vmul.f32 v27, v3;
	[tilespmem:s19+$0xCD0] =	vst v32  }
0x91: {  	v39 =	vld [tilespmem:s19+$0x10D0];
	v38 =	vmul.f32 v29, v3;
	[tilespmem:s19+$0xCE0] =	vst v34  }
0x92: {  	v41 =	vld [tilespmem:s19+$0x10E0];
	[tilespmem:s19+$0xCF0] =	vst v36;
	v40 =	vmul.f32 v31, v3  }
0x93: {  	v43 =	vld [tilespmem:s19+$0x10F0];
	[tilespmem:s19+$0x1080] =	vst v38;
	v42 =	vmul.f32 v33, v3  }
0x94: {  	v45 =	vld [tilespmem:s19+$0x1480];
	v44 =	vmul.f32 v35, v3;
	[tilespmem:s19+$0x1090] =	vst v40  }
0x95: {  	v47 =	vld [tilespmem:s19+$0x1490];
	v46 =	vmul.f32 v37, v3;
	[tilespmem:s19+$0x10A0] =	vst v42  }
0x96: {  	v49 =	vld [tilespmem:s19+$0x14A0];
	v48 =	vmul.f32 v39, v3;
	[tilespmem:s19+$0x10B0] =	vst v44  }
0x97: {  	v51 =	vld [tilespmem:s19+$0x14B0];
	v50 =	vmul.f32 v41, v3;
	[tilespmem:s19+$0x10C0] =	vst v46  }
0x98: {  	v53 =	vld [tilespmem:s19+$0x14C0];
	v52 =	vmul.f32 v43, v3;
	[tilespmem:s19+$0x10D0] =	vst v48  }
0x99: {  	v55 =	vld [tilespmem:s19+$0x14D0];
	v54 =	vmul.f32 v45, v3;
	[tilespmem:s19+$0x10E0] =	vst v50  }
0x9a: {  	v57 =	vld [tilespmem:s19+$0x14E0];
	v56 =	vmul.f32 v47, v3;
	[tilespmem:s19+$0x10F0] =	vst v52  }
0x9b: {  	v59 =	vld [tilespmem:s19+$0x14F0];
	v58 =	vmul.f32 v49, v3;
	[tilespmem:s19+$0x1480] =	vst v54  }
0x9c: {  	v60 =	vmul.f32 v51, v3;
	[tilespmem:s19+$0x1490] =	vst v56  }
0x9d: {  	p0 =	sne.s32 s18, $0x3F;
	v61 =	vmul.f32 v53, v3;
	[tilespmem:s19+$0x14A0] =	vst v58  }
.Ltmp0:
0x9e: {  	v62 =	vmul.f32 v55, v3;
	[tilespmem:s19+$0x14B0] =	vst v60;
	(pc) =	sbr.rel @p0 .LBB2_2-.Ltmp0, $4  }
0x9f: {  	v63 =	vmul.f32 v57, v3;
	[tilespmem:s19+$0x14C0] =	vst v61  }
0xa0: {  	v3 =	vmul.f32 v59, v3;
	[tilespmem:s19+$0x14D0] =	vst v62  }
0xa1: {  	[tilespmem:s19+$0x14E0] =	vst v63  }
0xa2: {  	s17 =	sadd.s32 $0x80, s17;
	s16 =	sadd.s32 $0x1, s16;
	s18 =	sadd.s32 $0x1, s18;
	[tilespmem:s19+$0x14F0] =	vst v3  }
0xa3: {  	s15 =	sadd.s32 $0x1, s15  }
0xa4: {  	p0 =	sne.s32 s15, s9  }
.Ltmp1:
0xa5: {  	_ = 	snop;
	(pc) =	sbr.rel @p0 .LBB2_1-.Ltmp1, $4  }
0xa6: {  	[hbm4b:s8+s2] =	stream.linear.scatter [tilespmem:s11], [sflag:$0x2], $0xC000, $0x38;
	[tilespmem:$0xC100] =	vst v63  }
0xa7: {  	_ =	swait.ge [sflag:s10], $0xC000  }
0xa8: {  	[sflag:s10] =	ssyncset.done $0x0  }
0xa9: {  	[sflag:s10] =	ssyncadd.s32 $0xFFFF4000  }
0xaa: {  	_ =	sfence.sel $0x180000  }
0xab: {  	[bflag:$0x0] =	sbarrier.arrive $0xFFFF  }
0xac: {  	_ =	strace $0x9000004A  }
0xad: {  	s0 =	stileid.u32;
	[bflag:$0x2] =	sbarrier.arrive $0xFFFF  }
0xae: {  	p0 =	sne.s32 s0, $0x0;
	s0 =	rddreg [dreg:$0x3]  }
0xaf: {  	s0 =	sadd.s32 @!p0 $0x100000, s0  }
0xb0: {  	[sflag:s0] =	ssyncadd.tile.s32 @!p0 $0x1;
	_ =	shalt  }
.Lfunc_end2:
_tile_overlayer_lowered:
.L_overlay_start_2:
0xb1: {  	(tag) =	ssettag $0x2  }
0xb2: {  	s0 =	rddreg [dreg:$0x0];
	s2 =	stileid.u32  }
0xb3: {  	s1 =	rddreg [dreg:$0x1];
	p0 =	sne.s32 s2, $0x0  }
0xb4: {  	s3 =	rddreg [dreg:$0x2];
	[bflag:$0x3] =	sbarrier.arrive $0xFFFF;
	s2 =	simm.s32 @!p0 $0x1C02  }
0xb5: {  	[timem:s3], [sflag:s2] =	dma.local @!p0 [hbm:s0], s1  }
0xb6: {  	s0 =	simm.s32 @!p0 $0x2  }
0xb7: {  	_ =	swait.ge @!p0 [sflag:s0], s1  }
0xb8: {  	s1 =	ssub.s32 @!p0 $0x0, s1;
	[sflag:s0] =	ssyncset.done @!p0 $0x0  }
0xb9: {  	[sflag:s0] =	ssyncadd.s32 @!p0 s1  }
0xba: {  	[bflag:$0x3] =	sbarrier.arrive $0xFFFF  }
0xbb: {  	_ =	shalt  }

</sc_bundles>
